<compile_context>
chip_gen: v7x
topology: tpu7x:2x2x1
jax: 0.10.2.dev20260603
libtpu: 0.0.44.dev20260713+nightly
codegen_flags: <defaults>
</compile_context>

<pallas_src>
import functools

import jax
import jax.numpy as jnp
from jax import lax
from jax.experimental import pallas as pl
from jax.experimental.pallas import tpu as pltpu
from jax.experimental.pallas import tpu_sc as plsc

_F32 = jnp.float32
_GW = 128
_GWIN = 256
_CHUNKS = 4


def _bdot(a, b):
    return jnp.dot(a.astype(jnp.bfloat16), b.astype(jnp.bfloat16),
                   preferred_element_type=_F32)


def _hdot(a, b, dims):
    return lax.dot_general(a, b, dimension_numbers=(dims, ((), ())),
                           precision=lax.Precision.HIGHEST,
                           preferred_element_type=_F32)


def _stage1_body(n, k1,
                 feat_ref, coord_ref, coordT_ref, lang_ref, mask_ref,
                 wf1_ref, bf1_ref, wf2_ref, bf2_ref,
                 wl1_ref, bl1_ref, wl2_ref, bl2_ref, wv_ref,
                 h_ref, vft_ref, idx_ref):
    s = pl.program_id(0)
    feat = feat_ref[0]
    lang = lang_ref[0]
    mask = mask_ref[0]

    t1 = jnp.maximum(_hdot(feat, wf1_ref[...], ((1,), (0,))) + bf1_ref[...], 0.0)
    ft = _hdot(t1, wf2_ref[...], ((1,), (0,))) + bf2_ref[...]
    t2 = jnp.maximum(_hdot(lang, wl1_ref[...], ((1,), (0,))) + bl1_ref[...], 0.0)
    lf = _hdot(t2, wl2_ref[...], ((1,), (0,))) + bl2_ref[...]

    scores = _hdot(ft, lf, ((1,), (1,)))
    m = jnp.max(scores, axis=1, keepdims=True)
    e = jnp.exp(scores - m)
    p = e / jnp.sum(e, axis=1, keepdims=True)
    p = p * mask
    p = p / (jnp.sum(p, axis=1, keepdims=True) + 1e-7)
    g = _hdot(p, lf, ((1,), (0,)))
    h = ft * g

    c = coord_ref[0]
    v = (c[:, 0:1] * wv_ref[0:1, :] + c[:, 1:2] * wv_ref[1:2, :]
         + c[:, 2:3] * wv_ref[2:3, :])
    h_ref[0] = h
    vft_ref[0] = jnp.concatenate([v, ft], axis=1)

    cT = coordT_ref[0]
    dx = c[:, 0:1] - cT[0:1, :]
    dy = c[:, 1:2] - cT[1:2, :]
    dz = c[:, 2:3] - cT[2:3, :]
    d = (dx * dx + dy * dy) + dz * dz

    iota = lax.broadcasted_iota(jnp.int32, (n, n), 1).astype(_F32)
    big_i = jnp.float32(n)
    icols = []
    for _ in range(k1):
        mv = jnp.min(d, axis=1, keepdims=True)
        jt = jnp.min(jnp.where(d == mv, iota, big_i), axis=1, keepdims=True)
        icols.append(jt)
        d = jnp.where(iota == jt, 1e30, d)
    idx_f = jnp.concatenate(icols, axis=1)
    idx_ref[0] = idx_f.astype(jnp.int32) + s * n


def _stage3_body(n, k1,
                 hug_ref, coord_ref, vft_ref,
                 wupad_ref, wd_ref, br1_ref, wr2_ref, br2_ref,
                 out_ref, score_ref):
    rows = hug_ref[0]
    vft = vft_ref[0]
    v = vft[:, :64]
    ft = vft[:, 64:]
    ci = coord_ref[0]

    ug = _bdot(rows, wupad_ref[...])
    ci3 = jnp.broadcast_to(ci[None], (k1, n, 3)).reshape(k1 * n, 3)
    dd = rows[:, 64:67] - ci3
    dn = jnp.sqrt(jnp.sum(dd * dd, axis=1, keepdims=True))
    vrep = jnp.broadcast_to(v[None], (k1, n, 64)).reshape(k1 * n, 64)
    l1 = ug + vrep + dn * wd_ref[...] + br1_ref[...]
    act = jnp.maximum(l1, 0.0)
    rel = _bdot(act, wr2_ref[...]) + br2_ref[...]
    hg = rows[:, :64]
    acc = jnp.sum((rel * hg).reshape(k1, n, 64), axis=0) + ft
    out_ref[0] = acc
    ones = jnp.ones((1, 64), dtype=_F32)
    score_ref[0] = _hdot(ones, acc, ((1,), (1,)))


def _sc_gather(table, idxflat):
    b = idxflat.shape[1]
    mesh = plsc.VectorSubcoreMesh(core_axis_name="c", subcore_axis_name="s")

    @functools.partial(
        pl.kernel, mesh=mesh,
        out_type=jax.ShapeDtypeStruct((b, _GW), _F32))
    def k(tab_hbm, idx_hbm, out_hbm):
        def body(idx_vmem, out_vmem):
            pltpu.sync_copy(tab_hbm.at[idx_vmem.at[0]], out_vmem)

        pltpu.emit_pipeline(
            body,
            grid=(b // _GWIN,),
            in_specs=[pl.BlockSpec((1, _GWIN), lambda i: (0, i))],
            out_specs=[pl.BlockSpec((_GWIN, _GW), lambda i: (i, 0))],
            core_axis_name=("c", "s"),
            dimension_semantics=(pltpu.PARALLEL,),
        )(idx_hbm, out_hbm)

    return k(table, idxflat)


def _chunk(feat, coord, coord_t, lang_feat, mask,
           wupad, wv, wd, br1, Wr2, br2,
           Wl1, bl1, Wl2, bl2, Wf1, bf1, Wf2, bf2):
    s, n, pc_id = feat.shape
    _, l, lang_id = lang_feat.shape
    d = Wf1.shape[1]
    k1 = min(16, n - 1) + 1

    b2 = lambda x: x.reshape(1, -1)
    full = lambda shape: pl.BlockSpec(shape, lambda i: tuple(0 for _ in shape))
    per_s = lambda shape: pl.BlockSpec((1,) + shape,
                                       lambda i: (i,) + tuple(0 for _ in shape))

    h, vft, idx = pl.pallas_call(
        functools.partial(_stage1_body, n, k1),
        grid=(s,),
        in_specs=[
            per_s((n, pc_id)), per_s((n, 3)), per_s((3, n)),
            per_s((l, lang_id)), per_s((1, l)),
            full((pc_id, d)), full((1, d)), full((d, d)), full((1, d)),
            full((lang_id, d)), full((1, d)), full((d, d)), full((1, d)),
            full((3, d)),
        ],
        out_specs=[per_s((n, d)), per_s((n, 2 * d)), per_s((n, k1))],
        out_shape=[
            jax.ShapeDtypeStruct((s, n, d), _F32),
            jax.ShapeDtypeStruct((s, n, 2 * d), _F32),
            jax.ShapeDtypeStruct((s, n, k1), jnp.int32),
        ],
    )(feat, coord, coord_t, lang_feat, mask,
      Wf1, b2(bf1), Wf2, b2(bf2), Wl1, b2(bl1), Wl2, b2(bl2), wv)

    pad = jnp.zeros((s, n, _GW - d - 3), _F32)
    table = jnp.concatenate([h, coord, pad], axis=-1).reshape(s * n, _GW)
    idxflat = jnp.swapaxes(idx, 1, 2).reshape(1, -1)

    gathered = _sc_gather(table, idxflat)
    hug = gathered.reshape(s, k1 * n, _GW)

    out, score = pl.pallas_call(
        functools.partial(_stage3_body, n, k1),
        grid=(s,),
        in_specs=[
            per_s((k1 * n, _GW)), per_s((n, 3)), per_s((n, 2 * d)),
            full((_GW, d)), full((1, d)), full((1, d)),
            full((d, d)), full((1, d)),
        ],
        out_specs=[per_s((n, d)), per_s((1, n))],
        out_shape=[
            jax.ShapeDtypeStruct((s, n, d), _F32),
            jax.ShapeDtypeStruct((s, 1, n), _F32),
        ],
    )(hug, coord, vft, wupad, b2(wd[0]), b2(br1), Wr2, b2(br2))

    return out, score.reshape(s, n)


def kernel(feat, coord, lang_feat, lang_len, Wr1, br1, Wr2, br2,
           Wl1, bl1, Wl2, bl2, Wf1, bf1, Wf2, bf2):
    s, n, _ = feat.shape
    _, l, _ = lang_feat.shape
    d = Wf1.shape[1]

    wa, wb, wc, wd = Wr1[0:3], Wr1[3:6], Wr1[6:9], Wr1[9:10]
    wupad = jnp.zeros((_GW, d), _F32).at[64:67, :].set(wa + wc)
    wv = wb - wc
    mask = (jnp.arange(l)[None, :] < lang_len[:, None]).astype(_F32)
    mask = mask.reshape(s, 1, l)
    coord_t = jnp.swapaxes(coord, 1, 2)

    cs = s // _CHUNKS
    outs, scores = [], []
    for c in range(_CHUNKS):
        sl = slice(c * cs, (c + 1) * cs)
        o, sc = _chunk(feat[sl], coord[sl], coord_t[sl], lang_feat[sl],
                       mask[sl], wupad, wv, wd, br1, Wr2, br2,
                       Wl1, bl1, Wl2, bl2, Wf1, bf1, Wf2, bf2)
        outs.append(o)
        scores.append(sc)
    return jnp.concatenate(outs, 0), jnp.concatenate(scores, 0)

# --- scband reference (transcript-rebuilt; emitter-appended) ---
"""Pipeline reference for scband-tarelation-conv-42142219108838 (READ-ONLY COPY).

The authoritative reference and input builder live on the scoring server;
editing this copy changes nothing except your own understanding.
"""

import jax, jax.numpy as jnp
import numpy as np

K = 16
S, N, PC_ID, LANG_ID, D, L = 16, 1024, 128, 256, 64, 64

def mlp(x, W1, b1, W2, b2):
    return jnp.maximum(x @ W1 + b1, 0.0) @ W2 + b2

def setup_inputs(seed: int = 0):
    key = jax.random.key(seed)
    ks = jax.random.split(key, 12)
    sc = 0.05
    inp = {}
    inp['feat'] = jax.random.normal(ks[0], (S, N, PC_ID), dtype=jnp.float32)
    inp['coord'] = jax.random.normal(ks[1], (S, N, 3), dtype=jnp.float32)
    inp['lang_feat'] = jax.random.normal(ks[2], (S, L, LANG_ID), dtype=jnp.float32)
    inp['lang_len'] = jax.random.randint(ks[3], (S,), 0, L)
    inp['Wr1'] = jax.random.normal(ks[4], (10, D), dtype=jnp.float32) * sc
    inp['br1'] = jnp.zeros((D,), dtype=jnp.float32)
    inp['Wr2'] = jax.random.normal(ks[5], (D, D), dtype=jnp.float32) * sc
    inp['br2'] = jnp.zeros((D,), dtype=jnp.float32)
    inp['Wl1'] = jax.random.normal(ks[6], (LANG_ID, D), dtype=jnp.float32) * sc
    inp['bl1'] = jnp.zeros((D,), dtype=jnp.float32)
    inp['Wl2'] = jax.random.normal(ks[7], (D, D), dtype=jnp.float32) * sc
    inp['bl2'] = jnp.zeros((D,), dtype=jnp.float32)
    inp['Wf1'] = jax.random.normal(ks[8], (PC_ID, D), dtype=jnp.float32) * sc
    inp['bf1'] = jnp.zeros((D,), dtype=jnp.float32)
    inp['Wf2'] = jax.random.normal(ks[9], (D, D), dtype=jnp.float32) * sc
    inp['bf2'] = jnp.zeros((D,), dtype=jnp.float32)
    return inp

def reference(feat, coord, lang_feat, lang_len, Wr1, br1, Wr2, br2, Wl1, bl1, Wl2, bl2, Wf1, bf1, Wf2, bf2):
    num_sen, num_obj, _ = feat.shape
    k = min(K, num_obj - 1)
    d = ((coord[:, None, :, :] - coord[:, :, None, :]) ** 2).sum(-1)
    idx = jax.lax.top_k(-d, k + 1)[1]
    b = jnp.arange(num_sen)[:, None, None]
    coord_expand = coord[b, idx]
    coord_expand1 = jnp.broadcast_to(coord[:, :, None, :], (num_sen, num_obj, k + 1, coord.shape[-1]))
    rel_coord = coord_expand - coord_expand1
    dn = jnp.sqrt((rel_coord ** 2).sum(-1, keepdims=True))
    rel = jnp.concatenate([coord_expand, coord_expand1, rel_coord, dn], -1)
    rel = mlp(rel, Wr1, br1, Wr2, br2)
    rel = rel.reshape(num_sen, -1, rel.shape[-1])
    max_len = lang_feat.shape[1]
    mask = (jnp.arange(max_len)[None, :] < lang_len[:, None]).astype(jnp.float32)[:, None, :]
    lf = mlp(lang_feat, Wl1, bl1, Wl2, bl2)
    ft = mlp(feat, Wf1, bf1, Wf2, bf2)
    ft_g = ft[b, idx]
    attn = jnp.einsum('smd,sld->sml', ft_g.reshape(num_sen, -1, ft.shape[-1]), lf)
    attn = jax.nn.softmax(attn, axis=-1) * mask
    attn = attn / (attn.sum(-1, keepdims=True) + 1e-07)
    ins = jnp.einsum('sml,sld->smd', attn, lf)
    dim = rel.shape[-1]
    rel4 = rel.reshape(num_sen, num_obj, k + 1, dim)
    ins4 = ins.reshape(num_sen, num_obj, k + 1, dim)
    out = (ft_g * ins4 * rel4).sum(2) + ft
    score = out.sum(-1)
    return (out, score)

if __name__ == "__main__":
    import jax
    _d = setup_inputs()
    print(jax.jit(kernel)(*tuple(_d.values())))

</pallas_src>

<mosaic_0001>
#map = affine_map<(d0, d1) -> (0, 0)>
module attributes {stable_mosaic.version = 14 : i64} {
  func.func @k(%arg0: i32, %arg1: i32, %arg2: memref<4096x128xf32, #tpu.memory_space<hbm>>, %arg3: memref<1x69632xi32, #tpu.memory_space<hbm>>, %arg4: memref<69632x128xf32, #tpu.memory_space<hbm>>) attributes {dimension_semantics = [#tpu.dimension_semantics<core_parallel>, #tpu.dimension_semantics<subcore_parallel>], iteration_bounds = array<i64: 2, 16>, scalar_prefetch = 0 : i64, scratch_operands = 0 : i64, tpu.core_type = #tpu.core_type<sc_vector_subcore>, window_params = [{transform_indices = #map}, {transform_indices = #map}, {transform_indices = #map}]} {
    %mul3A = arith.constant 1 : i32
    %mul3A_0 = arith.muli %arg1, %mul3A : i32
    %add3A = arith.constant 0 : i32
    %add3A_1 = arith.addi %add3A, %mul3A_0 : i32
    %mul3A_2 = arith.constant 16 : i32
    %mul3A_3 = arith.muli %arg0, %mul3A_2 : i32
    %add3A_4 = arith.addi %add3A_1, %mul3A_3 : i32
    %lt3A = arith.constant 16 : i32
    %lt3A_5 = arith.cmpi slt, %add3A_4, %lt3A : i32
    %jit3A = arith.constant 9 : i32
    %jit3A_6 = arith.constant 8 : i32
    %select_n3A = arith.select %lt3A_5, %jit3A, %jit3A_6 : i32
    %lt3A_7 = arith.constant 16 : i32
    %lt3A_8 = arith.cmpi slt, %add3A_4, %lt3A_7 : i32
    %mul3A_9 = arith.muli %add3A_4, %select_n3A : i32
    %mul3A_10 = arith.constant 8 : i32
    %mul3A_11 = arith.muli %add3A_4, %mul3A_10 : i32
    %add3A_12 = arith.constant 16 : i32
    %add3A_13 = arith.addi %mul3A_11, %add3A_12 : i32
    %select_n3A_14 = arith.select %lt3A_8, %mul3A_9, %add3A_13 : i32
    %mul3A_15 = arith.constant 1 : i32
    %mul3A_16 = arith.muli %mul3A_15, %select_n3A : i32
    "tpu.region"() ({
      %run_scoped3A = memref.alloca() : memref<2x1x256xi32, #tpu.memory_space<vmem>>
      %run_scoped3A_17 = tpu.sem_alloc : memref<2x!tpu.dma_semaphore, #tpu.memory_space<semaphore_mem>>
      %run_scoped3A_18 = memref.alloca() : memref<2x256x128xf32, #tpu.memory_space<vmem>>
      %run_scoped3A_19 = tpu.sem_alloc : memref<2x!tpu.dma_semaphore, #tpu.memory_space<semaphore_mem>>
      %gt3A = arith.constant 0 : i32
      %gt3A_20 = arith.cmpi sgt, %mul3A_16, %gt3A : i32
      %convert_element_type3A = arith.extui %gt3A_20 : i1 to i32
      %cond3A = arith.constant 0 : i32
      %cond3A_21 = arith.cmpi ne, %convert_element_type3A, %cond3A : i32
      scf.if %cond3A_21 {
        %mul3A_22 = arith.constant 1 : i32
        %mul3A_23 = arith.muli %mul3A_22, %select_n3A : i32
        %sub3A = arith.constant 1 : i32
        %sub3A_24 = arith.subi %mul3A_23, %sub3A : i32
        %eq3A = arith.constant 0 : i32
        %eq3A_25 = arith.cmpi eq, %sub3A_24, %eq3A : i32
        %add3A_26 = arith.constant 0 : i32
        %add3A_27 = arith.addi %add3A_26, %select_n3A_14 : i32
        %select_n3A_28 = arith.constant true
        %select_n3A_29 = arith.constant 0 : i32
        %select_n3A_30 = arith.constant -1 : i32
        %select_n3A_31 = arith.select %select_n3A_28, %select_n3A_30, %select_n3A_29 : i32
        %eq3A_32 = arith.constant -1 : i32
        %eq3A_33 = arith.cmpi eq, %select_n3A_31, %eq3A_32 : i32
        %sub3A_34 = arith.constant 1 : i32
        %sub3A_35 = arith.subi %select_n3A, %sub3A_34 : i32
        %select_n3A_36 = arith.select %eq3A_33, %sub3A_35, %select_n3A_31 : i32
        %add3A_37 = arith.addi %select_n3A_36, %select_n3A_14 : i32
        %select_n3A_38 = arith.constant true
        %select_n3A_39 = arith.constant 0 : i32
        %select_n3A_40 = arith.constant 1 : i32
        %select_n3A_41 = arith.select %select_n3A_38, %select_n3A_40, %select_n3A_39 : i32
        %eq3A_42 = arith.cmpi eq, %select_n3A_41, %select_n3A : i32
        %select_n3A_43 = arith.constant 0 : i32
        %select_n3A_44 = arith.select %eq3A_42, %select_n3A_43, %select_n3A_41 : i32
        %add3A_45 = arith.addi %select_n3A_44, %select_n3A_14 : i32
        %add3A_46 = arith.constant 1 : i32
        %add3A_47 = arith.addi %select_n3A_44, %add3A_46 : i32
        %select_n3A_48 = arith.constant true
        %select_n3A_49 = arith.select %select_n3A_48, %add3A_47, %select_n3A_44 : i32
        %eq3A_50 = arith.cmpi eq, %select_n3A_49, %select_n3A : i32
        %select_n3A_51 = arith.constant 0 : i32
        %select_n3A_52 = arith.select %eq3A_50, %select_n3A_51, %select_n3A_49 : i32
        %add3A_53 = arith.addi %select_n3A_52, %select_n3A_14 : i32
        "tpu.trace_start"() <{level = 10 : i32, message = "ep_initialize_0"}> : () -> ()
        %rem3A = arith.constant 0 : i32
        %rem3A_54 = arith.constant 2 : i32
        %rem3A_55 = arith.remui %rem3A, %rem3A_54 : i32
        %mul3A_56 = arith.constant 256 : i32
        %mul3A_57 = arith.muli %mul3A_56, %add3A_27 : i32
        %dma_start3A = arith.constant 0 : i32
        %dma_start3A_58 = arith.constant 0 : i32
        %dma_start3A_59 = tpu.memref_slice %run_scoped3A[%rem3A_55, %dma_start3A, %dma_start3A_58] : memref<2x1x256xi32, #tpu.memory_space<vmem>> -> memref<1x1x256xi32, #tpu.memory_space<vmem>>
        %dma_start3A_60 = tpu.memref_squeeze %dma_start3A_59 : memref<1x1x256xi32, #tpu.memory_space<vmem>> -> memref<1x256xi32, #tpu.memory_space<vmem>>
        %dma_start3A_61 = arith.constant 0 : i32
        %dma_start3A_62 = tpu.memref_slice %arg3[%dma_start3A_61, %mul3A_57] : memref<1x69632xi32, #tpu.memory_space<hbm>> -> memref<1x256xi32, #tpu.memory_space<hbm>>
        %dma_start3A_63 = tpu.memref_slice %run_scoped3A_17[%rem3A_55] : memref<2x!tpu.dma_semaphore, #tpu.memory_space<semaphore_mem>> -> memref<1x!tpu.dma_semaphore, #tpu.memory_space<semaphore_mem>>
        %dma_start3A_64 = tpu.memref_squeeze %dma_start3A_63 : memref<1x!tpu.dma_semaphore, #tpu.memory_space<semaphore_mem>> -> memref<!tpu.dma_semaphore, #tpu.memory_space<semaphore_mem>>
        %dma_start3A_65 = arith.constant 0 : i32
        %dma_start3A_66 = arith.constant 0 : i32
        %dma_start3A_67 = tpu.memref_slice %run_scoped3A[%rem3A_55, %dma_start3A_65, %dma_start3A_66] : memref<2x1x256xi32, #tpu.memory_space<vmem>> -> memref<1x1x256xi32, #tpu.memory_space<vmem>>
        %dma_start3A_68 = tpu.memref_squeeze %dma_start3A_67 : memref<1x1x256xi32, #tpu.memory_space<vmem>> -> memref<1x256xi32, #tpu.memory_space<vmem>>
        %dma_start3A_69 = arith.constant 0 : i32
        %dma_start3A_70 = tpu.memref_slice %arg3[%dma_start3A_69, %mul3A_57] : memref<1x69632xi32, #tpu.memory_space<hbm>> -> memref<1x256xi32, #tpu.memory_space<hbm>>
        tpu.enqueue_dma source(%dma_start3A_70 : memref<1x256xi32, #tpu.memory_space<hbm>>) target(%dma_start3A_68 : memref<1x256xi32, #tpu.memory_space<vmem>>) target_semaphore(%dma_start3A_64 : memref<!tpu.dma_semaphore, #tpu.memory_space<semaphore_mem>>)
        %add3A_71 = arith.constant 0 : i32
        %add3A_72 = arith.constant 1 : i32
        %add3A_73 = arith.addi %add3A_71, %add3A_72 : i32
        %select_n3A_74 = arith.constant true
        %select_n3A_75 = arith.constant 0 : i32
        %select_n3A_76 = arith.select %select_n3A_74, %add3A_73, %select_n3A_75 : i32
        %while3A = arith.constant 0 : i32
        %while3A_77 = arith.constant 0 : i32
        %while3A_78 = arith.constant 0 : i32
        %while3A_79 = arith.constant 0 : i32
        %while3A_80 = arith.constant 0 : i32
        "tpu.trace_stop"() : () -> ()
        %while3A_81 = arith.subi %mul3A_16, %while3A : i32
        %while3A_82 = arith.addi %while3A, %while3A_81 : i32
        %while3A_83 = arith.constant 1 : i32
        %while3A_84 = arith.divsi %while3A_81, %while3A_83 : i32
        %while3A_85 = arith.muli %while3A_84, %while3A_83 : i32
        %while3A_86 = arith.addi %while3A, %while3A_85 : i32
        %while3A_87 = arith.constant 1 : i32
        %while3A_88:5 = scf.for %while3A_142 = %while3A to %while3A_86 step %while3A_87 iter_args(%while3A_143 = %select_n3A_76, %while3A_144 = %while3A_77, %while3A_145 = %while3A_78, %while3A_146 = %while3A_79, %while3A_147 = %while3A_80) -> (i32, i32, i32, i32, i32)  : i32 {
          %mul3A_148 = arith.constant 1 : i32
          %mul3A_149 = arith.muli %mul3A_148, %select_n3A : i32
          %eq3A_150 = arith.constant 0 : i32
          %eq3A_151 = arith.cmpi eq, %while3A_142, %eq3A_150 : i32
          %sub3A_152 = arith.constant 1 : i32
          %sub3A_153 = arith.subi %mul3A_149, %sub3A_152 : i32
          %eq3A_154 = arith.cmpi eq, %while3A_142, %sub3A_153 : i32
          %add3A_155 = arith.addi %while3A_147, %select_n3A_14 : i32
          %sub3A_156 = arith.constant 1 : i32
          %sub3A_157 = arith.subi %while3A_147, %sub3A_156 : i32
          %select_n3A_158 = arith.constant true
          %select_n3A_159 = arith.select %select_n3A_158, %sub3A_157, %while3A_147 : i32
          %eq3A_160 = arith.constant -1 : i32
          %eq3A_161 = arith.cmpi eq, %select_n3A_159, %eq3A_160 : i32
          %sub3A_162 = arith.constant 1 : i32
          %sub3A_163 = arith.subi %select_n3A, %sub3A_162 : i32
          %select_n3A_164 = arith.select %eq3A_161, %sub3A_163, %select_n3A_159 : i32
          %add3A_165 = arith.addi %select_n3A_164, %select_n3A_14 : i32
          %add3A_166 = arith.constant 1 : i32
          %add3A_167 = arith.addi %while3A_147, %add3A_166 : i32
          %select_n3A_168 = arith.constant true
          %select_n3A_169 = arith.select %select_n3A_168, %add3A_167, %while3A_147 : i32
          %eq3A_170 = arith.cmpi eq, %select_n3A_169, %select_n3A : i32
          %select_n3A_171 = arith.constant 0 : i32
          %select_n3A_172 = arith.select %eq3A_170, %select_n3A_171, %select_n3A_169 : i32
          %add3A_173 = arith.addi %select_n3A_172, %select_n3A_14 : i32
          %add3A_174 = arith.constant 1 : i32
          %add3A_175 = arith.addi %select_n3A_172, %add3A_174 : i32
          %select_n3A_176 = arith.constant true
          %select_n3A_177 = arith.select %select_n3A_176, %add3A_175, %select_n3A_172 : i32
          %eq3A_178 = arith.cmpi eq, %select_n3A_177, %select_n3A : i32
          %select_n3A_179 = arith.constant 0 : i32
          %select_n3A_180 = arith.select %eq3A_178, %select_n3A_179, %select_n3A_177 : i32
          %add3A_181 = arith.addi %select_n3A_180, %select_n3A_14 : i32
          %ne3A = arith.cmpi ne, %add3A_155, %add3A_173 : i32
          %or3A = arith.constant false
          %or3A_182 = arith.ori %or3A, %ne3A : i1
          %sub3A_183 = arith.constant 2 : i32
          %sub3A_184 = arith.subi %mul3A_149, %sub3A_183 : i32
          %add3A_185 = arith.constant 1 : i32
          %add3A_186 = arith.addi %sub3A_184, %add3A_185 : i32
          %ge3A = arith.cmpi sge, %while3A_142, %add3A_186 : i32
          %not3A = arith.constant true
          %not3A_187 = arith.xori %ge3A, %not3A : i1
          %and3A = arith.andi %or3A_182, %not3A_187 : i1
          %convert_element_type3A_188 = arith.extui %and3A : i1 to i32
          %cond3A_189 = arith.constant 0 : i32
          %cond3A_190 = arith.cmpi ne, %convert_element_type3A_188, %cond3A_189 : i32
          scf.if %cond3A_190 {
            "tpu.trace_start"() <{level = 10 : i32, message = "ep_copy_in"}> : () -> ()
            %rem3A_294 = arith.constant 2 : i32
            %rem3A_295 = arith.remui %while3A_143, %rem3A_294 : i32
            %mul3A_296 = arith.constant 256 : i32
            %mul3A_297 = arith.muli %mul3A_296, %add3A_173 : i32
            %dma_start3A_298 = arith.constant 0 : i32
            %dma_start3A_299 = arith.constant 0 : i32
            %dma_start3A_300 = tpu.memref_slice %run_scoped3A[%rem3A_295, %dma_start3A_298, %dma_start3A_299] : memref<2x1x256xi32, #tpu.memory_space<vmem>> -> memref<1x1x256xi32, #tpu.memory_space<vmem>>
            %dma_start3A_301 = tpu.memref_squeeze %dma_start3A_300 : memref<1x1x256xi32, #tpu.memory_space<vmem>> -> memref<1x256xi32, #tpu.memory_space<vmem>>
            %dma_start3A_302 = arith.constant 0 : i32
            %dma_start3A_303 = tpu.memref_slice %arg3[%dma_start3A_302, %mul3A_297] : memref<1x69632xi32, #tpu.memory_space<hbm>> -> memref<1x256xi32, #tpu.memory_space<hbm>>
            %dma_start3A_304 = tpu.memref_slice %run_scoped3A_17[%rem3A_295] : memref<2x!tpu.dma_semaphore, #tpu.memory_space<semaphore_mem>> -> memref<1x!tpu.dma_semaphore, #tpu.memory_space<semaphore_mem>>
            %dma_start3A_305 = tpu.memref_squeeze %dma_start3A_304 : memref<1x!tpu.dma_semaphore, #tpu.memory_space<semaphore_mem>> -> memref<!tpu.dma_semaphore, #tpu.memory_space<semaphore_mem>>
            %dma_start3A_306 = arith.constant 0 : i32
            %dma_start3A_307 = arith.constant 0 : i32
            %dma_start3A_308 = tpu.memref_slice %run_scoped3A[%rem3A_295, %dma_start3A_306, %dma_start3A_307] : memref<2x1x256xi32, #tpu.memory_space<vmem>> -> memref<1x1x256xi32, #tpu.memory_space<vmem>>
            %dma_start3A_309 = tpu.memref_squeeze %dma_start3A_308 : memref<1x1x256xi32, #tpu.memory_space<vmem>> -> memref<1x256xi32, #tpu.memory_space<vmem>>
            %dma_start3A_310 = arith.constant 0 : i32
            %dma_start3A_311 = tpu.memref_slice %arg3[%dma_start3A_310, %mul3A_297] : memref<1x69632xi32, #tpu.memory_space<hbm>> -> memref<1x256xi32, #tpu.memory_space<hbm>>
            tpu.enqueue_dma source(%dma_start3A_311 : memref<1x256xi32, #tpu.memory_space<hbm>>) target(%dma_start3A_309 : memref<1x256xi32, #tpu.memory_space<vmem>>) target_semaphore(%dma_start3A_305 : memref<!tpu.dma_semaphore, #tpu.memory_space<semaphore_mem>>)
            "tpu.trace_stop"() : () -> ()
          } else {
          }
          %and3A_191 = arith.constant true
          %and3A_192 = arith.andi %and3A, %and3A_191 : i1
          %add3A_193 = arith.constant 1 : i32
          %add3A_194 = arith.addi %while3A_143, %add3A_193 : i32
          %select_n3A_195 = arith.select %and3A_192, %add3A_194, %while3A_143 : i32
          %ne3A_196 = arith.cmpi ne, %add3A_155, %add3A_173 : i32
          %or3A_197 = arith.constant false
          %or3A_198 = arith.ori %or3A_197, %ne3A_196 : i1
          %or3A_199 = arith.constant false
          %or3A_200 = arith.ori %or3A_198, %or3A_199 : i1
          %sub3A_201 = arith.constant 2 : i32
          %sub3A_202 = arith.subi %mul3A_149, %sub3A_201 : i32
          %add3A_203 = arith.constant 1 : i32
          %add3A_204 = arith.addi %sub3A_202, %add3A_203 : i32
          %ge3A_205 = arith.cmpi sge, %while3A_142, %add3A_204 : i32
          %not3A_206 = arith.constant true
          %not3A_207 = arith.xori %ge3A_205, %not3A_206 : i1
          %and3A_208 = arith.andi %or3A_200, %not3A_207 : i1
          %ne3A_209 = arith.cmpi ne, %add3A_155, %add3A_165 : i32
          %or3A_210 = arith.constant false
          %or3A_211 = arith.ori %or3A_210, %ne3A_209 : i1
          %or3A_212 = arith.ori %or3A_211, %eq3A_151 : i1
          %convert_element_type3A_213 = arith.extui %or3A_212 : i1 to i32
          %cond3A_214 = arith.constant 0 : i32
          %cond3A_215 = arith.cmpi ne, %convert_element_type3A_213, %cond3A_214 : i32
          scf.if %cond3A_215 {
            "tpu.trace_start"() <{level = 10 : i32, message = "ep_wait_in"}> : () -> ()
            %mul3A_294 = arith.constant 256 : i32
            %mul3A_295 = arith.muli %mul3A_294, %add3A_155 : i32
            %rem3A_296 = arith.constant 2 : i32
            %rem3A_297 = arith.remui %while3A_144, %rem3A_296 : i32
            %dma_wait3A = arith.constant 0 : i32
            %dma_wait3A_298 = arith.constant 0 : i32
            %dma_wait3A_299 = tpu.memref_slice %run_scoped3A[%rem3A_297, %dma_wait3A, %dma_wait3A_298] : memref<2x1x256xi32, #tpu.memory_space<vmem>> -> memref<1x1x256xi32, #tpu.memory_space<vmem>>
            %dma_wait3A_300 = tpu.memref_squeeze %dma_wait3A_299 : memref<1x1x256xi32, #tpu.memory_space<vmem>> -> memref<1x256xi32, #tpu.memory_space<vmem>>
            %dma_wait3A_301 = arith.constant 0 : i32
            %dma_wait3A_302 = tpu.memref_slice %arg3[%dma_wait3A_301, %mul3A_295] : memref<1x69632xi32, #tpu.memory_space<hbm>> -> memref<1x256xi32, #tpu.memory_space<hbm>>
            %dma_wait3A_303 = tpu.memref_slice %run_scoped3A_17[%rem3A_297] : memref<2x!tpu.dma_semaphore, #tpu.memory_space<semaphore_mem>> -> memref<1x!tpu.dma_semaphore, #tpu.memory_space<semaphore_mem>>
            %dma_wait3A_304 = tpu.memref_squeeze %dma_wait3A_303 : memref<1x!tpu.dma_semaphore, #tpu.memory_space<semaphore_mem>> -> memref<!tpu.dma_semaphore, #tpu.memory_space<semaphore_mem>>
            %dma_wait3A_305 = arith.constant 0 : i32
            %dma_wait3A_306 = arith.constant 0 : i32
            %dma_wait3A_307 = tpu.memref_slice %run_scoped3A[%rem3A_297, %dma_wait3A_305, %dma_wait3A_306] : memref<2x1x256xi32, #tpu.memory_space<vmem>> -> memref<1x1x256xi32, #tpu.memory_space<vmem>>
            %dma_wait3A_308 = tpu.memref_squeeze %dma_wait3A_307 : memref<1x1x256xi32, #tpu.memory_space<vmem>> -> memref<1x256xi32, #tpu.memory_space<vmem>>
            %dma_wait3A_309 = arith.constant 0 : i32
            %dma_wait3A_310 = tpu.memref_slice %arg3[%dma_wait3A_309, %mul3A_295] : memref<1x69632xi32, #tpu.memory_space<hbm>> -> memref<1x256xi32, #tpu.memory_space<hbm>>
            tpu.wait_dma2 semaphore(%dma_wait3A_304 : memref<!tpu.dma_semaphore, #tpu.memory_space<semaphore_mem>>) src(%dma_wait3A_310 : memref<1x256xi32, #tpu.memory_space<hbm>>) dst(%dma_wait3A_308 : memref<1x256xi32, #tpu.memory_space<vmem>>)
            "tpu.trace_stop"() : () -> ()
          } else {
          }
          %ne3A_216 = arith.cmpi ne, %add3A_155, %add3A_165 : i32
          %or3A_217 = arith.constant false
          %or3A_218 = arith.ori %or3A_217, %ne3A_216 : i1
          %or3A_219 = arith.constant false
          %or3A_220 = arith.ori %or3A_218, %or3A_219 : i1
          %or3A_221 = arith.ori %or3A_220, %eq3A_151 : i1
          %convert_element_type3A_222 = arith.extui %or3A_221 : i1 to i32
          %cond3A_223 = arith.constant 0 : i32
          %cond3A_224 = arith.cmpi ne, %convert_element_type3A_222, %cond3A_223 : i32
          scf.if %cond3A_224 {
          } else {
          }
          %rem3A_225 = arith.constant 2 : i32
          %rem3A_226 = arith.remui %while3A_144, %rem3A_225 : i32
          %rem3A_227 = arith.constant 2 : i32
          %rem3A_228 = arith.remui %while3A_145, %rem3A_227 : i32
          %run_scoped3A_229 = arith.constant 0 : i32
          "tpu.trace_start"() <{level = 10 : i32, message = "ep_run_kernel"}> : () -> ()
          "tpu.region"() ({
            %run_scoped3A_294 = tpu.sem_alloc : memref<!tpu.dma_semaphore, #tpu.memory_space<semaphore_mem>>
            %dma_start3A_295 = arith.constant 0 : i32
            %dma_start3A_296 = arith.constant 0 : i32
            %dma_start3A_297 = tpu.memref_slice %run_scoped3A_18[%rem3A_228, %dma_start3A_295, %dma_start3A_296] : memref<2x256x128xf32, #tpu.memory_space<vmem>> -> memref<1x256x128xf32, #tpu.memory_space<vmem>>
            %dma_start3A_298 = tpu.memref_squeeze %dma_start3A_297 : memref<1x256x128xf32, #tpu.memory_space<vmem>> -> memref<256x128xf32, #tpu.memory_space<vmem>>
            %dma_start3A_299 = arith.constant 0 : i32
            %dma_start3A_300 = arith.constant 0 : i32
            %dma_start3A_301 = tpu.memref_slice %run_scoped3A[%rem3A_226, %dma_start3A_299, %dma_start3A_300] : memref<2x1x256xi32, #tpu.memory_space<vmem>> -> memref<1x1x256xi32, #tpu.memory_space<vmem>>
            %dma_start3A_302 = tpu.memref_squeeze %dma_start3A_301 : memref<1x1x256xi32, #tpu.memory_space<vmem>> -> memref<1x256xi32, #tpu.memory_space<vmem>>
            %dma_start3A_303 = arith.constant 0 : i32
            %dma_start3A_304 = tpu.memref_slice %dma_start3A_302[%run_scoped3A_229, %dma_start3A_303] : memref<1x256xi32, #tpu.memory_space<vmem>> -> memref<1x256xi32, #tpu.memory_space<vmem>>
            %dma_start3A_305 = tpu.memref_squeeze %dma_start3A_304 : memref<1x256xi32, #tpu.memory_space<vmem>> -> memref<256xi32, #tpu.memory_space<vmem>>
            %dma_start3A_306 = arith.constant 0 : i32
            %dma_start3A_307 = arith.constant 0 : i32
            %dma_start3A_308 = tpu.memref_slice %arg2[%dma_start3A_306, %dma_start3A_307] : memref<4096x128xf32, #tpu.memory_space<hbm>> -> memref<4096x128xf32, #tpu.memory_space<hbm>>
            tpu.enqueue_indirect_dma source(%dma_start3A_308 : memref<4096x128xf32, #tpu.memory_space<hbm>>) target(%dma_start3A_298 : memref<256x128xf32, #tpu.memory_space<vmem>>) offsets(%dma_start3A_305 : memref<256xi32, #tpu.memory_space<vmem>>) semaphore(%run_scoped3A_294 : memref<!tpu.dma_semaphore, #tpu.memory_space<semaphore_mem>>)
            %dma_wait3A = arith.constant 0 : i32
            %dma_wait3A_309 = arith.constant 0 : i32
            %dma_wait3A_310 = tpu.memref_slice %run_scoped3A_18[%rem3A_228, %dma_wait3A, %dma_wait3A_309] : memref<2x256x128xf32, #tpu.memory_space<vmem>> -> memref<1x256x128xf32, #tpu.memory_space<vmem>>
            %dma_wait3A_311 = tpu.memref_squeeze %dma_wait3A_310 : memref<1x256x128xf32, #tpu.memory_space<vmem>> -> memref<256x128xf32, #tpu.memory_space<vmem>>
            %dma_wait3A_312 = arith.constant 0 : i32
            %dma_wait3A_313 = arith.constant 0 : i32
            %dma_wait3A_314 = tpu.memref_slice %run_scoped3A[%rem3A_226, %dma_wait3A_312, %dma_wait3A_313] : memref<2x1x256xi32, #tpu.memory_space<vmem>> -> memref<1x1x256xi32, #tpu.memory_space<vmem>>
            %dma_wait3A_315 = tpu.memref_squeeze %dma_wait3A_314 : memref<1x1x256xi32, #tpu.memory_space<vmem>> -> memref<1x256xi32, #tpu.memory_space<vmem>>
            %dma_wait3A_316 = arith.constant 0 : i32
            %dma_wait3A_317 = tpu.memref_slice %dma_wait3A_315[%run_scoped3A_229, %dma_wait3A_316] : memref<1x256xi32, #tpu.memory_space<vmem>> -> memref<1x256xi32, #tpu.memory_space<vmem>>
            %dma_wait3A_318 = tpu.memref_squeeze %dma_wait3A_317 : memref<1x256xi32, #tpu.memory_space<vmem>> -> memref<256xi32, #tpu.memory_space<vmem>>
            %dma_wait3A_319 = arith.constant 0 : i32
            %dma_wait3A_320 = arith.constant 0 : i32
            %dma_wait3A_321 = tpu.memref_slice %arg2[%dma_wait3A_319, %dma_wait3A_320] : memref<4096x128xf32, #tpu.memory_space<hbm>> -> memref<4096x128xf32, #tpu.memory_space<hbm>>
            tpu.wait_indirect_dma semaphore(%run_scoped3A_294 : memref<!tpu.dma_semaphore, #tpu.memory_space<semaphore_mem>>) src(%dma_wait3A_321 : memref<4096x128xf32, #tpu.memory_space<hbm>>) dst(%dma_wait3A_311 : memref<256x128xf32, #tpu.memory_space<vmem>>)
            tpu.yield
          }) : () -> ()
          "tpu.trace_stop"() : () -> ()
          %ne3A_230 = arith.cmpi ne, %add3A_155, %add3A_173 : i32
          %or3A_231 = arith.constant false
          %or3A_232 = arith.ori %or3A_231, %ne3A_230 : i1
          %or3A_233 = arith.ori %or3A_232, %eq3A_154 : i1
          %convert_element_type3A_234 = arith.extui %or3A_233 : i1 to i32
          %cond3A_235 = arith.constant 0 : i32
          %cond3A_236 = arith.cmpi ne, %convert_element_type3A_234, %cond3A_235 : i32
          scf.if %cond3A_236 {
          } else {
          }
          %and3A_237 = arith.constant false
          %and3A_238 = arith.andi %or3A_233, %and3A_237 : i1
          %ne3A_239 = arith.cmpi ne, %add3A_155, %add3A_173 : i32
          %or3A_240 = arith.constant false
          %or3A_241 = arith.ori %or3A_240, %ne3A_239 : i1
          %or3A_242 = arith.constant false
          %or3A_243 = arith.ori %or3A_241, %or3A_242 : i1
          %or3A_244 = arith.ori %or3A_243, %eq3A_154 : i1
          %convert_element_type3A_245 = arith.extui %or3A_244 : i1 to i32
          %cond3A_246 = arith.constant 0 : i32
          %cond3A_247 = arith.cmpi ne, %convert_element_type3A_245, %cond3A_246 : i32
          scf.if %cond3A_247 {
            "tpu.trace_start"() <{level = 10 : i32, message = "ep_copy_out"}> : () -> ()
            %rem3A_294 = arith.constant 2 : i32
            %rem3A_295 = arith.remui %while3A_145, %rem3A_294 : i32
            %mul3A_296 = arith.constant 256 : i32
            %mul3A_297 = arith.muli %mul3A_296, %add3A_155 : i32
            %dma_start3A_298 = arith.constant 0 : i32
            %dma_start3A_299 = arith.constant 0 : i32
            %dma_start3A_300 = tpu.memref_slice %run_scoped3A_18[%rem3A_295, %dma_start3A_298, %dma_start3A_299] : memref<2x256x128xf32, #tpu.memory_space<vmem>> -> memref<1x256x128xf32, #tpu.memory_space<vmem>>
            %dma_start3A_301 = tpu.memref_squeeze %dma_start3A_300 : memref<1x256x128xf32, #tpu.memory_space<vmem>> -> memref<256x128xf32, #tpu.memory_space<vmem>>
            %dma_start3A_302 = arith.constant 0 : i32
            %dma_start3A_303 = tpu.memref_slice %arg4[%mul3A_297, %dma_start3A_302] : memref<69632x128xf32, #tpu.memory_space<hbm>> -> memref<256x128xf32, #tpu.memory_space<hbm>>
            %dma_start3A_304 = tpu.memref_slice %run_scoped3A_19[%rem3A_295] : memref<2x!tpu.dma_semaphore, #tpu.memory_space<semaphore_mem>> -> memref<1x!tpu.dma_semaphore, #tpu.memory_space<semaphore_mem>>
            %dma_start3A_305 = tpu.memref_squeeze %dma_start3A_304 : memref<1x!tpu.dma_semaphore, #tpu.memory_space<semaphore_mem>> -> memref<!tpu.dma_semaphore, #tpu.memory_space<semaphore_mem>>
            %dma_start3A_306 = arith.constant 0 : i32
            %dma_start3A_307 = tpu.memref_slice %arg4[%mul3A_297, %dma_start3A_306] : memref<69632x128xf32, #tpu.memory_space<hbm>> -> memref<256x128xf32, #tpu.memory_space<hbm>>
            %dma_start3A_308 = arith.constant 0 : i32
            %dma_start3A_309 = arith.constant 0 : i32
            %dma_start3A_310 = tpu.memref_slice %run_scoped3A_18[%rem3A_295, %dma_start3A_308, %dma_start3A_309] : memref<2x256x128xf32, #tpu.memory_space<vmem>> -> memref<1x256x128xf32, #tpu.memory_space<vmem>>
            %dma_start3A_311 = tpu.memref_squeeze %dma_start3A_310 : memref<1x256x128xf32, #tpu.memory_space<vmem>> -> memref<256x128xf32, #tpu.memory_space<vmem>>
            tpu.enqueue_dma source(%dma_start3A_311 : memref<256x128xf32, #tpu.memory_space<vmem>>) target(%dma_start3A_307 : memref<256x128xf32, #tpu.memory_space<hbm>>) target_semaphore(%dma_start3A_305 : memref<!tpu.dma_semaphore, #tpu.memory_space<semaphore_mem>>)
            "tpu.trace_stop"() : () -> ()
          } else {
          }
          %and3A_248 = arith.constant true
          %and3A_249 = arith.andi %or3A_244, %and3A_248 : i1
          %add3A_250 = arith.constant 1 : i32
          %add3A_251 = arith.addi %while3A_145, %add3A_250 : i32
          %select_n3A_252 = arith.select %and3A_249, %add3A_251, %while3A_145 : i32
          %ne3A_253 = arith.cmpi ne, %add3A_155, %add3A_165 : i32
          %or3A_254 = arith.constant false
          %or3A_255 = arith.ori %or3A_254, %ne3A_253 : i1
          %not3A_256 = arith.constant true
          %not3A_257 = arith.xori %eq3A_151, %not3A_256 : i1
          %and3A_258 = arith.andi %or3A_255, %not3A_257 : i1
          %convert_element_type3A_259 = arith.extui %and3A_258 : i1 to i32
          %cond3A_260 = arith.constant 0 : i32
          %cond3A_261 = arith.cmpi ne, %convert_element_type3A_259, %cond3A_260 : i32
          scf.if %cond3A_261 {
          } else {
          }
          %and3A_262 = arith.constant false
          %and3A_263 = arith.andi %and3A_258, %and3A_262 : i1
          %ne3A_264 = arith.cmpi ne, %add3A_155, %add3A_165 : i32
          %or3A_265 = arith.constant false
          %or3A_266 = arith.ori %or3A_265, %ne3A_264 : i1
          %or3A_267 = arith.constant false
          %or3A_268 = arith.ori %or3A_266, %or3A_267 : i1
          %not3A_269 = arith.constant true
          %not3A_270 = arith.xori %eq3A_151, %not3A_269 : i1
          %and3A_271 = arith.andi %or3A_268, %not3A_270 : i1
          %convert_element_type3A_272 = arith.extui %and3A_271 : i1 to i32
          %cond3A_273 = arith.constant 0 : i32
          %cond3A_274 = arith.cmpi ne, %convert_element_type3A_272, %cond3A_273 : i32
          scf.if %cond3A_274 {
            "tpu.trace_start"() <{level = 10 : i32, message = "ep_wait_out"}> : () -> ()
            %rem3A_294 = arith.constant 2 : i32
            %rem3A_295 = arith.remui %while3A_146, %rem3A_294 : i32
            %mul3A_296 = arith.constant 256 : i32
            %mul3A_297 = arith.muli %mul3A_296, %add3A_165 : i32
            %dma_wait3A = arith.constant 0 : i32
            %dma_wait3A_298 = arith.constant 0 : i32
            %dma_wait3A_299 = tpu.memref_slice %run_scoped3A_18[%rem3A_295, %dma_wait3A, %dma_wait3A_298] : memref<2x256x128xf32, #tpu.memory_space<vmem>> -> memref<1x256x128xf32, #tpu.memory_space<vmem>>
            %dma_wait3A_300 = tpu.memref_squeeze %dma_wait3A_299 : memref<1x256x128xf32, #tpu.memory_space<vmem>> -> memref<256x128xf32, #tpu.memory_space<vmem>>
            %dma_wait3A_301 = arith.constant 0 : i32
            %dma_wait3A_302 = tpu.memref_slice %arg4[%mul3A_297, %dma_wait3A_301] : memref<69632x128xf32, #tpu.memory_space<hbm>> -> memref<256x128xf32, #tpu.memory_space<hbm>>
            %dma_wait3A_303 = tpu.memref_slice %run_scoped3A_19[%rem3A_295] : memref<2x!tpu.dma_semaphore, #tpu.memory_space<semaphore_mem>> -> memref<1x!tpu.dma_semaphore, #tpu.memory_space<semaphore_mem>>
            %dma_wait3A_304 = tpu.memref_squeeze %dma_wait3A_303 : memref<1x!tpu.dma_semaphore, #tpu.memory_space<semaphore_mem>> -> memref<!tpu.dma_semaphore, #tpu.memory_space<semaphore_mem>>
            %dma_wait3A_305 = arith.constant 0 : i32
            %dma_wait3A_306 = tpu.memref_slice %arg4[%mul3A_297, %dma_wait3A_305] : memref<69632x128xf32, #tpu.memory_space<hbm>> -> memref<256x128xf32, #tpu.memory_space<hbm>>
            %dma_wait3A_307 = arith.constant 0 : i32
            %dma_wait3A_308 = arith.constant 0 : i32
            %dma_wait3A_309 = tpu.memref_slice %run_scoped3A_18[%rem3A_295, %dma_wait3A_307, %dma_wait3A_308] : memref<2x256x128xf32, #tpu.memory_space<vmem>> -> memref<1x256x128xf32, #tpu.memory_space<vmem>>
            %dma_wait3A_310 = tpu.memref_squeeze %dma_wait3A_309 : memref<1x256x128xf32, #tpu.memory_space<vmem>> -> memref<256x128xf32, #tpu.memory_space<vmem>>
            tpu.wait_dma2 semaphore(%dma_wait3A_304 : memref<!tpu.dma_semaphore, #tpu.memory_space<semaphore_mem>>) src(%dma_wait3A_310 : memref<256x128xf32, #tpu.memory_space<vmem>>) dst(%dma_wait3A_306 : memref<256x128xf32, #tpu.memory_space<hbm>>)
            "tpu.trace_stop"() : () -> ()
          } else {
          }
          %and3A_275 = arith.constant true
          %and3A_276 = arith.andi %and3A_271, %and3A_275 : i1
          %add3A_277 = arith.constant 1 : i32
          %add3A_278 = arith.addi %while3A_146, %add3A_277 : i32
          %select_n3A_279 = arith.select %and3A_276, %add3A_278, %while3A_146 : i32
          %ne3A_280 = arith.cmpi ne, %add3A_155, %add3A_173 : i32
          %or3A_281 = arith.constant false
          %or3A_282 = arith.ori %or3A_281, %ne3A_280 : i1
          %or3A_283 = arith.ori %or3A_282, %eq3A_154 : i1
          %add3A_284 = arith.constant 1 : i32
          %add3A_285 = arith.addi %while3A_144, %add3A_284 : i32
          %select_n3A_286 = arith.select %or3A_283, %add3A_285, %while3A_144 : i32
          %add3A_287 = arith.constant 1 : i32
          %add3A_288 = arith.addi %while3A_147, %add3A_287 : i32
          %select_n3A_289 = arith.constant true
          %select_n3A_290 = arith.select %select_n3A_289, %add3A_288, %while3A_147 : i32
          %eq3A_291 = arith.cmpi eq, %select_n3A_290, %select_n3A : i32
          %select_n3A_292 = arith.constant 0 : i32
          %select_n3A_293 = arith.select %eq3A_291, %select_n3A_292, %select_n3A_290 : i32
          scf.yield %select_n3A_195, %select_n3A_286, %select_n3A_252, %select_n3A_279, %select_n3A_293 : i32, i32, i32, i32, i32
        }
        %while3A_89 = arith.constant 1 : i32
        %while3A_90:5 = scf.for %while3A_142 = %while3A_86 to %while3A_82 step %while3A_89 iter_args(%while3A_143 = %while3A_88#0, %while3A_144 = %while3A_88#1, %while3A_145 = %while3A_88#2, %while3A_146 = %while3A_88#3, %while3A_147 = %while3A_88#4) -> (i32, i32, i32, i32, i32)  : i32 {
          %mul3A_148 = arith.constant 1 : i32
          %mul3A_149 = arith.muli %mul3A_148, %select_n3A : i32
          %eq3A_150 = arith.constant 0 : i32
          %eq3A_151 = arith.cmpi eq, %while3A_142, %eq3A_150 : i32
          %sub3A_152 = arith.constant 1 : i32
          %sub3A_153 = arith.subi %mul3A_149, %sub3A_152 : i32
          %eq3A_154 = arith.cmpi eq, %while3A_142, %sub3A_153 : i32
          %add3A_155 = arith.addi %while3A_147, %select_n3A_14 : i32
          %sub3A_156 = arith.constant 1 : i32
          %sub3A_157 = arith.subi %while3A_147, %sub3A_156 : i32
          %select_n3A_158 = arith.constant true
          %select_n3A_159 = arith.select %select_n3A_158, %sub3A_157, %while3A_147 : i32
          %eq3A_160 = arith.constant -1 : i32
          %eq3A_161 = arith.cmpi eq, %select_n3A_159, %eq3A_160 : i32
          %sub3A_162 = arith.constant 1 : i32
          %sub3A_163 = arith.subi %select_n3A, %sub3A_162 : i32
          %select_n3A_164 = arith.select %eq3A_161, %sub3A_163, %select_n3A_159 : i32
          %add3A_165 = arith.addi %select_n3A_164, %select_n3A_14 : i32
          %add3A_166 = arith.constant 1 : i32
          %add3A_167 = arith.addi %while3A_147, %add3A_166 : i32
          %select_n3A_168 = arith.constant true
          %select_n3A_169 = arith.select %select_n3A_168, %add3A_167, %while3A_147 : i32
          %eq3A_170 = arith.cmpi eq, %select_n3A_169, %select_n3A : i32
          %select_n3A_171 = arith.constant 0 : i32
          %select_n3A_172 = arith.select %eq3A_170, %select_n3A_171, %select_n3A_169 : i32
          %add3A_173 = arith.addi %select_n3A_172, %select_n3A_14 : i32
          %add3A_174 = arith.constant 1 : i32
          %add3A_175 = arith.addi %select_n3A_172, %add3A_174 : i32
          %select_n3A_176 = arith.constant true
          %select_n3A_177 = arith.select %select_n3A_176, %add3A_175, %select_n3A_172 : i32
          %eq3A_178 = arith.cmpi eq, %select_n3A_177, %select_n3A : i32
          %select_n3A_179 = arith.constant 0 : i32
          %select_n3A_180 = arith.select %eq3A_178, %select_n3A_179, %select_n3A_177 : i32
          %add3A_181 = arith.addi %select_n3A_180, %select_n3A_14 : i32
          %ne3A = arith.cmpi ne, %add3A_155, %add3A_173 : i32
          %or3A = arith.constant false
          %or3A_182 = arith.ori %or3A, %ne3A : i1
          %sub3A_183 = arith.constant 2 : i32
          %sub3A_184 = arith.subi %mul3A_149, %sub3A_183 : i32
          %add3A_185 = arith.constant 1 : i32
          %add3A_186 = arith.addi %sub3A_184, %add3A_185 : i32
          %ge3A = arith.cmpi sge, %while3A_142, %add3A_186 : i32
          %not3A = arith.constant true
          %not3A_187 = arith.xori %ge3A, %not3A : i1
          %and3A = arith.andi %or3A_182, %not3A_187 : i1
          %convert_element_type3A_188 = arith.extui %and3A : i1 to i32
          %cond3A_189 = arith.constant 0 : i32
          %cond3A_190 = arith.cmpi ne, %convert_element_type3A_188, %cond3A_189 : i32
          scf.if %cond3A_190 {
            "tpu.trace_start"() <{level = 10 : i32, message = "ep_copy_in"}> : () -> ()
            %rem3A_294 = arith.constant 2 : i32
            %rem3A_295 = arith.remui %while3A_143, %rem3A_294 : i32
            %mul3A_296 = arith.constant 256 : i32
            %mul3A_297 = arith.muli %mul3A_296, %add3A_173 : i32
            %dma_start3A_298 = arith.constant 0 : i32
            %dma_start3A_299 = arith.constant 0 : i32
            %dma_start3A_300 = tpu.memref_slice %run_scoped3A[%rem3A_295, %dma_start3A_298, %dma_start3A_299] : memref<2x1x256xi32, #tpu.memory_space<vmem>> -> memref<1x1x256xi32, #tpu.memory_space<vmem>>
            %dma_start3A_301 = tpu.memref_squeeze %dma_start3A_300 : memref<1x1x256xi32, #tpu.memory_space<vmem>> -> memref<1x256xi32, #tpu.memory_space<vmem>>
            %dma_start3A_302 = arith.constant 0 : i32
            %dma_start3A_303 = tpu.memref_slice %arg3[%dma_start3A_302, %mul3A_297] : memref<1x69632xi32, #tpu.memory_space<hbm>> -> memref<1x256xi32, #tpu.memory_space<hbm>>
            %dma_start3A_304 = tpu.memref_slice %run_scoped3A_17[%rem3A_295] : memref<2x!tpu.dma_semaphore, #tpu.memory_space<semaphore_mem>> -> memref<1x!tpu.dma_semaphore, #tpu.memory_space<semaphore_mem>>
            %dma_start3A_305 = tpu.memref_squeeze %dma_start3A_304 : memref<1x!tpu.dma_semaphore, #tpu.memory_space<semaphore_mem>> -> memref<!tpu.dma_semaphore, #tpu.memory_space<semaphore_mem>>
            %dma_start3A_306 = arith.constant 0 : i32
            %dma_start3A_307 = arith.constant 0 : i32
            %dma_start3A_308 = tpu.memref_slice %run_scoped3A[%rem3A_295, %dma_start3A_306, %dma_start3A_307] : memref<2x1x256xi32, #tpu.memory_space<vmem>> -> memref<1x1x256xi32, #tpu.memory_space<vmem>>
            %dma_start3A_309 = tpu.memref_squeeze %dma_start3A_308 : memref<1x1x256xi32, #tpu.memory_space<vmem>> -> memref<1x256xi32, #tpu.memory_space<vmem>>
            %dma_start3A_310 = arith.constant 0 : i32
            %dma_start3A_311 = tpu.memref_slice %arg3[%dma_start3A_310, %mul3A_297] : memref<1x69632xi32, #tpu.memory_space<hbm>> -> memref<1x256xi32, #tpu.memory_space<hbm>>
            tpu.enqueue_dma source(%dma_start3A_311 : memref<1x256xi32, #tpu.memory_space<hbm>>) target(%dma_start3A_309 : memref<1x256xi32, #tpu.memory_space<vmem>>) target_semaphore(%dma_start3A_305 : memref<!tpu.dma_semaphore, #tpu.memory_space<semaphore_mem>>)
            "tpu.trace_stop"() : () -> ()
          } else {
          }
          %and3A_191 = arith.constant true
          %and3A_192 = arith.andi %and3A, %and3A_191 : i1
          %add3A_193 = arith.constant 1 : i32
          %add3A_194 = arith.addi %while3A_143, %add3A_193 : i32
          %select_n3A_195 = arith.select %and3A_192, %add3A_194, %while3A_143 : i32
          %ne3A_196 = arith.cmpi ne, %add3A_155, %add3A_173 : i32
          %or3A_197 = arith.constant false
          %or3A_198 = arith.ori %or3A_197, %ne3A_196 : i1
          %or3A_199 = arith.constant false
          %or3A_200 = arith.ori %or3A_198, %or3A_199 : i1
          %sub3A_201 = arith.constant 2 : i32
          %sub3A_202 = arith.subi %mul3A_149, %sub3A_201 : i32
          %add3A_203 = arith.constant 1 : i32
          %add3A_204 = arith.addi %sub3A_202, %add3A_203 : i32
          %ge3A_205 = arith.cmpi sge, %while3A_142, %add3A_204 : i32
          %not3A_206 = arith.constant true
          %not3A_207 = arith.xori %ge3A_205, %not3A_206 : i1
          %and3A_208 = arith.andi %or3A_200, %not3A_207 : i1
          %ne3A_209 = arith.cmpi ne, %add3A_155, %add3A_165 : i32
          %or3A_210 = arith.constant false
          %or3A_211 = arith.ori %or3A_210, %ne3A_209 : i1
          %or3A_212 = arith.ori %or3A_211, %eq3A_151 : i1
          %convert_element_type3A_213 = arith.extui %or3A_212 : i1 to i32
          %cond3A_214 = arith.constant 0 : i32
          %cond3A_215 = arith.cmpi ne, %convert_element_type3A_213, %cond3A_214 : i32
          scf.if %cond3A_215 {
            "tpu.trace_start"() <{level = 10 : i32, message = "ep_wait_in"}> : () -> ()
            %mul3A_294 = arith.constant 256 : i32
            %mul3A_295 = arith.muli %mul3A_294, %add3A_155 : i32
            %rem3A_296 = arith.constant 2 : i32
            %rem3A_297 = arith.remui %while3A_144, %rem3A_296 : i32
            %dma_wait3A = arith.constant 0 : i32
            %dma_wait3A_298 = arith.constant 0 : i32
            %dma_wait3A_299 = tpu.memref_slice %run_scoped3A[%rem3A_297, %dma_wait3A, %dma_wait3A_298] : memref<2x1x256xi32, #tpu.memory_space<vmem>> -> memref<1x1x256xi32, #tpu.memory_space<vmem>>
            %dma_wait3A_300 = tpu.memref_squeeze %dma_wait3A_299 : memref<1x1x256xi32, #tpu.memory_space<vmem>> -> memref<1x256xi32, #tpu.memory_space<vmem>>
            %dma_wait3A_301 = arith.constant 0 : i32
            %dma_wait3A_302 = tpu.memref_slice %arg3[%dma_wait3A_301, %mul3A_295] : memref<1x69632xi32, #tpu.memory_space<hbm>> -> memref<1x256xi32, #tpu.memory_space<hbm>>
            %dma_wait3A_303 = tpu.memref_slice %run_scoped3A_17[%rem3A_297] : memref<2x!tpu.dma_semaphore, #tpu.memory_space<semaphore_mem>> -> memref<1x!tpu.dma_semaphore, #tpu.memory_space<semaphore_mem>>
            %dma_wait3A_304 = tpu.memref_squeeze %dma_wait3A_303 : memref<1x!tpu.dma_semaphore, #tpu.memory_space<semaphore_mem>> -> memref<!tpu.dma_semaphore, #tpu.memory_space<semaphore_mem>>
            %dma_wait3A_305 = arith.constant 0 : i32
            %dma_wait3A_306 = arith.constant 0 : i32
            %dma_wait3A_307 = tpu.memref_slice %run_scoped3A[%rem3A_297, %dma_wait3A_305, %dma_wait3A_306] : memref<2x1x256xi32, #tpu.memory_space<vmem>> -> memref<1x1x256xi32, #tpu.memory_space<vmem>>
            %dma_wait3A_308 = tpu.memref_squeeze %dma_wait3A_307 : memref<1x1x256xi32, #tpu.memory_space<vmem>> -> memref<1x256xi32, #tpu.memory_space<vmem>>
            %dma_wait3A_309 = arith.constant 0 : i32
            %dma_wait3A_310 = tpu.memref_slice %arg3[%dma_wait3A_309, %mul3A_295] : memref<1x69632xi32, #tpu.memory_space<hbm>> -> memref<1x256xi32, #tpu.memory_space<hbm>>
            tpu.wait_dma2 semaphore(%dma_wait3A_304 : memref<!tpu.dma_semaphore, #tpu.memory_space<semaphore_mem>>) src(%dma_wait3A_310 : memref<1x256xi32, #tpu.memory_space<hbm>>) dst(%dma_wait3A_308 : memref<1x256xi32, #tpu.memory_space<vmem>>)
            "tpu.trace_stop"() : () -> ()
          } else {
          }
          %ne3A_216 = arith.cmpi ne, %add3A_155, %add3A_165 : i32
          %or3A_217 = arith.constant false
          %or3A_218 = arith.ori %or3A_217, %ne3A_216 : i1
          %or3A_219 = arith.constant false
          %or3A_220 = arith.ori %or3A_218, %or3A_219 : i1
          %or3A_221 = arith.ori %or3A_220, %eq3A_151 : i1
          %convert_element_type3A_222 = arith.extui %or3A_221 : i1 to i32
          %cond3A_223 = arith.constant 0 : i32
          %cond3A_224 = arith.cmpi ne, %convert_element_type3A_222, %cond3A_223 : i32
          scf.if %cond3A_224 {
          } else {
          }
          %rem3A_225 = arith.constant 2 : i32
          %rem3A_226 = arith.remui %while3A_144, %rem3A_225 : i32
          %rem3A_227 = arith.constant 2 : i32
          %rem3A_228 = arith.remui %while3A_145, %rem3A_227 : i32
          %run_scoped3A_229 = arith.constant 0 : i32
          "tpu.trace_start"() <{level = 10 : i32, message = "ep_run_kernel"}> : () -> ()
          "tpu.region"() ({
            %run_scoped3A_294 = tpu.sem_alloc : memref<!tpu.dma_semaphore, #tpu.memory_space<semaphore_mem>>
            %dma_start3A_295 = arith.constant 0 : i32
            %dma_start3A_296 = arith.constant 0 : i32
            %dma_start3A_297 = tpu.memref_slice %run_scoped3A_18[%rem3A_228, %dma_start3A_295, %dma_start3A_296] : memref<2x256x128xf32, #tpu.memory_space<vmem>> -> memref<1x256x128xf32, #tpu.memory_space<vmem>>
            %dma_start3A_298 = tpu.memref_squeeze %dma_start3A_297 : memref<1x256x128xf32, #tpu.memory_space<vmem>> -> memref<256x128xf32, #tpu.memory_space<vmem>>
            %dma_start3A_299 = arith.constant 0 : i32
            %dma_start3A_300 = arith.constant 0 : i32
            %dma_start3A_301 = tpu.memref_slice %run_scoped3A[%rem3A_226, %dma_start3A_299, %dma_start3A_300] : memref<2x1x256xi32, #tpu.memory_space<vmem>> -> memref<1x1x256xi32, #tpu.memory_space<vmem>>
            %dma_start3A_302 = tpu.memref_squeeze %dma_start3A_301 : memref<1x1x256xi32, #tpu.memory_space<vmem>> -> memref<1x256xi32, #tpu.memory_space<vmem>>
            %dma_start3A_303 = arith.constant 0 : i32
            %dma_start3A_304 = tpu.memref_slice %dma_start3A_302[%run_scoped3A_229, %dma_start3A_303] : memref<1x256xi32, #tpu.memory_space<vmem>> -> memref<1x256xi32, #tpu.memory_space<vmem>>
            %dma_start3A_305 = tpu.memref_squeeze %dma_start3A_304 : memref<1x256xi32, #tpu.memory_space<vmem>> -> memref<256xi32, #tpu.memory_space<vmem>>
            %dma_start3A_306 = arith.constant 0 : i32
            %dma_start3A_307 = arith.constant 0 : i32
            %dma_start3A_308 = tpu.memref_slice %arg2[%dma_start3A_306, %dma_start3A_307] : memref<4096x128xf32, #tpu.memory_space<hbm>> -> memref<4096x128xf32, #tpu.memory_space<hbm>>
            tpu.enqueue_indirect_dma source(%dma_start3A_308 : memref<4096x128xf32, #tpu.memory_space<hbm>>) target(%dma_start3A_298 : memref<256x128xf32, #tpu.memory_space<vmem>>) offsets(%dma_start3A_305 : memref<256xi32, #tpu.memory_space<vmem>>) semaphore(%run_scoped3A_294 : memref<!tpu.dma_semaphore, #tpu.memory_space<semaphore_mem>>)
            %dma_wait3A = arith.constant 0 : i32
            %dma_wait3A_309 = arith.constant 0 : i32
            %dma_wait3A_310 = tpu.memref_slice %run_scoped3A_18[%rem3A_228, %dma_wait3A, %dma_wait3A_309] : memref<2x256x128xf32, #tpu.memory_space<vmem>> -> memref<1x256x128xf32, #tpu.memory_space<vmem>>
            %dma_wait3A_311 = tpu.memref_squeeze %dma_wait3A_310 : memref<1x256x128xf32, #tpu.memory_space<vmem>> -> memref<256x128xf32, #tpu.memory_space<vmem>>
            %dma_wait3A_312 = arith.constant 0 : i32
            %dma_wait3A_313 = arith.constant 0 : i32
            %dma_wait3A_314 = tpu.memref_slice %run_scoped3A[%rem3A_226, %dma_wait3A_312, %dma_wait3A_313] : memref<2x1x256xi32, #tpu.memory_space<vmem>> -> memref<1x1x256xi32, #tpu.memory_space<vmem>>
            %dma_wait3A_315 = tpu.memref_squeeze %dma_wait3A_314 : memref<1x1x256xi32, #tpu.memory_space<vmem>> -> memref<1x256xi32, #tpu.memory_space<vmem>>
            %dma_wait3A_316 = arith.constant 0 : i32
            %dma_wait3A_317 = tpu.memref_slice %dma_wait3A_315[%run_scoped3A_229, %dma_wait3A_316] : memref<1x256xi32, #tpu.memory_space<vmem>> -> memref<1x256xi32, #tpu.memory_space<vmem>>
            %dma_wait3A_318 = tpu.memref_squeeze %dma_wait3A_317 : memref<1x256xi32, #tpu.memory_space<vmem>> -> memref<256xi32, #tpu.memory_space<vmem>>
            %dma_wait3A_319 = arith.constant 0 : i32
            %dma_wait3A_320 = arith.constant 0 : i32
            %dma_wait3A_321 = tpu.memref_slice %arg2[%dma_wait3A_319, %dma_wait3A_320] : memref<4096x128xf32, #tpu.memory_space<hbm>> -> memref<4096x128xf32, #tpu.memory_space<hbm>>
            tpu.wait_indirect_dma semaphore(%run_scoped3A_294 : memref<!tpu.dma_semaphore, #tpu.memory_space<semaphore_mem>>) src(%dma_wait3A_321 : memref<4096x128xf32, #tpu.memory_space<hbm>>) dst(%dma_wait3A_311 : memref<256x128xf32, #tpu.memory_space<vmem>>)
            tpu.yield
          }) : () -> ()
          "tpu.trace_stop"() : () -> ()
          %ne3A_230 = arith.cmpi ne, %add3A_155, %add3A_173 : i32
          %or3A_231 = arith.constant false
          %or3A_232 = arith.ori %or3A_231, %ne3A_230 : i1
          %or3A_233 = arith.ori %or3A_232, %eq3A_154 : i1
          %convert_element_type3A_234 = arith.extui %or3A_233 : i1 to i32
          %cond3A_235 = arith.constant 0 : i32
          %cond3A_236 = arith.cmpi ne, %convert_element_type3A_234, %cond3A_235 : i32
          scf.if %cond3A_236 {
          } else {
          }
          %and3A_237 = arith.constant false
          %and3A_238 = arith.andi %or3A_233, %and3A_237 : i1
          %ne3A_239 = arith.cmpi ne, %add3A_155, %add3A_173 : i32
          %or3A_240 = arith.constant false
          %or3A_241 = arith.ori %or3A_240, %ne3A_239 : i1
          %or3A_242 = arith.constant false
          %or3A_243 = arith.ori %or3A_241, %or3A_242 : i1
          %or3A_244 = arith.ori %or3A_243, %eq3A_154 : i1
          %convert_element_type3A_245 = arith.extui %or3A_244 : i1 to i32
          %cond3A_246 = arith.constant 0 : i32
          %cond3A_247 = arith.cmpi ne, %convert_element_type3A_245, %cond3A_246 : i32
          scf.if %cond3A_247 {
            "tpu.trace_start"() <{level = 10 : i32, message = "ep_copy_out"}> : () -> ()
            %rem3A_294 = arith.constant 2 : i32
            %rem3A_295 = arith.remui %while3A_145, %rem3A_294 : i32
            %mul3A_296 = arith.constant 256 : i32
            %mul3A_297 = arith.muli %mul3A_296, %add3A_155 : i32
            %dma_start3A_298 = arith.constant 0 : i32
            %dma_start3A_299 = arith.constant 0 : i32
            %dma_start3A_300 = tpu.memref_slice %run_scoped3A_18[%rem3A_295, %dma_start3A_298, %dma_start3A_299] : memref<2x256x128xf32, #tpu.memory_space<vmem>> -> memref<1x256x128xf32, #tpu.memory_space<vmem>>
            %dma_start3A_301 = tpu.memref_squeeze %dma_start3A_300 : memref<1x256x128xf32, #tpu.memory_space<vmem>> -> memref<256x128xf32, #tpu.memory_space<vmem>>
            %dma_start3A_302 = arith.constant 0 : i32
            %dma_start3A_303 = tpu.memref_slice %arg4[%mul3A_297, %dma_start3A_302] : memref<69632x128xf32, #tpu.memory_space<hbm>> -> memref<256x128xf32, #tpu.memory_space<hbm>>
            %dma_start3A_304 = tpu.memref_slice %run_scoped3A_19[%rem3A_295] : memref<2x!tpu.dma_semaphore, #tpu.memory_space<semaphore_mem>> -> memref<1x!tpu.dma_semaphore, #tpu.memory_space<semaphore_mem>>
            %dma_start3A_305 = tpu.memref_squeeze %dma_start3A_304 : memref<1x!tpu.dma_semaphore, #tpu.memory_space<semaphore_mem>> -> memref<!tpu.dma_semaphore, #tpu.memory_space<semaphore_mem>>
            %dma_start3A_306 = arith.constant 0 : i32
            %dma_start3A_307 = tpu.memref_slice %arg4[%mul3A_297, %dma_start3A_306] : memref<69632x128xf32, #tpu.memory_space<hbm>> -> memref<256x128xf32, #tpu.memory_space<hbm>>
            %dma_start3A_308 = arith.constant 0 : i32
            %dma_start3A_309 = arith.constant 0 : i32
            %dma_start3A_310 = tpu.memref_slice %run_scoped3A_18[%rem3A_295, %dma_start3A_308, %dma_start3A_309] : memref<2x256x128xf32, #tpu.memory_space<vmem>> -> memref<1x256x128xf32, #tpu.memory_space<vmem>>
            %dma_start3A_311 = tpu.memref_squeeze %dma_start3A_310 : memref<1x256x128xf32, #tpu.memory_space<vmem>> -> memref<256x128xf32, #tpu.memory_space<vmem>>
            tpu.enqueue_dma source(%dma_start3A_311 : memref<256x128xf32, #tpu.memory_space<vmem>>) target(%dma_start3A_307 : memref<256x128xf32, #tpu.memory_space<hbm>>) target_semaphore(%dma_start3A_305 : memref<!tpu.dma_semaphore, #tpu.memory_space<semaphore_mem>>)
            "tpu.trace_stop"() : () -> ()
          } else {
          }
          %and3A_248 = arith.constant true
          %and3A_249 = arith.andi %or3A_244, %and3A_248 : i1
          %add3A_250 = arith.constant 1 : i32
          %add3A_251 = arith.addi %while3A_145, %add3A_250 : i32
          %select_n3A_252 = arith.select %and3A_249, %add3A_251, %while3A_145 : i32
          %ne3A_253 = arith.cmpi ne, %add3A_155, %add3A_165 : i32
          %or3A_254 = arith.constant false
          %or3A_255 = arith.ori %or3A_254, %ne3A_253 : i1
          %not3A_256 = arith.constant true
          %not3A_257 = arith.xori %eq3A_151, %not3A_256 : i1
          %and3A_258 = arith.andi %or3A_255, %not3A_257 : i1
          %convert_element_type3A_259 = arith.extui %and3A_258 : i1 to i32
          %cond3A_260 = arith.constant 0 : i32
          %cond3A_261 = arith.cmpi ne, %convert_element_type3A_259, %cond3A_260 : i32
          scf.if %cond3A_261 {
          } else {
          }
          %and3A_262 = arith.constant false
          %and3A_263 = arith.andi %and3A_258, %and3A_262 : i1
          %ne3A_264 = arith.cmpi ne, %add3A_155, %add3A_165 : i32
          %or3A_265 = arith.constant false
          %or3A_266 = arith.ori %or3A_265, %ne3A_264 : i1
          %or3A_267 = arith.constant false
          %or3A_268 = arith.ori %or3A_266, %or3A_267 : i1
          %not3A_269 = arith.constant true
          %not3A_270 = arith.xori %eq3A_151, %not3A_269 : i1
          %and3A_271 = arith.andi %or3A_268, %not3A_270 : i1
          %convert_element_type3A_272 = arith.extui %and3A_271 : i1 to i32
          %cond3A_273 = arith.constant 0 : i32
          %cond3A_274 = arith.cmpi ne, %convert_element_type3A_272, %cond3A_273 : i32
          scf.if %cond3A_274 {
            "tpu.trace_start"() <{level = 10 : i32, message = "ep_wait_out"}> : () -> ()
            %rem3A_294 = arith.constant 2 : i32
            %rem3A_295 = arith.remui %while3A_146, %rem3A_294 : i32
            %mul3A_296 = arith.constant 256 : i32
            %mul3A_297 = arith.muli %mul3A_296, %add3A_165 : i32
            %dma_wait3A = arith.constant 0 : i32
            %dma_wait3A_298 = arith.constant 0 : i32
            %dma_wait3A_299 = tpu.memref_slice %run_scoped3A_18[%rem3A_295, %dma_wait3A, %dma_wait3A_298] : memref<2x256x128xf32, #tpu.memory_space<vmem>> -> memref<1x256x128xf32, #tpu.memory_space<vmem>>
            %dma_wait3A_300 = tpu.memref_squeeze %dma_wait3A_299 : memref<1x256x128xf32, #tpu.memory_space<vmem>> -> memref<256x128xf32, #tpu.memory_space<vmem>>
            %dma_wait3A_301 = arith.constant 0 : i32
            %dma_wait3A_302 = tpu.memref_slice %arg4[%mul3A_297, %dma_wait3A_301] : memref<69632x128xf32, #tpu.memory_space<hbm>> -> memref<256x128xf32, #tpu.memory_space<hbm>>
            %dma_wait3A_303 = tpu.memref_slice %run_scoped3A_19[%rem3A_295] : memref<2x!tpu.dma_semaphore, #tpu.memory_space<semaphore_mem>> -> memref<1x!tpu.dma_semaphore, #tpu.memory_space<semaphore_mem>>
            %dma_wait3A_304 = tpu.memref_squeeze %dma_wait3A_303 : memref<1x!tpu.dma_semaphore, #tpu.memory_space<semaphore_mem>> -> memref<!tpu.dma_semaphore, #tpu.memory_space<semaphore_mem>>
            %dma_wait3A_305 = arith.constant 0 : i32
            %dma_wait3A_306 = tpu.memref_slice %arg4[%mul3A_297, %dma_wait3A_305] : memref<69632x128xf32, #tpu.memory_space<hbm>> -> memref<256x128xf32, #tpu.memory_space<hbm>>
            %dma_wait3A_307 = arith.constant 0 : i32
            %dma_wait3A_308 = arith.constant 0 : i32
            %dma_wait3A_309 = tpu.memref_slice %run_scoped3A_18[%rem3A_295, %dma_wait3A_307, %dma_wait3A_308] : memref<2x256x128xf32, #tpu.memory_space<vmem>> -> memref<1x256x128xf32, #tpu.memory_space<vmem>>
            %dma_wait3A_310 = tpu.memref_squeeze %dma_wait3A_309 : memref<1x256x128xf32, #tpu.memory_space<vmem>> -> memref<256x128xf32, #tpu.memory_space<vmem>>
            tpu.wait_dma2 semaphore(%dma_wait3A_304 : memref<!tpu.dma_semaphore, #tpu.memory_space<semaphore_mem>>) src(%dma_wait3A_310 : memref<256x128xf32, #tpu.memory_space<vmem>>) dst(%dma_wait3A_306 : memref<256x128xf32, #tpu.memory_space<hbm>>)
            "tpu.trace_stop"() : () -> ()
          } else {
          }
          %and3A_275 = arith.constant true
          %and3A_276 = arith.andi %and3A_271, %and3A_275 : i1
          %add3A_277 = arith.constant 1 : i32
          %add3A_278 = arith.addi %while3A_146, %add3A_277 : i32
          %select_n3A_279 = arith.select %and3A_276, %add3A_278, %while3A_146 : i32
          %ne3A_280 = arith.cmpi ne, %add3A_155, %add3A_173 : i32
          %or3A_281 = arith.constant false
          %or3A_282 = arith.ori %or3A_281, %ne3A_280 : i1
          %or3A_283 = arith.ori %or3A_282, %eq3A_154 : i1
          %add3A_284 = arith.constant 1 : i32
          %add3A_285 = arith.addi %while3A_144, %add3A_284 : i32
          %select_n3A_286 = arith.select %or3A_283, %add3A_285, %while3A_144 : i32
          %add3A_287 = arith.constant 1 : i32
          %add3A_288 = arith.addi %while3A_147, %add3A_287 : i32
          %select_n3A_289 = arith.constant true
          %select_n3A_290 = arith.select %select_n3A_289, %add3A_288, %while3A_147 : i32
          %eq3A_291 = arith.cmpi eq, %select_n3A_290, %select_n3A : i32
          %select_n3A_292 = arith.constant 0 : i32
          %select_n3A_293 = arith.select %eq3A_291, %select_n3A_292, %select_n3A_290 : i32
          scf.yield %select_n3A_195, %select_n3A_286, %select_n3A_252, %select_n3A_279, %select_n3A_293 : i32, i32, i32, i32, i32
        }
        %sub3A_91 = arith.constant 1 : i32
        %sub3A_92 = arith.subi %while3A_90#4, %sub3A_91 : i32
        %select_n3A_93 = arith.constant true
        %select_n3A_94 = arith.select %select_n3A_93, %sub3A_92, %while3A_90#4 : i32
        %eq3A_95 = arith.constant -1 : i32
        %eq3A_96 = arith.cmpi eq, %select_n3A_94, %eq3A_95 : i32
        %sub3A_97 = arith.constant 1 : i32
        %sub3A_98 = arith.subi %select_n3A, %sub3A_97 : i32
        %select_n3A_99 = arith.select %eq3A_96, %sub3A_98, %select_n3A_94 : i32
        %sub3A_100 = arith.constant 1 : i32
        %sub3A_101 = arith.subi %mul3A_16, %sub3A_100 : i32
        %mul3A_102 = arith.constant 1 : i32
        %mul3A_103 = arith.muli %mul3A_102, %select_n3A : i32
        %eq3A_104 = arith.constant 0 : i32
        %eq3A_105 = arith.cmpi eq, %sub3A_101, %eq3A_104 : i32
        %sub3A_106 = arith.constant 1 : i32
        %sub3A_107 = arith.subi %mul3A_103, %sub3A_106 : i32
        %eq3A_108 = arith.cmpi eq, %sub3A_101, %sub3A_107 : i32
        %add3A_109 = arith.addi %select_n3A_99, %select_n3A_14 : i32
        %sub3A_110 = arith.constant 1 : i32
        %sub3A_111 = arith.subi %select_n3A_99, %sub3A_110 : i32
        %select_n3A_112 = arith.constant true
        %select_n3A_113 = arith.select %select_n3A_112, %sub3A_111, %select_n3A_99 : i32
        %eq3A_114 = arith.constant -1 : i32
        %eq3A_115 = arith.cmpi eq, %select_n3A_113, %eq3A_114 : i32
        %sub3A_116 = arith.constant 1 : i32
        %sub3A_117 = arith.subi %select_n3A, %sub3A_116 : i32
        %select_n3A_118 = arith.select %eq3A_115, %sub3A_117, %select_n3A_113 : i32
        %add3A_119 = arith.addi %select_n3A_118, %select_n3A_14 : i32
        %add3A_120 = arith.constant 1 : i32
        %add3A_121 = arith.addi %select_n3A_99, %add3A_120 : i32
        %select_n3A_122 = arith.constant true
        %select_n3A_123 = arith.select %select_n3A_122, %add3A_121, %select_n3A_99 : i32
        %eq3A_124 = arith.cmpi eq, %select_n3A_123, %select_n3A : i32
        %select_n3A_125 = arith.constant 0 : i32
        %select_n3A_126 = arith.select %eq3A_124, %select_n3A_125, %select_n3A_123 : i32
        %add3A_127 = arith.addi %select_n3A_126, %select_n3A_14 : i32
        %add3A_128 = arith.constant 1 : i32
        %add3A_129 = arith.addi %select_n3A_126, %add3A_128 : i32
        %select_n3A_130 = arith.constant true
        %select_n3A_131 = arith.select %select_n3A_130, %add3A_129, %select_n3A_126 : i32
        %eq3A_132 = arith.cmpi eq, %select_n3A_131, %select_n3A : i32
        %select_n3A_133 = arith.constant 0 : i32
        %select_n3A_134 = arith.select %eq3A_132, %select_n3A_133, %select_n3A_131 : i32
        %add3A_135 = arith.addi %select_n3A_134, %select_n3A_14 : i32
        %convert_element_type3A_136 = arith.extui %eq3A_108 : i1 to i32
        %cond3A_137 = arith.constant 0 : i32
        %cond3A_138 = arith.cmpi ne, %convert_element_type3A_136, %cond3A_137 : i32
        scf.if %cond3A_138 {
        } else {
        }
        %convert_element_type3A_139 = arith.extui %eq3A_108 : i1 to i32
        %cond3A_140 = arith.constant 0 : i32
        %cond3A_141 = arith.cmpi ne, %convert_element_type3A_139, %cond3A_140 : i32
        scf.if %cond3A_141 {
          "tpu.trace_start"() <{level = 10 : i32, message = "ep_finalize"}> : () -> ()
          %rem3A_142 = arith.constant 2 : i32
          %rem3A_143 = arith.remui %while3A_90#3, %rem3A_142 : i32
          %mul3A_144 = arith.constant 256 : i32
          %mul3A_145 = arith.muli %mul3A_144, %add3A_109 : i32
          %dma_wait3A = arith.constant 0 : i32
          %dma_wait3A_146 = arith.constant 0 : i32
          %dma_wait3A_147 = tpu.memref_slice %run_scoped3A_18[%rem3A_143, %dma_wait3A, %dma_wait3A_146] : memref<2x256x128xf32, #tpu.memory_space<vmem>> -> memref<1x256x128xf32, #tpu.memory_space<vmem>>
          %dma_wait3A_148 = tpu.memref_squeeze %dma_wait3A_147 : memref<1x256x128xf32, #tpu.memory_space<vmem>> -> memref<256x128xf32, #tpu.memory_space<vmem>>
          %dma_wait3A_149 = arith.constant 0 : i32
          %dma_wait3A_150 = tpu.memref_slice %arg4[%mul3A_145, %dma_wait3A_149] : memref<69632x128xf32, #tpu.memory_space<hbm>> -> memref<256x128xf32, #tpu.memory_space<hbm>>
          %dma_wait3A_151 = tpu.memref_slice %run_scoped3A_19[%rem3A_143] : memref<2x!tpu.dma_semaphore, #tpu.memory_space<semaphore_mem>> -> memref<1x!tpu.dma_semaphore, #tpu.memory_space<semaphore_mem>>
          %dma_wait3A_152 = tpu.memref_squeeze %dma_wait3A_151 : memref<1x!tpu.dma_semaphore, #tpu.memory_space<semaphore_mem>> -> memref<!tpu.dma_semaphore, #tpu.memory_space<semaphore_mem>>
          %dma_wait3A_153 = arith.constant 0 : i32
          %dma_wait3A_154 = tpu.memref_slice %arg4[%mul3A_145, %dma_wait3A_153] : memref<69632x128xf32, #tpu.memory_space<hbm>> -> memref<256x128xf32, #tpu.memory_space<hbm>>
          %dma_wait3A_155 = arith.constant 0 : i32
          %dma_wait3A_156 = arith.constant 0 : i32
          %dma_wait3A_157 = tpu.memref_slice %run_scoped3A_18[%rem3A_143, %dma_wait3A_155, %dma_wait3A_156] : memref<2x256x128xf32, #tpu.memory_space<vmem>> -> memref<1x256x128xf32, #tpu.memory_space<vmem>>
          %dma_wait3A_158 = tpu.memref_squeeze %dma_wait3A_157 : memref<1x256x128xf32, #tpu.memory_space<vmem>> -> memref<256x128xf32, #tpu.memory_space<vmem>>
          tpu.wait_dma2 semaphore(%dma_wait3A_152 : memref<!tpu.dma_semaphore, #tpu.memory_space<semaphore_mem>>) src(%dma_wait3A_158 : memref<256x128xf32, #tpu.memory_space<vmem>>) dst(%dma_wait3A_154 : memref<256x128xf32, #tpu.memory_space<hbm>>)
          "tpu.trace_stop"() : () -> ()
        } else {
        }
      } else {
      }
      tpu.yield
    }) : () -> ()
    return
  }
}

#map = affine_map<(d0, d1) -> (0, 0)>
module attributes {stable_mosaic.version = 14 : i64} {
  func.func @k(%arg0: i32, %arg1: i32, %arg2: memref<4096x128xf32, #tpu.memory_space<hbm>>, %arg3: memref<1x69632xi32, #tpu.memory_space<hbm>>, %arg4: memref<69632x128xf32, #tpu.memory_space<hbm>>) attributes {dimension_semantics = [#tpu.dimension_semantics<core_parallel>, #tpu.dimension_semantics<subcore_parallel>], iteration_bounds = array<i64: 2, 16>, scalar_prefetch = 0 : i64, scratch_operands = 0 : i64, tpu.core_type = #tpu.core_type<sc_vector_subcore>, window_params = [{transform_indices = #map}, {transform_indices = #map}, {transform_indices = #map}]} {
    %mul3A = arith.constant 1 : i32
    %mul3A_0 = arith.muli %arg1, %mul3A : i32
    %add3A = arith.constant 0 : i32
    %add3A_1 = arith.addi %add3A, %mul3A_0 : i32
    %mul3A_2 = arith.constant 16 : i32
    %mul3A_3 = arith.muli %arg0, %mul3A_2 : i32
    %add3A_4 = arith.addi %add3A_1, %mul3A_3 : i32
    %lt3A = arith.constant 16 : i32
    %lt3A_5 = arith.cmpi slt, %add3A_4, %lt3A : i32
    %jit3A = arith.constant 9 : i32
    %jit3A_6 = arith.constant 8 : i32
    %select_n3A = arith.select %lt3A_5, %jit3A, %jit3A_6 : i32
    %lt3A_7 = arith.constant 16 : i32
    %lt3A_8 = arith.cmpi slt, %add3A_4, %lt3A_7 : i32
    %mul3A_9 = arith.muli %add3A_4, %select_n3A : i32
    %mul3A_10 = arith.constant 8 : i32
    %mul3A_11 = arith.muli %add3A_4, %mul3A_10 : i32
    %add3A_12 = arith.constant 16 : i32
    %add3A_13 = arith.addi %mul3A_11, %add3A_12 : i32
    %select_n3A_14 = arith.select %lt3A_8, %mul3A_9, %add3A_13 : i32
    %mul3A_15 = arith.constant 1 : i32
    %mul3A_16 = arith.muli %mul3A_15, %select_n3A : i32
    "tpu.region"() ({
      %run_scoped3A = memref.alloca() : memref<2x1x256xi32, #tpu.memory_space<vmem>>
      %run_scoped3A_17 = tpu.sem_alloc : memref<2x!tpu.dma_semaphore, #tpu.memory_space<semaphore_mem>>
      %run_scoped3A_18 = memref.alloca() : memref<2x256x128xf32, #tpu.memory_space<vmem>>
      %run_scoped3A_19 = tpu.sem_alloc : memref<2x!tpu.dma_semaphore, #tpu.memory_space<semaphore_mem>>
      %gt3A = arith.constant 0 : i32
      %gt3A_20 = arith.cmpi sgt, %mul3A_16, %gt3A : i32
      %convert_element_type3A = arith.extui %gt3A_20 : i1 to i32
      %cond3A = arith.constant 0 : i32
      %cond3A_21 = arith.cmpi ne, %convert_element_type3A, %cond3A : i32
      scf.if %cond3A_21 {
        %mul3A_22 = arith.constant 1 : i32
        %mul3A_23 = arith.muli %mul3A_22, %select_n3A : i32
        %sub3A = arith.constant 1 : i32
        %sub3A_24 = arith.subi %mul3A_23, %sub3A : i32
        %eq3A = arith.constant 0 : i32
        %eq3A_25 = arith.cmpi eq, %sub3A_24, %eq3A : i32
        %add3A_26 = arith.constant 0 : i32
        %add3A_27 = arith.addi %add3A_26, %select_n3A_14 : i32
        %select_n3A_28 = arith.constant true
        %select_n3A_29 = arith.constant 0 : i32
        %select_n3A_30 = arith.constant -1 : i32
        %select_n3A_31 = arith.select %select_n3A_28, %select_n3A_30, %select_n3A_29 : i32
        %eq3A_32 = arith.constant -1 : i32
        %eq3A_33 = arith.cmpi eq, %select_n3A_31, %eq3A_32 : i32
        %sub3A_34 = arith.constant 1 : i32
        %sub3A_35 = arith.subi %select_n3A, %sub3A_34 : i32
        %select_n3A_36 = arith.select %eq3A_33, %sub3A_35, %select_n3A_31 : i32
        %add3A_37 = arith.addi %select_n3A_36, %select_n3A_14 : i32
        %select_n3A_38 = arith.constant true
        %select_n3A_39 = arith.constant 0 : i32
        %select_n3A_40 = arith.constant 1 : i32
        %select_n3A_41 = arith.select %select_n3A_38, %select_n3A_40, %select_n3A_39 : i32
        %eq3A_42 = arith.cmpi eq, %select_n3A_41, %select_n3A : i32
        %select_n3A_43 = arith.constant 0 : i32
        %select_n3A_44 = arith.select %eq3A_42, %select_n3A_43, %select_n3A_41 : i32
        %add3A_45 = arith.addi %select_n3A_44, %select_n3A_14 : i32
        %add3A_46 = arith.constant 1 : i32
        %add3A_47 = arith.addi %select_n3A_44, %add3A_46 : i32
        %select_n3A_48 = arith.constant true
        %select_n3A_49 = arith.select %select_n3A_48, %add3A_47, %select_n3A_44 : i32
        %eq3A_50 = arith.cmpi eq, %select_n3A_49, %select_n3A : i32
        %select_n3A_51 = arith.constant 0 : i32
        %select_n3A_52 = arith.select %eq3A_50, %select_n3A_51, %select_n3A_49 : i32
        %add3A_53 = arith.addi %select_n3A_52, %select_n3A_14 : i32
        "tpu.trace_start"() <{level = 10 : i32, message = "ep_initialize_0"}> : () -> ()
        %rem3A = arith.constant 0 : i32
        %rem3A_54 = arith.constant 2 : i32
        %rem3A_55 = arith.remui %rem3A, %rem3A_54 : i32
        %mul3A_56 = arith.constant 256 : i32
        %mul3A_57 = arith.muli %mul3A_56, %add3A_27 : i32
        %dma_start3A = arith.constant 0 : i32
        %dma_start3A_58 = arith.constant 0 : i32
        %dma_start3A_59 = tpu.memref_slice %run_scoped3A[%rem3A_55, %dma_start3A, %dma_start3A_58] : memref<2x1x256xi32, #tpu.memory_space<vmem>> -> memref<1x1x256xi32, #tpu.memory_space<vmem>>
        %dma_start3A_60 = tpu.memref_squeeze %dma_start3A_59 : memref<1x1x256xi32, #tpu.memory_space<vmem>> -> memref<1x256xi32, #tpu.memory_space<vmem>>
        %dma_start3A_61 = arith.constant 0 : i32
        %dma_start3A_62 = tpu.memref_slice %arg3[%dma_start3A_61, %mul3A_57] : memref<1x69632xi32, #tpu.memory_space<hbm>> -> memref<1x256xi32, #tpu.memory_space<hbm>>
        %dma_start3A_63 = tpu.memref_slice %run_scoped3A_17[%rem3A_55] : memref<2x!tpu.dma_semaphore, #tpu.memory_space<semaphore_mem>> -> memref<1x!tpu.dma_semaphore, #tpu.memory_space<semaphore_mem>>
        %dma_start3A_64 = tpu.memref_squeeze %dma_start3A_63 : memref<1x!tpu.dma_semaphore, #tpu.memory_space<semaphore_mem>> -> memref<!tpu.dma_semaphore, #tpu.memory_space<semaphore_mem>>
        %dma_start3A_65 = arith.constant 0 : i32
        %dma_start3A_66 = arith.constant 0 : i32
        %dma_start3A_67 = tpu.memref_slice %run_scoped3A[%rem3A_55, %dma_start3A_65, %dma_start3A_66] : memref<2x1x256xi32, #tpu.memory_space<vmem>> -> memref<1x1x256xi32, #tpu.memory_space<vmem>>
        %dma_start3A_68 = tpu.memref_squeeze %dma_start3A_67 : memref<1x1x256xi32, #tpu.memory_space<vmem>> -> memref<1x256xi32, #tpu.memory_space<vmem>>
        %dma_start3A_69 = arith.constant 0 : i32
        %dma_start3A_70 = tpu.memref_slice %arg3[%dma_start3A_69, %mul3A_57] : memref<1x69632xi32, #tpu.memory_space<hbm>> -> memref<1x256xi32, #tpu.memory_space<hbm>>
        tpu.enqueue_dma source(%dma_start3A_70 : memref<1x256xi32, #tpu.memory_space<hbm>>) target(%dma_start3A_68 : memref<1x256xi32, #tpu.memory_space<vmem>>) target_semaphore(%dma_start3A_64 : memref<!tpu.dma_semaphore, #tpu.memory_space<semaphore_mem>>)
        %add3A_71 = arith.constant 0 : i32
        %add3A_72 = arith.constant 1 : i32
        %add3A_73 = arith.addi %add3A_71, %add3A_72 : i32
        %select_n3A_74 = arith.constant true
        %select_n3A_75 = arith.constant 0 : i32
        %select_n3A_76 = arith.select %select_n3A_74, %add3A_73, %select_n3A_75 : i32
        %while3A = arith.constant 0 : i32
        %while3A_77 = arith.constant 0 : i32
        %while3A_78 = arith.constant 0 : i32
        %while3A_79 = arith.constant 0 : i32
        %while3A_80 = arith.constant 0 : i32
        "tpu.trace_stop"() : () -> ()
        %while3A_81 = arith.subi %mul3A_16, %while3A : i32
        %while3A_82 = arith.addi %while3A, %while3A_81 : i32
        %while3A_83 = arith.constant 1 : i32
        %while3A_84 = arith.divsi %while3A_81, %while3A_83 : i32
        %while3A_85 = arith.muli %while3A_84, %while3A_83 : i32
        %while3A_86 = arith.addi %while3A, %while3A_85 : i32
        %while3A_87 = arith.constant 1 : i32
        %while3A_88:5 = scf.for %while3A_142 = %while3A to %while3A_86 step %while3A_87 iter_args(%while3A_143 = %select_n3A_76, %while3A_144 = %while3A_77, %while3A_145 = %while3A_78, %while3A_146 = %while3A_79, %while3A_147 = %while3A_80) -> (i32, i32, i32, i32, i32)  : i32 {
          %mul3A_148 = arith.constant 1 : i32
          %mul3A_149 = arith.muli %mul3A_148, %select_n3A : i32
          %eq3A_150 = arith.constant 0 : i32
          %eq3A_151 = arith.cmpi eq, %while3A_142, %eq3A_150 : i32
          %sub3A_152 = arith.constant 1 : i32
          %sub3A_153 = arith.subi %mul3A_149, %sub3A_152 : i32
          %eq3A_154 = arith.cmpi eq, %while3A_142, %sub3A_153 : i32
          %add3A_155 = arith.addi %while3A_147, %select_n3A_14 : i32
          %sub3A_156 = arith.constant 1 : i32
          %sub3A_157 = arith.subi %while3A_147, %sub3A_156 : i32
          %select_n3A_158 = arith.constant true
          %select_n3A_159 = arith.select %select_n3A_158, %sub3A_157, %while3A_147 : i32
          %eq3A_160 = arith.constant -1 : i32
          %eq3A_161 = arith.cmpi eq, %select_n3A_159, %eq3A_160 : i32
          %sub3A_162 = arith.constant 1 : i32
          %sub3A_163 = arith.subi %select_n3A, %sub3A_162 : i32
          %select_n3A_164 = arith.select %eq3A_161, %sub3A_163, %select_n3A_159 : i32
          %add3A_165 = arith.addi %select_n3A_164, %select_n3A_14 : i32
          %add3A_166 = arith.constant 1 : i32
          %add3A_167 = arith.addi %while3A_147, %add3A_166 : i32
          %select_n3A_168 = arith.constant true
          %select_n3A_169 = arith.select %select_n3A_168, %add3A_167, %while3A_147 : i32
          %eq3A_170 = arith.cmpi eq, %select_n3A_169, %select_n3A : i32
          %select_n3A_171 = arith.constant 0 : i32
          %select_n3A_172 = arith.select %eq3A_170, %select_n3A_171, %select_n3A_169 : i32
          %add3A_173 = arith.addi %select_n3A_172, %select_n3A_14 : i32
          %add3A_174 = arith.constant 1 : i32
          %add3A_175 = arith.addi %select_n3A_172, %add3A_174 : i32
          %select_n3A_176 = arith.constant true
          %select_n3A_177 = arith.select %select_n3A_176, %add3A_175, %select_n3A_172 : i32
          %eq3A_178 = arith.cmpi eq, %select_n3A_177, %select_n3A : i32
          %select_n3A_179 = arith.constant 0 : i32
          %select_n3A_180 = arith.select %eq3A_178, %select_n3A_179, %select_n3A_177 : i32
          %add3A_181 = arith.addi %select_n3A_180, %select_n3A_14 : i32
          %ne3A = arith.cmpi ne, %add3A_155, %add3A_173 : i32
          %or3A = arith.constant false
          %or3A_182 = arith.ori %or3A, %ne3A : i1
          %sub3A_183 = arith.constant 2 : i32
          %sub3A_184 = arith.subi %mul3A_149, %sub3A_183 : i32
          %add3A_185 = arith.constant 1 : i32
          %add3A_186 = arith.addi %sub3A_184, %add3A_185 : i32
          %ge3A = arith.cmpi sge, %while3A_142, %add3A_186 : i32
          %not3A = arith.constant true
          %not3A_187 = arith.xori %ge3A, %not3A : i1
          %and3A = arith.andi %or3A_182, %not3A_187 : i1
          %convert_element_type3A_188 = arith.extui %and3A : i1 to i32
          %cond3A_189 = arith.constant 0 : i32
          %cond3A_190 = arith.cmpi ne, %convert_element_type3A_188, %cond3A_189 : i32
          scf.if %cond3A_190 {
            "tpu.trace_start"() <{level = 10 : i32, message = "ep_copy_in"}> : () -> ()
            %rem3A_294 = arith.constant 2 : i32
            %rem3A_295 = arith.remui %while3A_143, %rem3A_294 : i32
            %mul3A_296 = arith.constant 256 : i32
            %mul3A_297 = arith.muli %mul3A_296, %add3A_173 : i32
            %dma_start3A_298 = arith.constant 0 : i32
            %dma_start3A_299 = arith.constant 0 : i32
            %dma_start3A_300 = tpu.memref_slice %run_scoped3A[%rem3A_295, %dma_start3A_298, %dma_start3A_299] : memref<2x1x256xi32, #tpu.memory_space<vmem>> -> memref<1x1x256xi32, #tpu.memory_space<vmem>>
            %dma_start3A_301 = tpu.memref_squeeze %dma_start3A_300 : memref<1x1x256xi32, #tpu.memory_space<vmem>> -> memref<1x256xi32, #tpu.memory_space<vmem>>
            %dma_start3A_302 = arith.constant 0 : i32
            %dma_start3A_303 = tpu.memref_slice %arg3[%dma_start3A_302, %mul3A_297] : memref<1x69632xi32, #tpu.memory_space<hbm>> -> memref<1x256xi32, #tpu.memory_space<hbm>>
            %dma_start3A_304 = tpu.memref_slice %run_scoped3A_17[%rem3A_295] : memref<2x!tpu.dma_semaphore, #tpu.memory_space<semaphore_mem>> -> memref<1x!tpu.dma_semaphore, #tpu.memory_space<semaphore_mem>>
            %dma_start3A_305 = tpu.memref_squeeze %dma_start3A_304 : memref<1x!tpu.dma_semaphore, #tpu.memory_space<semaphore_mem>> -> memref<!tpu.dma_semaphore, #tpu.memory_space<semaphore_mem>>
            %dma_start3A_306 = arith.constant 0 : i32
            %dma_start3A_307 = arith.constant 0 : i32
            %dma_start3A_308 = tpu.memref_slice %run_scoped3A[%rem3A_295, %dma_start3A_306, %dma_start3A_307] : memref<2x1x256xi32, #tpu.memory_space<vmem>> -> memref<1x1x256xi32, #tpu.memory_space<vmem>>
            %dma_start3A_309 = tpu.memref_squeeze %dma_start3A_308 : memref<1x1x256xi32, #tpu.memory_space<vmem>> -> memref<1x256xi32, #tpu.memory_space<vmem>>
            %dma_start3A_310 = arith.constant 0 : i32
            %dma_start3A_311 = tpu.memref_slice %arg3[%dma_start3A_310, %mul3A_297] : memref<1x69632xi32, #tpu.memory_space<hbm>> -> memref<1x256xi32, #tpu.memory_space<hbm>>
            tpu.enqueue_dma source(%dma_start3A_311 : memref<1x256xi32, #tpu.memory_space<hbm>>) target(%dma_start3A_309 : memref<1x256xi32, #tpu.memory_space<vmem>>) target_semaphore(%dma_start3A_305 : memref<!tpu.dma_semaphore, #tpu.memory_space<semaphore_mem>>)
            "tpu.trace_stop"() : () -> ()
          } else {
          }
          %and3A_191 = arith.constant true
          %and3A_192 = arith.andi %and3A, %and3A_191 : i1
          %add3A_193 = arith.constant 1 : i32
          %add3A_194 = arith.addi %while3A_143, %add3A_193 : i32
          %select_n3A_195 = arith.select %and3A_192, %add3A_194, %while3A_143 : i32
          %ne3A_196 = arith.cmpi ne, %add3A_155, %add3A_173 : i32
          %or3A_197 = arith.constant false
          %or3A_198 = arith.ori %or3A_197, %ne3A_196 : i1
          %or3A_199 = arith.constant false
          %or3A_200 = arith.ori %or3A_198, %or3A_199 : i1
          %sub3A_201 = arith.constant 2 : i32
          %sub3A_202 = arith.subi %mul3A_149, %sub3A_201 : i32
          %add3A_203 = arith.constant 1 : i32
          %add3A_204 = arith.addi %sub3A_202, %add3A_203 : i32
          %ge3A_205 = arith.cmpi sge, %while3A_142, %add3A_204 : i32
          %not3A_206 = arith.constant true
          %not3A_207 = arith.xori %ge3A_205, %not3A_206 : i1
          %and3A_208 = arith.andi %or3A_200, %not3A_207 : i1
          %ne3A_209 = arith.cmpi ne, %add3A_155, %add3A_165 : i32
          %or3A_210 = arith.constant false
          %or3A_211 = arith.ori %or3A_210, %ne3A_209 : i1
          %or3A_212 = arith.ori %or3A_211, %eq3A_151 : i1
          %convert_element_type3A_213 = arith.extui %or3A_212 : i1 to i32
          %cond3A_214 = arith.constant 0 : i32
          %cond3A_215 = arith.cmpi ne, %convert_element_type3A_213, %cond3A_214 : i32
          scf.if %cond3A_215 {
            "tpu.trace_start"() <{level = 10 : i32, message = "ep_wait_in"}> : () -> ()
            %mul3A_294 = arith.constant 256 : i32
            %mul3A_295 = arith.muli %mul3A_294, %add3A_155 : i32
            %rem3A_296 = arith.constant 2 : i32
            %rem3A_297 = arith.remui %while3A_144, %rem3A_296 : i32
            %dma_wait3A = arith.constant 0 : i32
            %dma_wait3A_298 = arith.constant 0 : i32
            %dma_wait3A_299 = tpu.memref_slice %run_scoped3A[%rem3A_297, %dma_wait3A, %dma_wait3A_298] : memref<2x1x256xi32, #tpu.memory_space<vmem>> -> memref<1x1x256xi32, #tpu.memory_space<vmem>>
            %dma_wait3A_300 = tpu.memref_squeeze %dma_wait3A_299 : memref<1x1x256xi32, #tpu.memory_space<vmem>> -> memref<1x256xi32, #tpu.memory_space<vmem>>
            %dma_wait3A_301 = arith.constant 0 : i32
            %dma_wait3A_302 = tpu.memref_slice %arg3[%dma_wait3A_301, %mul3A_295] : memref<1x69632xi32, #tpu.memory_space<hbm>> -> memref<1x256xi32, #tpu.memory_space<hbm>>
            %dma_wait3A_303 = tpu.memref_slice %run_scoped3A_17[%rem3A_297] : memref<2x!tpu.dma_semaphore, #tpu.memory_space<semaphore_mem>> -> memref<1x!tpu.dma_semaphore, #tpu.memory_space<semaphore_mem>>
            %dma_wait3A_304 = tpu.memref_squeeze %dma_wait3A_303 : memref<1x!tpu.dma_semaphore, #tpu.memory_space<semaphore_mem>> -> memref<!tpu.dma_semaphore, #tpu.memory_space<semaphore_mem>>
            %dma_wait3A_305 = arith.constant 0 : i32
            %dma_wait3A_306 = arith.constant 0 : i32
            %dma_wait3A_307 = tpu.memref_slice %run_scoped3A[%rem3A_297, %dma_wait3A_305, %dma_wait3A_306] : memref<2x1x256xi32, #tpu.memory_space<vmem>> -> memref<1x1x256xi32, #tpu.memory_space<vmem>>
            %dma_wait3A_308 = tpu.memref_squeeze %dma_wait3A_307 : memref<1x1x256xi32, #tpu.memory_space<vmem>> -> memref<1x256xi32, #tpu.memory_space<vmem>>
            %dma_wait3A_309 = arith.constant 0 : i32
            %dma_wait3A_310 = tpu.memref_slice %arg3[%dma_wait3A_309, %mul3A_295] : memref<1x69632xi32, #tpu.memory_space<hbm>> -> memref<1x256xi32, #tpu.memory_space<hbm>>
            tpu.wait_dma2 semaphore(%dma_wait3A_304 : memref<!tpu.dma_semaphore, #tpu.memory_space<semaphore_mem>>) src(%dma_wait3A_310 : memref<1x256xi32, #tpu.memory_space<hbm>>) dst(%dma_wait3A_308 : memref<1x256xi32, #tpu.memory_space<vmem>>)
            "tpu.trace_stop"() : () -> ()
          } else {
          }
          %ne3A_216 = arith.cmpi ne, %add3A_155, %add3A_165 : i32
          %or3A_217 = arith.constant false
          %or3A_218 = arith.ori %or3A_217, %ne3A_216 : i1
          %or3A_219 = arith.constant false
          %or3A_220 = arith.ori %or3A_218, %or3A_219 : i1
          %or3A_221 = arith.ori %or3A_220, %eq3A_151 : i1
          %convert_element_type3A_222 = arith.extui %or3A_221 : i1 to i32
          %cond3A_223 = arith.constant 0 : i32
          %cond3A_224 = arith.cmpi ne, %convert_element_type3A_222, %cond3A_223 : i32
          scf.if %cond3A_224 {
          } else {
          }
          %rem3A_225 = arith.constant 2 : i32
          %rem3A_226 = arith.remui %while3A_144, %rem3A_225 : i32
          %rem3A_227 = arith.constant 2 : i32
          %rem3A_228 = arith.remui %while3A_145, %rem3A_227 : i32
          %run_scoped3A_229 = arith.constant 0 : i32
          "tpu.trace_start"() <{level = 10 : i32, message = "ep_run_kernel"}> : () -> ()
          "tpu.region"() ({
            %run_scoped3A_294 = tpu.sem_alloc : memref<!tpu.dma_semaphore, #tpu.memory_space<semaphore_mem>>
            %dma_start3A_295 = arith.constant 0 : i32
            %dma_start3A_296 = arith.constant 0 : i32
            %dma_start3A_297 = tpu.memref_slice %run_scoped3A_18[%rem3A_228, %dma_start3A_295, %dma_start3A_296] : memref<2x256x128xf32, #tpu.memory_space<vmem>> -> memref<1x256x128xf32, #tpu.memory_space<vmem>>
            %dma_start3A_298 = tpu.memref_squeeze %dma_start3A_297 : memref<1x256x128xf32, #tpu.memory_space<vmem>> -> memref<256x128xf32, #tpu.memory_space<vmem>>
            %dma_start3A_299 = arith.constant 0 : i32
            %dma_start3A_300 = arith.constant 0 : i32
            %dma_start3A_301 = tpu.memref_slice %run_scoped3A[%rem3A_226, %dma_start3A_299, %dma_start3A_300] : memref<2x1x256xi32, #tpu.memory_space<vmem>> -> memref<1x1x256xi32, #tpu.memory_space<vmem>>
            %dma_start3A_302 = tpu.memref_squeeze %dma_start3A_301 : memref<1x1x256xi32, #tpu.memory_space<vmem>> -> memref<1x256xi32, #tpu.memory_space<vmem>>
            %dma_start3A_303 = arith.constant 0 : i32
            %dma_start3A_304 = tpu.memref_slice %dma_start3A_302[%run_scoped3A_229, %dma_start3A_303] : memref<1x256xi32, #tpu.memory_space<vmem>> -> memref<1x256xi32, #tpu.memory_space<vmem>>
            %dma_start3A_305 = tpu.memref_squeeze %dma_start3A_304 : memref<1x256xi32, #tpu.memory_space<vmem>> -> memref<256xi32, #tpu.memory_space<vmem>>
            %dma_start3A_306 = arith.constant 0 : i32
            %dma_start3A_307 = arith.constant 0 : i32
            %dma_start3A_308 = tpu.memref_slice %arg2[%dma_start3A_306, %dma_start3A_307] : memref<4096x128xf32, #tpu.memory_space<hbm>> -> memref<4096x128xf32, #tpu.memory_space<hbm>>
            tpu.enqueue_indirect_dma source(%dma_start3A_308 : memref<4096x128xf32, #tpu.memory_space<hbm>>) target(%dma_start3A_298 : memref<256x128xf32, #tpu.memory_space<vmem>>) offsets(%dma_start3A_305 : memref<256xi32, #tpu.memory_space<vmem>>) semaphore(%run_scoped3A_294 : memref<!tpu.dma_semaphore, #tpu.memory_space<semaphore_mem>>)
            %dma_wait3A = arith.constant 0 : i32
            %dma_wait3A_309 = arith.constant 0 : i32
            %dma_wait3A_310 = tpu.memref_slice %run_scoped3A_18[%rem3A_228, %dma_wait3A, %dma_wait3A_309] : memref<2x256x128xf32, #tpu.memory_space<vmem>> -> memref<1x256x128xf32, #tpu.memory_space<vmem>>
            %dma_wait3A_311 = tpu.memref_squeeze %dma_wait3A_310 : memref<1x256x128xf32, #tpu.memory_space<vmem>> -> memref<256x128xf32, #tpu.memory_space<vmem>>
            %dma_wait3A_312 = arith.constant 0 : i32
            %dma_wait3A_313 = arith.constant 0 : i32
            %dma_wait3A_314 = tpu.memref_slice %run_scoped3A[%rem3A_226, %dma_wait3A_312, %dma_wait3A_313] : memref<2x1x256xi32, #tpu.memory_space<vmem>> -> memref<1x1x256xi32, #tpu.memory_space<vmem>>
            %dma_wait3A_315 = tpu.memref_squeeze %dma_wait3A_314 : memref<1x1x256xi32, #tpu.memory_space<vmem>> -> memref<1x256xi32, #tpu.memory_space<vmem>>
            %dma_wait3A_316 = arith.constant 0 : i32
            %dma_wait3A_317 = tpu.memref_slice %dma_wait3A_315[%run_scoped3A_229, %dma_wait3A_316] : memref<1x256xi32, #tpu.memory_space<vmem>> -> memref<1x256xi32, #tpu.memory_space<vmem>>
            %dma_wait3A_318 = tpu.memref_squeeze %dma_wait3A_317 : memref<1x256xi32, #tpu.memory_space<vmem>> -> memref<256xi32, #tpu.memory_space<vmem>>
            %dma_wait3A_319 = arith.constant 0 : i32
            %dma_wait3A_320 = arith.constant 0 : i32
            %dma_wait3A_321 = tpu.memref_slice %arg2[%dma_wait3A_319, %dma_wait3A_320] : memref<4096x128xf32, #tpu.memory_space<hbm>> -> memref<4096x128xf32, #tpu.memory_space<hbm>>
            tpu.wait_indirect_dma semaphore(%run_scoped3A_294 : memref<!tpu.dma_semaphore, #tpu.memory_space<semaphore_mem>>) src(%dma_wait3A_321 : memref<4096x128xf32, #tpu.memory_space<hbm>>) dst(%dma_wait3A_311 : memref<256x128xf32, #tpu.memory_space<vmem>>)
            tpu.yield
          }) : () -> ()
          "tpu.trace_stop"() : () -> ()
          %ne3A_230 = arith.cmpi ne, %add3A_155, %add3A_173 : i32
          %or3A_231 = arith.constant false
          %or3A_232 = arith.ori %or3A_231, %ne3A_230 : i1
          %or3A_233 = arith.ori %or3A_232, %eq3A_154 : i1
          %convert_element_type3A_234 = arith.extui %or3A_233 : i1 to i32
          %cond3A_235 = arith.constant 0 : i32
          %cond3A_236 = arith.cmpi ne, %convert_element_type3A_234, %cond3A_235 : i32
          scf.if %cond3A_236 {
          } else {
          }
          %and3A_237 = arith.constant false
          %and3A_238 = arith.andi %or3A_233, %and3A_237 : i1
          %ne3A_239 = arith.cmpi ne, %add3A_155, %add3A_173 : i32
          %or3A_240 = arith.constant false
          %or3A_241 = arith.ori %or3A_240, %ne3A_239 : i1
          %or3A_242 = arith.constant false
          %or3A_243 = arith.ori %or3A_241, %or3A_242 : i1
          %or3A_244 = arith.ori %or3A_243, %eq3A_154 : i1
          %convert_element_type3A_245 = arith.extui %or3A_244 : i1 to i32
          %cond3A_246 = arith.constant 0 : i32
          %cond3A_247 = arith.cmpi ne, %convert_element_type3A_245, %cond3A_246 : i32
          scf.if %cond3A_247 {
            "tpu.trace_start"() <{level = 10 : i32, message = "ep_copy_out"}> : () -> ()
            %rem3A_294 = arith.constant 2 : i32
            %rem3A_295 = arith.remui %while3A_145, %rem3A_294 : i32
            %mul3A_296 = arith.constant 256 : i32
            %mul3A_297 = arith.muli %mul3A_296, %add3A_155 : i32
            %dma_start3A_298 = arith.constant 0 : i32
            %dma_start3A_299 = arith.constant 0 : i32
            %dma_start3A_300 = tpu.memref_slice %run_scoped3A_18[%rem3A_295, %dma_start3A_298, %dma_start3A_299] : memref<2x256x128xf32, #tpu.memory_space<vmem>> -> memref<1x256x128xf32, #tpu.memory_space<vmem>>
            %dma_start3A_301 = tpu.memref_squeeze %dma_start3A_300 : memref<1x256x128xf32, #tpu.memory_space<vmem>> -> memref<256x128xf32, #tpu.memory_space<vmem>>
            %dma_start3A_302 = arith.constant 0 : i32
            %dma_start3A_303 = tpu.memref_slice %arg4[%mul3A_297, %dma_start3A_302] : memref<69632x128xf32, #tpu.memory_space<hbm>> -> memref<256x128xf32, #tpu.memory_space<hbm>>
            %dma_start3A_304 = tpu.memref_slice %run_scoped3A_19[%rem3A_295] : memref<2x!tpu.dma_semaphore, #tpu.memory_space<semaphore_mem>> -> memref<1x!tpu.dma_semaphore, #tpu.memory_space<semaphore_mem>>
            %dma_start3A_305 = tpu.memref_squeeze %dma_start3A_304 : memref<1x!tpu.dma_semaphore, #tpu.memory_space<semaphore_mem>> -> memref<!tpu.dma_semaphore, #tpu.memory_space<semaphore_mem>>
            %dma_start3A_306 = arith.constant 0 : i32
            %dma_start3A_307 = tpu.memref_slice %arg4[%mul3A_297, %dma_start3A_306] : memref<69632x128xf32, #tpu.memory_space<hbm>> -> memref<256x128xf32, #tpu.memory_space<hbm>>
            %dma_start3A_308 = arith.constant 0 : i32
            %dma_start3A_309 = arith.constant 0 : i32
            %dma_start3A_310 = tpu.memref_slice %run_scoped3A_18[%rem3A_295, %dma_start3A_308, %dma_start3A_309] : memref<2x256x128xf32, #tpu.memory_space<vmem>> -> memref<1x256x128xf32, #tpu.memory_space<vmem>>
            %dma_start3A_311 = tpu.memref_squeeze %dma_start3A_310 : memref<1x256x128xf32, #tpu.memory_space<vmem>> -> memref<256x128xf32, #tpu.memory_space<vmem>>
            tpu.enqueue_dma source(%dma_start3A_311 : memref<256x128xf32, #tpu.memory_space<vmem>>) target(%dma_start3A_307 : memref<256x128xf32, #tpu.memory_space<hbm>>) target_semaphore(%dma_start3A_305 : memref<!tpu.dma_semaphore, #tpu.memory_space<semaphore_mem>>)
            "tpu.trace_stop"() : () -> ()
          } else {
          }
          %and3A_248 = arith.constant true
          %and3A_249 = arith.andi %or3A_244, %and3A_248 : i1
          %add3A_250 = arith.constant 1 : i32
          %add3A_251 = arith.addi %while3A_145, %add3A_250 : i32
          %select_n3A_252 = arith.select %and3A_249, %add3A_251, %while3A_145 : i32
          %ne3A_253 = arith.cmpi ne, %add3A_155, %add3A_165 : i32
          %or3A_254 = arith.constant false
          %or3A_255 = arith.ori %or3A_254, %ne3A_253 : i1
          %not3A_256 = arith.constant true
          %not3A_257 = arith.xori %eq3A_151, %not3A_256 : i1
          %and3A_258 = arith.andi %or3A_255, %not3A_257 : i1
          %convert_element_type3A_259 = arith.extui %and3A_258 : i1 to i32
          %cond3A_260 = arith.constant 0 : i32
          %cond3A_261 = arith.cmpi ne, %convert_element_type3A_259, %cond3A_260 : i32
          scf.if %cond3A_261 {
          } else {
          }
          %and3A_262 = arith.constant false
          %and3A_263 = arith.andi %and3A_258, %and3A_262 : i1
          %ne3A_264 = arith.cmpi ne, %add3A_155, %add3A_165 : i32
          %or3A_265 = arith.constant false
          %or3A_266 = arith.ori %or3A_265, %ne3A_264 : i1
          %or3A_267 = arith.constant false
          %or3A_268 = arith.ori %or3A_266, %or3A_267 : i1
          %not3A_269 = arith.constant true
          %not3A_270 = arith.xori %eq3A_151, %not3A_269 : i1
          %and3A_271 = arith.andi %or3A_268, %not3A_270 : i1
          %convert_element_type3A_272 = arith.extui %and3A_271 : i1 to i32
          %cond3A_273 = arith.constant 0 : i32
          %cond3A_274 = arith.cmpi ne, %convert_element_type3A_272, %cond3A_273 : i32
          scf.if %cond3A_274 {
            "tpu.trace_start"() <{level = 10 : i32, message = "ep_wait_out"}> : () -> ()
            %rem3A_294 = arith.constant 2 : i32
            %rem3A_295 = arith.remui %while3A_146, %rem3A_294 : i32
            %mul3A_296 = arith.constant 256 : i32
            %mul3A_297 = arith.muli %mul3A_296, %add3A_165 : i32
            %dma_wait3A = arith.constant 0 : i32
            %dma_wait3A_298 = arith.constant 0 : i32
            %dma_wait3A_299 = tpu.memref_slice %run_scoped3A_18[%rem3A_295, %dma_wait3A, %dma_wait3A_298] : memref<2x256x128xf32, #tpu.memory_space<vmem>> -> memref<1x256x128xf32, #tpu.memory_space<vmem>>
            %dma_wait3A_300 = tpu.memref_squeeze %dma_wait3A_299 : memref<1x256x128xf32, #tpu.memory_space<vmem>> -> memref<256x128xf32, #tpu.memory_space<vmem>>
            %dma_wait3A_301 = arith.constant 0 : i32
            %dma_wait3A_302 = tpu.memref_slice %arg4[%mul3A_297, %dma_wait3A_301] : memref<69632x128xf32, #tpu.memory_space<hbm>> -> memref<256x128xf32, #tpu.memory_space<hbm>>
            %dma_wait3A_303 = tpu.memref_slice %run_scoped3A_19[%rem3A_295] : memref<2x!tpu.dma_semaphore, #tpu.memory_space<semaphore_mem>> -> memref<1x!tpu.dma_semaphore, #tpu.memory_space<semaphore_mem>>
            %dma_wait3A_304 = tpu.memref_squeeze %dma_wait3A_303 : memref<1x!tpu.dma_semaphore, #tpu.memory_space<semaphore_mem>> -> memref<!tpu.dma_semaphore, #tpu.memory_space<semaphore_mem>>
            %dma_wait3A_305 = arith.constant 0 : i32
            %dma_wait3A_306 = tpu.memref_slice %arg4[%mul3A_297, %dma_wait3A_305] : memref<69632x128xf32, #tpu.memory_space<hbm>> -> memref<256x128xf32, #tpu.memory_space<hbm>>
            %dma_wait3A_307 = arith.constant 0 : i32
            %dma_wait3A_308 = arith.constant 0 : i32
            %dma_wait3A_309 = tpu.memref_slice %run_scoped3A_18[%rem3A_295, %dma_wait3A_307, %dma_wait3A_308] : memref<2x256x128xf32, #tpu.memory_space<vmem>> -> memref<1x256x128xf32, #tpu.memory_space<vmem>>
            %dma_wait3A_310 = tpu.memref_squeeze %dma_wait3A_309 : memref<1x256x128xf32, #tpu.memory_space<vmem>> -> memref<256x128xf32, #tpu.memory_space<vmem>>
            tpu.wait_dma2 semaphore(%dma_wait3A_304 : memref<!tpu.dma_semaphore, #tpu.memory_space<semaphore_mem>>) src(%dma_wait3A_310 : memref<256x128xf32, #tpu.memory_space<vmem>>) dst(%dma_wait3A_306 : memref<256x128xf32, #tpu.memory_space<hbm>>)
            "tpu.trace_stop"() : () -> ()
          } else {
          }
          %and3A_275 = arith.constant true
          %and3A_276 = arith.andi %and3A_271, %and3A_275 : i1
          %add3A_277 = arith.constant 1 : i32
          %add3A_278 = arith.addi %while3A_146, %add3A_277 : i32
          %select_n3A_279 = arith.select %and3A_276, %add3A_278, %while3A_146 : i32
          %ne3A_280 = arith.cmpi ne, %add3A_155, %add3A_173 : i32
          %or3A_281 = arith.constant false
          %or3A_282 = arith.ori %or3A_281, %ne3A_280 : i1
          %or3A_283 = arith.ori %or3A_282, %eq3A_154 : i1
          %add3A_284 = arith.constant 1 : i32
          %add3A_285 = arith.addi %while3A_144, %add3A_284 : i32
          %select_n3A_286 = arith.select %or3A_283, %add3A_285, %while3A_144 : i32
          %add3A_287 = arith.constant 1 : i32
          %add3A_288 = arith.addi %while3A_147, %add3A_287 : i32
          %select_n3A_289 = arith.constant true
          %select_n3A_290 = arith.select %select_n3A_289, %add3A_288, %while3A_147 : i32
          %eq3A_291 = arith.cmpi eq, %select_n3A_290, %select_n3A : i32
          %select_n3A_292 = arith.constant 0 : i32
          %select_n3A_293 = arith.select %eq3A_291, %select_n3A_292, %select_n3A_290 : i32
          scf.yield %select_n3A_195, %select_n3A_286, %select_n3A_252, %select_n3A_279, %select_n3A_293 : i32, i32, i32, i32, i32
        }
        %while3A_89 = arith.constant 1 : i32
        %while3A_90:5 = scf.for %while3A_142 = %while3A_86 to %while3A_82 step %while3A_89 iter_args(%while3A_143 = %while3A_88#0, %while3A_144 = %while3A_88#1, %while3A_145 = %while3A_88#2, %while3A_146 = %while3A_88#3, %while3A_147 = %while3A_88#4) -> (i32, i32, i32, i32, i32)  : i32 {
          %mul3A_148 = arith.constant 1 : i32
          %mul3A_149 = arith.muli %mul3A_148, %select_n3A : i32
          %eq3A_150 = arith.constant 0 : i32
          %eq3A_151 = arith.cmpi eq, %while3A_142, %eq3A_150 : i32
          %sub3A_152 = arith.constant 1 : i32
          %sub3A_153 = arith.subi %mul3A_149, %sub3A_152 : i32
          %eq3A_154 = arith.cmpi eq, %while3A_142, %sub3A_153 : i32
          %add3A_155 = arith.addi %while3A_147, %select_n3A_14 : i32
          %sub3A_156 = arith.constant 1 : i32
          %sub3A_157 = arith.subi %while3A_147, %sub3A_156 : i32
          %select_n3A_158 = arith.constant true
          %select_n3A_159 = arith.select %select_n3A_158, %sub3A_157, %while3A_147 : i32
          %eq3A_160 = arith.constant -1 : i32
          %eq3A_161 = arith.cmpi eq, %select_n3A_159, %eq3A_160 : i32
          %sub3A_162 = arith.constant 1 : i32
          %sub3A_163 = arith.subi %select_n3A, %sub3A_162 : i32
          %select_n3A_164 = arith.select %eq3A_161, %sub3A_163, %select_n3A_159 : i32
          %add3A_165 = arith.addi %select_n3A_164, %select_n3A_14 : i32
          %add3A_166 = arith.constant 1 : i32
          %add3A_167 = arith.addi %while3A_147, %add3A_166 : i32
          %select_n3A_168 = arith.constant true
          %select_n3A_169 = arith.select %select_n3A_168, %add3A_167, %while3A_147 : i32
          %eq3A_170 = arith.cmpi eq, %select_n3A_169, %select_n3A : i32
          %select_n3A_171 = arith.constant 0 : i32
          %select_n3A_172 = arith.select %eq3A_170, %select_n3A_171, %select_n3A_169 : i32
          %add3A_173 = arith.addi %select_n3A_172, %select_n3A_14 : i32
          %add3A_174 = arith.constant 1 : i32
          %add3A_175 = arith.addi %select_n3A_172, %add3A_174 : i32
          %select_n3A_176 = arith.constant true
          %select_n3A_177 = arith.select %select_n3A_176, %add3A_175, %select_n3A_172 : i32
          %eq3A_178 = arith.cmpi eq, %select_n3A_177, %select_n3A : i32
          %select_n3A_179 = arith.constant 0 : i32
          %select_n3A_180 = arith.select %eq3A_178, %select_n3A_179, %select_n3A_177 : i32
          %add3A_181 = arith.addi %select_n3A_180, %select_n3A_14 : i32
          %ne3A = arith.cmpi ne, %add3A_155, %add3A_173 : i32
          %or3A = arith.constant false
          %or3A_182 = arith.ori %or3A, %ne3A : i1
          %sub3A_183 = arith.constant 2 : i32
          %sub3A_184 = arith.subi %mul3A_149, %sub3A_183 : i32
          %add3A_185 = arith.constant 1 : i32
          %add3A_186 = arith.addi %sub3A_184, %add3A_185 : i32
          %ge3A = arith.cmpi sge, %while3A_142, %add3A_186 : i32
          %not3A = arith.constant true
          %not3A_187 = arith.xori %ge3A, %not3A : i1
          %and3A = arith.andi %or3A_182, %not3A_187 : i1
          %convert_element_type3A_188 = arith.extui %and3A : i1 to i32
          %cond3A_189 = arith.constant 0 : i32
          %cond3A_190 = arith.cmpi ne, %convert_element_type3A_188, %cond3A_189 : i32
          scf.if %cond3A_190 {
            "tpu.trace_start"() <{level = 10 : i32, message = "ep_copy_in"}> : () -> ()
            %rem3A_294 = arith.constant 2 : i32
            %rem3A_295 = arith.remui %while3A_143, %rem3A_294 : i32
            %mul3A_296 = arith.constant 256 : i32
            %mul3A_297 = arith.muli %mul3A_296, %add3A_173 : i32
            %dma_start3A_298 = arith.constant 0 : i32
            %dma_start3A_299 = arith.constant 0 : i32
            %dma_start3A_300 = tpu.memref_slice %run_scoped3A[%rem3A_295, %dma_start3A_298, %dma_start3A_299] : memref<2x1x256xi32, #tpu.memory_space<vmem>> -> memref<1x1x256xi32, #tpu.memory_space<vmem>>
            %dma_start3A_301 = tpu.memref_squeeze %dma_start3A_300 : memref<1x1x256xi32, #tpu.memory_space<vmem>> -> memref<1x256xi32, #tpu.memory_space<vmem>>
            %dma_start3A_302 = arith.constant 0 : i32
            %dma_start3A_303 = tpu.memref_slice %arg3[%dma_start3A_302, %mul3A_297] : memref<1x69632xi32, #tpu.memory_space<hbm>> -> memref<1x256xi32, #tpu.memory_space<hbm>>
            %dma_start3A_304 = tpu.memref_slice %run_scoped3A_17[%rem3A_295] : memref<2x!tpu.dma_semaphore, #tpu.memory_space<semaphore_mem>> -> memref<1x!tpu.dma_semaphore, #tpu.memory_space<semaphore_mem>>
            %dma_start3A_305 = tpu.memref_squeeze %dma_start3A_304 : memref<1x!tpu.dma_semaphore, #tpu.memory_space<semaphore_mem>> -> memref<!tpu.dma_semaphore, #tpu.memory_space<semaphore_mem>>
            %dma_start3A_306 = arith.constant 0 : i32
            %dma_start3A_307 = arith.constant 0 : i32
            %dma_start3A_308 = tpu.memref_slice %run_scoped3A[%rem3A_295, %dma_start3A_306, %dma_start3A_307] : memref<2x1x256xi32, #tpu.memory_space<vmem>> -> memref<1x1x256xi32, #tpu.memory_space<vmem>>
            %dma_start3A_309 = tpu.memref_squeeze %dma_start3A_308 : memref<1x1x256xi32, #tpu.memory_space<vmem>> -> memref<1x256xi32, #tpu.memory_space<vmem>>
            %dma_start3A_310 = arith.constant 0 : i32
            %dma_start3A_311 = tpu.memref_slice %arg3[%dma_start3A_310, %mul3A_297] : memref<1x69632xi32, #tpu.memory_space<hbm>> -> memref<1x256xi32, #tpu.memory_space<hbm>>
            tpu.enqueue_dma source(%dma_start3A_311 : memref<1x256xi32, #tpu.memory_space<hbm>>) target(%dma_start3A_309 : memref<1x256xi32, #tpu.memory_space<vmem>>) target_semaphore(%dma_start3A_305 : memref<!tpu.dma_semaphore, #tpu.memory_space<semaphore_mem>>)
            "tpu.trace_stop"() : () -> ()
          } else {
          }
          %and3A_191 = arith.constant true
          %and3A_192 = arith.andi %and3A, %and3A_191 : i1
          %add3A_193 = arith.constant 1 : i32
          %add3A_194 = arith.addi %while3A_143, %add3A_193 : i32
          %select_n3A_195 = arith.select %and3A_192, %add3A_194, %while3A_143 : i32
          %ne3A_196 = arith.cmpi ne, %add3A_155, %add3A_173 : i32
          %or3A_197 = arith.constant false
          %or3A_198 = arith.ori %or3A_197, %ne3A_196 : i1
          %or3A_199 = arith.constant false
          %or3A_200 = arith.ori %or3A_198, %or3A_199 : i1
          %sub3A_201 = arith.constant 2 : i32
          %sub3A_202 = arith.subi %mul3A_149, %sub3A_201 : i32
          %add3A_203 = arith.constant 1 : i32
          %add3A_204 = arith.addi %sub3A_202, %add3A_203 : i32
          %ge3A_205 = arith.cmpi sge, %while3A_142, %add3A_204 : i32
          %not3A_206 = arith.constant true
          %not3A_207 = arith.xori %ge3A_205, %not3A_206 : i1
          %and3A_208 = arith.andi %or3A_200, %not3A_207 : i1
          %ne3A_209 = arith.cmpi ne, %add3A_155, %add3A_165 : i32
          %or3A_210 = arith.constant false
          %or3A_211 = arith.ori %or3A_210, %ne3A_209 : i1
          %or3A_212 = arith.ori %or3A_211, %eq3A_151 : i1
          %convert_element_type3A_213 = arith.extui %or3A_212 : i1 to i32
          %cond3A_214 = arith.constant 0 : i32
          %cond3A_215 = arith.cmpi ne, %convert_element_type3A_213, %cond3A_214 : i32
          scf.if %cond3A_215 {
            "tpu.trace_start"() <{level = 10 : i32, message = "ep_wait_in"}> : () -> ()
            %mul3A_294 = arith.constant 256 : i32
            %mul3A_295 = arith.muli %mul3A_294, %add3A_155 : i32
            %rem3A_296 = arith.constant 2 : i32
            %rem3A_297 = arith.remui %while3A_144, %rem3A_296 : i32
            %dma_wait3A = arith.constant 0 : i32
            %dma_wait3A_298 = arith.constant 0 : i32
            %dma_wait3A_299 = tpu.memref_slice %run_scoped3A[%rem3A_297, %dma_wait3A, %dma_wait3A_298] : memref<2x1x256xi32, #tpu.memory_space<vmem>> -> memref<1x1x256xi32, #tpu.memory_space<vmem>>
            %dma_wait3A_300 = tpu.memref_squeeze %dma_wait3A_299 : memref<1x1x256xi32, #tpu.memory_space<vmem>> -> memref<1x256xi32, #tpu.memory_space<vmem>>
            %dma_wait3A_301 = arith.constant 0 : i32
            %dma_wait3A_302 = tpu.memref_slice %arg3[%dma_wait3A_301, %mul3A_295] : memref<1x69632xi32, #tpu.memory_space<hbm>> -> memref<1x256xi32, #tpu.memory_space<hbm>>
            %dma_wait3A_303 = tpu.memref_slice %run_scoped3A_17[%rem3A_297] : memref<2x!tpu.dma_semaphore, #tpu.memory_space<semaphore_mem>> -> memref<1x!tpu.dma_semaphore, #tpu.memory_space<semaphore_mem>>
            %dma_wait3A_304 = tpu.memref_squeeze %dma_wait3A_303 : memref<1x!tpu.dma_semaphore, #tpu.memory_space<semaphore_mem>> -> memref<!tpu.dma_semaphore, #tpu.memory_space<semaphore_mem>>
            %dma_wait3A_305 = arith.constant 0 : i32
            %dma_wait3A_306 = arith.constant 0 : i32
            %dma_wait3A_307 = tpu.memref_slice %run_scoped3A[%rem3A_297, %dma_wait3A_305, %dma_wait3A_306] : memref<2x1x256xi32, #tpu.memory_space<vmem>> -> memref<1x1x256xi32, #tpu.memory_space<vmem>>
            %dma_wait3A_308 = tpu.memref_squeeze %dma_wait3A_307 : memref<1x1x256xi32, #tpu.memory_space<vmem>> -> memref<1x256xi32, #tpu.memory_space<vmem>>
            %dma_wait3A_309 = arith.constant 0 : i32
            %dma_wait3A_310 = tpu.memref_slice %arg3[%dma_wait3A_309, %mul3A_295] : memref<1x69632xi32, #tpu.memory_space<hbm>> -> memref<1x256xi32, #tpu.memory_space<hbm>>
            tpu.wait_dma2 semaphore(%dma_wait3A_304 : memref<!tpu.dma_semaphore, #tpu.memory_space<semaphore_mem>>) src(%dma_wait3A_310 : memref<1x256xi32, #tpu.memory_space<hbm>>) dst(%dma_wait3A_308 : memref<1x256xi32, #tpu.memory_space<vmem>>)
            "tpu.trace_stop"() : () -> ()
          } else {
          }
          %ne3A_216 = arith.cmpi ne, %add3A_155, %add3A_165 : i32
          %or3A_217 = arith.constant false
          %or3A_218 = arith.ori %or3A_217, %ne3A_216 : i1
          %or3A_219 = arith.constant false
          %or3A_220 = arith.ori %or3A_218, %or3A_219 : i1
          %or3A_221 = arith.ori %or3A_220, %eq3A_151 : i1
          %convert_element_type3A_222 = arith.extui %or3A_221 : i1 to i32
          %cond3A_223 = arith.constant 0 : i32
          %cond3A_224 = arith.cmpi ne, %convert_element_type3A_222, %cond3A_223 : i32
          scf.if %cond3A_224 {
          } else {
          }
          %rem3A_225 = arith.constant 2 : i32
          %rem3A_226 = arith.remui %while3A_144, %rem3A_225 : i32
          %rem3A_227 = arith.constant 2 : i32
          %rem3A_228 = arith.remui %while3A_145, %rem3A_227 : i32
          %run_scoped3A_229 = arith.constant 0 : i32
          "tpu.trace_start"() <{level = 10 : i32, message = "ep_run_kernel"}> : () -> ()
          "tpu.region"() ({
            %run_scoped3A_294 = tpu.sem_alloc : memref<!tpu.dma_semaphore, #tpu.memory_space<semaphore_mem>>
            %dma_start3A_295 = arith.constant 0 : i32
            %dma_start3A_296 = arith.constant 0 : i32
            %dma_start3A_297 = tpu.memref_slice %run_scoped3A_18[%rem3A_228, %dma_start3A_295, %dma_start3A_296] : memref<2x256x128xf32, #tpu.memory_space<vmem>> -> memref<1x256x128xf32, #tpu.memory_space<vmem>>
            %dma_start3A_298 = tpu.memref_squeeze %dma_start3A_297 : memref<1x256x128xf32, #tpu.memory_space<vmem>> -> memref<256x128xf32, #tpu.memory_space<vmem>>
            %dma_start3A_299 = arith.constant 0 : i32
            %dma_start3A_300 = arith.constant 0 : i32
            %dma_start3A_301 = tpu.memref_slice %run_scoped3A[%rem3A_226, %dma_start3A_299, %dma_start3A_300] : memref<2x1x256xi32, #tpu.memory_space<vmem>> -> memref<1x1x256xi32, #tpu.memory_space<vmem>>
            %dma_start3A_302 = tpu.memref_squeeze %dma_start3A_301 : memref<1x1x256xi32, #tpu.memory_space<vmem>> -> memref<1x256xi32, #tpu.memory_space<vmem>>
            %dma_start3A_303 = arith.constant 0 : i32
            %dma_start3A_304 = tpu.memref_slice %dma_start3A_302[%run_scoped3A_229, %dma_start3A_303] : memref<1x256xi32, #tpu.memory_space<vmem>> -> memref<1x256xi32, #tpu.memory_space<vmem>>
            %dma_start3A_305 = tpu.memref_squeeze %dma_start3A_304 : memref<1x256xi32, #tpu.memory_space<vmem>> -> memref<256xi32, #tpu.memory_space<vmem>>
            %dma_start3A_306 = arith.constant 0 : i32
            %dma_start3A_307 = arith.constant 0 : i32
            %dma_start3A_308 = tpu.memref_slice %arg2[%dma_start3A_306, %dma_start3A_307] : memref<4096x128xf32, #tpu.memory_space<hbm>> -> memref<4096x128xf32, #tpu.memory_space<hbm>>
            tpu.enqueue_indirect_dma source(%dma_start3A_308 : memref<4096x128xf32, #tpu.memory_space<hbm>>) target(%dma_start3A_298 : memref<256x128xf32, #tpu.memory_space<vmem>>) offsets(%dma_start3A_305 : memref<256xi32, #tpu.memory_space<vmem>>) semaphore(%run_scoped3A_294 : memref<!tpu.dma_semaphore, #tpu.memory_space<semaphore_mem>>)
            %dma_wait3A = arith.constant 0 : i32
            %dma_wait3A_309 = arith.constant 0 : i32
            %dma_wait3A_310 = tpu.memref_slice %run_scoped3A_18[%rem3A_228, %dma_wait3A, %dma_wait3A_309] : memref<2x256x128xf32, #tpu.memory_space<vmem>> -> memref<1x256x128xf32, #tpu.memory_space<vmem>>
            %dma_wait3A_311 = tpu.memref_squeeze %dma_wait3A_310 : memref<1x256x128xf32, #tpu.memory_space<vmem>> -> memref<256x128xf32, #tpu.memory_space<vmem>>
            %dma_wait3A_312 = arith.constant 0 : i32
            %dma_wait3A_313 = arith.constant 0 : i32
            %dma_wait3A_314 = tpu.memref_slice %run_scoped3A[%rem3A_226, %dma_wait3A_312, %dma_wait3A_313] : memref<2x1x256xi32, #tpu.memory_space<vmem>> -> memref<1x1x256xi32, #tpu.memory_space<vmem>>
            %dma_wait3A_315 = tpu.memref_squeeze %dma_wait3A_314 : memref<1x1x256xi32, #tpu.memory_space<vmem>> -> memref<1x256xi32, #tpu.memory_space<vmem>>
            %dma_wait3A_316 = arith.constant 0 : i32
            %dma_wait3A_317 = tpu.memref_slice %dma_wait3A_315[%run_scoped3A_229, %dma_wait3A_316] : memref<1x256xi32, #tpu.memory_space<vmem>> -> memref<1x256xi32, #tpu.memory_space<vmem>>
            %dma_wait3A_318 = tpu.memref_squeeze %dma_wait3A_317 : memref<1x256xi32, #tpu.memory_space<vmem>> -> memref<256xi32, #tpu.memory_space<vmem>>
            %dma_wait3A_319 = arith.constant 0 : i32
            %dma_wait3A_320 = arith.constant 0 : i32
            %dma_wait3A_321 = tpu.memref_slice %arg2[%dma_wait3A_319, %dma_wait3A_320] : memref<4096x128xf32, #tpu.memory_space<hbm>> -> memref<4096x128xf32, #tpu.memory_space<hbm>>
            tpu.wait_indirect_dma semaphore(%run_scoped3A_294 : memref<!tpu.dma_semaphore, #tpu.memory_space<semaphore_mem>>) src(%dma_wait3A_321 : memref<4096x128xf32, #tpu.memory_space<hbm>>) dst(%dma_wait3A_311 : memref<256x128xf32, #tpu.memory_space<vmem>>)
            tpu.yield
          }) : () -> ()
          "tpu.trace_stop"() : () -> ()
          %ne3A_230 = arith.cmpi ne, %add3A_155, %add3A_173 : i32
          %or3A_231 = arith.constant false
          %or3A_232 = arith.ori %or3A_231, %ne3A_230 : i1
          %or3A_233 = arith.ori %or3A_232, %eq3A_154 : i1
          %convert_element_type3A_234 = arith.extui %or3A_233 : i1 to i32
          %cond3A_235 = arith.constant 0 : i32
          %cond3A_236 = arith.cmpi ne, %convert_element_type3A_234, %cond3A_235 : i32
          scf.if %cond3A_236 {
          } else {
          }
          %and3A_237 = arith.constant false
          %and3A_238 = arith.andi %or3A_233, %and3A_237 : i1
          %ne3A_239 = arith.cmpi ne, %add3A_155, %add3A_173 : i32
          %or3A_240 = arith.constant false
          %or3A_241 = arith.ori %or3A_240, %ne3A_239 : i1
          %or3A_242 = arith.constant false
          %or3A_243 = arith.ori %or3A_241, %or3A_242 : i1
          %or3A_244 = arith.ori %or3A_243, %eq3A_154 : i1
          %convert_element_type3A_245 = arith.extui %or3A_244 : i1 to i32
          %cond3A_246 = arith.constant 0 : i32
          %cond3A_247 = arith.cmpi ne, %convert_element_type3A_245, %cond3A_246 : i32
          scf.if %cond3A_247 {
            "tpu.trace_start"() <{level = 10 : i32, message = "ep_copy_out"}> : () -> ()
            %rem3A_294 = arith.constant 2 : i32
            %rem3A_295 = arith.remui %while3A_145, %rem3A_294 : i32
            %mul3A_296 = arith.constant 256 : i32
            %mul3A_297 = arith.muli %mul3A_296, %add3A_155 : i32
            %dma_start3A_298 = arith.constant 0 : i32
            %dma_start3A_299 = arith.constant 0 : i32
            %dma_start3A_300 = tpu.memref_slice %run_scoped3A_18[%rem3A_295, %dma_start3A_298, %dma_start3A_299] : memref<2x256x128xf32, #tpu.memory_space<vmem>> -> memref<1x256x128xf32, #tpu.memory_space<vmem>>
            %dma_start3A_301 = tpu.memref_squeeze %dma_start3A_300 : memref<1x256x128xf32, #tpu.memory_space<vmem>> -> memref<256x128xf32, #tpu.memory_space<vmem>>
            %dma_start3A_302 = arith.constant 0 : i32
            %dma_start3A_303 = tpu.memref_slice %arg4[%mul3A_297, %dma_start3A_302] : memref<69632x128xf32, #tpu.memory_space<hbm>> -> memref<256x128xf32, #tpu.memory_space<hbm>>
            %dma_start3A_304 = tpu.memref_slice %run_scoped3A_19[%rem3A_295] : memref<2x!tpu.dma_semaphore, #tpu.memory_space<semaphore_mem>> -> memref<1x!tpu.dma_semaphore, #tpu.memory_space<semaphore_mem>>
            %dma_start3A_305 = tpu.memref_squeeze %dma_start3A_304 : memref<1x!tpu.dma_semaphore, #tpu.memory_space<semaphore_mem>> -> memref<!tpu.dma_semaphore, #tpu.memory_space<semaphore_mem>>
            %dma_start3A_306 = arith.constant 0 : i32
            %dma_start3A_307 = tpu.memref_slice %arg4[%mul3A_297, %dma_start3A_306] : memref<69632x128xf32, #tpu.memory_space<hbm>> -> memref<256x128xf32, #tpu.memory_space<hbm>>
            %dma_start3A_308 = arith.constant 0 : i32
            %dma_start3A_309 = arith.constant 0 : i32
            %dma_start3A_310 = tpu.memref_slice %run_scoped3A_18[%rem3A_295, %dma_start3A_308, %dma_start3A_309] : memref<2x256x128xf32, #tpu.memory_space<vmem>> -> memref<1x256x128xf32, #tpu.memory_space<vmem>>
            %dma_start3A_311 = tpu.memref_squeeze %dma_start3A_310 : memref<1x256x128xf32, #tpu.memory_space<vmem>> -> memref<256x128xf32, #tpu.memory_space<vmem>>
            tpu.enqueue_dma source(%dma_start3A_311 : memref<256x128xf32, #tpu.memory_space<vmem>>) target(%dma_start3A_307 : memref<256x128xf32, #tpu.memory_space<hbm>>) target_semaphore(%dma_start3A_305 : memref<!tpu.dma_semaphore, #tpu.memory_space<semaphore_mem>>)
            "tpu.trace_stop"() : () -> ()
          } else {
          }
          %and3A_248 = arith.constant true
          %and3A_249 = arith.andi %or3A_244, %and3A_248 : i1
          %add3A_250 = arith.constant 1 : i32
          %add3A_251 = arith.addi %while3A_145, %add3A_250 : i32
          %select_n3A_252 = arith.select %and3A_249, %add3A_251, %while3A_145 : i32
          %ne3A_253 = arith.cmpi ne, %add3A_155, %add3A_165 : i32
          %or3A_254 = arith.constant false
          %or3A_255 = arith.ori %or3A_254, %ne3A_253 : i1
          %not3A_256 = arith.constant true
          %not3A_257 = arith.xori %eq3A_151, %not3A_256 : i1
          %and3A_258 = arith.andi %or3A_255, %not3A_257 : i1
          %convert_element_type3A_259 = arith.extui %and3A_258 : i1 to i32
          %cond3A_260 = arith.constant 0 : i32
          %cond3A_261 = arith.cmpi ne, %convert_element_type3A_259, %cond3A_260 : i32
          scf.if %cond3A_261 {
          } else {
          }
          %and3A_262 = arith.constant false
          %and3A_263 = arith.andi %and3A_258, %and3A_262 : i1
          %ne3A_264 = arith.cmpi ne, %add3A_155, %add3A_165 : i32
          %or3A_265 = arith.constant false
          %or3A_266 = arith.ori %or3A_265, %ne3A_264 : i1
          %or3A_267 = arith.constant false
          %or3A_268 = arith.ori %or3A_266, %or3A_267 : i1
          %not3A_269 = arith.constant true
          %not3A_270 = arith.xori %eq3A_151, %not3A_269 : i1
          %and3A_271 = arith.andi %or3A_268, %not3A_270 : i1
          %convert_element_type3A_272 = arith.extui %and3A_271 : i1 to i32
          %cond3A_273 = arith.constant 0 : i32
          %cond3A_274 = arith.cmpi ne, %convert_element_type3A_272, %cond3A_273 : i32
          scf.if %cond3A_274 {
            "tpu.trace_start"() <{level = 10 : i32, message = "ep_wait_out"}> : () -> ()
            %rem3A_294 = arith.constant 2 : i32
            %rem3A_295 = arith.remui %while3A_146, %rem3A_294 : i32
            %mul3A_296 = arith.constant 256 : i32
            %mul3A_297 = arith.muli %mul3A_296, %add3A_165 : i32
            %dma_wait3A = arith.constant 0 : i32
            %dma_wait3A_298 = arith.constant 0 : i32
            %dma_wait3A_299 = tpu.memref_slice %run_scoped3A_18[%rem3A_295, %dma_wait3A, %dma_wait3A_298] : memref<2x256x128xf32, #tpu.memory_space<vmem>> -> memref<1x256x128xf32, #tpu.memory_space<vmem>>
            %dma_wait3A_300 = tpu.memref_squeeze %dma_wait3A_299 : memref<1x256x128xf32, #tpu.memory_space<vmem>> -> memref<256x128xf32, #tpu.memory_space<vmem>>
            %dma_wait3A_301 = arith.constant 0 : i32
            %dma_wait3A_302 = tpu.memref_slice %arg4[%mul3A_297, %dma_wait3A_301] : memref<69632x128xf32, #tpu.memory_space<hbm>> -> memref<256x128xf32, #tpu.memory_space<hbm>>
            %dma_wait3A_303 = tpu.memref_slice %run_scoped3A_19[%rem3A_295] : memref<2x!tpu.dma_semaphore, #tpu.memory_space<semaphore_mem>> -> memref<1x!tpu.dma_semaphore, #tpu.memory_space<semaphore_mem>>
            %dma_wait3A_304 = tpu.memref_squeeze %dma_wait3A_303 : memref<1x!tpu.dma_semaphore, #tpu.memory_space<semaphore_mem>> -> memref<!tpu.dma_semaphore, #tpu.memory_space<semaphore_mem>>
            %dma_wait3A_305 = arith.constant 0 : i32
            %dma_wait3A_306 = tpu.memref_slice %arg4[%mul3A_297, %dma_wait3A_305] : memref<69632x128xf32, #tpu.memory_space<hbm>> -> memref<256x128xf32, #tpu.memory_space<hbm>>
            %dma_wait3A_307 = arith.constant 0 : i32
            %dma_wait3A_308 = arith.constant 0 : i32
            %dma_wait3A_309 = tpu.memref_slice %run_scoped3A_18[%rem3A_295, %dma_wait3A_307, %dma_wait3A_308] : memref<2x256x128xf32, #tpu.memory_space<vmem>> -> memref<1x256x128xf32, #tpu.memory_space<vmem>>
            %dma_wait3A_310 = tpu.memref_squeeze %dma_wait3A_309 : memref<1x256x128xf32, #tpu.memory_space<vmem>> -> memref<256x128xf32, #tpu.memory_space<vmem>>
            tpu.wait_dma2 semaphore(%dma_wait3A_304 : memref<!tpu.dma_semaphore, #tpu.memory_space<semaphore_mem>>) src(%dma_wait3A_310 : memref<256x128xf32, #tpu.memory_space<vmem>>) dst(%dma_wait3A_306 : memref<256x128xf32, #tpu.memory_space<hbm>>)
            "tpu.trace_stop"() : () -> ()
          } else {
          }
          %and3A_275 = arith.constant true
          %and3A_276 = arith.andi %and3A_271, %and3A_275 : i1
          %add3A_277 = arith.constant 1 : i32
          %add3A_278 = arith.addi %while3A_146, %add3A_277 : i32
          %select_n3A_279 = arith.select %and3A_276, %add3A_278, %while3A_146 : i32
          %ne3A_280 = arith.cmpi ne, %add3A_155, %add3A_173 : i32
          %or3A_281 = arith.constant false
          %or3A_282 = arith.ori %or3A_281, %ne3A_280 : i1
          %or3A_283 = arith.ori %or3A_282, %eq3A_154 : i1
          %add3A_284 = arith.constant 1 : i32
          %add3A_285 = arith.addi %while3A_144, %add3A_284 : i32
          %select_n3A_286 = arith.select %or3A_283, %add3A_285, %while3A_144 : i32
          %add3A_287 = arith.constant 1 : i32
          %add3A_288 = arith.addi %while3A_147, %add3A_287 : i32
          %select_n3A_289 = arith.constant true
          %select_n3A_290 = arith.select %select_n3A_289, %add3A_288, %while3A_147 : i32
          %eq3A_291 = arith.cmpi eq, %select_n3A_290, %select_n3A : i32
          %select_n3A_292 = arith.constant 0 : i32
          %select_n3A_293 = arith.select %eq3A_291, %select_n3A_292, %select_n3A_290 : i32
          scf.yield %select_n3A_195, %select_n3A_286, %select_n3A_252, %select_n3A_279, %select_n3A_293 : i32, i32, i32, i32, i32
        }
        %sub3A_91 = arith.constant 1 : i32
        %sub3A_92 = arith.subi %while3A_90#4, %sub3A_91 : i32
        %select_n3A_93 = arith.constant true
        %select_n3A_94 = arith.select %select_n3A_93, %sub3A_92, %while3A_90#4 : i32
        %eq3A_95 = arith.constant -1 : i32
        %eq3A_96 = arith.cmpi eq, %select_n3A_94, %eq3A_95 : i32
        %sub3A_97 = arith.constant 1 : i32
        %sub3A_98 = arith.subi %select_n3A, %sub3A_97 : i32
        %select_n3A_99 = arith.select %eq3A_96, %sub3A_98, %select_n3A_94 : i32
        %sub3A_100 = arith.constant 1 : i32
        %sub3A_101 = arith.subi %mul3A_16, %sub3A_100 : i32
        %mul3A_102 = arith.constant 1 : i32
        %mul3A_103 = arith.muli %mul3A_102, %select_n3A : i32
        %eq3A_104 = arith.constant 0 : i32
        %eq3A_105 = arith.cmpi eq, %sub3A_101, %eq3A_104 : i32
        %sub3A_106 = arith.constant 1 : i32
        %sub3A_107 = arith.subi %mul3A_103, %sub3A_106 : i32
        %eq3A_108 = arith.cmpi eq, %sub3A_101, %sub3A_107 : i32
        %add3A_109 = arith.addi %select_n3A_99, %select_n3A_14 : i32
        %sub3A_110 = arith.constant 1 : i32
        %sub3A_111 = arith.subi %select_n3A_99, %sub3A_110 : i32
        %select_n3A_112 = arith.constant true
        %select_n3A_113 = arith.select %select_n3A_112, %sub3A_111, %select_n3A_99 : i32
        %eq3A_114 = arith.constant -1 : i32
        %eq3A_115 = arith.cmpi eq, %select_n3A_113, %eq3A_114 : i32
        %sub3A_116 = arith.constant 1 : i32
        %sub3A_117 = arith.subi %select_n3A, %sub3A_116 : i32
        %select_n3A_118 = arith.select %eq3A_115, %sub3A_117, %select_n3A_113 : i32
        %add3A_119 = arith.addi %select_n3A_118, %select_n3A_14 : i32
        %add3A_120 = arith.constant 1 : i32
        %add3A_121 = arith.addi %select_n3A_99, %add3A_120 : i32
        %select_n3A_122 = arith.constant true
        %select_n3A_123 = arith.select %select_n3A_122, %add3A_121, %select_n3A_99 : i32
        %eq3A_124 = arith.cmpi eq, %select_n3A_123, %select_n3A : i32
        %select_n3A_125 = arith.constant 0 : i32
        %select_n3A_126 = arith.select %eq3A_124, %select_n3A_125, %select_n3A_123 : i32
        %add3A_127 = arith.addi %select_n3A_126, %select_n3A_14 : i32
        %add3A_128 = arith.constant 1 : i32
        %add3A_129 = arith.addi %select_n3A_126, %add3A_128 : i32
        %select_n3A_130 = arith.constant true
        %select_n3A_131 = arith.select %select_n3A_130, %add3A_129, %select_n3A_126 : i32
        %eq3A_132 = arith.cmpi eq, %select_n3A_131, %select_n3A : i32
        %select_n3A_133 = arith.constant 0 : i32
        %select_n3A_134 = arith.select %eq3A_132, %select_n3A_133, %select_n3A_131 : i32
        %add3A_135 = arith.addi %select_n3A_134, %select_n3A_14 : i32
        %convert_element_type3A_136 = arith.extui %eq3A_108 : i1 to i32
        %cond3A_137 = arith.constant 0 : i32
        %cond3A_138 = arith.cmpi ne, %convert_element_type3A_136, %cond3A_137 : i32
        scf.if %cond3A_138 {
        } else {
        }
        %convert_element_type3A_139 = arith.extui %eq3A_108 : i1 to i32
        %cond3A_140 = arith.constant 0 : i32
        %cond3A_141 = arith.cmpi ne, %convert_element_type3A_139, %cond3A_140 : i32
        scf.if %cond3A_141 {
          "tpu.trace_start"() <{level = 10 : i32, message = "ep_finalize"}> : () -> ()
          %rem3A_142 = arith.constant 2 : i32
          %rem3A_143 = arith.remui %while3A_90#3, %rem3A_142 : i32
          %mul3A_144 = arith.constant 256 : i32
          %mul3A_145 = arith.muli %mul3A_144, %add3A_109 : i32
          %dma_wait3A = arith.constant 0 : i32
          %dma_wait3A_146 = arith.constant 0 : i32
          %dma_wait3A_147 = tpu.memref_slice %run_scoped3A_18[%rem3A_143, %dma_wait3A, %dma_wait3A_146] : memref<2x256x128xf32, #tpu.memory_space<vmem>> -> memref<1x256x128xf32, #tpu.memory_space<vmem>>
          %dma_wait3A_148 = tpu.memref_squeeze %dma_wait3A_147 : memref<1x256x128xf32, #tpu.memory_space<vmem>> -> memref<256x128xf32, #tpu.memory_space<vmem>>
          %dma_wait3A_149 = arith.constant 0 : i32
          %dma_wait3A_150 = tpu.memref_slice %arg4[%mul3A_145, %dma_wait3A_149] : memref<69632x128xf32, #tpu.memory_space<hbm>> -> memref<256x128xf32, #tpu.memory_space<hbm>>
          %dma_wait3A_151 = tpu.memref_slice %run_scoped3A_19[%rem3A_143] : memref<2x!tpu.dma_semaphore, #tpu.memory_space<semaphore_mem>> -> memref<1x!tpu.dma_semaphore, #tpu.memory_space<semaphore_mem>>
          %dma_wait3A_152 = tpu.memref_squeeze %dma_wait3A_151 : memref<1x!tpu.dma_semaphore, #tpu.memory_space<semaphore_mem>> -> memref<!tpu.dma_semaphore, #tpu.memory_space<semaphore_mem>>
          %dma_wait3A_153 = arith.constant 0 : i32
          %dma_wait3A_154 = tpu.memref_slice %arg4[%mul3A_145, %dma_wait3A_153] : memref<69632x128xf32, #tpu.memory_space<hbm>> -> memref<256x128xf32, #tpu.memory_space<hbm>>
          %dma_wait3A_155 = arith.constant 0 : i32
          %dma_wait3A_156 = arith.constant 0 : i32
          %dma_wait3A_157 = tpu.memref_slice %run_scoped3A_18[%rem3A_143, %dma_wait3A_155, %dma_wait3A_156] : memref<2x256x128xf32, #tpu.memory_space<vmem>> -> memref<1x256x128xf32, #tpu.memory_space<vmem>>
          %dma_wait3A_158 = tpu.memref_squeeze %dma_wait3A_157 : memref<1x256x128xf32, #tpu.memory_space<vmem>> -> memref<256x128xf32, #tpu.memory_space<vmem>>
          tpu.wait_dma2 semaphore(%dma_wait3A_152 : memref<!tpu.dma_semaphore, #tpu.memory_space<semaphore_mem>>) src(%dma_wait3A_158 : memref<256x128xf32, #tpu.memory_space<vmem>>) dst(%dma_wait3A_154 : memref<256x128xf32, #tpu.memory_space<hbm>>)
          "tpu.trace_stop"() : () -> ()
        } else {
        }
      } else {
      }
      tpu.yield
    }) : () -> ()
    return
  }
}

#map = affine_map<(d0, d1) -> (0, 0)>
module attributes {stable_mosaic.version = 14 : i64} {
  func.func @k(%arg0: i32, %arg1: i32, %arg2: memref<4096x128xf32, #tpu.memory_space<hbm>>, %arg3: memref<1x69632xi32, #tpu.memory_space<hbm>>, %arg4: memref<69632x128xf32, #tpu.memory_space<hbm>>) attributes {dimension_semantics = [#tpu.dimension_semantics<core_parallel>, #tpu.dimension_semantics<subcore_parallel>], iteration_bounds = array<i64: 2, 16>, scalar_prefetch = 0 : i64, scratch_operands = 0 : i64, tpu.core_type = #tpu.core_type<sc_vector_subcore>, window_params = [{transform_indices = #map}, {transform_indices = #map}, {transform_indices = #map}]} {
    %mul3A = arith.constant 1 : i32
    %mul3A_0 = arith.muli %arg1, %mul3A : i32
    %add3A = arith.constant 0 : i32
    %add3A_1 = arith.addi %add3A, %mul3A_0 : i32
    %mul3A_2 = arith.constant 16 : i32
    %mul3A_3 = arith.muli %arg0, %mul3A_2 : i32
    %add3A_4 = arith.addi %add3A_1, %mul3A_3 : i32
    %lt3A = arith.constant 16 : i32
    %lt3A_5 = arith.cmpi slt, %add3A_4, %lt3A : i32
    %jit3A = arith.constant 9 : i32
    %jit3A_6 = arith.constant 8 : i32
    %select_n3A = arith.select %lt3A_5, %jit3A, %jit3A_6 : i32
    %lt3A_7 = arith.constant 16 : i32
    %lt3A_8 = arith.cmpi slt, %add3A_4, %lt3A_7 : i32
    %mul3A_9 = arith.muli %add3A_4, %select_n3A : i32
    %mul3A_10 = arith.constant 8 : i32
    %mul3A_11 = arith.muli %add3A_4, %mul3A_10 : i32
    %add3A_12 = arith.constant 16 : i32
    %add3A_13 = arith.addi %mul3A_11, %add3A_12 : i32
    %select_n3A_14 = arith.select %lt3A_8, %mul3A_9, %add3A_13 : i32
    %mul3A_15 = arith.constant 1 : i32
    %mul3A_16 = arith.muli %mul3A_15, %select_n3A : i32
    "tpu.region"() ({
      %run_scoped3A = memref.alloca() : memref<2x1x256xi32, #tpu.memory_space<vmem>>
      %run_scoped3A_17 = tpu.sem_alloc : memref<2x!tpu.dma_semaphore, #tpu.memory_space<semaphore_mem>>
      %run_scoped3A_18 = memref.alloca() : memref<2x256x128xf32, #tpu.memory_space<vmem>>
      %run_scoped3A_19 = tpu.sem_alloc : memref<2x!tpu.dma_semaphore, #tpu.memory_space<semaphore_mem>>
      %gt3A = arith.constant 0 : i32
      %gt3A_20 = arith.cmpi sgt, %mul3A_16, %gt3A : i32
      %convert_element_type3A = arith.extui %gt3A_20 : i1 to i32
      %cond3A = arith.constant 0 : i32
      %cond3A_21 = arith.cmpi ne, %convert_element_type3A, %cond3A : i32
      scf.if %cond3A_21 {
        %mul3A_22 = arith.constant 1 : i32
        %mul3A_23 = arith.muli %mul3A_22, %select_n3A : i32
        %sub3A = arith.constant 1 : i32
        %sub3A_24 = arith.subi %mul3A_23, %sub3A : i32
        %eq3A = arith.constant 0 : i32
        %eq3A_25 = arith.cmpi eq, %sub3A_24, %eq3A : i32
        %add3A_26 = arith.constant 0 : i32
        %add3A_27 = arith.addi %add3A_26, %select_n3A_14 : i32
        %select_n3A_28 = arith.constant true
        %select_n3A_29 = arith.constant 0 : i32
        %select_n3A_30 = arith.constant -1 : i32
        %select_n3A_31 = arith.select %select_n3A_28, %select_n3A_30, %select_n3A_29 : i32
        %eq3A_32 = arith.constant -1 : i32
        %eq3A_33 = arith.cmpi eq, %select_n3A_31, %eq3A_32 : i32
        %sub3A_34 = arith.constant 1 : i32
        %sub3A_35 = arith.subi %select_n3A, %sub3A_34 : i32
        %select_n3A_36 = arith.select %eq3A_33, %sub3A_35, %select_n3A_31 : i32
        %add3A_37 = arith.addi %select_n3A_36, %select_n3A_14 : i32
        %select_n3A_38 = arith.constant true
        %select_n3A_39 = arith.constant 0 : i32
        %select_n3A_40 = arith.constant 1 : i32
        %select_n3A_41 = arith.select %select_n3A_38, %select_n3A_40, %select_n3A_39 : i32
        %eq3A_42 = arith.cmpi eq, %select_n3A_41, %select_n3A : i32
        %select_n3A_43 = arith.constant 0 : i32
        %select_n3A_44 = arith.select %eq3A_42, %select_n3A_43, %select_n3A_41 : i32
        %add3A_45 = arith.addi %select_n3A_44, %select_n3A_14 : i32
        %add3A_46 = arith.constant 1 : i32
        %add3A_47 = arith.addi %select_n3A_44, %add3A_46 : i32
        %select_n3A_48 = arith.constant true
        %select_n3A_49 = arith.select %select_n3A_48, %add3A_47, %select_n3A_44 : i32
        %eq3A_50 = arith.cmpi eq, %select_n3A_49, %select_n3A : i32
        %select_n3A_51 = arith.constant 0 : i32
        %select_n3A_52 = arith.select %eq3A_50, %select_n3A_51, %select_n3A_49 : i32
        %add3A_53 = arith.addi %select_n3A_52, %select_n3A_14 : i32
        "tpu.trace_start"() <{level = 10 : i32, message = "ep_initialize_0"}> : () -> ()
        %rem3A = arith.constant 0 : i32
        %rem3A_54 = arith.constant 2 : i32
        %rem3A_55 = arith.remui %rem3A, %rem3A_54 : i32
        %mul3A_56 = arith.constant 256 : i32
        %mul3A_57 = arith.muli %mul3A_56, %add3A_27 : i32
        %dma_start3A = arith.constant 0 : i32
        %dma_start3A_58 = arith.constant 0 : i32
        %dma_start3A_59 = tpu.memref_slice %run_scoped3A[%rem3A_55, %dma_start3A, %dma_start3A_58] : memref<2x1x256xi32, #tpu.memory_space<vmem>> -> memref<1x1x256xi32, #tpu.memory_space<vmem>>
        %dma_start3A_60 = tpu.memref_squeeze %dma_start3A_59 : memref<1x1x256xi32, #tpu.memory_space<vmem>> -> memref<1x256xi32, #tpu.memory_space<vmem>>
        %dma_start3A_61 = arith.constant 0 : i32
        %dma_start3A_62 = tpu.memref_slice %arg3[%dma_start3A_61, %mul3A_57] : memref<1x69632xi32, #tpu.memory_space<hbm>> -> memref<1x256xi32, #tpu.memory_space<hbm>>
        %dma_start3A_63 = tpu.memref_slice %run_scoped3A_17[%rem3A_55] : memref<2x!tpu.dma_semaphore, #tpu.memory_space<semaphore_mem>> -> memref<1x!tpu.dma_semaphore, #tpu.memory_space<semaphore_mem>>
        %dma_start3A_64 = tpu.memref_squeeze %dma_start3A_63 : memref<1x!tpu.dma_semaphore, #tpu.memory_space<semaphore_mem>> -> memref<!tpu.dma_semaphore, #tpu.memory_space<semaphore_mem>>
        %dma_start3A_65 = arith.constant 0 : i32
        %dma_start3A_66 = arith.constant 0 : i32
        %dma_start3A_67 = tpu.memref_slice %run_scoped3A[%rem3A_55, %dma_start3A_65, %dma_start3A_66] : memref<2x1x256xi32, #tpu.memory_space<vmem>> -> memref<1x1x256xi32, #tpu.memory_space<vmem>>
        %dma_start3A_68 = tpu.memref_squeeze %dma_start3A_67 : memref<1x1x256xi32, #tpu.memory_space<vmem>> -> memref<1x256xi32, #tpu.memory_space<vmem>>
        %dma_start3A_69 = arith.constant 0 : i32
        %dma_start3A_70 = tpu.memref_slice %arg3[%dma_start3A_69, %mul3A_57] : memref<1x69632xi32, #tpu.memory_space<hbm>> -> memref<1x256xi32, #tpu.memory_space<hbm>>
        tpu.enqueue_dma source(%dma_start3A_70 : memref<1x256xi32, #tpu.memory_space<hbm>>) target(%dma_start3A_68 : memref<1x256xi32, #tpu.memory_space<vmem>>) target_semaphore(%dma_start3A_64 : memref<!tpu.dma_semaphore, #tpu.memory_space<semaphore_mem>>)
        %add3A_71 = arith.constant 0 : i32
        %add3A_72 = arith.constant 1 : i32
        %add3A_73 = arith.addi %add3A_71, %add3A_72 : i32
        %select_n3A_74 = arith.constant true
        %select_n3A_75 = arith.constant 0 : i32
        %select_n3A_76 = arith.select %select_n3A_74, %add3A_73, %select_n3A_75 : i32
        %while3A = arith.constant 0 : i32
        %while3A_77 = arith.constant 0 : i32
        %while3A_78 = arith.constant 0 : i32
        %while3A_79 = arith.constant 0 : i32
        %while3A_80 = arith.constant 0 : i32
        "tpu.trace_stop"() : () -> ()
        %while3A_81 = arith.subi %mul3A_16, %while3A : i32
        %while3A_82 = arith.addi %while3A, %while3A_81 : i32
        %while3A_83 = arith.constant 1 : i32
        %while3A_84 = arith.divsi %while3A_81, %while3A_83 : i32
        %while3A_85 = arith.muli %while3A_84, %while3A_83 : i32
        %while3A_86 = arith.addi %while3A, %while3A_85 : i32
        %while3A_87 = arith.constant 1 : i32
        %while3A_88:5 = scf.for %while3A_142 = %while3A to %while3A_86 step %while3A_87 iter_args(%while3A_143 = %select_n3A_76, %while3A_144 = %while3A_77, %while3A_145 = %while3A_78, %while3A_146 = %while3A_79, %while3A_147 = %while3A_80) -> (i32, i32, i32, i32, i32)  : i32 {
          %mul3A_148 = arith.constant 1 : i32
          %mul3A_149 = arith.muli %mul3A_148, %select_n3A : i32
          %eq3A_150 = arith.constant 0 : i32
          %eq3A_151 = arith.cmpi eq, %while3A_142, %eq3A_150 : i32
          %sub3A_152 = arith.constant 1 : i32
          %sub3A_153 = arith.subi %mul3A_149, %sub3A_152 : i32
          %eq3A_154 = arith.cmpi eq, %while3A_142, %sub3A_153 : i32
          %add3A_155 = arith.addi %while3A_147, %select_n3A_14 : i32
          %sub3A_156 = arith.constant 1 : i32
          %sub3A_157 = arith.subi %while3A_147, %sub3A_156 : i32
          %select_n3A_158 = arith.constant true
          %select_n3A_159 = arith.select %select_n3A_158, %sub3A_157, %while3A_147 : i32
          %eq3A_160 = arith.constant -1 : i32
          %eq3A_161 = arith.cmpi eq, %select_n3A_159, %eq3A_160 : i32
          %sub3A_162 = arith.constant 1 : i32
          %sub3A_163 = arith.subi %select_n3A, %sub3A_162 : i32
          %select_n3A_164 = arith.select %eq3A_161, %sub3A_163, %select_n3A_159 : i32
          %add3A_165 = arith.addi %select_n3A_164, %select_n3A_14 : i32
          %add3A_166 = arith.constant 1 : i32
          %add3A_167 = arith.addi %while3A_147, %add3A_166 : i32
          %select_n3A_168 = arith.constant true
          %select_n3A_169 = arith.select %select_n3A_168, %add3A_167, %while3A_147 : i32
          %eq3A_170 = arith.cmpi eq, %select_n3A_169, %select_n3A : i32
          %select_n3A_171 = arith.constant 0 : i32
          %select_n3A_172 = arith.select %eq3A_170, %select_n3A_171, %select_n3A_169 : i32
          %add3A_173 = arith.addi %select_n3A_172, %select_n3A_14 : i32
          %add3A_174 = arith.constant 1 : i32
          %add3A_175 = arith.addi %select_n3A_172, %add3A_174 : i32
          %select_n3A_176 = arith.constant true
          %select_n3A_177 = arith.select %select_n3A_176, %add3A_175, %select_n3A_172 : i32
          %eq3A_178 = arith.cmpi eq, %select_n3A_177, %select_n3A : i32
          %select_n3A_179 = arith.constant 0 : i32
          %select_n3A_180 = arith.select %eq3A_178, %select_n3A_179, %select_n3A_177 : i32
          %add3A_181 = arith.addi %select_n3A_180, %select_n3A_14 : i32
          %ne3A = arith.cmpi ne, %add3A_155, %add3A_173 : i32
          %or3A = arith.constant false
          %or3A_182 = arith.ori %or3A, %ne3A : i1
          %sub3A_183 = arith.constant 2 : i32
          %sub3A_184 = arith.subi %mul3A_149, %sub3A_183 : i32
          %add3A_185 = arith.constant 1 : i32
          %add3A_186 = arith.addi %sub3A_184, %add3A_185 : i32
          %ge3A = arith.cmpi sge, %while3A_142, %add3A_186 : i32
          %not3A = arith.constant true
          %not3A_187 = arith.xori %ge3A, %not3A : i1
          %and3A = arith.andi %or3A_182, %not3A_187 : i1
          %convert_element_type3A_188 = arith.extui %and3A : i1 to i32
          %cond3A_189 = arith.constant 0 : i32
          %cond3A_190 = arith.cmpi ne, %convert_element_type3A_188, %cond3A_189 : i32
          scf.if %cond3A_190 {
            "tpu.trace_start"() <{level = 10 : i32, message = "ep_copy_in"}> : () -> ()
            %rem3A_294 = arith.constant 2 : i32
            %rem3A_295 = arith.remui %while3A_143, %rem3A_294 : i32
            %mul3A_296 = arith.constant 256 : i32
            %mul3A_297 = arith.muli %mul3A_296, %add3A_173 : i32
            %dma_start3A_298 = arith.constant 0 : i32
            %dma_start3A_299 = arith.constant 0 : i32
            %dma_start3A_300 = tpu.memref_slice %run_scoped3A[%rem3A_295, %dma_start3A_298, %dma_start3A_299] : memref<2x1x256xi32, #tpu.memory_space<vmem>> -> memref<1x1x256xi32, #tpu.memory_space<vmem>>
            %dma_start3A_301 = tpu.memref_squeeze %dma_start3A_300 : memref<1x1x256xi32, #tpu.memory_space<vmem>> -> memref<1x256xi32, #tpu.memory_space<vmem>>
            %dma_start3A_302 = arith.constant 0 : i32
            %dma_start3A_303 = tpu.memref_slice %arg3[%dma_start3A_302, %mul3A_297] : memref<1x69632xi32, #tpu.memory_space<hbm>> -> memref<1x256xi32, #tpu.memory_space<hbm>>
            %dma_start3A_304 = tpu.memref_slice %run_scoped3A_17[%rem3A_295] : memref<2x!tpu.dma_semaphore, #tpu.memory_space<semaphore_mem>> -> memref<1x!tpu.dma_semaphore, #tpu.memory_space<semaphore_mem>>
            %dma_start3A_305 = tpu.memref_squeeze %dma_start3A_304 : memref<1x!tpu.dma_semaphore, #tpu.memory_space<semaphore_mem>> -> memref<!tpu.dma_semaphore, #tpu.memory_space<semaphore_mem>>
            %dma_start3A_306 = arith.constant 0 : i32
            %dma_start3A_307 = arith.constant 0 : i32
            %dma_start3A_308 = tpu.memref_slice %run_scoped3A[%rem3A_295, %dma_start3A_306, %dma_start3A_307] : memref<2x1x256xi32, #tpu.memory_space<vmem>> -> memref<1x1x256xi32, #tpu.memory_space<vmem>>
            %dma_start3A_309 = tpu.memref_squeeze %dma_start3A_308 : memref<1x1x256xi32, #tpu.memory_space<vmem>> -> memref<1x256xi32, #tpu.memory_space<vmem>>
            %dma_start3A_310 = arith.constant 0 : i32
            %dma_start3A_311 = tpu.memref_slice %arg3[%dma_start3A_310, %mul3A_297] : memref<1x69632xi32, #tpu.memory_space<hbm>> -> memref<1x256xi32, #tpu.memory_space<hbm>>
            tpu.enqueue_dma source(%dma_start3A_311 : memref<1x256xi32, #tpu.memory_space<hbm>>) target(%dma_start3A_309 : memref<1x256xi32, #tpu.memory_space<vmem>>) target_semaphore(%dma_start3A_305 : memref<!tpu.dma_semaphore, #tpu.memory_space<semaphore_mem>>)
            "tpu.trace_stop"() : () -> ()
          } else {
          }
          %and3A_191 = arith.constant true
          %and3A_192 = arith.andi %and3A, %and3A_191 : i1
          %add3A_193 = arith.constant 1 : i32
          %add3A_194 = arith.addi %while3A_143, %add3A_193 : i32
          %select_n3A_195 = arith.select %and3A_192, %add3A_194, %while3A_143 : i32
          %ne3A_196 = arith.cmpi ne, %add3A_155, %add3A_173 : i32
          %or3A_197 = arith.constant false
          %or3A_198 = arith.ori %or3A_197, %ne3A_196 : i1
          %or3A_199 = arith.constant false
          %or3A_200 = arith.ori %or3A_198, %or3A_199 : i1
          %sub3A_201 = arith.constant 2 : i32
          %sub3A_202 = arith.subi %mul3A_149, %sub3A_201 : i32
          %add3A_203 = arith.constant 1 : i32
          %add3A_204 = arith.addi %sub3A_202, %add3A_203 : i32
          %ge3A_205 = arith.cmpi sge, %while3A_142, %add3A_204 : i32
          %not3A_206 = arith.constant true
          %not3A_207 = arith.xori %ge3A_205, %not3A_206 : i1
          %and3A_208 = arith.andi %or3A_200, %not3A_207 : i1
          %ne3A_209 = arith.cmpi ne, %add3A_155, %add3A_165 : i32
          %or3A_210 = arith.constant false
          %or3A_211 = arith.ori %or3A_210, %ne3A_209 : i1
          %or3A_212 = arith.ori %or3A_211, %eq3A_151 : i1
          %convert_element_type3A_213 = arith.extui %or3A_212 : i1 to i32
          %cond3A_214 = arith.constant 0 : i32
          %cond3A_215 = arith.cmpi ne, %convert_element_type3A_213, %cond3A_214 : i32
          scf.if %cond3A_215 {
            "tpu.trace_start"() <{level = 10 : i32, message = "ep_wait_in"}> : () -> ()
            %mul3A_294 = arith.constant 256 : i32
            %mul3A_295 = arith.muli %mul3A_294, %add3A_155 : i32
            %rem3A_296 = arith.constant 2 : i32
            %rem3A_297 = arith.remui %while3A_144, %rem3A_296 : i32
            %dma_wait3A = arith.constant 0 : i32
            %dma_wait3A_298 = arith.constant 0 : i32
            %dma_wait3A_299 = tpu.memref_slice %run_scoped3A[%rem3A_297, %dma_wait3A, %dma_wait3A_298] : memref<2x1x256xi32, #tpu.memory_space<vmem>> -> memref<1x1x256xi32, #tpu.memory_space<vmem>>
            %dma_wait3A_300 = tpu.memref_squeeze %dma_wait3A_299 : memref<1x1x256xi32, #tpu.memory_space<vmem>> -> memref<1x256xi32, #tpu.memory_space<vmem>>
            %dma_wait3A_301 = arith.constant 0 : i32
            %dma_wait3A_302 = tpu.memref_slice %arg3[%dma_wait3A_301, %mul3A_295] : memref<1x69632xi32, #tpu.memory_space<hbm>> -> memref<1x256xi32, #tpu.memory_space<hbm>>
            %dma_wait3A_303 = tpu.memref_slice %run_scoped3A_17[%rem3A_297] : memref<2x!tpu.dma_semaphore, #tpu.memory_space<semaphore_mem>> -> memref<1x!tpu.dma_semaphore, #tpu.memory_space<semaphore_mem>>
            %dma_wait3A_304 = tpu.memref_squeeze %dma_wait3A_303 : memref<1x!tpu.dma_semaphore, #tpu.memory_space<semaphore_mem>> -> memref<!tpu.dma_semaphore, #tpu.memory_space<semaphore_mem>>
            %dma_wait3A_305 = arith.constant 0 : i32
            %dma_wait3A_306 = arith.constant 0 : i32
            %dma_wait3A_307 = tpu.memref_slice %run_scoped3A[%rem3A_297, %dma_wait3A_305, %dma_wait3A_306] : memref<2x1x256xi32, #tpu.memory_space<vmem>> -> memref<1x1x256xi32, #tpu.memory_space<vmem>>
            %dma_wait3A_308 = tpu.memref_squeeze %dma_wait3A_307 : memref<1x1x256xi32, #tpu.memory_space<vmem>> -> memref<1x256xi32, #tpu.memory_space<vmem>>
            %dma_wait3A_309 = arith.constant 0 : i32
            %dma_wait3A_310 = tpu.memref_slice %arg3[%dma_wait3A_309, %mul3A_295] : memref<1x69632xi32, #tpu.memory_space<hbm>> -> memref<1x256xi32, #tpu.memory_space<hbm>>
            tpu.wait_dma2 semaphore(%dma_wait3A_304 : memref<!tpu.dma_semaphore, #tpu.memory_space<semaphore_mem>>) src(%dma_wait3A_310 : memref<1x256xi32, #tpu.memory_space<hbm>>) dst(%dma_wait3A_308 : memref<1x256xi32, #tpu.memory_space<vmem>>)
            "tpu.trace_stop"() : () -> ()
          } else {
          }
          %ne3A_216 = arith.cmpi ne, %add3A_155, %add3A_165 : i32
          %or3A_217 = arith.constant false
          %or3A_218 = arith.ori %or3A_217, %ne3A_216 : i1
          %or3A_219 = arith.constant false
          %or3A_220 = arith.ori %or3A_218, %or3A_219 : i1
          %or3A_221 = arith.ori %or3A_220, %eq3A_151 : i1
          %convert_element_type3A_222 = arith.extui %or3A_221 : i1 to i32
          %cond3A_223 = arith.constant 0 : i32
          %cond3A_224 = arith.cmpi ne, %convert_element_type3A_222, %cond3A_223 : i32
          scf.if %cond3A_224 {
          } else {
          }
          %rem3A_225 = arith.constant 2 : i32
          %rem3A_226 = arith.remui %while3A_144, %rem3A_225 : i32
          %rem3A_227 = arith.constant 2 : i32
          %rem3A_228 = arith.remui %while3A_145, %rem3A_227 : i32
          %run_scoped3A_229 = arith.constant 0 : i32
          "tpu.trace_start"() <{level = 10 : i32, message = "ep_run_kernel"}> : () -> ()
          "tpu.region"() ({
            %run_scoped3A_294 = tpu.sem_alloc : memref<!tpu.dma_semaphore, #tpu.memory_space<semaphore_mem>>
            %dma_start3A_295 = arith.constant 0 : i32
            %dma_start3A_296 = arith.constant 0 : i32
            %dma_start3A_297 = tpu.memref_slice %run_scoped3A_18[%rem3A_228, %dma_start3A_295, %dma_start3A_296] : memref<2x256x128xf32, #tpu.memory_space<vmem>> -> memref<1x256x128xf32, #tpu.memory_space<vmem>>
            %dma_start3A_298 = tpu.memref_squeeze %dma_start3A_297 : memref<1x256x128xf32, #tpu.memory_space<vmem>> -> memref<256x128xf32, #tpu.memory_space<vmem>>
            %dma_start3A_299 = arith.constant 0 : i32
            %dma_start3A_300 = arith.constant 0 : i32
            %dma_start3A_301 = tpu.memref_slice %run_scoped3A[%rem3A_226, %dma_start3A_299, %dma_start3A_300] : memref<2x1x256xi32, #tpu.memory_space<vmem>> -> memref<1x1x256xi32, #tpu.memory_space<vmem>>
            %dma_start3A_302 = tpu.memref_squeeze %dma_start3A_301 : memref<1x1x256xi32, #tpu.memory_space<vmem>> -> memref<1x256xi32, #tpu.memory_space<vmem>>
            %dma_start3A_303 = arith.constant 0 : i32
            %dma_start3A_304 = tpu.memref_slice %dma_start3A_302[%run_scoped3A_229, %dma_start3A_303] : memref<1x256xi32, #tpu.memory_space<vmem>> -> memref<1x256xi32, #tpu.memory_space<vmem>>
            %dma_start3A_305 = tpu.memref_squeeze %dma_start3A_304 : memref<1x256xi32, #tpu.memory_space<vmem>> -> memref<256xi32, #tpu.memory_space<vmem>>
            %dma_start3A_306 = arith.constant 0 : i32
            %dma_start3A_307 = arith.constant 0 : i32
            %dma_start3A_308 = tpu.memref_slice %arg2[%dma_start3A_306, %dma_start3A_307] : memref<4096x128xf32, #tpu.memory_space<hbm>> -> memref<4096x128xf32, #tpu.memory_space<hbm>>
            tpu.enqueue_indirect_dma source(%dma_start3A_308 : memref<4096x128xf32, #tpu.memory_space<hbm>>) target(%dma_start3A_298 : memref<256x128xf32, #tpu.memory_space<vmem>>) offsets(%dma_start3A_305 : memref<256xi32, #tpu.memory_space<vmem>>) semaphore(%run_scoped3A_294 : memref<!tpu.dma_semaphore, #tpu.memory_space<semaphore_mem>>)
            %dma_wait3A = arith.constant 0 : i32
            %dma_wait3A_309 = arith.constant 0 : i32
            %dma_wait3A_310 = tpu.memref_slice %run_scoped3A_18[%rem3A_228, %dma_wait3A, %dma_wait3A_309] : memref<2x256x128xf32, #tpu.memory_space<vmem>> -> memref<1x256x128xf32, #tpu.memory_space<vmem>>
            %dma_wait3A_311 = tpu.memref_squeeze %dma_wait3A_310 : memref<1x256x128xf32, #tpu.memory_space<vmem>> -> memref<256x128xf32, #tpu.memory_space<vmem>>
            %dma_wait3A_312 = arith.constant 0 : i32
            %dma_wait3A_313 = arith.constant 0 : i32
            %dma_wait3A_314 = tpu.memref_slice %run_scoped3A[%rem3A_226, %dma_wait3A_312, %dma_wait3A_313] : memref<2x1x256xi32, #tpu.memory_space<vmem>> -> memref<1x1x256xi32, #tpu.memory_space<vmem>>
            %dma_wait3A_315 = tpu.memref_squeeze %dma_wait3A_314 : memref<1x1x256xi32, #tpu.memory_space<vmem>> -> memref<1x256xi32, #tpu.memory_space<vmem>>
            %dma_wait3A_316 = arith.constant 0 : i32
            %dma_wait3A_317 = tpu.memref_slice %dma_wait3A_315[%run_scoped3A_229, %dma_wait3A_316] : memref<1x256xi32, #tpu.memory_space<vmem>> -> memref<1x256xi32, #tpu.memory_space<vmem>>
            %dma_wait3A_318 = tpu.memref_squeeze %dma_wait3A_317 : memref<1x256xi32, #tpu.memory_space<vmem>> -> memref<256xi32, #tpu.memory_space<vmem>>
            %dma_wait3A_319 = arith.constant 0 : i32
            %dma_wait3A_320 = arith.constant 0 : i32
            %dma_wait3A_321 = tpu.memref_slice %arg2[%dma_wait3A_319, %dma_wait3A_320] : memref<4096x128xf32, #tpu.memory_space<hbm>> -> memref<4096x128xf32, #tpu.memory_space<hbm>>
            tpu.wait_indirect_dma semaphore(%run_scoped3A_294 : memref<!tpu.dma_semaphore, #tpu.memory_space<semaphore_mem>>) src(%dma_wait3A_321 : memref<4096x128xf32, #tpu.memory_space<hbm>>) dst(%dma_wait3A_311 : memref<256x128xf32, #tpu.memory_space<vmem>>)
            tpu.yield
          }) : () -> ()
          "tpu.trace_stop"() : () -> ()
          %ne3A_230 = arith.cmpi ne, %add3A_155, %add3A_173 : i32
          %or3A_231 = arith.constant false
          %or3A_232 = arith.ori %or3A_231, %ne3A_230 : i1
          %or3A_233 = arith.ori %or3A_232, %eq3A_154 : i1
          %convert_element_type3A_234 = arith.extui %or3A_233 : i1 to i32
          %cond3A_235 = arith.constant 0 : i32
          %cond3A_236 = arith.cmpi ne, %convert_element_type3A_234, %cond3A_235 : i32
          scf.if %cond3A_236 {
          } else {
          }
          %and3A_237 = arith.constant false
          %and3A_238 = arith.andi %or3A_233, %and3A_237 : i1
          %ne3A_239 = arith.cmpi ne, %add3A_155, %add3A_173 : i32
          %or3A_240 = arith.constant false
          %or3A_241 = arith.ori %or3A_240, %ne3A_239 : i1
          %or3A_242 = arith.constant false
          %or3A_243 = arith.ori %or3A_241, %or3A_242 : i1
          %or3A_244 = arith.ori %or3A_243, %eq3A_154 : i1
          %convert_element_type3A_245 = arith.extui %or3A_244 : i1 to i32
          %cond3A_246 = arith.constant 0 : i32
          %cond3A_247 = arith.cmpi ne, %convert_element_type3A_245, %cond3A_246 : i32
          scf.if %cond3A_247 {
            "tpu.trace_start"() <{level = 10 : i32, message = "ep_copy_out"}> : () -> ()
            %rem3A_294 = arith.constant 2 : i32
            %rem3A_295 = arith.remui %while3A_145, %rem3A_294 : i32
            %mul3A_296 = arith.constant 256 : i32
            %mul3A_297 = arith.muli %mul3A_296, %add3A_155 : i32
            %dma_start3A_298 = arith.constant 0 : i32
            %dma_start3A_299 = arith.constant 0 : i32
            %dma_start3A_300 = tpu.memref_slice %run_scoped3A_18[%rem3A_295, %dma_start3A_298, %dma_start3A_299] : memref<2x256x128xf32, #tpu.memory_space<vmem>> -> memref<1x256x128xf32, #tpu.memory_space<vmem>>
            %dma_start3A_301 = tpu.memref_squeeze %dma_start3A_300 : memref<1x256x128xf32, #tpu.memory_space<vmem>> -> memref<256x128xf32, #tpu.memory_space<vmem>>
            %dma_start3A_302 = arith.constant 0 : i32
            %dma_start3A_303 = tpu.memref_slice %arg4[%mul3A_297, %dma_start3A_302] : memref<69632x128xf32, #tpu.memory_space<hbm>> -> memref<256x128xf32, #tpu.memory_space<hbm>>
            %dma_start3A_304 = tpu.memref_slice %run_scoped3A_19[%rem3A_295] : memref<2x!tpu.dma_semaphore, #tpu.memory_space<semaphore_mem>> -> memref<1x!tpu.dma_semaphore, #tpu.memory_space<semaphore_mem>>
            %dma_start3A_305 = tpu.memref_squeeze %dma_start3A_304 : memref<1x!tpu.dma_semaphore, #tpu.memory_space<semaphore_mem>> -> memref<!tpu.dma_semaphore, #tpu.memory_space<semaphore_mem>>
            %dma_start3A_306 = arith.constant 0 : i32
            %dma_start3A_307 = tpu.memref_slice %arg4[%mul3A_297, %dma_start3A_306] : memref<69632x128xf32, #tpu.memory_space<hbm>> -> memref<256x128xf32, #tpu.memory_space<hbm>>
            %dma_start3A_308 = arith.constant 0 : i32
            %dma_start3A_309 = arith.constant 0 : i32
            %dma_start3A_310 = tpu.memref_slice %run_scoped3A_18[%rem3A_295, %dma_start3A_308, %dma_start3A_309] : memref<2x256x128xf32, #tpu.memory_space<vmem>> -> memref<1x256x128xf32, #tpu.memory_space<vmem>>
            %dma_start3A_311 = tpu.memref_squeeze %dma_start3A_310 : memref<1x256x128xf32, #tpu.memory_space<vmem>> -> memref<256x128xf32, #tpu.memory_space<vmem>>
            tpu.enqueue_dma source(%dma_start3A_311 : memref<256x128xf32, #tpu.memory_space<vmem>>) target(%dma_start3A_307 : memref<256x128xf32, #tpu.memory_space<hbm>>) target_semaphore(%dma_start3A_305 : memref<!tpu.dma_semaphore, #tpu.memory_space<semaphore_mem>>)
            "tpu.trace_stop"() : () -> ()
          } else {
          }
          %and3A_248 = arith.constant true
          %and3A_249 = arith.andi %or3A_244, %and3A_248 : i1
          %add3A_250 = arith.constant 1 : i32
          %add3A_251 = arith.addi %while3A_145, %add3A_250 : i32
          %select_n3A_252 = arith.select %and3A_249, %add3A_251, %while3A_145 : i32
          %ne3A_253 = arith.cmpi ne, %add3A_155, %add3A_165 : i32
          %or3A_254 = arith.constant false
          %or3A_255 = arith.ori %or3A_254, %ne3A_253 : i1
          %not3A_256 = arith.constant true
          %not3A_257 = arith.xori %eq3A_151, %not3A_256 : i1
          %and3A_258 = arith.andi %or3A_255, %not3A_257 : i1
          %convert_element_type3A_259 = arith.extui %and3A_258 : i1 to i32
          %cond3A_260 = arith.constant 0 : i32
          %cond3A_261 = arith.cmpi ne, %convert_element_type3A_259, %cond3A_260 : i32
          scf.if %cond3A_261 {
          } else {
          }
          %and3A_262 = arith.constant false
          %and3A_263 = arith.andi %and3A_258, %and3A_262 : i1
          %ne3A_264 = arith.cmpi ne, %add3A_155, %add3A_165 : i32
          %or3A_265 = arith.constant false
          %or3A_266 = arith.ori %or3A_265, %ne3A_264 : i1
          %or3A_267 = arith.constant false
          %or3A_268 = arith.ori %or3A_266, %or3A_267 : i1
          %not3A_269 = arith.constant true
          %not3A_270 = arith.xori %eq3A_151, %not3A_269 : i1
          %and3A_271 = arith.andi %or3A_268, %not3A_270 : i1
          %convert_element_type3A_272 = arith.extui %and3A_271 : i1 to i32
          %cond3A_273 = arith.constant 0 : i32
          %cond3A_274 = arith.cmpi ne, %convert_element_type3A_272, %cond3A_273 : i32
          scf.if %cond3A_274 {
            "tpu.trace_start"() <{level = 10 : i32, message = "ep_wait_out"}> : () -> ()
            %rem3A_294 = arith.constant 2 : i32
            %rem3A_295 = arith.remui %while3A_146, %rem3A_294 : i32
            %mul3A_296 = arith.constant 256 : i32
            %mul3A_297 = arith.muli %mul3A_296, %add3A_165 : i32
            %dma_wait3A = arith.constant 0 : i32
            %dma_wait3A_298 = arith.constant 0 : i32
            %dma_wait3A_299 = tpu.memref_slice %run_scoped3A_18[%rem3A_295, %dma_wait3A, %dma_wait3A_298] : memref<2x256x128xf32, #tpu.memory_space<vmem>> -> memref<1x256x128xf32, #tpu.memory_space<vmem>>
            %dma_wait3A_300 = tpu.memref_squeeze %dma_wait3A_299 : memref<1x256x128xf32, #tpu.memory_space<vmem>> -> memref<256x128xf32, #tpu.memory_space<vmem>>
            %dma_wait3A_301 = arith.constant 0 : i32
            %dma_wait3A_302 = tpu.memref_slice %arg4[%mul3A_297, %dma_wait3A_301] : memref<69632x128xf32, #tpu.memory_space<hbm>> -> memref<256x128xf32, #tpu.memory_space<hbm>>
            %dma_wait3A_303 = tpu.memref_slice %run_scoped3A_19[%rem3A_295] : memref<2x!tpu.dma_semaphore, #tpu.memory_space<semaphore_mem>> -> memref<1x!tpu.dma_semaphore, #tpu.memory_space<semaphore_mem>>
            %dma_wait3A_304 = tpu.memref_squeeze %dma_wait3A_303 : memref<1x!tpu.dma_semaphore, #tpu.memory_space<semaphore_mem>> -> memref<!tpu.dma_semaphore, #tpu.memory_space<semaphore_mem>>
            %dma_wait3A_305 = arith.constant 0 : i32
            %dma_wait3A_306 = tpu.memref_slice %arg4[%mul3A_297, %dma_wait3A_305] : memref<69632x128xf32, #tpu.memory_space<hbm>> -> memref<256x128xf32, #tpu.memory_space<hbm>>
            %dma_wait3A_307 = arith.constant 0 : i32
            %dma_wait3A_308 = arith.constant 0 : i32
            %dma_wait3A_309 = tpu.memref_slice %run_scoped3A_18[%rem3A_295, %dma_wait3A_307, %dma_wait3A_308] : memref<2x256x128xf32, #tpu.memory_space<vmem>> -> memref<1x256x128xf32, #tpu.memory_space<vmem>>
            %dma_wait3A_310 = tpu.memref_squeeze %dma_wait3A_309 : memref<1x256x128xf32, #tpu.memory_space<vmem>> -> memref<256x128xf32, #tpu.memory_space<vmem>>
            tpu.wait_dma2 semaphore(%dma_wait3A_304 : memref<!tpu.dma_semaphore, #tpu.memory_space<semaphore_mem>>) src(%dma_wait3A_310 : memref<256x128xf32, #tpu.memory_space<vmem>>) dst(%dma_wait3A_306 : memref<256x128xf32, #tpu.memory_space<hbm>>)
            "tpu.trace_stop"() : () -> ()
          } else {
          }
          %and3A_275 = arith.constant true
          %and3A_276 = arith.andi %and3A_271, %and3A_275 : i1
          %add3A_277 = arith.constant 1 : i32
          %add3A_278 = arith.addi %while3A_146, %add3A_277 : i32
          %select_n3A_279 = arith.select %and3A_276, %add3A_278, %while3A_146 : i32
          %ne3A_280 = arith.cmpi ne, %add3A_155, %add3A_173 : i32
          %or3A_281 = arith.constant false
          %or3A_282 = arith.ori %or3A_281, %ne3A_280 : i1
          %or3A_283 = arith.ori %or3A_282, %eq3A_154 : i1
          %add3A_284 = arith.constant 1 : i32
          %add3A_285 = arith.addi %while3A_144, %add3A_284 : i32
          %select_n3A_286 = arith.select %or3A_283, %add3A_285, %while3A_144 : i32
          %add3A_287 = arith.constant 1 : i32
          %add3A_288 = arith.addi %while3A_147, %add3A_287 : i32
          %select_n3A_289 = arith.constant true
          %select_n3A_290 = arith.select %select_n3A_289, %add3A_288, %while3A_147 : i32
          %eq3A_291 = arith.cmpi eq, %select_n3A_290, %select_n3A : i32
          %select_n3A_292 = arith.constant 0 : i32
          %select_n3A_293 = arith.select %eq3A_291, %select_n3A_292, %select_n3A_290 : i32
          scf.yield %select_n3A_195, %select_n3A_286, %select_n3A_252, %select_n3A_279, %select_n3A_293 : i32, i32, i32, i32, i32
        }
        %while3A_89 = arith.constant 1 : i32
        %while3A_90:5 = scf.for %while3A_142 = %while3A_86 to %while3A_82 step %while3A_89 iter_args(%while3A_143 = %while3A_88#0, %while3A_144 = %while3A_88#1, %while3A_145 = %while3A_88#2, %while3A_146 = %while3A_88#3, %while3A_147 = %while3A_88#4) -> (i32, i32, i32, i32, i32)  : i32 {
          %mul3A_148 = arith.constant 1 : i32
          %mul3A_149 = arith.muli %mul3A_148, %select_n3A : i32
          %eq3A_150 = arith.constant 0 : i32
          %eq3A_151 = arith.cmpi eq, %while3A_142, %eq3A_150 : i32
          %sub3A_152 = arith.constant 1 : i32
          %sub3A_153 = arith.subi %mul3A_149, %sub3A_152 : i32
          %eq3A_154 = arith.cmpi eq, %while3A_142, %sub3A_153 : i32
          %add3A_155 = arith.addi %while3A_147, %select_n3A_14 : i32
          %sub3A_156 = arith.constant 1 : i32
          %sub3A_157 = arith.subi %while3A_147, %sub3A_156 : i32
          %select_n3A_158 = arith.constant true
          %select_n3A_159 = arith.select %select_n3A_158, %sub3A_157, %while3A_147 : i32
          %eq3A_160 = arith.constant -1 : i32
          %eq3A_161 = arith.cmpi eq, %select_n3A_159, %eq3A_160 : i32
          %sub3A_162 = arith.constant 1 : i32
          %sub3A_163 = arith.subi %select_n3A, %sub3A_162 : i32
          %select_n3A_164 = arith.select %eq3A_161, %sub3A_163, %select_n3A_159 : i32
          %add3A_165 = arith.addi %select_n3A_164, %select_n3A_14 : i32
          %add3A_166 = arith.constant 1 : i32
          %add3A_167 = arith.addi %while3A_147, %add3A_166 : i32
          %select_n3A_168 = arith.constant true
          %select_n3A_169 = arith.select %select_n3A_168, %add3A_167, %while3A_147 : i32
          %eq3A_170 = arith.cmpi eq, %select_n3A_169, %select_n3A : i32
          %select_n3A_171 = arith.constant 0 : i32
          %select_n3A_172 = arith.select %eq3A_170, %select_n3A_171, %select_n3A_169 : i32
          %add3A_173 = arith.addi %select_n3A_172, %select_n3A_14 : i32
          %add3A_174 = arith.constant 1 : i32
          %add3A_175 = arith.addi %select_n3A_172, %add3A_174 : i32
          %select_n3A_176 = arith.constant true
          %select_n3A_177 = arith.select %select_n3A_176, %add3A_175, %select_n3A_172 : i32
          %eq3A_178 = arith.cmpi eq, %select_n3A_177, %select_n3A : i32
          %select_n3A_179 = arith.constant 0 : i32
          %select_n3A_180 = arith.select %eq3A_178, %select_n3A_179, %select_n3A_177 : i32
          %add3A_181 = arith.addi %select_n3A_180, %select_n3A_14 : i32
          %ne3A = arith.cmpi ne, %add3A_155, %add3A_173 : i32
          %or3A = arith.constant false
          %or3A_182 = arith.ori %or3A, %ne3A : i1
          %sub3A_183 = arith.constant 2 : i32
          %sub3A_184 = arith.subi %mul3A_149, %sub3A_183 : i32
          %add3A_185 = arith.constant 1 : i32
          %add3A_186 = arith.addi %sub3A_184, %add3A_185 : i32
          %ge3A = arith.cmpi sge, %while3A_142, %add3A_186 : i32
          %not3A = arith.constant true
          %not3A_187 = arith.xori %ge3A, %not3A : i1
          %and3A = arith.andi %or3A_182, %not3A_187 : i1
          %convert_element_type3A_188 = arith.extui %and3A : i1 to i32
          %cond3A_189 = arith.constant 0 : i32
          %cond3A_190 = arith.cmpi ne, %convert_element_type3A_188, %cond3A_189 : i32
          scf.if %cond3A_190 {
            "tpu.trace_start"() <{level = 10 : i32, message = "ep_copy_in"}> : () -> ()
            %rem3A_294 = arith.constant 2 : i32
            %rem3A_295 = arith.remui %while3A_143, %rem3A_294 : i32
            %mul3A_296 = arith.constant 256 : i32
            %mul3A_297 = arith.muli %mul3A_296, %add3A_173 : i32
            %dma_start3A_298 = arith.constant 0 : i32
            %dma_start3A_299 = arith.constant 0 : i32
            %dma_start3A_300 = tpu.memref_slice %run_scoped3A[%rem3A_295, %dma_start3A_298, %dma_start3A_299] : memref<2x1x256xi32, #tpu.memory_space<vmem>> -> memref<1x1x256xi32, #tpu.memory_space<vmem>>
            %dma_start3A_301 = tpu.memref_squeeze %dma_start3A_300 : memref<1x1x256xi32, #tpu.memory_space<vmem>> -> memref<1x256xi32, #tpu.memory_space<vmem>>
            %dma_start3A_302 = arith.constant 0 : i32
            %dma_start3A_303 = tpu.memref_slice %arg3[%dma_start3A_302, %mul3A_297] : memref<1x69632xi32, #tpu.memory_space<hbm>> -> memref<1x256xi32, #tpu.memory_space<hbm>>
            %dma_start3A_304 = tpu.memref_slice %run_scoped3A_17[%rem3A_295] : memref<2x!tpu.dma_semaphore, #tpu.memory_space<semaphore_mem>> -> memref<1x!tpu.dma_semaphore, #tpu.memory_space<semaphore_mem>>
            %dma_start3A_305 = tpu.memref_squeeze %dma_start3A_304 : memref<1x!tpu.dma_semaphore, #tpu.memory_space<semaphore_mem>> -> memref<!tpu.dma_semaphore, #tpu.memory_space<semaphore_mem>>
            %dma_start3A_306 = arith.constant 0 : i32
            %dma_start3A_307 = arith.constant 0 : i32
            %dma_start3A_308 = tpu.memref_slice %run_scoped3A[%rem3A_295, %dma_start3A_306, %dma_start3A_307] : memref<2x1x256xi32, #tpu.memory_space<vmem>> -> memref<1x1x256xi32, #tpu.memory_space<vmem>>
            %dma_start3A_309 = tpu.memref_squeeze %dma_start3A_308 : memref<1x1x256xi32, #tpu.memory_space<vmem>> -> memref<1x256xi32, #tpu.memory_space<vmem>>
            %dma_start3A_310 = arith.constant 0 : i32
            %dma_start3A_311 = tpu.memref_slice %arg3[%dma_start3A_310, %mul3A_297] : memref<1x69632xi32, #tpu.memory_space<hbm>> -> memref<1x256xi32, #tpu.memory_space<hbm>>
            tpu.enqueue_dma source(%dma_start3A_311 : memref<1x256xi32, #tpu.memory_space<hbm>>) target(%dma_start3A_309 : memref<1x256xi32, #tpu.memory_space<vmem>>) target_semaphore(%dma_start3A_305 : memref<!tpu.dma_semaphore, #tpu.memory_space<semaphore_mem>>)
            "tpu.trace_stop"() : () -> ()
          } else {
          }
          %and3A_191 = arith.constant true
          %and3A_192 = arith.andi %and3A, %and3A_191 : i1
          %add3A_193 = arith.constant 1 : i32
          %add3A_194 = arith.addi %while3A_143, %add3A_193 : i32
          %select_n3A_195 = arith.select %and3A_192, %add3A_194, %while3A_143 : i32
          %ne3A_196 = arith.cmpi ne, %add3A_155, %add3A_173 : i32
          %or3A_197 = arith.constant false
          %or3A_198 = arith.ori %or3A_197, %ne3A_196 : i1
          %or3A_199 = arith.constant false
          %or3A_200 = arith.ori %or3A_198, %or3A_199 : i1
          %sub3A_201 = arith.constant 2 : i32
          %sub3A_202 = arith.subi %mul3A_149, %sub3A_201 : i32
          %add3A_203 = arith.constant 1 : i32
          %add3A_204 = arith.addi %sub3A_202, %add3A_203 : i32
          %ge3A_205 = arith.cmpi sge, %while3A_142, %add3A_204 : i32
          %not3A_206 = arith.constant true
          %not3A_207 = arith.xori %ge3A_205, %not3A_206 : i1
          %and3A_208 = arith.andi %or3A_200, %not3A_207 : i1
          %ne3A_209 = arith.cmpi ne, %add3A_155, %add3A_165 : i32
          %or3A_210 = arith.constant false
          %or3A_211 = arith.ori %or3A_210, %ne3A_209 : i1
          %or3A_212 = arith.ori %or3A_211, %eq3A_151 : i1
          %convert_element_type3A_213 = arith.extui %or3A_212 : i1 to i32
          %cond3A_214 = arith.constant 0 : i32
          %cond3A_215 = arith.cmpi ne, %convert_element_type3A_213, %cond3A_214 : i32
          scf.if %cond3A_215 {
            "tpu.trace_start"() <{level = 10 : i32, message = "ep_wait_in"}> : () -> ()
            %mul3A_294 = arith.constant 256 : i32
            %mul3A_295 = arith.muli %mul3A_294, %add3A_155 : i32
            %rem3A_296 = arith.constant 2 : i32
            %rem3A_297 = arith.remui %while3A_144, %rem3A_296 : i32
            %dma_wait3A = arith.constant 0 : i32
            %dma_wait3A_298 = arith.constant 0 : i32
            %dma_wait3A_299 = tpu.memref_slice %run_scoped3A[%rem3A_297, %dma_wait3A, %dma_wait3A_298] : memref<2x1x256xi32, #tpu.memory_space<vmem>> -> memref<1x1x256xi32, #tpu.memory_space<vmem>>
            %dma_wait3A_300 = tpu.memref_squeeze %dma_wait3A_299 : memref<1x1x256xi32, #tpu.memory_space<vmem>> -> memref<1x256xi32, #tpu.memory_space<vmem>>
            %dma_wait3A_301 = arith.constant 0 : i32
            %dma_wait3A_302 = tpu.memref_slice %arg3[%dma_wait3A_301, %mul3A_295] : memref<1x69632xi32, #tpu.memory_space<hbm>> -> memref<1x256xi32, #tpu.memory_space<hbm>>
            %dma_wait3A_303 = tpu.memref_slice %run_scoped3A_17[%rem3A_297] : memref<2x!tpu.dma_semaphore, #tpu.memory_space<semaphore_mem>> -> memref<1x!tpu.dma_semaphore, #tpu.memory_space<semaphore_mem>>
            %dma_wait3A_304 = tpu.memref_squeeze %dma_wait3A_303 : memref<1x!tpu.dma_semaphore, #tpu.memory_space<semaphore_mem>> -> memref<!tpu.dma_semaphore, #tpu.memory_space<semaphore_mem>>
            %dma_wait3A_305 = arith.constant 0 : i32
            %dma_wait3A_306 = arith.constant 0 : i32
            %dma_wait3A_307 = tpu.memref_slice %run_scoped3A[%rem3A_297, %dma_wait3A_305, %dma_wait3A_306] : memref<2x1x256xi32, #tpu.memory_space<vmem>> -> memref<1x1x256xi32, #tpu.memory_space<vmem>>
            %dma_wait3A_308 = tpu.memref_squeeze %dma_wait3A_307 : memref<1x1x256xi32, #tpu.memory_space<vmem>> -> memref<1x256xi32, #tpu.memory_space<vmem>>
            %dma_wait3A_309 = arith.constant 0 : i32
            %dma_wait3A_310 = tpu.memref_slice %arg3[%dma_wait3A_309, %mul3A_295] : memref<1x69632xi32, #tpu.memory_space<hbm>> -> memref<1x256xi32, #tpu.memory_space<hbm>>
            tpu.wait_dma2 semaphore(%dma_wait3A_304 : memref<!tpu.dma_semaphore, #tpu.memory_space<semaphore_mem>>) src(%dma_wait3A_310 : memref<1x256xi32, #tpu.memory_space<hbm>>) dst(%dma_wait3A_308 : memref<1x256xi32, #tpu.memory_space<vmem>>)
            "tpu.trace_stop"() : () -> ()
          } else {
          }
          %ne3A_216 = arith.cmpi ne, %add3A_155, %add3A_165 : i32
          %or3A_217 = arith.constant false
          %or3A_218 = arith.ori %or3A_217, %ne3A_216 : i1
          %or3A_219 = arith.constant false
          %or3A_220 = arith.ori %or3A_218, %or3A_219 : i1
          %or3A_221 = arith.ori %or3A_220, %eq3A_151 : i1
          %convert_element_type3A_222 = arith.extui %or3A_221 : i1 to i32
          %cond3A_223 = arith.constant 0 : i32
          %cond3A_224 = arith.cmpi ne, %convert_element_type3A_222, %cond3A_223 : i32
          scf.if %cond3A_224 {
          } else {
          }
          %rem3A_225 = arith.constant 2 : i32
          %rem3A_226 = arith.remui %while3A_144, %rem3A_225 : i32
          %rem3A_227 = arith.constant 2 : i32
          %rem3A_228 = arith.remui %while3A_145, %rem3A_227 : i32
          %run_scoped3A_229 = arith.constant 0 : i32
          "tpu.trace_start"() <{level = 10 : i32, message = "ep_run_kernel"}> : () -> ()
          "tpu.region"() ({
            %run_scoped3A_294 = tpu.sem_alloc : memref<!tpu.dma_semaphore, #tpu.memory_space<semaphore_mem>>
            %dma_start3A_295 = arith.constant 0 : i32
            %dma_start3A_296 = arith.constant 0 : i32
            %dma_start3A_297 = tpu.memref_slice %run_scoped3A_18[%rem3A_228, %dma_start3A_295, %dma_start3A_296] : memref<2x256x128xf32, #tpu.memory_space<vmem>> -> memref<1x256x128xf32, #tpu.memory_space<vmem>>
            %dma_start3A_298 = tpu.memref_squeeze %dma_start3A_297 : memref<1x256x128xf32, #tpu.memory_space<vmem>> -> memref<256x128xf32, #tpu.memory_space<vmem>>
            %dma_start3A_299 = arith.constant 0 : i32
            %dma_start3A_300 = arith.constant 0 : i32
            %dma_start3A_301 = tpu.memref_slice %run_scoped3A[%rem3A_226, %dma_start3A_299, %dma_start3A_300] : memref<2x1x256xi32, #tpu.memory_space<vmem>> -> memref<1x1x256xi32, #tpu.memory_space<vmem>>
            %dma_start3A_302 = tpu.memref_squeeze %dma_start3A_301 : memref<1x1x256xi32, #tpu.memory_space<vmem>> -> memref<1x256xi32, #tpu.memory_space<vmem>>
            %dma_start3A_303 = arith.constant 0 : i32
            %dma_start3A_304 = tpu.memref_slice %dma_start3A_302[%run_scoped3A_229, %dma_start3A_303] : memref<1x256xi32, #tpu.memory_space<vmem>> -> memref<1x256xi32, #tpu.memory_space<vmem>>
            %dma_start3A_305 = tpu.memref_squeeze %dma_start3A_304 : memref<1x256xi32, #tpu.memory_space<vmem>> -> memref<256xi32, #tpu.memory_space<vmem>>
            %dma_start3A_306 = arith.constant 0 : i32
            %dma_start3A_307 = arith.constant 0 : i32
            %dma_start3A_308 = tpu.memref_slice %arg2[%dma_start3A_306, %dma_start3A_307] : memref<4096x128xf32, #tpu.memory_space<hbm>> -> memref<4096x128xf32, #tpu.memory_space<hbm>>
            tpu.enqueue_indirect_dma source(%dma_start3A_308 : memref<4096x128xf32, #tpu.memory_space<hbm>>) target(%dma_start3A_298 : memref<256x128xf32, #tpu.memory_space<vmem>>) offsets(%dma_start3A_305 : memref<256xi32, #tpu.memory_space<vmem>>) semaphore(%run_scoped3A_294 : memref<!tpu.dma_semaphore, #tpu.memory_space<semaphore_mem>>)
            %dma_wait3A = arith.constant 0 : i32
            %dma_wait3A_309 = arith.constant 0 : i32
            %dma_wait3A_310 = tpu.memref_slice %run_scoped3A_18[%rem3A_228, %dma_wait3A, %dma_wait3A_309] : memref<2x256x128xf32, #tpu.memory_space<vmem>> -> memref<1x256x128xf32, #tpu.memory_space<vmem>>
            %dma_wait3A_311 = tpu.memref_squeeze %dma_wait3A_310 : memref<1x256x128xf32, #tpu.memory_space<vmem>> -> memref<256x128xf32, #tpu.memory_space<vmem>>
            %dma_wait3A_312 = arith.constant 0 : i32
            %dma_wait3A_313 = arith.constant 0 : i32
            %dma_wait3A_314 = tpu.memref_slice %run_scoped3A[%rem3A_226, %dma_wait3A_312, %dma_wait3A_313] : memref<2x1x256xi32, #tpu.memory_space<vmem>> -> memref<1x1x256xi32, #tpu.memory_space<vmem>>
            %dma_wait3A_315 = tpu.memref_squeeze %dma_wait3A_314 : memref<1x1x256xi32, #tpu.memory_space<vmem>> -> memref<1x256xi32, #tpu.memory_space<vmem>>
            %dma_wait3A_316 = arith.constant 0 : i32
            %dma_wait3A_317 = tpu.memref_slice %dma_wait3A_315[%run_scoped3A_229, %dma_wait3A_316] : memref<1x256xi32, #tpu.memory_space<vmem>> -> memref<1x256xi32, #tpu.memory_space<vmem>>
            %dma_wait3A_318 = tpu.memref_squeeze %dma_wait3A_317 : memref<1x256xi32, #tpu.memory_space<vmem>> -> memref<256xi32, #tpu.memory_space<vmem>>
            %dma_wait3A_319 = arith.constant 0 : i32
            %dma_wait3A_320 = arith.constant 0 : i32
            %dma_wait3A_321 = tpu.memref_slice %arg2[%dma_wait3A_319, %dma_wait3A_320] : memref<4096x128xf32, #tpu.memory_space<hbm>> -> memref<4096x128xf32, #tpu.memory_space<hbm>>
            tpu.wait_indirect_dma semaphore(%run_scoped3A_294 : memref<!tpu.dma_semaphore, #tpu.memory_space<semaphore_mem>>) src(%dma_wait3A_321 : memref<4096x128xf32, #tpu.memory_space<hbm>>) dst(%dma_wait3A_311 : memref<256x128xf32, #tpu.memory_space<vmem>>)
            tpu.yield
          }) : () -> ()
          "tpu.trace_stop"() : () -> ()
          %ne3A_230 = arith.cmpi ne, %add3A_155, %add3A_173 : i32
          %or3A_231 = arith.constant false
          %or3A_232 = arith.ori %or3A_231, %ne3A_230 : i1
          %or3A_233 = arith.ori %or3A_232, %eq3A_154 : i1
          %convert_element_type3A_234 = arith.extui %or3A_233 : i1 to i32
          %cond3A_235 = arith.constant 0 : i32
          %cond3A_236 = arith.cmpi ne, %convert_element_type3A_234, %cond3A_235 : i32
          scf.if %cond3A_236 {
          } else {
          }
          %and3A_237 = arith.constant false
          %and3A_238 = arith.andi %or3A_233, %and3A_237 : i1
          %ne3A_239 = arith.cmpi ne, %add3A_155, %add3A_173 : i32
          %or3A_240 = arith.constant false
          %or3A_241 = arith.ori %or3A_240, %ne3A_239 : i1
          %or3A_242 = arith.constant false
          %or3A_243 = arith.ori %or3A_241, %or3A_242 : i1
          %or3A_244 = arith.ori %or3A_243, %eq3A_154 : i1
          %convert_element_type3A_245 = arith.extui %or3A_244 : i1 to i32
          %cond3A_246 = arith.constant 0 : i32
          %cond3A_247 = arith.cmpi ne, %convert_element_type3A_245, %cond3A_246 : i32
          scf.if %cond3A_247 {
            "tpu.trace_start"() <{level = 10 : i32, message = "ep_copy_out"}> : () -> ()
            %rem3A_294 = arith.constant 2 : i32
            %rem3A_295 = arith.remui %while3A_145, %rem3A_294 : i32
            %mul3A_296 = arith.constant 256 : i32
            %mul3A_297 = arith.muli %mul3A_296, %add3A_155 : i32
            %dma_start3A_298 = arith.constant 0 : i32
            %dma_start3A_299 = arith.constant 0 : i32
            %dma_start3A_300 = tpu.memref_slice %run_scoped3A_18[%rem3A_295, %dma_start3A_298, %dma_start3A_299] : memref<2x256x128xf32, #tpu.memory_space<vmem>> -> memref<1x256x128xf32, #tpu.memory_space<vmem>>
            %dma_start3A_301 = tpu.memref_squeeze %dma_start3A_300 : memref<1x256x128xf32, #tpu.memory_space<vmem>> -> memref<256x128xf32, #tpu.memory_space<vmem>>
            %dma_start3A_302 = arith.constant 0 : i32
            %dma_start3A_303 = tpu.memref_slice %arg4[%mul3A_297, %dma_start3A_302] : memref<69632x128xf32, #tpu.memory_space<hbm>> -> memref<256x128xf32, #tpu.memory_space<hbm>>
            %dma_start3A_304 = tpu.memref_slice %run_scoped3A_19[%rem3A_295] : memref<2x!tpu.dma_semaphore, #tpu.memory_space<semaphore_mem>> -> memref<1x!tpu.dma_semaphore, #tpu.memory_space<semaphore_mem>>
            %dma_start3A_305 = tpu.memref_squeeze %dma_start3A_304 : memref<1x!tpu.dma_semaphore, #tpu.memory_space<semaphore_mem>> -> memref<!tpu.dma_semaphore, #tpu.memory_space<semaphore_mem>>
            %dma_start3A_306 = arith.constant 0 : i32
            %dma_start3A_307 = tpu.memref_slice %arg4[%mul3A_297, %dma_start3A_306] : memref<69632x128xf32, #tpu.memory_space<hbm>> -> memref<256x128xf32, #tpu.memory_space<hbm>>
            %dma_start3A_308 = arith.constant 0 : i32
            %dma_start3A_309 = arith.constant 0 : i32
            %dma_start3A_310 = tpu.memref_slice %run_scoped3A_18[%rem3A_295, %dma_start3A_308, %dma_start3A_309] : memref<2x256x128xf32, #tpu.memory_space<vmem>> -> memref<1x256x128xf32, #tpu.memory_space<vmem>>
            %dma_start3A_311 = tpu.memref_squeeze %dma_start3A_310 : memref<1x256x128xf32, #tpu.memory_space<vmem>> -> memref<256x128xf32, #tpu.memory_space<vmem>>
            tpu.enqueue_dma source(%dma_start3A_311 : memref<256x128xf32, #tpu.memory_space<vmem>>) target(%dma_start3A_307 : memref<256x128xf32, #tpu.memory_space<hbm>>) target_semaphore(%dma_start3A_305 : memref<!tpu.dma_semaphore, #tpu.memory_space<semaphore_mem>>)
            "tpu.trace_stop"() : () -> ()
          } else {
          }
          %and3A_248 = arith.constant true
          %and3A_249 = arith.andi %or3A_244, %and3A_248 : i1
          %add3A_250 = arith.constant 1 : i32
          %add3A_251 = arith.addi %while3A_145, %add3A_250 : i32
          %select_n3A_252 = arith.select %and3A_249, %add3A_251, %while3A_145 : i32
          %ne3A_253 = arith.cmpi ne, %add3A_155, %add3A_165 : i32
          %or3A_254 = arith.constant false
          %or3A_255 = arith.ori %or3A_254, %ne3A_253 : i1
          %not3A_256 = arith.constant true
          %not3A_257 = arith.xori %eq3A_151, %not3A_256 : i1
          %and3A_258 = arith.andi %or3A_255, %not3A_257 : i1
          %convert_element_type3A_259 = arith.extui %and3A_258 : i1 to i32
          %cond3A_260 = arith.constant 0 : i32
          %cond3A_261 = arith.cmpi ne, %convert_element_type3A_259, %cond3A_260 : i32
          scf.if %cond3A_261 {
          } else {
          }
          %and3A_262 = arith.constant false
          %and3A_263 = arith.andi %and3A_258, %and3A_262 : i1
          %ne3A_264 = arith.cmpi ne, %add3A_155, %add3A_165 : i32
          %or3A_265 = arith.constant false
          %or3A_266 = arith.ori %or3A_265, %ne3A_264 : i1
          %or3A_267 = arith.constant false
          %or3A_268 = arith.ori %or3A_266, %or3A_267 : i1
          %not3A_269 = arith.constant true
          %not3A_270 = arith.xori %eq3A_151, %not3A_269 : i1
          %and3A_271 = arith.andi %or3A_268, %not3A_270 : i1
          %convert_element_type3A_272 = arith.extui %and3A_271 : i1 to i32
          %cond3A_273 = arith.constant 0 : i32
          %cond3A_274 = arith.cmpi ne, %convert_element_type3A_272, %cond3A_273 : i32
          scf.if %cond3A_274 {
            "tpu.trace_start"() <{level = 10 : i32, message = "ep_wait_out"}> : () -> ()
            %rem3A_294 = arith.constant 2 : i32
            %rem3A_295 = arith.remui %while3A_146, %rem3A_294 : i32
            %mul3A_296 = arith.constant 256 : i32
            %mul3A_297 = arith.muli %mul3A_296, %add3A_165 : i32
            %dma_wait3A = arith.constant 0 : i32
            %dma_wait3A_298 = arith.constant 0 : i32
            %dma_wait3A_299 = tpu.memref_slice %run_scoped3A_18[%rem3A_295, %dma_wait3A, %dma_wait3A_298] : memref<2x256x128xf32, #tpu.memory_space<vmem>> -> memref<1x256x128xf32, #tpu.memory_space<vmem>>
            %dma_wait3A_300 = tpu.memref_squeeze %dma_wait3A_299 : memref<1x256x128xf32, #tpu.memory_space<vmem>> -> memref<256x128xf32, #tpu.memory_space<vmem>>
            %dma_wait3A_301 = arith.constant 0 : i32
            %dma_wait3A_302 = tpu.memref_slice %arg4[%mul3A_297, %dma_wait3A_301] : memref<69632x128xf32, #tpu.memory_space<hbm>> -> memref<256x128xf32, #tpu.memory_space<hbm>>
            %dma_wait3A_303 = tpu.memref_slice %run_scoped3A_19[%rem3A_295] : memref<2x!tpu.dma_semaphore, #tpu.memory_space<semaphore_mem>> -> memref<1x!tpu.dma_semaphore, #tpu.memory_space<semaphore_mem>>
            %dma_wait3A_304 = tpu.memref_squeeze %dma_wait3A_303 : memref<1x!tpu.dma_semaphore, #tpu.memory_space<semaphore_mem>> -> memref<!tpu.dma_semaphore, #tpu.memory_space<semaphore_mem>>
            %dma_wait3A_305 = arith.constant 0 : i32
            %dma_wait3A_306 = tpu.memref_slice %arg4[%mul3A_297, %dma_wait3A_305] : memref<69632x128xf32, #tpu.memory_space<hbm>> -> memref<256x128xf32, #tpu.memory_space<hbm>>
            %dma_wait3A_307 = arith.constant 0 : i32
            %dma_wait3A_308 = arith.constant 0 : i32
            %dma_wait3A_309 = tpu.memref_slice %run_scoped3A_18[%rem3A_295, %dma_wait3A_307, %dma_wait3A_308] : memref<2x256x128xf32, #tpu.memory_space<vmem>> -> memref<1x256x128xf32, #tpu.memory_space<vmem>>
            %dma_wait3A_310 = tpu.memref_squeeze %dma_wait3A_309 : memref<1x256x128xf32, #tpu.memory_space<vmem>> -> memref<256x128xf32, #tpu.memory_space<vmem>>
            tpu.wait_dma2 semaphore(%dma_wait3A_304 : memref<!tpu.dma_semaphore, #tpu.memory_space<semaphore_mem>>) src(%dma_wait3A_310 : memref<256x128xf32, #tpu.memory_space<vmem>>) dst(%dma_wait3A_306 : memref<256x128xf32, #tpu.memory_space<hbm>>)
            "tpu.trace_stop"() : () -> ()
          } else {
          }
          %and3A_275 = arith.constant true
          %and3A_276 = arith.andi %and3A_271, %and3A_275 : i1
          %add3A_277 = arith.constant 1 : i32
          %add3A_278 = arith.addi %while3A_146, %add3A_277 : i32
          %select_n3A_279 = arith.select %and3A_276, %add3A_278, %while3A_146 : i32
          %ne3A_280 = arith.cmpi ne, %add3A_155, %add3A_173 : i32
          %or3A_281 = arith.constant false
          %or3A_282 = arith.ori %or3A_281, %ne3A_280 : i1
          %or3A_283 = arith.ori %or3A_282, %eq3A_154 : i1
          %add3A_284 = arith.constant 1 : i32
          %add3A_285 = arith.addi %while3A_144, %add3A_284 : i32
          %select_n3A_286 = arith.select %or3A_283, %add3A_285, %while3A_144 : i32
          %add3A_287 = arith.constant 1 : i32
          %add3A_288 = arith.addi %while3A_147, %add3A_287 : i32
          %select_n3A_289 = arith.constant true
          %select_n3A_290 = arith.select %select_n3A_289, %add3A_288, %while3A_147 : i32
          %eq3A_291 = arith.cmpi eq, %select_n3A_290, %select_n3A : i32
          %select_n3A_292 = arith.constant 0 : i32
          %select_n3A_293 = arith.select %eq3A_291, %select_n3A_292, %select_n3A_290 : i32
          scf.yield %select_n3A_195, %select_n3A_286, %select_n3A_252, %select_n3A_279, %select_n3A_293 : i32, i32, i32, i32, i32
        }
        %sub3A_91 = arith.constant 1 : i32
        %sub3A_92 = arith.subi %while3A_90#4, %sub3A_91 : i32
        %select_n3A_93 = arith.constant true
        %select_n3A_94 = arith.select %select_n3A_93, %sub3A_92, %while3A_90#4 : i32
        %eq3A_95 = arith.constant -1 : i32
        %eq3A_96 = arith.cmpi eq, %select_n3A_94, %eq3A_95 : i32
        %sub3A_97 = arith.constant 1 : i32
        %sub3A_98 = arith.subi %select_n3A, %sub3A_97 : i32
        %select_n3A_99 = arith.select %eq3A_96, %sub3A_98, %select_n3A_94 : i32
        %sub3A_100 = arith.constant 1 : i32
        %sub3A_101 = arith.subi %mul3A_16, %sub3A_100 : i32
        %mul3A_102 = arith.constant 1 : i32
        %mul3A_103 = arith.muli %mul3A_102, %select_n3A : i32
        %eq3A_104 = arith.constant 0 : i32
        %eq3A_105 = arith.cmpi eq, %sub3A_101, %eq3A_104 : i32
        %sub3A_106 = arith.constant 1 : i32
        %sub3A_107 = arith.subi %mul3A_103, %sub3A_106 : i32
        %eq3A_108 = arith.cmpi eq, %sub3A_101, %sub3A_107 : i32
        %add3A_109 = arith.addi %select_n3A_99, %select_n3A_14 : i32
        %sub3A_110 = arith.constant 1 : i32
        %sub3A_111 = arith.subi %select_n3A_99, %sub3A_110 : i32
        %select_n3A_112 = arith.constant true
        %select_n3A_113 = arith.select %select_n3A_112, %sub3A_111, %select_n3A_99 : i32
        %eq3A_114 = arith.constant -1 : i32
        %eq3A_115 = arith.cmpi eq, %select_n3A_113, %eq3A_114 : i32
        %sub3A_116 = arith.constant 1 : i32
        %sub3A_117 = arith.subi %select_n3A, %sub3A_116 : i32
        %select_n3A_118 = arith.select %eq3A_115, %sub3A_117, %select_n3A_113 : i32
        %add3A_119 = arith.addi %select_n3A_118, %select_n3A_14 : i32
        %add3A_120 = arith.constant 1 : i32
        %add3A_121 = arith.addi %select_n3A_99, %add3A_120 : i32
        %select_n3A_122 = arith.constant true
        %select_n3A_123 = arith.select %select_n3A_122, %add3A_121, %select_n3A_99 : i32
        %eq3A_124 = arith.cmpi eq, %select_n3A_123, %select_n3A : i32
        %select_n3A_125 = arith.constant 0 : i32
        %select_n3A_126 = arith.select %eq3A_124, %select_n3A_125, %select_n3A_123 : i32
        %add3A_127 = arith.addi %select_n3A_126, %select_n3A_14 : i32
        %add3A_128 = arith.constant 1 : i32
        %add3A_129 = arith.addi %select_n3A_126, %add3A_128 : i32
        %select_n3A_130 = arith.constant true
        %select_n3A_131 = arith.select %select_n3A_130, %add3A_129, %select_n3A_126 : i32
        %eq3A_132 = arith.cmpi eq, %select_n3A_131, %select_n3A : i32
        %select_n3A_133 = arith.constant 0 : i32
        %select_n3A_134 = arith.select %eq3A_132, %select_n3A_133, %select_n3A_131 : i32
        %add3A_135 = arith.addi %select_n3A_134, %select_n3A_14 : i32
        %convert_element_type3A_136 = arith.extui %eq3A_108 : i1 to i32
        %cond3A_137 = arith.constant 0 : i32
        %cond3A_138 = arith.cmpi ne, %convert_element_type3A_136, %cond3A_137 : i32
        scf.if %cond3A_138 {
        } else {
        }
        %convert_element_type3A_139 = arith.extui %eq3A_108 : i1 to i32
        %cond3A_140 = arith.constant 0 : i32
        %cond3A_141 = arith.cmpi ne, %convert_element_type3A_139, %cond3A_140 : i32
        scf.if %cond3A_141 {
          "tpu.trace_start"() <{level = 10 : i32, message = "ep_finalize"}> : () -> ()
          %rem3A_142 = arith.constant 2 : i32
          %rem3A_143 = arith.remui %while3A_90#3, %rem3A_142 : i32
          %mul3A_144 = arith.constant 256 : i32
          %mul3A_145 = arith.muli %mul3A_144, %add3A_109 : i32
          %dma_wait3A = arith.constant 0 : i32
          %dma_wait3A_146 = arith.constant 0 : i32
          %dma_wait3A_147 = tpu.memref_slice %run_scoped3A_18[%rem3A_143, %dma_wait3A, %dma_wait3A_146] : memref<2x256x128xf32, #tpu.memory_space<vmem>> -> memref<1x256x128xf32, #tpu.memory_space<vmem>>
          %dma_wait3A_148 = tpu.memref_squeeze %dma_wait3A_147 : memref<1x256x128xf32, #tpu.memory_space<vmem>> -> memref<256x128xf32, #tpu.memory_space<vmem>>
          %dma_wait3A_149 = arith.constant 0 : i32
          %dma_wait3A_150 = tpu.memref_slice %arg4[%mul3A_145, %dma_wait3A_149] : memref<69632x128xf32, #tpu.memory_space<hbm>> -> memref<256x128xf32, #tpu.memory_space<hbm>>
          %dma_wait3A_151 = tpu.memref_slice %run_scoped3A_19[%rem3A_143] : memref<2x!tpu.dma_semaphore, #tpu.memory_space<semaphore_mem>> -> memref<1x!tpu.dma_semaphore, #tpu.memory_space<semaphore_mem>>
          %dma_wait3A_152 = tpu.memref_squeeze %dma_wait3A_151 : memref<1x!tpu.dma_semaphore, #tpu.memory_space<semaphore_mem>> -> memref<!tpu.dma_semaphore, #tpu.memory_space<semaphore_mem>>
          %dma_wait3A_153 = arith.constant 0 : i32
          %dma_wait3A_154 = tpu.memref_slice %arg4[%mul3A_145, %dma_wait3A_153] : memref<69632x128xf32, #tpu.memory_space<hbm>> -> memref<256x128xf32, #tpu.memory_space<hbm>>
          %dma_wait3A_155 = arith.constant 0 : i32
          %dma_wait3A_156 = arith.constant 0 : i32
          %dma_wait3A_157 = tpu.memref_slice %run_scoped3A_18[%rem3A_143, %dma_wait3A_155, %dma_wait3A_156] : memref<2x256x128xf32, #tpu.memory_space<vmem>> -> memref<1x256x128xf32, #tpu.memory_space<vmem>>
          %dma_wait3A_158 = tpu.memref_squeeze %dma_wait3A_157 : memref<1x256x128xf32, #tpu.memory_space<vmem>> -> memref<256x128xf32, #tpu.memory_space<vmem>>
          tpu.wait_dma2 semaphore(%dma_wait3A_152 : memref<!tpu.dma_semaphore, #tpu.memory_space<semaphore_mem>>) src(%dma_wait3A_158 : memref<256x128xf32, #tpu.memory_space<vmem>>) dst(%dma_wait3A_154 : memref<256x128xf32, #tpu.memory_space<hbm>>)
          "tpu.trace_stop"() : () -> ()
        } else {
        }
      } else {
      }
      tpu.yield
    }) : () -> ()
    return
  }
}

#map = affine_map<(d0, d1) -> (0, 0)>
module attributes {stable_mosaic.version = 14 : i64} {
  func.func @k(%arg0: i32, %arg1: i32, %arg2: memref<4096x128xf32, #tpu.memory_space<hbm>>, %arg3: memref<1x69632xi32, #tpu.memory_space<hbm>>, %arg4: memref<69632x128xf32, #tpu.memory_space<hbm>>) attributes {dimension_semantics = [#tpu.dimension_semantics<core_parallel>, #tpu.dimension_semantics<subcore_parallel>], iteration_bounds = array<i64: 2, 16>, scalar_prefetch = 0 : i64, scratch_operands = 0 : i64, tpu.core_type = #tpu.core_type<sc_vector_subcore>, window_params = [{transform_indices = #map}, {transform_indices = #map}, {transform_indices = #map}]} {
    %mul3A = arith.constant 1 : i32
    %mul3A_0 = arith.muli %arg1, %mul3A : i32
    %add3A = arith.constant 0 : i32
    %add3A_1 = arith.addi %add3A, %mul3A_0 : i32
    %mul3A_2 = arith.constant 16 : i32
    %mul3A_3 = arith.muli %arg0, %mul3A_2 : i32
    %add3A_4 = arith.addi %add3A_1, %mul3A_3 : i32
    %lt3A = arith.constant 16 : i32
    %lt3A_5 = arith.cmpi slt, %add3A_4, %lt3A : i32
    %jit3A = arith.constant 9 : i32
    %jit3A_6 = arith.constant 8 : i32
    %select_n3A = arith.select %lt3A_5, %jit3A, %jit3A_6 : i32
    %lt3A_7 = arith.constant 16 : i32
    %lt3A_8 = arith.cmpi slt, %add3A_4, %lt3A_7 : i32
    %mul3A_9 = arith.muli %add3A_4, %select_n3A : i32
    %mul3A_10 = arith.constant 8 : i32
    %mul3A_11 = arith.muli %add3A_4, %mul3A_10 : i32
    %add3A_12 = arith.constant 16 : i32
    %add3A_13 = arith.addi %mul3A_11, %add3A_12 : i32
    %select_n3A_14 = arith.select %lt3A_8, %mul3A_9, %add3A_13 : i32
    %mul3A_15 = arith.constant 1 : i32
    %mul3A_16 = arith.muli %mul3A_15, %select_n3A : i32
    "tpu.region"() ({
      %run_scoped3A = memref.alloca() : memref<2x1x256xi32, #tpu.memory_space<vmem>>
      %run_scoped3A_17 = tpu.sem_alloc : memref<2x!tpu.dma_semaphore, #tpu.memory_space<semaphore_mem>>
      %run_scoped3A_18 = memref.alloca() : memref<2x256x128xf32, #tpu.memory_space<vmem>>
      %run_scoped3A_19 = tpu.sem_alloc : memref<2x!tpu.dma_semaphore, #tpu.memory_space<semaphore_mem>>
      %gt3A = arith.constant 0 : i32
      %gt3A_20 = arith.cmpi sgt, %mul3A_16, %gt3A : i32
      %convert_element_type3A = arith.extui %gt3A_20 : i1 to i32
      %cond3A = arith.constant 0 : i32
      %cond3A_21 = arith.cmpi ne, %convert_element_type3A, %cond3A : i32
      scf.if %cond3A_21 {
        %mul3A_22 = arith.constant 1 : i32
        %mul3A_23 = arith.muli %mul3A_22, %select_n3A : i32
        %sub3A = arith.constant 1 : i32
        %sub3A_24 = arith.subi %mul3A_23, %sub3A : i32
        %eq3A = arith.constant 0 : i32
        %eq3A_25 = arith.cmpi eq, %sub3A_24, %eq3A : i32
        %add3A_26 = arith.constant 0 : i32
        %add3A_27 = arith.addi %add3A_26, %select_n3A_14 : i32
        %select_n3A_28 = arith.constant true
        %select_n3A_29 = arith.constant 0 : i32
        %select_n3A_30 = arith.constant -1 : i32
        %select_n3A_31 = arith.select %select_n3A_28, %select_n3A_30, %select_n3A_29 : i32
        %eq3A_32 = arith.constant -1 : i32
        %eq3A_33 = arith.cmpi eq, %select_n3A_31, %eq3A_32 : i32
        %sub3A_34 = arith.constant 1 : i32
        %sub3A_35 = arith.subi %select_n3A, %sub3A_34 : i32
        %select_n3A_36 = arith.select %eq3A_33, %sub3A_35, %select_n3A_31 : i32
        %add3A_37 = arith.addi %select_n3A_36, %select_n3A_14 : i32
        %select_n3A_38 = arith.constant true
        %select_n3A_39 = arith.constant 0 : i32
        %select_n3A_40 = arith.constant 1 : i32
        %select_n3A_41 = arith.select %select_n3A_38, %select_n3A_40, %select_n3A_39 : i32
        %eq3A_42 = arith.cmpi eq, %select_n3A_41, %select_n3A : i32
        %select_n3A_43 = arith.constant 0 : i32
        %select_n3A_44 = arith.select %eq3A_42, %select_n3A_43, %select_n3A_41 : i32
        %add3A_45 = arith.addi %select_n3A_44, %select_n3A_14 : i32
        %add3A_46 = arith.constant 1 : i32
        %add3A_47 = arith.addi %select_n3A_44, %add3A_46 : i32
        %select_n3A_48 = arith.constant true
        %select_n3A_49 = arith.select %select_n3A_48, %add3A_47, %select_n3A_44 : i32
        %eq3A_50 = arith.cmpi eq, %select_n3A_49, %select_n3A : i32
        %select_n3A_51 = arith.constant 0 : i32
        %select_n3A_52 = arith.select %eq3A_50, %select_n3A_51, %select_n3A_49 : i32
        %add3A_53 = arith.addi %select_n3A_52, %select_n3A_14 : i32
        "tpu.trace_start"() <{level = 10 : i32, message = "ep_initialize_0"}> : () -> ()
        %rem3A = arith.constant 0 : i32
        %rem3A_54 = arith.constant 2 : i32
        %rem3A_55 = arith.remui %rem3A, %rem3A_54 : i32
        %mul3A_56 = arith.constant 256 : i32
        %mul3A_57 = arith.muli %mul3A_56, %add3A_27 : i32
        %dma_start3A = arith.constant 0 : i32
        %dma_start3A_58 = arith.constant 0 : i32
        %dma_start3A_59 = tpu.memref_slice %run_scoped3A[%rem3A_55, %dma_start3A, %dma_start3A_58] : memref<2x1x256xi32, #tpu.memory_space<vmem>> -> memref<1x1x256xi32, #tpu.memory_space<vmem>>
        %dma_start3A_60 = tpu.memref_squeeze %dma_start3A_59 : memref<1x1x256xi32, #tpu.memory_space<vmem>> -> memref<1x256xi32, #tpu.memory_space<vmem>>
        %dma_start3A_61 = arith.constant 0 : i32
        %dma_start3A_62 = tpu.memref_slice %arg3[%dma_start3A_61, %mul3A_57] : memref<1x69632xi32, #tpu.memory_space<hbm>> -> memref<1x256xi32, #tpu.memory_space<hbm>>
        %dma_start3A_63 = tpu.memref_slice %run_scoped3A_17[%rem3A_55] : memref<2x!tpu.dma_semaphore, #tpu.memory_space<semaphore_mem>> -> memref<1x!tpu.dma_semaphore, #tpu.memory_space<semaphore_mem>>
        %dma_start3A_64 = tpu.memref_squeeze %dma_start3A_63 : memref<1x!tpu.dma_semaphore, #tpu.memory_space<semaphore_mem>> -> memref<!tpu.dma_semaphore, #tpu.memory_space<semaphore_mem>>
        %dma_start3A_65 = arith.constant 0 : i32
        %dma_start3A_66 = arith.constant 0 : i32
        %dma_start3A_67 = tpu.memref_slice %run_scoped3A[%rem3A_55, %dma_start3A_65, %dma_start3A_66] : memref<2x1x256xi32, #tpu.memory_space<vmem>> -> memref<1x1x256xi32, #tpu.memory_space<vmem>>
        %dma_start3A_68 = tpu.memref_squeeze %dma_start3A_67 : memref<1x1x256xi32, #tpu.memory_space<vmem>> -> memref<1x256xi32, #tpu.memory_space<vmem>>
        %dma_start3A_69 = arith.constant 0 : i32
        %dma_start3A_70 = tpu.memref_slice %arg3[%dma_start3A_69, %mul3A_57] : memref<1x69632xi32, #tpu.memory_space<hbm>> -> memref<1x256xi32, #tpu.memory_space<hbm>>
        tpu.enqueue_dma source(%dma_start3A_70 : memref<1x256xi32, #tpu.memory_space<hbm>>) target(%dma_start3A_68 : memref<1x256xi32, #tpu.memory_space<vmem>>) target_semaphore(%dma_start3A_64 : memref<!tpu.dma_semaphore, #tpu.memory_space<semaphore_mem>>)
        %add3A_71 = arith.constant 0 : i32
        %add3A_72 = arith.constant 1 : i32
        %add3A_73 = arith.addi %add3A_71, %add3A_72 : i32
        %select_n3A_74 = arith.constant true
        %select_n3A_75 = arith.constant 0 : i32
        %select_n3A_76 = arith.select %select_n3A_74, %add3A_73, %select_n3A_75 : i32
        %while3A = arith.constant 0 : i32
        %while3A_77 = arith.constant 0 : i32
        %while3A_78 = arith.constant 0 : i32
        %while3A_79 = arith.constant 0 : i32
        %while3A_80 = arith.constant 0 : i32
        "tpu.trace_stop"() : () -> ()
        %while3A_81 = arith.subi %mul3A_16, %while3A : i32
        %while3A_82 = arith.addi %while3A, %while3A_81 : i32
        %while3A_83 = arith.constant 1 : i32
        %while3A_84 = arith.divsi %while3A_81, %while3A_83 : i32
        %while3A_85 = arith.muli %while3A_84, %while3A_83 : i32
        %while3A_86 = arith.addi %while3A, %while3A_85 : i32
        %while3A_87 = arith.constant 1 : i32
        %while3A_88:5 = scf.for %while3A_142 = %while3A to %while3A_86 step %while3A_87 iter_args(%while3A_143 = %select_n3A_76, %while3A_144 = %while3A_77, %while3A_145 = %while3A_78, %while3A_146 = %while3A_79, %while3A_147 = %while3A_80) -> (i32, i32, i32, i32, i32)  : i32 {
          %mul3A_148 = arith.constant 1 : i32
          %mul3A_149 = arith.muli %mul3A_148, %select_n3A : i32
          %eq3A_150 = arith.constant 0 : i32
          %eq3A_151 = arith.cmpi eq, %while3A_142, %eq3A_150 : i32
          %sub3A_152 = arith.constant 1 : i32
          %sub3A_153 = arith.subi %mul3A_149, %sub3A_152 : i32
          %eq3A_154 = arith.cmpi eq, %while3A_142, %sub3A_153 : i32
          %add3A_155 = arith.addi %while3A_147, %select_n3A_14 : i32
          %sub3A_156 = arith.constant 1 : i32
          %sub3A_157 = arith.subi %while3A_147, %sub3A_156 : i32
          %select_n3A_158 = arith.constant true
          %select_n3A_159 = arith.select %select_n3A_158, %sub3A_157, %while3A_147 : i32
          %eq3A_160 = arith.constant -1 : i32
          %eq3A_161 = arith.cmpi eq, %select_n3A_159, %eq3A_160 : i32
          %sub3A_162 = arith.constant 1 : i32
          %sub3A_163 = arith.subi %select_n3A, %sub3A_162 : i32
          %select_n3A_164 = arith.select %eq3A_161, %sub3A_163, %select_n3A_159 : i32
          %add3A_165 = arith.addi %select_n3A_164, %select_n3A_14 : i32
          %add3A_166 = arith.constant 1 : i32
          %add3A_167 = arith.addi %while3A_147, %add3A_166 : i32
          %select_n3A_168 = arith.constant true
          %select_n3A_169 = arith.select %select_n3A_168, %add3A_167, %while3A_147 : i32
          %eq3A_170 = arith.cmpi eq, %select_n3A_169, %select_n3A : i32
          %select_n3A_171 = arith.constant 0 : i32
          %select_n3A_172 = arith.select %eq3A_170, %select_n3A_171, %select_n3A_169 : i32
          %add3A_173 = arith.addi %select_n3A_172, %select_n3A_14 : i32
          %add3A_174 = arith.constant 1 : i32
          %add3A_175 = arith.addi %select_n3A_172, %add3A_174 : i32
          %select_n3A_176 = arith.constant true
          %select_n3A_177 = arith.select %select_n3A_176, %add3A_175, %select_n3A_172 : i32
          %eq3A_178 = arith.cmpi eq, %select_n3A_177, %select_n3A : i32
          %select_n3A_179 = arith.constant 0 : i32
          %select_n3A_180 = arith.select %eq3A_178, %select_n3A_179, %select_n3A_177 : i32
          %add3A_181 = arith.addi %select_n3A_180, %select_n3A_14 : i32
          %ne3A = arith.cmpi ne, %add3A_155, %add3A_173 : i32
          %or3A = arith.constant false
          %or3A_182 = arith.ori %or3A, %ne3A : i1
          %sub3A_183 = arith.constant 2 : i32
          %sub3A_184 = arith.subi %mul3A_149, %sub3A_183 : i32
          %add3A_185 = arith.constant 1 : i32
          %add3A_186 = arith.addi %sub3A_184, %add3A_185 : i32
          %ge3A = arith.cmpi sge, %while3A_142, %add3A_186 : i32
          %not3A = arith.constant true
          %not3A_187 = arith.xori %ge3A, %not3A : i1
          %and3A = arith.andi %or3A_182, %not3A_187 : i1
          %convert_element_type3A_188 = arith.extui %and3A : i1 to i32
          %cond3A_189 = arith.constant 0 : i32
          %cond3A_190 = arith.cmpi ne, %convert_element_type3A_188, %cond3A_189 : i32
          scf.if %cond3A_190 {
            "tpu.trace_start"() <{level = 10 : i32, message = "ep_copy_in"}> : () -> ()
            %rem3A_294 = arith.constant 2 : i32
            %rem3A_295 = arith.remui %while3A_143, %rem3A_294 : i32
            %mul3A_296 = arith.constant 256 : i32
            %mul3A_297 = arith.muli %mul3A_296, %add3A_173 : i32
            %dma_start3A_298 = arith.constant 0 : i32
            %dma_start3A_299 = arith.constant 0 : i32
            %dma_start3A_300 = tpu.memref_slice %run_scoped3A[%rem3A_295, %dma_start3A_298, %dma_start3A_299] : memref<2x1x256xi32, #tpu.memory_space<vmem>> -> memref<1x1x256xi32, #tpu.memory_space<vmem>>
            %dma_start3A_301 = tpu.memref_squeeze %dma_start3A_300 : memref<1x1x256xi32, #tpu.memory_space<vmem>> -> memref<1x256xi32, #tpu.memory_space<vmem>>
            %dma_start3A_302 = arith.constant 0 : i32
            %dma_start3A_303 = tpu.memref_slice %arg3[%dma_start3A_302, %mul3A_297] : memref<1x69632xi32, #tpu.memory_space<hbm>> -> memref<1x256xi32, #tpu.memory_space<hbm>>
            %dma_start3A_304 = tpu.memref_slice %run_scoped3A_17[%rem3A_295] : memref<2x!tpu.dma_semaphore, #tpu.memory_space<semaphore_mem>> -> memref<1x!tpu.dma_semaphore, #tpu.memory_space<semaphore_mem>>
            %dma_start3A_305 = tpu.memref_squeeze %dma_start3A_304 : memref<1x!tpu.dma_semaphore, #tpu.memory_space<semaphore_mem>> -> memref<!tpu.dma_semaphore, #tpu.memory_space<semaphore_mem>>
            %dma_start3A_306 = arith.constant 0 : i32
            %dma_start3A_307 = arith.constant 0 : i32
            %dma_start3A_308 = tpu.memref_slice %run_scoped3A[%rem3A_295, %dma_start3A_306, %dma_start3A_307] : memref<2x1x256xi32, #tpu.memory_space<vmem>> -> memref<1x1x256xi32, #tpu.memory_space<vmem>>
            %dma_start3A_309 = tpu.memref_squeeze %dma_start3A_308 : memref<1x1x256xi32, #tpu.memory_space<vmem>> -> memref<1x256xi32, #tpu.memory_space<vmem>>
            %dma_start3A_310 = arith.constant 0 : i32
            %dma_start3A_311 = tpu.memref_slice %arg3[%dma_start3A_310, %mul3A_297] : memref<1x69632xi32, #tpu.memory_space<hbm>> -> memref<1x256xi32, #tpu.memory_space<hbm>>
            tpu.enqueue_dma source(%dma_start3A_311 : memref<1x256xi32, #tpu.memory_space<hbm>>) target(%dma_start3A_309 : memref<1x256xi32, #tpu.memory_space<vmem>>) target_semaphore(%dma_start3A_305 : memref<!tpu.dma_semaphore, #tpu.memory_space<semaphore_mem>>)
            "tpu.trace_stop"() : () -> ()
          } else {
          }
          %and3A_191 = arith.constant true
          %and3A_192 = arith.andi %and3A, %and3A_191 : i1
          %add3A_193 = arith.constant 1 : i32
          %add3A_194 = arith.addi %while3A_143, %add3A_193 : i32
          %select_n3A_195 = arith.select %and3A_192, %add3A_194, %while3A_143 : i32
          %ne3A_196 = arith.cmpi ne, %add3A_155, %add3A_173 : i32
          %or3A_197 = arith.constant false
          %or3A_198 = arith.ori %or3A_197, %ne3A_196 : i1
          %or3A_199 = arith.constant false
          %or3A_200 = arith.ori %or3A_198, %or3A_199 : i1
          %sub3A_201 = arith.constant 2 : i32
          %sub3A_202 = arith.subi %mul3A_149, %sub3A_201 : i32
          %add3A_203 = arith.constant 1 : i32
          %add3A_204 = arith.addi %sub3A_202, %add3A_203 : i32
          %ge3A_205 = arith.cmpi sge, %while3A_142, %add3A_204 : i32
          %not3A_206 = arith.constant true
          %not3A_207 = arith.xori %ge3A_205, %not3A_206 : i1
          %and3A_208 = arith.andi %or3A_200, %not3A_207 : i1
          %ne3A_209 = arith.cmpi ne, %add3A_155, %add3A_165 : i32
          %or3A_210 = arith.constant false
          %or3A_211 = arith.ori %or3A_210, %ne3A_209 : i1
          %or3A_212 = arith.ori %or3A_211, %eq3A_151 : i1
          %convert_element_type3A_213 = arith.extui %or3A_212 : i1 to i32
          %cond3A_214 = arith.constant 0 : i32
          %cond3A_215 = arith.cmpi ne, %convert_element_type3A_213, %cond3A_214 : i32
          scf.if %cond3A_215 {
            "tpu.trace_start"() <{level = 10 : i32, message = "ep_wait_in"}> : () -> ()
            %mul3A_294 = arith.constant 256 : i32
            %mul3A_295 = arith.muli %mul3A_294, %add3A_155 : i32
            %rem3A_296 = arith.constant 2 : i32
            %rem3A_297 = arith.remui %while3A_144, %rem3A_296 : i32
            %dma_wait3A = arith.constant 0 : i32
            %dma_wait3A_298 = arith.constant 0 : i32
            %dma_wait3A_299 = tpu.memref_slice %run_scoped3A[%rem3A_297, %dma_wait3A, %dma_wait3A_298] : memref<2x1x256xi32, #tpu.memory_space<vmem>> -> memref<1x1x256xi32, #tpu.memory_space<vmem>>
            %dma_wait3A_300 = tpu.memref_squeeze %dma_wait3A_299 : memref<1x1x256xi32, #tpu.memory_space<vmem>> -> memref<1x256xi32, #tpu.memory_space<vmem>>
            %dma_wait3A_301 = arith.constant 0 : i32
            %dma_wait3A_302 = tpu.memref_slice %arg3[%dma_wait3A_301, %mul3A_295] : memref<1x69632xi32, #tpu.memory_space<hbm>> -> memref<1x256xi32, #tpu.memory_space<hbm>>
            %dma_wait3A_303 = tpu.memref_slice %run_scoped3A_17[%rem3A_297] : memref<2x!tpu.dma_semaphore, #tpu.memory_space<semaphore_mem>> -> memref<1x!tpu.dma_semaphore, #tpu.memory_space<semaphore_mem>>
            %dma_wait3A_304 = tpu.memref_squeeze %dma_wait3A_303 : memref<1x!tpu.dma_semaphore, #tpu.memory_space<semaphore_mem>> -> memref<!tpu.dma_semaphore, #tpu.memory_space<semaphore_mem>>
            %dma_wait3A_305 = arith.constant 0 : i32
            %dma_wait3A_306 = arith.constant 0 : i32
            %dma_wait3A_307 = tpu.memref_slice %run_scoped3A[%rem3A_297, %dma_wait3A_305, %dma_wait3A_306] : memref<2x1x256xi32, #tpu.memory_space<vmem>> -> memref<1x1x256xi32, #tpu.memory_space<vmem>>
            %dma_wait3A_308 = tpu.memref_squeeze %dma_wait3A_307 : memref<1x1x256xi32, #tpu.memory_space<vmem>> -> memref<1x256xi32, #tpu.memory_space<vmem>>
            %dma_wait3A_309 = arith.constant 0 : i32
            %dma_wait3A_310 = tpu.memref_slice %arg3[%dma_wait3A_309, %mul3A_295] : memref<1x69632xi32, #tpu.memory_space<hbm>> -> memref<1x256xi32, #tpu.memory_space<hbm>>
            tpu.wait_dma2 semaphore(%dma_wait3A_304 : memref<!tpu.dma_semaphore, #tpu.memory_space<semaphore_mem>>) src(%dma_wait3A_310 : memref<1x256xi32, #tpu.memory_space<hbm>>) dst(%dma_wait3A_308 : memref<1x256xi32, #tpu.memory_space<vmem>>)
            "tpu.trace_stop"() : () -> ()
          } else {
          }
          %ne3A_216 = arith.cmpi ne, %add3A_155, %add3A_165 : i32
          %or3A_217 = arith.constant false
          %or3A_218 = arith.ori %or3A_217, %ne3A_216 : i1
          %or3A_219 = arith.constant false
          %or3A_220 = arith.ori %or3A_218, %or3A_219 : i1
          %or3A_221 = arith.ori %or3A_220, %eq3A_151 : i1
          %convert_element_type3A_222 = arith.extui %or3A_221 : i1 to i32
          %cond3A_223 = arith.constant 0 : i32
          %cond3A_224 = arith.cmpi ne, %convert_element_type3A_222, %cond3A_223 : i32
          scf.if %cond3A_224 {
          } else {
          }
          %rem3A_225 = arith.constant 2 : i32
          %rem3A_226 = arith.remui %while3A_144, %rem3A_225 : i32
          %rem3A_227 = arith.constant 2 : i32
          %rem3A_228 = arith.remui %while3A_145, %rem3A_227 : i32
          %run_scoped3A_229 = arith.constant 0 : i32
          "tpu.trace_start"() <{level = 10 : i32, message = "ep_run_kernel"}> : () -> ()
          "tpu.region"() ({
            %run_scoped3A_294 = tpu.sem_alloc : memref<!tpu.dma_semaphore, #tpu.memory_space<semaphore_mem>>
            %dma_start3A_295 = arith.constant 0 : i32
            %dma_start3A_296 = arith.constant 0 : i32
            %dma_start3A_297 = tpu.memref_slice %run_scoped3A_18[%rem3A_228, %dma_start3A_295, %dma_start3A_296] : memref<2x256x128xf32, #tpu.memory_space<vmem>> -> memref<1x256x128xf32, #tpu.memory_space<vmem>>
            %dma_start3A_298 = tpu.memref_squeeze %dma_start3A_297 : memref<1x256x128xf32, #tpu.memory_space<vmem>> -> memref<256x128xf32, #tpu.memory_space<vmem>>
            %dma_start3A_299 = arith.constant 0 : i32
            %dma_start3A_300 = arith.constant 0 : i32
            %dma_start3A_301 = tpu.memref_slice %run_scoped3A[%rem3A_226, %dma_start3A_299, %dma_start3A_300] : memref<2x1x256xi32, #tpu.memory_space<vmem>> -> memref<1x1x256xi32, #tpu.memory_space<vmem>>
            %dma_start3A_302 = tpu.memref_squeeze %dma_start3A_301 : memref<1x1x256xi32, #tpu.memory_space<vmem>> -> memref<1x256xi32, #tpu.memory_space<vmem>>
            %dma_start3A_303 = arith.constant 0 : i32
            %dma_start3A_304 = tpu.memref_slice %dma_start3A_302[%run_scoped3A_229, %dma_start3A_303] : memref<1x256xi32, #tpu.memory_space<vmem>> -> memref<1x256xi32, #tpu.memory_space<vmem>>
            %dma_start3A_305 = tpu.memref_squeeze %dma_start3A_304 : memref<1x256xi32, #tpu.memory_space<vmem>> -> memref<256xi32, #tpu.memory_space<vmem>>
            %dma_start3A_306 = arith.constant 0 : i32
            %dma_start3A_307 = arith.constant 0 : i32
            %dma_start3A_308 = tpu.memref_slice %arg2[%dma_start3A_306, %dma_start3A_307] : memref<4096x128xf32, #tpu.memory_space<hbm>> -> memref<4096x128xf32, #tpu.memory_space<hbm>>
            tpu.enqueue_indirect_dma source(%dma_start3A_308 : memref<4096x128xf32, #tpu.memory_space<hbm>>) target(%dma_start3A_298 : memref<256x128xf32, #tpu.memory_space<vmem>>) offsets(%dma_start3A_305 : memref<256xi32, #tpu.memory_space<vmem>>) semaphore(%run_scoped3A_294 : memref<!tpu.dma_semaphore, #tpu.memory_space<semaphore_mem>>)
            %dma_wait3A = arith.constant 0 : i32
            %dma_wait3A_309 = arith.constant 0 : i32
            %dma_wait3A_310 = tpu.memref_slice %run_scoped3A_18[%rem3A_228, %dma_wait3A, %dma_wait3A_309] : memref<2x256x128xf32, #tpu.memory_space<vmem>> -> memref<1x256x128xf32, #tpu.memory_space<vmem>>
            %dma_wait3A_311 = tpu.memref_squeeze %dma_wait3A_310 : memref<1x256x128xf32, #tpu.memory_space<vmem>> -> memref<256x128xf32, #tpu.memory_space<vmem>>
            %dma_wait3A_312 = arith.constant 0 : i32
            %dma_wait3A_313 = arith.constant 0 : i32
            %dma_wait3A_314 = tpu.memref_slice %run_scoped3A[%rem3A_226, %dma_wait3A_312, %dma_wait3A_313] : memref<2x1x256xi32, #tpu.memory_space<vmem>> -> memref<1x1x256xi32, #tpu.memory_space<vmem>>
            %dma_wait3A_315 = tpu.memref_squeeze %dma_wait3A_314 : memref<1x1x256xi32, #tpu.memory_space<vmem>> -> memref<1x256xi32, #tpu.memory_space<vmem>>
            %dma_wait3A_316 = arith.constant 0 : i32
            %dma_wait3A_317 = tpu.memref_slice %dma_wait3A_315[%run_scoped3A_229, %dma_wait3A_316] : memref<1x256xi32, #tpu.memory_space<vmem>> -> memref<1x256xi32, #tpu.memory_space<vmem>>
            %dma_wait3A_318 = tpu.memref_squeeze %dma_wait3A_317 : memref<1x256xi32, #tpu.memory_space<vmem>> -> memref<256xi32, #tpu.memory_space<vmem>>
            %dma_wait3A_319 = arith.constant 0 : i32
            %dma_wait3A_320 = arith.constant 0 : i32
            %dma_wait3A_321 = tpu.memref_slice %arg2[%dma_wait3A_319, %dma_wait3A_320] : memref<4096x128xf32, #tpu.memory_space<hbm>> -> memref<4096x128xf32, #tpu.memory_space<hbm>>
            tpu.wait_indirect_dma semaphore(%run_scoped3A_294 : memref<!tpu.dma_semaphore, #tpu.memory_space<semaphore_mem>>) src(%dma_wait3A_321 : memref<4096x128xf32, #tpu.memory_space<hbm>>) dst(%dma_wait3A_311 : memref<256x128xf32, #tpu.memory_space<vmem>>)
            tpu.yield
          }) : () -> ()
          "tpu.trace_stop"() : () -> ()
          %ne3A_230 = arith.cmpi ne, %add3A_155, %add3A_173 : i32
          %or3A_231 = arith.constant false
          %or3A_232 = arith.ori %or3A_231, %ne3A_230 : i1
          %or3A_233 = arith.ori %or3A_232, %eq3A_154 : i1
          %convert_element_type3A_234 = arith.extui %or3A_233 : i1 to i32
          %cond3A_235 = arith.constant 0 : i32
          %cond3A_236 = arith.cmpi ne, %convert_element_type3A_234, %cond3A_235 : i32
          scf.if %cond3A_236 {
          } else {
          }
          %and3A_237 = arith.constant false
          %and3A_238 = arith.andi %or3A_233, %and3A_237 : i1
          %ne3A_239 = arith.cmpi ne, %add3A_155, %add3A_173 : i32
          %or3A_240 = arith.constant false
          %or3A_241 = arith.ori %or3A_240, %ne3A_239 : i1
          %or3A_242 = arith.constant false
          %or3A_243 = arith.ori %or3A_241, %or3A_242 : i1
          %or3A_244 = arith.ori %or3A_243, %eq3A_154 : i1
          %convert_element_type3A_245 = arith.extui %or3A_244 : i1 to i32
          %cond3A_246 = arith.constant 0 : i32
          %cond3A_247 = arith.cmpi ne, %convert_element_type3A_245, %cond3A_246 : i32
          scf.if %cond3A_247 {
            "tpu.trace_start"() <{level = 10 : i32, message = "ep_copy_out"}> : () -> ()
            %rem3A_294 = arith.constant 2 : i32
            %rem3A_295 = arith.remui %while3A_145, %rem3A_294 : i32
            %mul3A_296 = arith.constant 256 : i32
            %mul3A_297 = arith.muli %mul3A_296, %add3A_155 : i32
            %dma_start3A_298 = arith.constant 0 : i32
            %dma_start3A_299 = arith.constant 0 : i32
            %dma_start3A_300 = tpu.memref_slice %run_scoped3A_18[%rem3A_295, %dma_start3A_298, %dma_start3A_299] : memref<2x256x128xf32, #tpu.memory_space<vmem>> -> memref<1x256x128xf32, #tpu.memory_space<vmem>>
            %dma_start3A_301 = tpu.memref_squeeze %dma_start3A_300 : memref<1x256x128xf32, #tpu.memory_space<vmem>> -> memref<256x128xf32, #tpu.memory_space<vmem>>
            %dma_start3A_302 = arith.constant 0 : i32
            %dma_start3A_303 = tpu.memref_slice %arg4[%mul3A_297, %dma_start3A_302] : memref<69632x128xf32, #tpu.memory_space<hbm>> -> memref<256x128xf32, #tpu.memory_space<hbm>>
            %dma_start3A_304 = tpu.memref_slice %run_scoped3A_19[%rem3A_295] : memref<2x!tpu.dma_semaphore, #tpu.memory_space<semaphore_mem>> -> memref<1x!tpu.dma_semaphore, #tpu.memory_space<semaphore_mem>>
            %dma_start3A_305 = tpu.memref_squeeze %dma_start3A_304 : memref<1x!tpu.dma_semaphore, #tpu.memory_space<semaphore_mem>> -> memref<!tpu.dma_semaphore, #tpu.memory_space<semaphore_mem>>
            %dma_start3A_306 = arith.constant 0 : i32
            %dma_start3A_307 = tpu.memref_slice %arg4[%mul3A_297, %dma_start3A_306] : memref<69632x128xf32, #tpu.memory_space<hbm>> -> memref<256x128xf32, #tpu.memory_space<hbm>>
            %dma_start3A_308 = arith.constant 0 : i32
            %dma_start3A_309 = arith.constant 0 : i32
            %dma_start3A_310 = tpu.memref_slice %run_scoped3A_18[%rem3A_295, %dma_start3A_308, %dma_start3A_309] : memref<2x256x128xf32, #tpu.memory_space<vmem>> -> memref<1x256x128xf32, #tpu.memory_space<vmem>>
            %dma_start3A_311 = tpu.memref_squeeze %dma_start3A_310 : memref<1x256x128xf32, #tpu.memory_space<vmem>> -> memref<256x128xf32, #tpu.memory_space<vmem>>
            tpu.enqueue_dma source(%dma_start3A_311 : memref<256x128xf32, #tpu.memory_space<vmem>>) target(%dma_start3A_307 : memref<256x128xf32, #tpu.memory_space<hbm>>) target_semaphore(%dma_start3A_305 : memref<!tpu.dma_semaphore, #tpu.memory_space<semaphore_mem>>)
            "tpu.trace_stop"() : () -> ()
          } else {
          }
          %and3A_248 = arith.constant true
          %and3A_249 = arith.andi %or3A_244, %and3A_248 : i1
          %add3A_250 = arith.constant 1 : i32
          %add3A_251 = arith.addi %while3A_145, %add3A_250 : i32
          %select_n3A_252 = arith.select %and3A_249, %add3A_251, %while3A_145 : i32
          %ne3A_253 = arith.cmpi ne, %add3A_155, %add3A_165 : i32
          %or3A_254 = arith.constant false
          %or3A_255 = arith.ori %or3A_254, %ne3A_253 : i1
          %not3A_256 = arith.constant true
          %not3A_257 = arith.xori %eq3A_151, %not3A_256 : i1
          %and3A_258 = arith.andi %or3A_255, %not3A_257 : i1
          %convert_element_type3A_259 = arith.extui %and3A_258 : i1 to i32
          %cond3A_260 = arith.constant 0 : i32
          %cond3A_261 = arith.cmpi ne, %convert_element_type3A_259, %cond3A_260 : i32
          scf.if %cond3A_261 {
          } else {
          }
          %and3A_262 = arith.constant false
          %and3A_263 = arith.andi %and3A_258, %and3A_262 : i1
          %ne3A_264 = arith.cmpi ne, %add3A_155, %add3A_165 : i32
          %or3A_265 = arith.constant false
          %or3A_266 = arith.ori %or3A_265, %ne3A_264 : i1
          %or3A_267 = arith.constant false
          %or3A_268 = arith.ori %or3A_266, %or3A_267 : i1
          %not3A_269 = arith.constant true
          %not3A_270 = arith.xori %eq3A_151, %not3A_269 : i1
          %and3A_271 = arith.andi %or3A_268, %not3A_270 : i1
          %convert_element_type3A_272 = arith.extui %and3A_271 : i1 to i32
          %cond3A_273 = arith.constant 0 : i32
          %cond3A_274 = arith.cmpi ne, %convert_element_type3A_272, %cond3A_273 : i32
          scf.if %cond3A_274 {
            "tpu.trace_start"() <{level = 10 : i32, message = "ep_wait_out"}> : () -> ()
            %rem3A_294 = arith.constant 2 : i32
            %rem3A_295 = arith.remui %while3A_146, %rem3A_294 : i32
            %mul3A_296 = arith.constant 256 : i32
            %mul3A_297 = arith.muli %mul3A_296, %add3A_165 : i32
            %dma_wait3A = arith.constant 0 : i32
            %dma_wait3A_298 = arith.constant 0 : i32
            %dma_wait3A_299 = tpu.memref_slice %run_scoped3A_18[%rem3A_295, %dma_wait3A, %dma_wait3A_298] : memref<2x256x128xf32, #tpu.memory_space<vmem>> -> memref<1x256x128xf32, #tpu.memory_space<vmem>>
            %dma_wait3A_300 = tpu.memref_squeeze %dma_wait3A_299 : memref<1x256x128xf32, #tpu.memory_space<vmem>> -> memref<256x128xf32, #tpu.memory_space<vmem>>
            %dma_wait3A_301 = arith.constant 0 : i32
            %dma_wait3A_302 = tpu.memref_slice %arg4[%mul3A_297, %dma_wait3A_301] : memref<69632x128xf32, #tpu.memory_space<hbm>> -> memref<256x128xf32, #tpu.memory_space<hbm>>
            %dma_wait3A_303 = tpu.memref_slice %run_scoped3A_19[%rem3A_295] : memref<2x!tpu.dma_semaphore, #tpu.memory_space<semaphore_mem>> -> memref<1x!tpu.dma_semaphore, #tpu.memory_space<semaphore_mem>>
            %dma_wait3A_304 = tpu.memref_squeeze %dma_wait3A_303 : memref<1x!tpu.dma_semaphore, #tpu.memory_space<semaphore_mem>> -> memref<!tpu.dma_semaphore, #tpu.memory_space<semaphore_mem>>
            %dma_wait3A_305 = arith.constant 0 : i32
            %dma_wait3A_306 = tpu.memref_slice %arg4[%mul3A_297, %dma_wait3A_305] : memref<69632x128xf32, #tpu.memory_space<hbm>> -> memref<256x128xf32, #tpu.memory_space<hbm>>
            %dma_wait3A_307 = arith.constant 0 : i32
            %dma_wait3A_308 = arith.constant 0 : i32
            %dma_wait3A_309 = tpu.memref_slice %run_scoped3A_18[%rem3A_295, %dma_wait3A_307, %dma_wait3A_308] : memref<2x256x128xf32, #tpu.memory_space<vmem>> -> memref<1x256x128xf32, #tpu.memory_space<vmem>>
            %dma_wait3A_310 = tpu.memref_squeeze %dma_wait3A_309 : memref<1x256x128xf32, #tpu.memory_space<vmem>> -> memref<256x128xf32, #tpu.memory_space<vmem>>
            tpu.wait_dma2 semaphore(%dma_wait3A_304 : memref<!tpu.dma_semaphore, #tpu.memory_space<semaphore_mem>>) src(%dma_wait3A_310 : memref<256x128xf32, #tpu.memory_space<vmem>>) dst(%dma_wait3A_306 : memref<256x128xf32, #tpu.memory_space<hbm>>)
            "tpu.trace_stop"() : () -> ()
          } else {
          }
          %and3A_275 = arith.constant true
          %and3A_276 = arith.andi %and3A_271, %and3A_275 : i1
          %add3A_277 = arith.constant 1 : i32
          %add3A_278 = arith.addi %while3A_146, %add3A_277 : i32
          %select_n3A_279 = arith.select %and3A_276, %add3A_278, %while3A_146 : i32
          %ne3A_280 = arith.cmpi ne, %add3A_155, %add3A_173 : i32
          %or3A_281 = arith.constant false
          %or3A_282 = arith.ori %or3A_281, %ne3A_280 : i1
          %or3A_283 = arith.ori %or3A_282, %eq3A_154 : i1
          %add3A_284 = arith.constant 1 : i32
          %add3A_285 = arith.addi %while3A_144, %add3A_284 : i32
          %select_n3A_286 = arith.select %or3A_283, %add3A_285, %while3A_144 : i32
          %add3A_287 = arith.constant 1 : i32
          %add3A_288 = arith.addi %while3A_147, %add3A_287 : i32
          %select_n3A_289 = arith.constant true
          %select_n3A_290 = arith.select %select_n3A_289, %add3A_288, %while3A_147 : i32
          %eq3A_291 = arith.cmpi eq, %select_n3A_290, %select_n3A : i32
          %select_n3A_292 = arith.constant 0 : i32
          %select_n3A_293 = arith.select %eq3A_291, %select_n3A_292, %select_n3A_290 : i32
          scf.yield %select_n3A_195, %select_n3A_286, %select_n3A_252, %select_n3A_279, %select_n3A_293 : i32, i32, i32, i32, i32
        }
        %while3A_89 = arith.constant 1 : i32
        %while3A_90:5 = scf.for %while3A_142 = %while3A_86 to %while3A_82 step %while3A_89 iter_args(%while3A_143 = %while3A_88#0, %while3A_144 = %while3A_88#1, %while3A_145 = %while3A_88#2, %while3A_146 = %while3A_88#3, %while3A_147 = %while3A_88#4) -> (i32, i32, i32, i32, i32)  : i32 {
          %mul3A_148 = arith.constant 1 : i32
          %mul3A_149 = arith.muli %mul3A_148, %select_n3A : i32
          %eq3A_150 = arith.constant 0 : i32
          %eq3A_151 = arith.cmpi eq, %while3A_142, %eq3A_150 : i32
          %sub3A_152 = arith.constant 1 : i32
          %sub3A_153 = arith.subi %mul3A_149, %sub3A_152 : i32
          %eq3A_154 = arith.cmpi eq, %while3A_142, %sub3A_153 : i32
          %add3A_155 = arith.addi %while3A_147, %select_n3A_14 : i32
          %sub3A_156 = arith.constant 1 : i32
          %sub3A_157 = arith.subi %while3A_147, %sub3A_156 : i32
          %select_n3A_158 = arith.constant true
          %select_n3A_159 = arith.select %select_n3A_158, %sub3A_157, %while3A_147 : i32
          %eq3A_160 = arith.constant -1 : i32
          %eq3A_161 = arith.cmpi eq, %select_n3A_159, %eq3A_160 : i32
          %sub3A_162 = arith.constant 1 : i32
          %sub3A_163 = arith.subi %select_n3A, %sub3A_162 : i32
          %select_n3A_164 = arith.select %eq3A_161, %sub3A_163, %select_n3A_159 : i32
          %add3A_165 = arith.addi %select_n3A_164, %select_n3A_14 : i32
          %add3A_166 = arith.constant 1 : i32
          %add3A_167 = arith.addi %while3A_147, %add3A_166 : i32
          %select_n3A_168 = arith.constant true
          %select_n3A_169 = arith.select %select_n3A_168, %add3A_167, %while3A_147 : i32
          %eq3A_170 = arith.cmpi eq, %select_n3A_169, %select_n3A : i32
          %select_n3A_171 = arith.constant 0 : i32
          %select_n3A_172 = arith.select %eq3A_170, %select_n3A_171, %select_n3A_169 : i32
          %add3A_173 = arith.addi %select_n3A_172, %select_n3A_14 : i32
          %add3A_174 = arith.constant 1 : i32
          %add3A_175 = arith.addi %select_n3A_172, %add3A_174 : i32
          %select_n3A_176 = arith.constant true
          %select_n3A_177 = arith.select %select_n3A_176, %add3A_175, %select_n3A_172 : i32
          %eq3A_178 = arith.cmpi eq, %select_n3A_177, %select_n3A : i32
          %select_n3A_179 = arith.constant 0 : i32
          %select_n3A_180 = arith.select %eq3A_178, %select_n3A_179, %select_n3A_177 : i32
          %add3A_181 = arith.addi %select_n3A_180, %select_n3A_14 : i32
          %ne3A = arith.cmpi ne, %add3A_155, %add3A_173 : i32
          %or3A = arith.constant false
          %or3A_182 = arith.ori %or3A, %ne3A : i1
          %sub3A_183 = arith.constant 2 : i32
          %sub3A_184 = arith.subi %mul3A_149, %sub3A_183 : i32
          %add3A_185 = arith.constant 1 : i32
          %add3A_186 = arith.addi %sub3A_184, %add3A_185 : i32
          %ge3A = arith.cmpi sge, %while3A_142, %add3A_186 : i32
          %not3A = arith.constant true
          %not3A_187 = arith.xori %ge3A, %not3A : i1
          %and3A = arith.andi %or3A_182, %not3A_187 : i1
          %convert_element_type3A_188 = arith.extui %and3A : i1 to i32
          %cond3A_189 = arith.constant 0 : i32
          %cond3A_190 = arith.cmpi ne, %convert_element_type3A_188, %cond3A_189 : i32
          scf.if %cond3A_190 {
            "tpu.trace_start"() <{level = 10 : i32, message = "ep_copy_in"}> : () -> ()
            %rem3A_294 = arith.constant 2 : i32
            %rem3A_295 = arith.remui %while3A_143, %rem3A_294 : i32
            %mul3A_296 = arith.constant 256 : i32
            %mul3A_297 = arith.muli %mul3A_296, %add3A_173 : i32
            %dma_start3A_298 = arith.constant 0 : i32
            %dma_start3A_299 = arith.constant 0 : i32
            %dma_start3A_300 = tpu.memref_slice %run_scoped3A[%rem3A_295, %dma_start3A_298, %dma_start3A_299] : memref<2x1x256xi32, #tpu.memory_space<vmem>> -> memref<1x1x256xi32, #tpu.memory_space<vmem>>
            %dma_start3A_301 = tpu.memref_squeeze %dma_start3A_300 : memref<1x1x256xi32, #tpu.memory_space<vmem>> -> memref<1x256xi32, #tpu.memory_space<vmem>>
            %dma_start3A_302 = arith.constant 0 : i32
            %dma_start3A_303 = tpu.memref_slice %arg3[%dma_start3A_302, %mul3A_297] : memref<1x69632xi32, #tpu.memory_space<hbm>> -> memref<1x256xi32, #tpu.memory_space<hbm>>
            %dma_start3A_304 = tpu.memref_slice %run_scoped3A_17[%rem3A_295] : memref<2x!tpu.dma_semaphore, #tpu.memory_space<semaphore_mem>> -> memref<1x!tpu.dma_semaphore, #tpu.memory_space<semaphore_mem>>
            %dma_start3A_305 = tpu.memref_squeeze %dma_start3A_304 : memref<1x!tpu.dma_semaphore, #tpu.memory_space<semaphore_mem>> -> memref<!tpu.dma_semaphore, #tpu.memory_space<semaphore_mem>>
            %dma_start3A_306 = arith.constant 0 : i32
            %dma_start3A_307 = arith.constant 0 : i32
            %dma_start3A_308 = tpu.memref_slice %run_scoped3A[%rem3A_295, %dma_start3A_306, %dma_start3A_307] : memref<2x1x256xi32, #tpu.memory_space<vmem>> -> memref<1x1x256xi32, #tpu.memory_space<vmem>>
            %dma_start3A_309 = tpu.memref_squeeze %dma_start3A_308 : memref<1x1x256xi32, #tpu.memory_space<vmem>> -> memref<1x256xi32, #tpu.memory_space<vmem>>
            %dma_start3A_310 = arith.constant 0 : i32
            %dma_start3A_311 = tpu.memref_slice %arg3[%dma_start3A_310, %mul3A_297] : memref<1x69632xi32, #tpu.memory_space<hbm>> -> memref<1x256xi32, #tpu.memory_space<hbm>>
            tpu.enqueue_dma source(%dma_start3A_311 : memref<1x256xi32, #tpu.memory_space<hbm>>) target(%dma_start3A_309 : memref<1x256xi32, #tpu.memory_space<vmem>>) target_semaphore(%dma_start3A_305 : memref<!tpu.dma_semaphore, #tpu.memory_space<semaphore_mem>>)
            "tpu.trace_stop"() : () -> ()
          } else {
          }
          %and3A_191 = arith.constant true
          %and3A_192 = arith.andi %and3A, %and3A_191 : i1
          %add3A_193 = arith.constant 1 : i32
          %add3A_194 = arith.addi %while3A_143, %add3A_193 : i32
          %select_n3A_195 = arith.select %and3A_192, %add3A_194, %while3A_143 : i32
          %ne3A_196 = arith.cmpi ne, %add3A_155, %add3A_173 : i32
          %or3A_197 = arith.constant false
          %or3A_198 = arith.ori %or3A_197, %ne3A_196 : i1
          %or3A_199 = arith.constant false
          %or3A_200 = arith.ori %or3A_198, %or3A_199 : i1
          %sub3A_201 = arith.constant 2 : i32
          %sub3A_202 = arith.subi %mul3A_149, %sub3A_201 : i32
          %add3A_203 = arith.constant 1 : i32
          %add3A_204 = arith.addi %sub3A_202, %add3A_203 : i32
          %ge3A_205 = arith.cmpi sge, %while3A_142, %add3A_204 : i32
          %not3A_206 = arith.constant true
          %not3A_207 = arith.xori %ge3A_205, %not3A_206 : i1
          %and3A_208 = arith.andi %or3A_200, %not3A_207 : i1
          %ne3A_209 = arith.cmpi ne, %add3A_155, %add3A_165 : i32
          %or3A_210 = arith.constant false
          %or3A_211 = arith.ori %or3A_210, %ne3A_209 : i1
          %or3A_212 = arith.ori %or3A_211, %eq3A_151 : i1
          %convert_element_type3A_213 = arith.extui %or3A_212 : i1 to i32
          %cond3A_214 = arith.constant 0 : i32
          %cond3A_215 = arith.cmpi ne, %convert_element_type3A_213, %cond3A_214 : i32
          scf.if %cond3A_215 {
            "tpu.trace_start"() <{level = 10 : i32, message = "ep_wait_in"}> : () -> ()
            %mul3A_294 = arith.constant 256 : i32
            %mul3A_295 = arith.muli %mul3A_294, %add3A_155 : i32
            %rem3A_296 = arith.constant 2 : i32
            %rem3A_297 = arith.remui %while3A_144, %rem3A_296 : i32
            %dma_wait3A = arith.constant 0 : i32
            %dma_wait3A_298 = arith.constant 0 : i32
            %dma_wait3A_299 = tpu.memref_slice %run_scoped3A[%rem3A_297, %dma_wait3A, %dma_wait3A_298] : memref<2x1x256xi32, #tpu.memory_space<vmem>> -> memref<1x1x256xi32, #tpu.memory_space<vmem>>
            %dma_wait3A_300 = tpu.memref_squeeze %dma_wait3A_299 : memref<1x1x256xi32, #tpu.memory_space<vmem>> -> memref<1x256xi32, #tpu.memory_space<vmem>>
            %dma_wait3A_301 = arith.constant 0 : i32
            %dma_wait3A_302 = tpu.memref_slice %arg3[%dma_wait3A_301, %mul3A_295] : memref<1x69632xi32, #tpu.memory_space<hbm>> -> memref<1x256xi32, #tpu.memory_space<hbm>>
            %dma_wait3A_303 = tpu.memref_slice %run_scoped3A_17[%rem3A_297] : memref<2x!tpu.dma_semaphore, #tpu.memory_space<semaphore_mem>> -> memref<1x!tpu.dma_semaphore, #tpu.memory_space<semaphore_mem>>
            %dma_wait3A_304 = tpu.memref_squeeze %dma_wait3A_303 : memref<1x!tpu.dma_semaphore, #tpu.memory_space<semaphore_mem>> -> memref<!tpu.dma_semaphore, #tpu.memory_space<semaphore_mem>>
            %dma_wait3A_305 = arith.constant 0 : i32
            %dma_wait3A_306 = arith.constant 0 : i32
            %dma_wait3A_307 = tpu.memref_slice %run_scoped3A[%rem3A_297, %dma_wait3A_305, %dma_wait3A_306] : memref<2x1x256xi32, #tpu.memory_space<vmem>> -> memref<1x1x256xi32, #tpu.memory_space<vmem>>
            %dma_wait3A_308 = tpu.memref_squeeze %dma_wait3A_307 : memref<1x1x256xi32, #tpu.memory_space<vmem>> -> memref<1x256xi32, #tpu.memory_space<vmem>>
            %dma_wait3A_309 = arith.constant 0 : i32
            %dma_wait3A_310 = tpu.memref_slice %arg3[%dma_wait3A_309, %mul3A_295] : memref<1x69632xi32, #tpu.memory_space<hbm>> -> memref<1x256xi32, #tpu.memory_space<hbm>>
            tpu.wait_dma2 semaphore(%dma_wait3A_304 : memref<!tpu.dma_semaphore, #tpu.memory_space<semaphore_mem>>) src(%dma_wait3A_310 : memref<1x256xi32, #tpu.memory_space<hbm>>) dst(%dma_wait3A_308 : memref<1x256xi32, #tpu.memory_space<vmem>>)
            "tpu.trace_stop"() : () -> ()
          } else {
          }
          %ne3A_216 = arith.cmpi ne, %add3A_155, %add3A_165 : i32
          %or3A_217 = arith.constant false
          %or3A_218 = arith.ori %or3A_217, %ne3A_216 : i1
          %or3A_219 = arith.constant false
          %or3A_220 = arith.ori %or3A_218, %or3A_219 : i1
          %or3A_221 = arith.ori %or3A_220, %eq3A_151 : i1
          %convert_element_type3A_222 = arith.extui %or3A_221 : i1 to i32
          %cond3A_223 = arith.constant 0 : i32
          %cond3A_224 = arith.cmpi ne, %convert_element_type3A_222, %cond3A_223 : i32
          scf.if %cond3A_224 {
          } else {
          }
          %rem3A_225 = arith.constant 2 : i32
          %rem3A_226 = arith.remui %while3A_144, %rem3A_225 : i32
          %rem3A_227 = arith.constant 2 : i32
          %rem3A_228 = arith.remui %while3A_145, %rem3A_227 : i32
          %run_scoped3A_229 = arith.constant 0 : i32
          "tpu.trace_start"() <{level = 10 : i32, message = "ep_run_kernel"}> : () -> ()
          "tpu.region"() ({
            %run_scoped3A_294 = tpu.sem_alloc : memref<!tpu.dma_semaphore, #tpu.memory_space<semaphore_mem>>
            %dma_start3A_295 = arith.constant 0 : i32
            %dma_start3A_296 = arith.constant 0 : i32
            %dma_start3A_297 = tpu.memref_slice %run_scoped3A_18[%rem3A_228, %dma_start3A_295, %dma_start3A_296] : memref<2x256x128xf32, #tpu.memory_space<vmem>> -> memref<1x256x128xf32, #tpu.memory_space<vmem>>
            %dma_start3A_298 = tpu.memref_squeeze %dma_start3A_297 : memref<1x256x128xf32, #tpu.memory_space<vmem>> -> memref<256x128xf32, #tpu.memory_space<vmem>>
            %dma_start3A_299 = arith.constant 0 : i32
            %dma_start3A_300 = arith.constant 0 : i32
            %dma_start3A_301 = tpu.memref_slice %run_scoped3A[%rem3A_226, %dma_start3A_299, %dma_start3A_300] : memref<2x1x256xi32, #tpu.memory_space<vmem>> -> memref<1x1x256xi32, #tpu.memory_space<vmem>>
            %dma_start3A_302 = tpu.memref_squeeze %dma_start3A_301 : memref<1x1x256xi32, #tpu.memory_space<vmem>> -> memref<1x256xi32, #tpu.memory_space<vmem>>
            %dma_start3A_303 = arith.constant 0 : i32
            %dma_start3A_304 = tpu.memref_slice %dma_start3A_302[%run_scoped3A_229, %dma_start3A_303] : memref<1x256xi32, #tpu.memory_space<vmem>> -> memref<1x256xi32, #tpu.memory_space<vmem>>
            %dma_start3A_305 = tpu.memref_squeeze %dma_start3A_304 : memref<1x256xi32, #tpu.memory_space<vmem>> -> memref<256xi32, #tpu.memory_space<vmem>>
            %dma_start3A_306 = arith.constant 0 : i32
            %dma_start3A_307 = arith.constant 0 : i32
            %dma_start3A_308 = tpu.memref_slice %arg2[%dma_start3A_306, %dma_start3A_307] : memref<4096x128xf32, #tpu.memory_space<hbm>> -> memref<4096x128xf32, #tpu.memory_space<hbm>>
            tpu.enqueue_indirect_dma source(%dma_start3A_308 : memref<4096x128xf32, #tpu.memory_space<hbm>>) target(%dma_start3A_298 : memref<256x128xf32, #tpu.memory_space<vmem>>) offsets(%dma_start3A_305 : memref<256xi32, #tpu.memory_space<vmem>>) semaphore(%run_scoped3A_294 : memref<!tpu.dma_semaphore, #tpu.memory_space<semaphore_mem>>)
            %dma_wait3A = arith.constant 0 : i32
            %dma_wait3A_309 = arith.constant 0 : i32
            %dma_wait3A_310 = tpu.memref_slice %run_scoped3A_18[%rem3A_228, %dma_wait3A, %dma_wait3A_309] : memref<2x256x128xf32, #tpu.memory_space<vmem>> -> memref<1x256x128xf32, #tpu.memory_space<vmem>>
            %dma_wait3A_311 = tpu.memref_squeeze %dma_wait3A_310 : memref<1x256x128xf32, #tpu.memory_space<vmem>> -> memref<256x128xf32, #tpu.memory_space<vmem>>
            %dma_wait3A_312 = arith.constant 0 : i32
            %dma_wait3A_313 = arith.constant 0 : i32
            %dma_wait3A_314 = tpu.memref_slice %run_scoped3A[%rem3A_226, %dma_wait3A_312, %dma_wait3A_313] : memref<2x1x256xi32, #tpu.memory_space<vmem>> -> memref<1x1x256xi32, #tpu.memory_space<vmem>>
            %dma_wait3A_315 = tpu.memref_squeeze %dma_wait3A_314 : memref<1x1x256xi32, #tpu.memory_space<vmem>> -> memref<1x256xi32, #tpu.memory_space<vmem>>
            %dma_wait3A_316 = arith.constant 0 : i32
            %dma_wait3A_317 = tpu.memref_slice %dma_wait3A_315[%run_scoped3A_229, %dma_wait3A_316] : memref<1x256xi32, #tpu.memory_space<vmem>> -> memref<1x256xi32, #tpu.memory_space<vmem>>
            %dma_wait3A_318 = tpu.memref_squeeze %dma_wait3A_317 : memref<1x256xi32, #tpu.memory_space<vmem>> -> memref<256xi32, #tpu.memory_space<vmem>>
            %dma_wait3A_319 = arith.constant 0 : i32
            %dma_wait3A_320 = arith.constant 0 : i32
            %dma_wait3A_321 = tpu.memref_slice %arg2[%dma_wait3A_319, %dma_wait3A_320] : memref<4096x128xf32, #tpu.memory_space<hbm>> -> memref<4096x128xf32, #tpu.memory_space<hbm>>
            tpu.wait_indirect_dma semaphore(%run_scoped3A_294 : memref<!tpu.dma_semaphore, #tpu.memory_space<semaphore_mem>>) src(%dma_wait3A_321 : memref<4096x128xf32, #tpu.memory_space<hbm>>) dst(%dma_wait3A_311 : memref<256x128xf32, #tpu.memory_space<vmem>>)
            tpu.yield
          }) : () -> ()
          "tpu.trace_stop"() : () -> ()
          %ne3A_230 = arith.cmpi ne, %add3A_155, %add3A_173 : i32
          %or3A_231 = arith.constant false
          %or3A_232 = arith.ori %or3A_231, %ne3A_230 : i1
          %or3A_233 = arith.ori %or3A_232, %eq3A_154 : i1
          %convert_element_type3A_234 = arith.extui %or3A_233 : i1 to i32
          %cond3A_235 = arith.constant 0 : i32
          %cond3A_236 = arith.cmpi ne, %convert_element_type3A_234, %cond3A_235 : i32
          scf.if %cond3A_236 {
          } else {
          }
          %and3A_237 = arith.constant false
          %and3A_238 = arith.andi %or3A_233, %and3A_237 : i1
          %ne3A_239 = arith.cmpi ne, %add3A_155, %add3A_173 : i32
          %or3A_240 = arith.constant false
          %or3A_241 = arith.ori %or3A_240, %ne3A_239 : i1
          %or3A_242 = arith.constant false
          %or3A_243 = arith.ori %or3A_241, %or3A_242 : i1
          %or3A_244 = arith.ori %or3A_243, %eq3A_154 : i1
          %convert_element_type3A_245 = arith.extui %or3A_244 : i1 to i32
          %cond3A_246 = arith.constant 0 : i32
          %cond3A_247 = arith.cmpi ne, %convert_element_type3A_245, %cond3A_246 : i32
          scf.if %cond3A_247 {
            "tpu.trace_start"() <{level = 10 : i32, message = "ep_copy_out"}> : () -> ()
            %rem3A_294 = arith.constant 2 : i32
            %rem3A_295 = arith.remui %while3A_145, %rem3A_294 : i32
            %mul3A_296 = arith.constant 256 : i32
            %mul3A_297 = arith.muli %mul3A_296, %add3A_155 : i32
            %dma_start3A_298 = arith.constant 0 : i32
            %dma_start3A_299 = arith.constant 0 : i32
            %dma_start3A_300 = tpu.memref_slice %run_scoped3A_18[%rem3A_295, %dma_start3A_298, %dma_start3A_299] : memref<2x256x128xf32, #tpu.memory_space<vmem>> -> memref<1x256x128xf32, #tpu.memory_space<vmem>>
            %dma_start3A_301 = tpu.memref_squeeze %dma_start3A_300 : memref<1x256x128xf32, #tpu.memory_space<vmem>> -> memref<256x128xf32, #tpu.memory_space<vmem>>
            %dma_start3A_302 = arith.constant 0 : i32
            %dma_start3A_303 = tpu.memref_slice %arg4[%mul3A_297, %dma_start3A_302] : memref<69632x128xf32, #tpu.memory_space<hbm>> -> memref<256x128xf32, #tpu.memory_space<hbm>>
            %dma_start3A_304 = tpu.memref_slice %run_scoped3A_19[%rem3A_295] : memref<2x!tpu.dma_semaphore, #tpu.memory_space<semaphore_mem>> -> memref<1x!tpu.dma_semaphore, #tpu.memory_space<semaphore_mem>>
            %dma_start3A_305 = tpu.memref_squeeze %dma_start3A_304 : memref<1x!tpu.dma_semaphore, #tpu.memory_space<semaphore_mem>> -> memref<!tpu.dma_semaphore, #tpu.memory_space<semaphore_mem>>
            %dma_start3A_306 = arith.constant 0 : i32
            %dma_start3A_307 = tpu.memref_slice %arg4[%mul3A_297, %dma_start3A_306] : memref<69632x128xf32, #tpu.memory_space<hbm>> -> memref<256x128xf32, #tpu.memory_space<hbm>>
            %dma_start3A_308 = arith.constant 0 : i32
            %dma_start3A_309 = arith.constant 0 : i32
            %dma_start3A_310 = tpu.memref_slice %run_scoped3A_18[%rem3A_295, %dma_start3A_308, %dma_start3A_309] : memref<2x256x128xf32, #tpu.memory_space<vmem>> -> memref<1x256x128xf32, #tpu.memory_space<vmem>>
            %dma_start3A_311 = tpu.memref_squeeze %dma_start3A_310 : memref<1x256x128xf32, #tpu.memory_space<vmem>> -> memref<256x128xf32, #tpu.memory_space<vmem>>
            tpu.enqueue_dma source(%dma_start3A_311 : memref<256x128xf32, #tpu.memory_space<vmem>>) target(%dma_start3A_307 : memref<256x128xf32, #tpu.memory_space<hbm>>) target_semaphore(%dma_start3A_305 : memref<!tpu.dma_semaphore, #tpu.memory_space<semaphore_mem>>)
            "tpu.trace_stop"() : () -> ()
          } else {
          }
          %and3A_248 = arith.constant true
          %and3A_249 = arith.andi %or3A_244, %and3A_248 : i1
          %add3A_250 = arith.constant 1 : i32
          %add3A_251 = arith.addi %while3A_145, %add3A_250 : i32
          %select_n3A_252 = arith.select %and3A_249, %add3A_251, %while3A_145 : i32
          %ne3A_253 = arith.cmpi ne, %add3A_155, %add3A_165 : i32
          %or3A_254 = arith.constant false
          %or3A_255 = arith.ori %or3A_254, %ne3A_253 : i1
          %not3A_256 = arith.constant true
          %not3A_257 = arith.xori %eq3A_151, %not3A_256 : i1
          %and3A_258 = arith.andi %or3A_255, %not3A_257 : i1
          %convert_element_type3A_259 = arith.extui %and3A_258 : i1 to i32
          %cond3A_260 = arith.constant 0 : i32
          %cond3A_261 = arith.cmpi ne, %convert_element_type3A_259, %cond3A_260 : i32
          scf.if %cond3A_261 {
          } else {
          }
          %and3A_262 = arith.constant false
          %and3A_263 = arith.andi %and3A_258, %and3A_262 : i1
          %ne3A_264 = arith.cmpi ne, %add3A_155, %add3A_165 : i32
          %or3A_265 = arith.constant false
          %or3A_266 = arith.ori %or3A_265, %ne3A_264 : i1
          %or3A_267 = arith.constant false
          %or3A_268 = arith.ori %or3A_266, %or3A_267 : i1
          %not3A_269 = arith.constant true
          %not3A_270 = arith.xori %eq3A_151, %not3A_269 : i1
          %and3A_271 = arith.andi %or3A_268, %not3A_270 : i1
          %convert_element_type3A_272 = arith.extui %and3A_271 : i1 to i32
          %cond3A_273 = arith.constant 0 : i32
          %cond3A_274 = arith.cmpi ne, %convert_element_type3A_272, %cond3A_273 : i32
          scf.if %cond3A_274 {
            "tpu.trace_start"() <{level = 10 : i32, message = "ep_wait_out"}> : () -> ()
            %rem3A_294 = arith.constant 2 : i32
            %rem3A_295 = arith.remui %while3A_146, %rem3A_294 : i32
            %mul3A_296 = arith.constant 256 : i32
            %mul3A_297 = arith.muli %mul3A_296, %add3A_165 : i32
            %dma_wait3A = arith.constant 0 : i32
            %dma_wait3A_298 = arith.constant 0 : i32
            %dma_wait3A_299 = tpu.memref_slice %run_scoped3A_18[%rem3A_295, %dma_wait3A, %dma_wait3A_298] : memref<2x256x128xf32, #tpu.memory_space<vmem>> -> memref<1x256x128xf32, #tpu.memory_space<vmem>>
            %dma_wait3A_300 = tpu.memref_squeeze %dma_wait3A_299 : memref<1x256x128xf32, #tpu.memory_space<vmem>> -> memref<256x128xf32, #tpu.memory_space<vmem>>
            %dma_wait3A_301 = arith.constant 0 : i32
            %dma_wait3A_302 = tpu.memref_slice %arg4[%mul3A_297, %dma_wait3A_301] : memref<69632x128xf32, #tpu.memory_space<hbm>> -> memref<256x128xf32, #tpu.memory_space<hbm>>
            %dma_wait3A_303 = tpu.memref_slice %run_scoped3A_19[%rem3A_295] : memref<2x!tpu.dma_semaphore, #tpu.memory_space<semaphore_mem>> -> memref<1x!tpu.dma_semaphore, #tpu.memory_space<semaphore_mem>>
            %dma_wait3A_304 = tpu.memref_squeeze %dma_wait3A_303 : memref<1x!tpu.dma_semaphore, #tpu.memory_space<semaphore_mem>> -> memref<!tpu.dma_semaphore, #tpu.memory_space<semaphore_mem>>
            %dma_wait3A_305 = arith.constant 0 : i32
            %dma_wait3A_306 = tpu.memref_slice %arg4[%mul3A_297, %dma_wait3A_305] : memref<69632x128xf32, #tpu.memory_space<hbm>> -> memref<256x128xf32, #tpu.memory_space<hbm>>
            %dma_wait3A_307 = arith.constant 0 : i32
            %dma_wait3A_308 = arith.constant 0 : i32
            %dma_wait3A_309 = tpu.memref_slice %run_scoped3A_18[%rem3A_295, %dma_wait3A_307, %dma_wait3A_308] : memref<2x256x128xf32, #tpu.memory_space<vmem>> -> memref<1x256x128xf32, #tpu.memory_space<vmem>>
            %dma_wait3A_310 = tpu.memref_squeeze %dma_wait3A_309 : memref<1x256x128xf32, #tpu.memory_space<vmem>> -> memref<256x128xf32, #tpu.memory_space<vmem>>
            tpu.wait_dma2 semaphore(%dma_wait3A_304 : memref<!tpu.dma_semaphore, #tpu.memory_space<semaphore_mem>>) src(%dma_wait3A_310 : memref<256x128xf32, #tpu.memory_space<vmem>>) dst(%dma_wait3A_306 : memref<256x128xf32, #tpu.memory_space<hbm>>)
            "tpu.trace_stop"() : () -> ()
          } else {
          }
          %and3A_275 = arith.constant true
          %and3A_276 = arith.andi %and3A_271, %and3A_275 : i1
          %add3A_277 = arith.constant 1 : i32
          %add3A_278 = arith.addi %while3A_146, %add3A_277 : i32
          %select_n3A_279 = arith.select %and3A_276, %add3A_278, %while3A_146 : i32
          %ne3A_280 = arith.cmpi ne, %add3A_155, %add3A_173 : i32
          %or3A_281 = arith.constant false
          %or3A_282 = arith.ori %or3A_281, %ne3A_280 : i1
          %or3A_283 = arith.ori %or3A_282, %eq3A_154 : i1
          %add3A_284 = arith.constant 1 : i32
          %add3A_285 = arith.addi %while3A_144, %add3A_284 : i32
          %select_n3A_286 = arith.select %or3A_283, %add3A_285, %while3A_144 : i32
          %add3A_287 = arith.constant 1 : i32
          %add3A_288 = arith.addi %while3A_147, %add3A_287 : i32
          %select_n3A_289 = arith.constant true
          %select_n3A_290 = arith.select %select_n3A_289, %add3A_288, %while3A_147 : i32
          %eq3A_291 = arith.cmpi eq, %select_n3A_290, %select_n3A : i32
          %select_n3A_292 = arith.constant 0 : i32
          %select_n3A_293 = arith.select %eq3A_291, %select_n3A_292, %select_n3A_290 : i32
          scf.yield %select_n3A_195, %select_n3A_286, %select_n3A_252, %select_n3A_279, %select_n3A_293 : i32, i32, i32, i32, i32
        }
        %sub3A_91 = arith.constant 1 : i32
        %sub3A_92 = arith.subi %while3A_90#4, %sub3A_91 : i32
        %select_n3A_93 = arith.constant true
        %select_n3A_94 = arith.select %select_n3A_93, %sub3A_92, %while3A_90#4 : i32
        %eq3A_95 = arith.constant -1 : i32
        %eq3A_96 = arith.cmpi eq, %select_n3A_94, %eq3A_95 : i32
        %sub3A_97 = arith.constant 1 : i32
        %sub3A_98 = arith.subi %select_n3A, %sub3A_97 : i32
        %select_n3A_99 = arith.select %eq3A_96, %sub3A_98, %select_n3A_94 : i32
        %sub3A_100 = arith.constant 1 : i32
        %sub3A_101 = arith.subi %mul3A_16, %sub3A_100 : i32
        %mul3A_102 = arith.constant 1 : i32
        %mul3A_103 = arith.muli %mul3A_102, %select_n3A : i32
        %eq3A_104 = arith.constant 0 : i32
        %eq3A_105 = arith.cmpi eq, %sub3A_101, %eq3A_104 : i32
        %sub3A_106 = arith.constant 1 : i32
        %sub3A_107 = arith.subi %mul3A_103, %sub3A_106 : i32
        %eq3A_108 = arith.cmpi eq, %sub3A_101, %sub3A_107 : i32
        %add3A_109 = arith.addi %select_n3A_99, %select_n3A_14 : i32
        %sub3A_110 = arith.constant 1 : i32
        %sub3A_111 = arith.subi %select_n3A_99, %sub3A_110 : i32
        %select_n3A_112 = arith.constant true
        %select_n3A_113 = arith.select %select_n3A_112, %sub3A_111, %select_n3A_99 : i32
        %eq3A_114 = arith.constant -1 : i32
        %eq3A_115 = arith.cmpi eq, %select_n3A_113, %eq3A_114 : i32
        %sub3A_116 = arith.constant 1 : i32
        %sub3A_117 = arith.subi %select_n3A, %sub3A_116 : i32
        %select_n3A_118 = arith.select %eq3A_115, %sub3A_117, %select_n3A_113 : i32
        %add3A_119 = arith.addi %select_n3A_118, %select_n3A_14 : i32
        %add3A_120 = arith.constant 1 : i32
        %add3A_121 = arith.addi %select_n3A_99, %add3A_120 : i32
        %select_n3A_122 = arith.constant true
        %select_n3A_123 = arith.select %select_n3A_122, %add3A_121, %select_n3A_99 : i32
        %eq3A_124 = arith.cmpi eq, %select_n3A_123, %select_n3A : i32
        %select_n3A_125 = arith.constant 0 : i32
        %select_n3A_126 = arith.select %eq3A_124, %select_n3A_125, %select_n3A_123 : i32
        %add3A_127 = arith.addi %select_n3A_126, %select_n3A_14 : i32
        %add3A_128 = arith.constant 1 : i32
        %add3A_129 = arith.addi %select_n3A_126, %add3A_128 : i32
        %select_n3A_130 = arith.constant true
        %select_n3A_131 = arith.select %select_n3A_130, %add3A_129, %select_n3A_126 : i32
        %eq3A_132 = arith.cmpi eq, %select_n3A_131, %select_n3A : i32
        %select_n3A_133 = arith.constant 0 : i32
        %select_n3A_134 = arith.select %eq3A_132, %select_n3A_133, %select_n3A_131 : i32
        %add3A_135 = arith.addi %select_n3A_134, %select_n3A_14 : i32
        %convert_element_type3A_136 = arith.extui %eq3A_108 : i1 to i32
        %cond3A_137 = arith.constant 0 : i32
        %cond3A_138 = arith.cmpi ne, %convert_element_type3A_136, %cond3A_137 : i32
        scf.if %cond3A_138 {
        } else {
        }
        %convert_element_type3A_139 = arith.extui %eq3A_108 : i1 to i32
        %cond3A_140 = arith.constant 0 : i32
        %cond3A_141 = arith.cmpi ne, %convert_element_type3A_139, %cond3A_140 : i32
        scf.if %cond3A_141 {
          "tpu.trace_start"() <{level = 10 : i32, message = "ep_finalize"}> : () -> ()
          %rem3A_142 = arith.constant 2 : i32
          %rem3A_143 = arith.remui %while3A_90#3, %rem3A_142 : i32
          %mul3A_144 = arith.constant 256 : i32
          %mul3A_145 = arith.muli %mul3A_144, %add3A_109 : i32
          %dma_wait3A = arith.constant 0 : i32
          %dma_wait3A_146 = arith.constant 0 : i32
          %dma_wait3A_147 = tpu.memref_slice %run_scoped3A_18[%rem3A_143, %dma_wait3A, %dma_wait3A_146] : memref<2x256x128xf32, #tpu.memory_space<vmem>> -> memref<1x256x128xf32, #tpu.memory_space<vmem>>
          %dma_wait3A_148 = tpu.memref_squeeze %dma_wait3A_147 : memref<1x256x128xf32, #tpu.memory_space<vmem>> -> memref<256x128xf32, #tpu.memory_space<vmem>>
          %dma_wait3A_149 = arith.constant 0 : i32
          %dma_wait3A_150 = tpu.memref_slice %arg4[%mul3A_145, %dma_wait3A_149] : memref<69632x128xf32, #tpu.memory_space<hbm>> -> memref<256x128xf32, #tpu.memory_space<hbm>>
          %dma_wait3A_151 = tpu.memref_slice %run_scoped3A_19[%rem3A_143] : memref<2x!tpu.dma_semaphore, #tpu.memory_space<semaphore_mem>> -> memref<1x!tpu.dma_semaphore, #tpu.memory_space<semaphore_mem>>
          %dma_wait3A_152 = tpu.memref_squeeze %dma_wait3A_151 : memref<1x!tpu.dma_semaphore, #tpu.memory_space<semaphore_mem>> -> memref<!tpu.dma_semaphore, #tpu.memory_space<semaphore_mem>>
          %dma_wait3A_153 = arith.constant 0 : i32
          %dma_wait3A_154 = tpu.memref_slice %arg4[%mul3A_145, %dma_wait3A_153] : memref<69632x128xf32, #tpu.memory_space<hbm>> -> memref<256x128xf32, #tpu.memory_space<hbm>>
          %dma_wait3A_155 = arith.constant 0 : i32
          %dma_wait3A_156 = arith.constant 0 : i32
          %dma_wait3A_157 = tpu.memref_slice %run_scoped3A_18[%rem3A_143, %dma_wait3A_155, %dma_wait3A_156] : memref<2x256x128xf32, #tpu.memory_space<vmem>> -> memref<1x256x128xf32, #tpu.memory_space<vmem>>
          %dma_wait3A_158 = tpu.memref_squeeze %dma_wait3A_157 : memref<1x256x128xf32, #tpu.memory_space<vmem>> -> memref<256x128xf32, #tpu.memory_space<vmem>>
          tpu.wait_dma2 semaphore(%dma_wait3A_152 : memref<!tpu.dma_semaphore, #tpu.memory_space<semaphore_mem>>) src(%dma_wait3A_158 : memref<256x128xf32, #tpu.memory_space<vmem>>) dst(%dma_wait3A_154 : memref<256x128xf32, #tpu.memory_space<hbm>>)
          "tpu.trace_stop"() : () -> ()
        } else {
        }
      } else {
      }
      tpu.yield
    }) : () -> ()
    return
  }
}

module attributes {stable_mosaic.version = 14 : i64} {
  func.func @_stage1_body(%arg0: i32, %arg1: memref<1x1024x128xf32, #tpu.memory_space<vmem>>, %arg2: memref<1x1024x3xf32, #tpu.memory_space<vmem>>, %arg3: memref<1x3x1024xf32, #tpu.memory_space<vmem>>, %arg4: memref<1x64x256xf32, #tpu.memory_space<vmem>>, %arg5: memref<1x1x64xf32, #tpu.memory_space<vmem>>, %arg6: memref<128x64xf32, #tpu.memory_space<vmem>>, %arg7: memref<1x64xf32, #tpu.memory_space<vmem>>, %arg8: memref<64x64xf32, #tpu.memory_space<vmem>>, %arg9: memref<1x64xf32, #tpu.memory_space<vmem>>, %arg10: memref<256x64xf32, #tpu.memory_space<vmem>>, %arg11: memref<1x64xf32, #tpu.memory_space<vmem>>, %arg12: memref<64x64xf32, #tpu.memory_space<vmem>>, %arg13: memref<1x64xf32, #tpu.memory_space<vmem>>, %arg14: memref<3x64xf32, #tpu.memory_space<vmem>>, %arg15: memref<1x1024x64xf32, #tpu.memory_space<vmem>>, %arg16: memref<1x1024x128xf32, #tpu.memory_space<vmem>>, %arg17: memref<1x1024x17xi32, #tpu.memory_space<vmem>>) attributes {dimension_semantics = [#tpu.dimension_semantics<arbitrary>], iteration_bounds = array<i64: 4>, scalar_prefetch = 0 : i64, scratch_operands = 0 : i64, tpu.core_type = #tpu.core_type<tc>, window_params = [{transform_indices = @transform_0, window_bounds = array<i64: 1, 1024, 128>}, {transform_indices = @transform_1, window_bounds = array<i64: 1, 1024, 3>}, {transform_indices = @transform_2, window_bounds = array<i64: 1, 3, 1024>}, {transform_indices = @transform_3, window_bounds = array<i64: 1, 64, 256>}, {transform_indices = @transform_4, window_bounds = array<i64: 1, 1, 64>}, {pipeline_mode = #tpu.pipeline_mode<synchronous>, transform_indices = @transform_5, window_bounds = array<i64: 128, 64>}, {pipeline_mode = #tpu.pipeline_mode<synchronous>, transform_indices = @transform_6, window_bounds = array<i64: 1, 64>}, {pipeline_mode = #tpu.pipeline_mode<synchronous>, transform_indices = @transform_7, window_bounds = array<i64: 64, 64>}, {pipeline_mode = #tpu.pipeline_mode<synchronous>, transform_indices = @transform_8, window_bounds = array<i64: 1, 64>}, {pipeline_mode = #tpu.pipeline_mode<synchronous>, transform_indices = @transform_9, window_bounds = array<i64: 256, 64>}, {pipeline_mode = #tpu.pipeline_mode<synchronous>, transform_indices = @transform_10, window_bounds = array<i64: 1, 64>}, {pipeline_mode = #tpu.pipeline_mode<synchronous>, transform_indices = @transform_11, window_bounds = array<i64: 64, 64>}, {pipeline_mode = #tpu.pipeline_mode<synchronous>, transform_indices = @transform_12, window_bounds = array<i64: 1, 64>}, {pipeline_mode = #tpu.pipeline_mode<synchronous>, transform_indices = @transform_13, window_bounds = array<i64: 3, 64>}, {transform_indices = @transform_14, window_bounds = array<i64: 1, 1024, 64>}, {transform_indices = @transform_15, window_bounds = array<i64: 1, 1024, 128>}, {transform_indices = @transform_16, window_bounds = array<i64: 1, 1024, 17>}]} {
    %get3A = arith.constant 0 : index
    %get3A_0 = arith.constant 0 : index
    %get3A_1 = arith.constant 0 : index
    %get3A_2 = vector.load %arg1[%get3A, %get3A_0, %get3A_1] : memref<1x1024x128xf32, #tpu.memory_space<vmem>>, vector<1x1024x128xf32>
    %get3A_3 = vector.shape_cast %get3A_2 : vector<1x1024x128xf32> to vector<1024x128xf32>
    %get3A_4 = arith.constant 0 : index
    %get3A_5 = arith.constant 0 : index
    %get3A_6 = arith.constant 0 : index
    %get3A_7 = vector.load %arg4[%get3A_4, %get3A_5, %get3A_6] : memref<1x64x256xf32, #tpu.memory_space<vmem>>, vector<1x64x256xf32>
    %get3A_8 = vector.shape_cast %get3A_7 : vector<1x64x256xf32> to vector<64x256xf32>
    %get3A_9 = arith.constant 0 : index
    %get3A_10 = arith.constant 0 : index
    %get3A_11 = arith.constant 0 : index
    %get3A_12 = vector.load %arg5[%get3A_9, %get3A_10, %get3A_11] : memref<1x1x64xf32, #tpu.memory_space<vmem>>, vector<1x1x64xf32>
    %get3A_13 = vector.shape_cast %get3A_12 : vector<1x1x64xf32> to vector<1x64xf32>
    %get3A_14 = arith.constant 0 : index
    %get3A_15 = arith.constant 0 : index
    %get3A_16 = vector.load %arg6[%get3A_14, %get3A_15] : memref<128x64xf32, #tpu.memory_space<vmem>>, vector<128x64xf32>
    %dot_general3A = arith.constant dense<0.000000e+00> : vector<1024x64xf32>
    %dot_general3A_17 = tpu.matmul %get3A_3, %get3A_16, %dot_general3A {dimension_numbers = #tpu.dot_dimension_numbers<[1], [0], [0], [1], [0, 0, 1, 1], [], []>, precision = #tpu.contract_precision<fp32>, transpose_lhs_hint = false} : vector<1024x128xf32>, vector<128x64xf32>, vector<1024x64xf32> -> vector<1024x64xf32>
    %get3A_18 = arith.constant 0 : index
    %get3A_19 = arith.constant 0 : index
    %get3A_20 = vector.load %arg7[%get3A_18, %get3A_19] : memref<1x64xf32, #tpu.memory_space<vmem>>, vector<1x64xf32>
    %add3A = vector.broadcast %get3A_20 : vector<1x64xf32> to vector<1024x64xf32>
    %add3A_21 = arith.addf %dot_general3A_17, %add3A : vector<1024x64xf32>
    %max3A = arith.constant 0.000000e+00 : f32
    %max3A_22 = vector.broadcast %max3A : f32 to vector<1024x64xf32>
    %max3A_23 = arith.maximumf %add3A_21, %max3A_22 : vector<1024x64xf32>
    %get3A_24 = arith.constant 0 : index
    %get3A_25 = arith.constant 0 : index
    %get3A_26 = vector.load %arg8[%get3A_24, %get3A_25] : memref<64x64xf32, #tpu.memory_space<vmem>>, vector<64x64xf32>
    %dot_general3A_27 = arith.constant dense<0.000000e+00> : vector<1024x64xf32>
    %dot_general3A_28 = tpu.matmul %max3A_23, %get3A_26, %dot_general3A_27 {dimension_numbers = #tpu.dot_dimension_numbers<[1], [0], [0], [1], [0, 0, 1, 1], [], []>, precision = #tpu.contract_precision<fp32>, transpose_lhs_hint = false} : vector<1024x64xf32>, vector<64x64xf32>, vector<1024x64xf32> -> vector<1024x64xf32>
    %get3A_29 = arith.constant 0 : index
    %get3A_30 = arith.constant 0 : index
    %get3A_31 = vector.load %arg9[%get3A_29, %get3A_30] : memref<1x64xf32, #tpu.memory_space<vmem>>, vector<1x64xf32>
    %add3A_32 = vector.broadcast %get3A_31 : vector<1x64xf32> to vector<1024x64xf32>
    %add3A_33 = arith.addf %dot_general3A_28, %add3A_32 : vector<1024x64xf32>
    %get3A_34 = arith.constant 0 : index
    %get3A_35 = arith.constant 0 : index
    %get3A_36 = vector.load %arg10[%get3A_34, %get3A_35] : memref<256x64xf32, #tpu.memory_space<vmem>>, vector<256x64xf32>
    %dot_general3A_37 = arith.constant dense<0.000000e+00> : vector<64x64xf32>
    %dot_general3A_38 = tpu.matmul %get3A_8, %get3A_36, %dot_general3A_37 {dimension_numbers = #tpu.dot_dimension_numbers<[1], [0], [0], [1], [0, 0, 1, 1], [], []>, precision = #tpu.contract_precision<fp32>, transpose_lhs_hint = false} : vector<64x256xf32>, vector<256x64xf32>, vector<64x64xf32> -> vector<64x64xf32>
    %get3A_39 = arith.constant 0 : index
    %get3A_40 = arith.constant 0 : index
    %get3A_41 = vector.load %arg11[%get3A_39, %get3A_40] : memref<1x64xf32, #tpu.memory_space<vmem>>, vector<1x64xf32>
    %add3A_42 = vector.broadcast %get3A_41 : vector<1x64xf32> to vector<64x64xf32>
    %add3A_43 = arith.addf %dot_general3A_38, %add3A_42 : vector<64x64xf32>
    %max3A_44 = arith.constant 0.000000e+00 : f32
    %max3A_45 = vector.broadcast %max3A_44 : f32 to vector<64x64xf32>
    %max3A_46 = arith.maximumf %add3A_43, %max3A_45 : vector<64x64xf32>
    %get3A_47 = arith.constant 0 : index
    %get3A_48 = arith.constant 0 : index
    %get3A_49 = vector.load %arg12[%get3A_47, %get3A_48] : memref<64x64xf32, #tpu.memory_space<vmem>>, vector<64x64xf32>
    %dot_general3A_50 = arith.constant dense<0.000000e+00> : vector<64x64xf32>
    %dot_general3A_51 = tpu.matmul %max3A_46, %get3A_49, %dot_general3A_50 {dimension_numbers = #tpu.dot_dimension_numbers<[1], [0], [0], [1], [0, 0, 1, 1], [], []>, precision = #tpu.contract_precision<fp32>, transpose_lhs_hint = false} : vector<64x64xf32>, vector<64x64xf32>, vector<64x64xf32> -> vector<64x64xf32>
    %get3A_52 = arith.constant 0 : index
    %get3A_53 = arith.constant 0 : index
    %get3A_54 = vector.load %arg13[%get3A_52, %get3A_53] : memref<1x64xf32, #tpu.memory_space<vmem>>, vector<1x64xf32>
    %add3A_55 = vector.broadcast %get3A_54 : vector<1x64xf32> to vector<64x64xf32>
    %add3A_56 = arith.addf %dot_general3A_51, %add3A_55 : vector<64x64xf32>
    %dot_general3A_57 = arith.constant dense<0.000000e+00> : vector<1024x64xf32>
    %dot_general3A_58 = tpu.matmul %add3A_33, %add3A_56, %dot_general3A_57 {dimension_numbers = #tpu.dot_dimension_numbers<[1], [1], [0], [0], [0, 0, 1, 0], [], []>, precision = #tpu.contract_precision<fp32>, transpose_lhs_hint = false} : vector<1024x64xf32>, vector<64x64xf32>, vector<1024x64xf32> -> vector<1024x64xf32>
    %reduce_max3A = arith.constant dense<0xFF800000> : vector<1024xf32>
    %reduce_max3A_59 = vector.multi_reduction <maximumf>, %dot_general3A_58, %reduce_max3A [1] : vector<1024x64xf32> to vector<1024xf32>
    %broadcast_in_dim3A = vector.shape_cast %reduce_max3A_59 : vector<1024xf32> to vector<1024x1xf32>
    %sub3A = vector.broadcast %broadcast_in_dim3A : vector<1024x1xf32> to vector<1024x64xf32>
    %sub3A_60 = arith.subf %dot_general3A_58, %sub3A : vector<1024x64xf32>
    %exp3A = math.exp %sub3A_60 : vector<1024x64xf32>
    %reduce_sum3A = arith.constant dense<0.000000e+00> : vector<1024xf32>
    %reduce_sum3A_61 = vector.multi_reduction <add>, %exp3A, %reduce_sum3A [1] : vector<1024x64xf32> to vector<1024xf32>
    %broadcast_in_dim3A_62 = vector.shape_cast %reduce_sum3A_61 : vector<1024xf32> to vector<1024x1xf32>
    %div3A = vector.broadcast %broadcast_in_dim3A_62 : vector<1024x1xf32> to vector<1024x64xf32>
    %div3A_63 = arith.divf %exp3A, %div3A : vector<1024x64xf32>
    %mul3A = vector.broadcast %get3A_13 : vector<1x64xf32> to vector<1024x64xf32>
    %mul3A_64 = arith.mulf %div3A_63, %mul3A : vector<1024x64xf32>
    %reduce_sum3A_65 = arith.constant dense<0.000000e+00> : vector<1024xf32>
    %reduce_sum3A_66 = vector.multi_reduction <add>, %mul3A_64, %reduce_sum3A_65 [1] : vector<1024x64xf32> to vector<1024xf32>
    %broadcast_in_dim3A_67 = vector.shape_cast %reduce_sum3A_66 : vector<1024xf32> to vector<1024x1xf32>
    %add3A_68 = arith.constant 1.000000e-07 : f32
    %add3A_69 = vector.broadcast %add3A_68 : f32 to vector<1024x1xf32>
    %add3A_70 = arith.addf %broadcast_in_dim3A_67, %add3A_69 : vector<1024x1xf32>
    %div3A_71 = vector.broadcast %add3A_70 : vector<1024x1xf32> to vector<1024x64xf32>
    %div3A_72 = arith.divf %mul3A_64, %div3A_71 : vector<1024x64xf32>
    %dot_general3A_73 = arith.constant dense<0.000000e+00> : vector<1024x64xf32>
    %dot_general3A_74 = tpu.matmul %div3A_72, %add3A_56, %dot_general3A_73 {dimension_numbers = #tpu.dot_dimension_numbers<[1], [0], [0], [1], [0, 0, 1, 1], [], []>, precision = #tpu.contract_precision<fp32>, transpose_lhs_hint = false} : vector<1024x64xf32>, vector<64x64xf32>, vector<1024x64xf32> -> vector<1024x64xf32>
    %mul3A_75 = arith.mulf %add3A_33, %dot_general3A_74 : vector<1024x64xf32>
    %get3A_76 = arith.constant 0 : index
    %get3A_77 = arith.constant 0 : index
    %get3A_78 = arith.constant 0 : index
    %get3A_79 = vector.load %arg2[%get3A_76, %get3A_77, %get3A_78] : memref<1x1024x3xf32, #tpu.memory_space<vmem>>, vector<1x1024x3xf32>
    %get3A_80 = vector.shape_cast %get3A_79 : vector<1x1024x3xf32> to vector<1024x3xf32>
    %slice3A = vector.extract_strided_slice %get3A_80 {offsets = [0, 0], sizes = [1024, 1], strides = [1, 1]} : vector<1024x3xf32> to vector<1024x1xf32>
    %get3A_81 = arith.constant 0 : index
    %get3A_82 = arith.constant 0 : index
    %get3A_83 = vector.load %arg14[%get3A_81, %get3A_82] : memref<3x64xf32, #tpu.memory_space<vmem>>, vector<1x64xf32>
    %mul3A_84 = vector.broadcast %slice3A : vector<1024x1xf32> to vector<1024x64xf32>
    %mul3A_85 = vector.broadcast %get3A_83 : vector<1x64xf32> to vector<1024x64xf32>
    %mul3A_86 = arith.mulf %mul3A_84, %mul3A_85 : vector<1024x64xf32>
    %slice3A_87 = vector.extract_strided_slice %get3A_80 {offsets = [0, 1], sizes = [1024, 1], strides = [1, 1]} : vector<1024x3xf32> to vector<1024x1xf32>
    %get3A_88 = arith.constant 1 : index
    %get3A_89 = arith.constant 0 : index
    %get3A_90 = vector.load %arg14[%get3A_88, %get3A_89] : memref<3x64xf32, #tpu.memory_space<vmem>>, vector<1x64xf32>
    %mul3A_91 = vector.broadcast %slice3A_87 : vector<1024x1xf32> to vector<1024x64xf32>
    %mul3A_92 = vector.broadcast %get3A_90 : vector<1x64xf32> to vector<1024x64xf32>
    %mul3A_93 = arith.mulf %mul3A_91, %mul3A_92 : vector<1024x64xf32>
    %add3A_94 = arith.addf %mul3A_86, %mul3A_93 : vector<1024x64xf32>
    %slice3A_95 = vector.extract_strided_slice %get3A_80 {offsets = [0, 2], sizes = [1024, 1], strides = [1, 1]} : vector<1024x3xf32> to vector<1024x1xf32>
    %get3A_96 = arith.constant 2 : index
    %get3A_97 = arith.constant 0 : index
    %get3A_98 = vector.load %arg14[%get3A_96, %get3A_97] : memref<3x64xf32, #tpu.memory_space<vmem>>, vector<1x64xf32>
    %mul3A_99 = vector.broadcast %slice3A_95 : vector<1024x1xf32> to vector<1024x64xf32>
    %mul3A_100 = vector.broadcast %get3A_98 : vector<1x64xf32> to vector<1024x64xf32>
    %mul3A_101 = arith.mulf %mul3A_99, %mul3A_100 : vector<1024x64xf32>
    %add3A_102 = arith.addf %add3A_94, %mul3A_101 : vector<1024x64xf32>
    %swap3A = arith.constant 0 : index
    %swap3A_103 = arith.constant 0 : index
    %swap3A_104 = arith.constant 0 : index
    %swap3A_105 = vector.load %arg15[%swap3A, %swap3A_103, %swap3A_104] : memref<1x1024x64xf32, #tpu.memory_space<vmem>>, vector<1x1024x64xf32>
    %swap3A_106 = vector.shape_cast %swap3A_105 : vector<1x1024x64xf32> to vector<1024x64xf32>
    %swap3A_107 = vector.shape_cast %mul3A_75 : vector<1024x64xf32> to vector<1x1024x64xf32>
    tpu.vector_store %arg15[%swap3A, %swap3A_103, %swap3A_104], %swap3A_107 {strides = array<i32>} : memref<1x1024x64xf32, #tpu.memory_space<vmem>>, vector<1x1024x64xf32>,
    %concatenate3A = tpu.concatenate %add3A_102, %add3A_33 in 1 : vector<1024x64xf32>, vector<1024x64xf32> -> vector<1024x128xf32>
    %swap3A_108 = arith.constant 0 : index
    %swap3A_109 = arith.constant 0 : index
    %swap3A_110 = arith.constant 0 : index
    %swap3A_111 = vector.load %arg16[%swap3A_108, %swap3A_109, %swap3A_110] : memref<1x1024x128xf32, #tpu.memory_space<vmem>>, vector<1x1024x128xf32>
    %swap3A_112 = vector.shape_cast %swap3A_111 : vector<1x1024x128xf32> to vector<1024x128xf32>
    %swap3A_113 = vector.shape_cast %concatenate3A : vector<1024x128xf32> to vector<1x1024x128xf32>
    tpu.vector_store %arg16[%swap3A_108, %swap3A_109, %swap3A_110], %swap3A_113 {strides = array<i32>} : memref<1x1024x128xf32, #tpu.memory_space<vmem>>, vector<1x1024x128xf32>,
    %get3A_114 = arith.constant 0 : index
    %get3A_115 = arith.constant 0 : index
    %get3A_116 = arith.constant 0 : index
    %get3A_117 = vector.load %arg3[%get3A_114, %get3A_115, %get3A_116] : memref<1x3x1024xf32, #tpu.memory_space<vmem>>, vector<1x3x1024xf32>
    %get3A_118 = vector.shape_cast %get3A_117 : vector<1x3x1024xf32> to vector<3x1024xf32>
    %slice3A_119 = vector.extract_strided_slice %get3A_80 {offsets = [0, 0], sizes = [1024, 1], strides = [1, 1]} : vector<1024x3xf32> to vector<1024x1xf32>
    %slice3A_120 = vector.extract_strided_slice %get3A_118 {offsets = [0, 0], sizes = [1, 1024], strides = [1, 1]} : vector<3x1024xf32> to vector<1x1024xf32>
    %sub3A_121 = vector.broadcast %slice3A_119 : vector<1024x1xf32> to vector<1024x1024xf32>
    %sub3A_122 = vector.broadcast %slice3A_120 : vector<1x1024xf32> to vector<1024x1024xf32>
    %sub3A_123 = arith.subf %sub3A_121, %sub3A_122 : vector<1024x1024xf32>
    %slice3A_124 = vector.extract_strided_slice %get3A_80 {offsets = [0, 1], sizes = [1024, 1], strides = [1, 1]} : vector<1024x3xf32> to vector<1024x1xf32>
    %slice3A_125 = vector.extract_strided_slice %get3A_118 {offsets = [1, 0], sizes = [1, 1024], strides = [1, 1]} : vector<3x1024xf32> to vector<1x1024xf32>
    %sub3A_126 = vector.broadcast %slice3A_124 : vector<1024x1xf32> to vector<1024x1024xf32>
    %sub3A_127 = vector.broadcast %slice3A_125 : vector<1x1024xf32> to vector<1024x1024xf32>
    %sub3A_128 = arith.subf %sub3A_126, %sub3A_127 : vector<1024x1024xf32>
    %slice3A_129 = vector.extract_strided_slice %get3A_80 {offsets = [0, 2], sizes = [1024, 1], strides = [1, 1]} : vector<1024x3xf32> to vector<1024x1xf32>
    %slice3A_130 = vector.extract_strided_slice %get3A_118 {offsets = [2, 0], sizes = [1, 1024], strides = [1, 1]} : vector<3x1024xf32> to vector<1x1024xf32>
    %sub3A_131 = vector.broadcast %slice3A_129 : vector<1024x1xf32> to vector<1024x1024xf32>
    %sub3A_132 = vector.broadcast %slice3A_130 : vector<1x1024xf32> to vector<1024x1024xf32>
    %sub3A_133 = arith.subf %sub3A_131, %sub3A_132 : vector<1024x1024xf32>
    %mul3A_134 = arith.mulf %sub3A_123, %sub3A_123 : vector<1024x1024xf32>
    %mul3A_135 = arith.mulf %sub3A_128, %sub3A_128 : vector<1024x1024xf32>
    %add3A_136 = arith.addf %mul3A_134, %mul3A_135 : vector<1024x1024xf32>
    %mul3A_137 = arith.mulf %sub3A_133, %sub3A_133 : vector<1024x1024xf32>
    %add3A_138 = arith.addf %add3A_136, %mul3A_137 : vector<1024x1024xf32>
    %iota3A = tpu.iota {dimensions = array<i32: 1>} : vector<1024x1024xi32>
    %convert_element_type3A = arith.sitofp %iota3A : vector<1024x1024xi32> to vector<1024x1024xf32>
    %reduce_min3A = arith.constant dense<0x7F800000> : vector<1024xf32>
    %reduce_min3A_139 = vector.multi_reduction <minimumf>, %add3A_138, %reduce_min3A [1] : vector<1024x1024xf32> to vector<1024xf32>
    %broadcast_in_dim3A_140 = vector.shape_cast %reduce_min3A_139 : vector<1024xf32> to vector<1024x1xf32>
    %eq3A = vector.broadcast %broadcast_in_dim3A_140 : vector<1024x1xf32> to vector<1024x1024xf32>
    %eq3A_141 = arith.cmpf oeq, %add3A_138, %eq3A : vector<1024x1024xf32>
    %jit3A = arith.constant 1.024000e+03 : f32
    %broadcast_in_dim3A_142 = vector.broadcast %jit3A : f32 to vector<1024x1024xf32>
    %select_n3A = arith.select %eq3A_141, %convert_element_type3A, %broadcast_in_dim3A_142 : vector<1024x1024xi1>, vector<1024x1024xf32>
    %reduce_min3A_143 = arith.constant dense<0x7F800000> : vector<1024xf32>
    %reduce_min3A_144 = vector.multi_reduction <minimumf>, %select_n3A, %reduce_min3A_143 [1] : vector<1024x1024xf32> to vector<1024xf32>
    %broadcast_in_dim3A_145 = vector.shape_cast %reduce_min3A_144 : vector<1024xf32> to vector<1024x1xf32>
    %eq3A_146 = vector.broadcast %broadcast_in_dim3A_145 : vector<1024x1xf32> to vector<1024x1024xf32>
    %eq3A_147 = arith.cmpf oeq, %convert_element_type3A, %eq3A_146 : vector<1024x1024xf32>
    %jit3A_148 = arith.constant 1.000000e+30 : f32
    %broadcast_in_dim3A_149 = vector.broadcast %jit3A_148 : f32 to vector<1024x1024xf32>
    %select_n3A_150 = arith.select %eq3A_147, %broadcast_in_dim3A_149, %add3A_138 : vector<1024x1024xi1>, vector<1024x1024xf32>
    %reduce_min3A_151 = arith.constant dense<0x7F800000> : vector<1024xf32>
    %reduce_min3A_152 = vector.multi_reduction <minimumf>, %select_n3A_150, %reduce_min3A_151 [1] : vector<1024x1024xf32> to vector<1024xf32>
    %broadcast_in_dim3A_153 = vector.shape_cast %reduce_min3A_152 : vector<1024xf32> to vector<1024x1xf32>
    %eq3A_154 = vector.broadcast %broadcast_in_dim3A_153 : vector<1024x1xf32> to vector<1024x1024xf32>
    %eq3A_155 = arith.cmpf oeq, %select_n3A_150, %eq3A_154 : vector<1024x1024xf32>
    %jit3A_156 = arith.constant 1.024000e+03 : f32
    %broadcast_in_dim3A_157 = vector.broadcast %jit3A_156 : f32 to vector<1024x1024xf32>
    %select_n3A_158 = arith.select %eq3A_155, %convert_element_type3A, %broadcast_in_dim3A_157 : vector<1024x1024xi1>, vector<1024x1024xf32>
    %reduce_min3A_159 = arith.constant dense<0x7F800000> : vector<1024xf32>
    %reduce_min3A_160 = vector.multi_reduction <minimumf>, %select_n3A_158, %reduce_min3A_159 [1] : vector<1024x1024xf32> to vector<1024xf32>
    %broadcast_in_dim3A_161 = vector.shape_cast %reduce_min3A_160 : vector<1024xf32> to vector<1024x1xf32>
    %eq3A_162 = vector.broadcast %broadcast_in_dim3A_161 : vector<1024x1xf32> to vector<1024x1024xf32>
    %eq3A_163 = arith.cmpf oeq, %convert_element_type3A, %eq3A_162 : vector<1024x1024xf32>
    %jit3A_164 = arith.constant 1.000000e+30 : f32
    %broadcast_in_dim3A_165 = vector.broadcast %jit3A_164 : f32 to vector<1024x1024xf32>
    %select_n3A_166 = arith.select %eq3A_163, %broadcast_in_dim3A_165, %select_n3A_150 : vector<1024x1024xi1>, vector<1024x1024xf32>
    %reduce_min3A_167 = arith.constant dense<0x7F800000> : vector<1024xf32>
    %reduce_min3A_168 = vector.multi_reduction <minimumf>, %select_n3A_166, %reduce_min3A_167 [1] : vector<1024x1024xf32> to vector<1024xf32>
    %broadcast_in_dim3A_169 = vector.shape_cast %reduce_min3A_168 : vector<1024xf32> to vector<1024x1xf32>
    %eq3A_170 = vector.broadcast %broadcast_in_dim3A_169 : vector<1024x1xf32> to vector<1024x1024xf32>
    %eq3A_171 = arith.cmpf oeq, %select_n3A_166, %eq3A_170 : vector<1024x1024xf32>
    %jit3A_172 = arith.constant 1.024000e+03 : f32
    %broadcast_in_dim3A_173 = vector.broadcast %jit3A_172 : f32 to vector<1024x1024xf32>
    %select_n3A_174 = arith.select %eq3A_171, %convert_element_type3A, %broadcast_in_dim3A_173 : vector<1024x1024xi1>, vector<1024x1024xf32>
    %reduce_min3A_175 = arith.constant dense<0x7F800000> : vector<1024xf32>
    %reduce_min3A_176 = vector.multi_reduction <minimumf>, %select_n3A_174, %reduce_min3A_175 [1] : vector<1024x1024xf32> to vector<1024xf32>
    %broadcast_in_dim3A_177 = vector.shape_cast %reduce_min3A_176 : vector<1024xf32> to vector<1024x1xf32>
    %eq3A_178 = vector.broadcast %broadcast_in_dim3A_177 : vector<1024x1xf32> to vector<1024x1024xf32>
    %eq3A_179 = arith.cmpf oeq, %convert_element_type3A, %eq3A_178 : vector<1024x1024xf32>
    %jit3A_180 = arith.constant 1.000000e+30 : f32
    %broadcast_in_dim3A_181 = vector.broadcast %jit3A_180 : f32 to vector<1024x1024xf32>
    %select_n3A_182 = arith.select %eq3A_179, %broadcast_in_dim3A_181, %select_n3A_166 : vector<1024x1024xi1>, vector<1024x1024xf32>
    %reduce_min3A_183 = arith.constant dense<0x7F800000> : vector<1024xf32>
    %reduce_min3A_184 = vector.multi_reduction <minimumf>, %select_n3A_182, %reduce_min3A_183 [1] : vector<1024x1024xf32> to vector<1024xf32>
    %broadcast_in_dim3A_185 = vector.shape_cast %reduce_min3A_184 : vector<1024xf32> to vector<1024x1xf32>
    %eq3A_186 = vector.broadcast %broadcast_in_dim3A_185 : vector<1024x1xf32> to vector<1024x1024xf32>
    %eq3A_187 = arith.cmpf oeq, %select_n3A_182, %eq3A_186 : vector<1024x1024xf32>
    %jit3A_188 = arith.constant 1.024000e+03 : f32
    %broadcast_in_dim3A_189 = vector.broadcast %jit3A_188 : f32 to vector<1024x1024xf32>
    %select_n3A_190 = arith.select %eq3A_187, %convert_element_type3A, %broadcast_in_dim3A_189 : vector<1024x1024xi1>, vector<1024x1024xf32>
    %reduce_min3A_191 = arith.constant dense<0x7F800000> : vector<1024xf32>
    %reduce_min3A_192 = vector.multi_reduction <minimumf>, %select_n3A_190, %reduce_min3A_191 [1] : vector<1024x1024xf32> to vector<1024xf32>
    %broadcast_in_dim3A_193 = vector.shape_cast %reduce_min3A_192 : vector<1024xf32> to vector<1024x1xf32>
    %eq3A_194 = vector.broadcast %broadcast_in_dim3A_193 : vector<1024x1xf32> to vector<1024x1024xf32>
    %eq3A_195 = arith.cmpf oeq, %convert_element_type3A, %eq3A_194 : vector<1024x1024xf32>
    %jit3A_196 = arith.constant 1.000000e+30 : f32
    %broadcast_in_dim3A_197 = vector.broadcast %jit3A_196 : f32 to vector<1024x1024xf32>
    %select_n3A_198 = arith.select %eq3A_195, %broadcast_in_dim3A_197, %select_n3A_182 : vector<1024x1024xi1>, vector<1024x1024xf32>
    %reduce_min3A_199 = arith.constant dense<0x7F800000> : vector<1024xf32>
    %reduce_min3A_200 = vector.multi_reduction <minimumf>, %select_n3A_198, %reduce_min3A_199 [1] : vector<1024x1024xf32> to vector<1024xf32>
    %broadcast_in_dim3A_201 = vector.shape_cast %reduce_min3A_200 : vector<1024xf32> to vector<1024x1xf32>
    %eq3A_202 = vector.broadcast %broadcast_in_dim3A_201 : vector<1024x1xf32> to vector<1024x1024xf32>
    %eq3A_203 = arith.cmpf oeq, %select_n3A_198, %eq3A_202 : vector<1024x1024xf32>
    %jit3A_204 = arith.constant 1.024000e+03 : f32
    %broadcast_in_dim3A_205 = vector.broadcast %jit3A_204 : f32 to vector<1024x1024xf32>
    %select_n3A_206 = arith.select %eq3A_203, %convert_element_type3A, %broadcast_in_dim3A_205 : vector<1024x1024xi1>, vector<1024x1024xf32>
    %reduce_min3A_207 = arith.constant dense<0x7F800000> : vector<1024xf32>
    %reduce_min3A_208 = vector.multi_reduction <minimumf>, %select_n3A_206, %reduce_min3A_207 [1] : vector<1024x1024xf32> to vector<1024xf32>
    %broadcast_in_dim3A_209 = vector.shape_cast %reduce_min3A_208 : vector<1024xf32> to vector<1024x1xf32>
    %eq3A_210 = vector.broadcast %broadcast_in_dim3A_209 : vector<1024x1xf32> to vector<1024x1024xf32>
    %eq3A_211 = arith.cmpf oeq, %convert_element_type3A, %eq3A_210 : vector<1024x1024xf32>
    %jit3A_212 = arith.constant 1.000000e+30 : f32
    %broadcast_in_dim3A_213 = vector.broadcast %jit3A_212 : f32 to vector<1024x1024xf32>
    %select_n3A_214 = arith.select %eq3A_211, %broadcast_in_dim3A_213, %select_n3A_198 : vector<1024x1024xi1>, vector<1024x1024xf32>
    %reduce_min3A_215 = arith.constant dense<0x7F800000> : vector<1024xf32>
    %reduce_min3A_216 = vector.multi_reduction <minimumf>, %select_n3A_214, %reduce_min3A_215 [1] : vector<1024x1024xf32> to vector<1024xf32>
    %broadcast_in_dim3A_217 = vector.shape_cast %reduce_min3A_216 : vector<1024xf32> to vector<1024x1xf32>
    %eq3A_218 = vector.broadcast %broadcast_in_dim3A_217 : vector<1024x1xf32> to vector<1024x1024xf32>
    %eq3A_219 = arith.cmpf oeq, %select_n3A_214, %eq3A_218 : vector<1024x1024xf32>
    %jit3A_220 = arith.constant 1.024000e+03 : f32
    %broadcast_in_dim3A_221 = vector.broadcast %jit3A_220 : f32 to vector<1024x1024xf32>
    %select_n3A_222 = arith.select %eq3A_219, %convert_element_type3A, %broadcast_in_dim3A_221 : vector<1024x1024xi1>, vector<1024x1024xf32>
    %reduce_min3A_223 = arith.constant dense<0x7F800000> : vector<1024xf32>
    %reduce_min3A_224 = vector.multi_reduction <minimumf>, %select_n3A_222, %reduce_min3A_223 [1] : vector<1024x1024xf32> to vector<1024xf32>
    %broadcast_in_dim3A_225 = vector.shape_cast %reduce_min3A_224 : vector<1024xf32> to vector<1024x1xf32>
    %eq3A_226 = vector.broadcast %broadcast_in_dim3A_225 : vector<1024x1xf32> to vector<1024x1024xf32>
    %eq3A_227 = arith.cmpf oeq, %convert_element_type3A, %eq3A_226 : vector<1024x1024xf32>
    %jit3A_228 = arith.constant 1.000000e+30 : f32
    %broadcast_in_dim3A_229 = vector.broadcast %jit3A_228 : f32 to vector<1024x1024xf32>
    %select_n3A_230 = arith.select %eq3A_227, %broadcast_in_dim3A_229, %select_n3A_214 : vector<1024x1024xi1>, vector<1024x1024xf32>
    %reduce_min3A_231 = arith.constant dense<0x7F800000> : vector<1024xf32>
    %reduce_min3A_232 = vector.multi_reduction <minimumf>, %select_n3A_230, %reduce_min3A_231 [1] : vector<1024x1024xf32> to vector<1024xf32>
    %broadcast_in_dim3A_233 = vector.shape_cast %reduce_min3A_232 : vector<1024xf32> to vector<1024x1xf32>
    %eq3A_234 = vector.broadcast %broadcast_in_dim3A_233 : vector<1024x1xf32> to vector<1024x1024xf32>
    %eq3A_235 = arith.cmpf oeq, %select_n3A_230, %eq3A_234 : vector<1024x1024xf32>
    %jit3A_236 = arith.constant 1.024000e+03 : f32
    %broadcast_in_dim3A_237 = vector.broadcast %jit3A_236 : f32 to vector<1024x1024xf32>
    %select_n3A_238 = arith.select %eq3A_235, %convert_element_type3A, %broadcast_in_dim3A_237 : vector<1024x1024xi1>, vector<1024x1024xf32>
    %reduce_min3A_239 = arith.constant dense<0x7F800000> : vector<1024xf32>
    %reduce_min3A_240 = vector.multi_reduction <minimumf>, %select_n3A_238, %reduce_min3A_239 [1] : vector<1024x1024xf32> to vector<1024xf32>
    %broadcast_in_dim3A_241 = vector.shape_cast %reduce_min3A_240 : vector<1024xf32> to vector<1024x1xf32>
    %eq3A_242 = vector.broadcast %broadcast_in_dim3A_241 : vector<1024x1xf32> to vector<1024x1024xf32>
    %eq3A_243 = arith.cmpf oeq, %convert_element_type3A, %eq3A_242 : vector<1024x1024xf32>
    %jit3A_244 = arith.constant 1.000000e+30 : f32
    %broadcast_in_dim3A_245 = vector.broadcast %jit3A_244 : f32 to vector<1024x1024xf32>
    %select_n3A_246 = arith.select %eq3A_243, %broadcast_in_dim3A_245, %select_n3A_230 : vector<1024x1024xi1>, vector<1024x1024xf32>
    %reduce_min3A_247 = arith.constant dense<0x7F800000> : vector<1024xf32>
    %reduce_min3A_248 = vector.multi_reduction <minimumf>, %select_n3A_246, %reduce_min3A_247 [1] : vector<1024x1024xf32> to vector<1024xf32>
    %broadcast_in_dim3A_249 = vector.shape_cast %reduce_min3A_248 : vector<1024xf32> to vector<1024x1xf32>
    %eq3A_250 = vector.broadcast %broadcast_in_dim3A_249 : vector<1024x1xf32> to vector<1024x1024xf32>
    %eq3A_251 = arith.cmpf oeq, %select_n3A_246, %eq3A_250 : vector<1024x1024xf32>
    %jit3A_252 = arith.constant 1.024000e+03 : f32
    %broadcast_in_dim3A_253 = vector.broadcast %jit3A_252 : f32 to vector<1024x1024xf32>
    %select_n3A_254 = arith.select %eq3A_251, %convert_element_type3A, %broadcast_in_dim3A_253 : vector<1024x1024xi1>, vector<1024x1024xf32>
    %reduce_min3A_255 = arith.constant dense<0x7F800000> : vector<1024xf32>
    %reduce_min3A_256 = vector.multi_reduction <minimumf>, %select_n3A_254, %reduce_min3A_255 [1] : vector<1024x1024xf32> to vector<1024xf32>
    %broadcast_in_dim3A_257 = vector.shape_cast %reduce_min3A_256 : vector<1024xf32> to vector<1024x1xf32>
    %eq3A_258 = vector.broadcast %broadcast_in_dim3A_257 : vector<1024x1xf32> to vector<1024x1024xf32>
    %eq3A_259 = arith.cmpf oeq, %convert_element_type3A, %eq3A_258 : vector<1024x1024xf32>
    %jit3A_260 = arith.constant 1.000000e+30 : f32
    %broadcast_in_dim3A_261 = vector.broadcast %jit3A_260 : f32 to vector<1024x1024xf32>
    %select_n3A_262 = arith.select %eq3A_259, %broadcast_in_dim3A_261, %select_n3A_246 : vector<1024x1024xi1>, vector<1024x1024xf32>
    %reduce_min3A_263 = arith.constant dense<0x7F800000> : vector<1024xf32>
    %reduce_min3A_264 = vector.multi_reduction <minimumf>, %select_n3A_262, %reduce_min3A_263 [1] : vector<1024x1024xf32> to vector<1024xf32>
    %broadcast_in_dim3A_265 = vector.shape_cast %reduce_min3A_264 : vector<1024xf32> to vector<1024x1xf32>
    %eq3A_266 = vector.broadcast %broadcast_in_dim3A_265 : vector<1024x1xf32> to vector<1024x1024xf32>
    %eq3A_267 = arith.cmpf oeq, %select_n3A_262, %eq3A_266 : vector<1024x1024xf32>
    %jit3A_268 = arith.constant 1.024000e+03 : f32
    %broadcast_in_dim3A_269 = vector.broadcast %jit3A_268 : f32 to vector<1024x1024xf32>
    %select_n3A_270 = arith.select %eq3A_267, %convert_element_type3A, %broadcast_in_dim3A_269 : vector<1024x1024xi1>, vector<1024x1024xf32>
    %reduce_min3A_271 = arith.constant dense<0x7F800000> : vector<1024xf32>
    %reduce_min3A_272 = vector.multi_reduction <minimumf>, %select_n3A_270, %reduce_min3A_271 [1] : vector<1024x1024xf32> to vector<1024xf32>
    %broadcast_in_dim3A_273 = vector.shape_cast %reduce_min3A_272 : vector<1024xf32> to vector<1024x1xf32>
    %eq3A_274 = vector.broadcast %broadcast_in_dim3A_273 : vector<1024x1xf32> to vector<1024x1024xf32>
    %eq3A_275 = arith.cmpf oeq, %convert_element_type3A, %eq3A_274 : vector<1024x1024xf32>
    %jit3A_276 = arith.constant 1.000000e+30 : f32
    %broadcast_in_dim3A_277 = vector.broadcast %jit3A_276 : f32 to vector<1024x1024xf32>
    %select_n3A_278 = arith.select %eq3A_275, %broadcast_in_dim3A_277, %select_n3A_262 : vector<1024x1024xi1>, vector<1024x1024xf32>
    %reduce_min3A_279 = arith.constant dense<0x7F800000> : vector<1024xf32>
    %reduce_min3A_280 = vector.multi_reduction <minimumf>, %select_n3A_278, %reduce_min3A_279 [1] : vector<1024x1024xf32> to vector<1024xf32>
    %broadcast_in_dim3A_281 = vector.shape_cast %reduce_min3A_280 : vector<1024xf32> to vector<1024x1xf32>
    %eq3A_282 = vector.broadcast %broadcast_in_dim3A_281 : vector<1024x1xf32> to vector<1024x1024xf32>
    %eq3A_283 = arith.cmpf oeq, %select_n3A_278, %eq3A_282 : vector<1024x1024xf32>
    %jit3A_284 = arith.constant 1.024000e+03 : f32
    %broadcast_in_dim3A_285 = vector.broadcast %jit3A_284 : f32 to vector<1024x1024xf32>
    %select_n3A_286 = arith.select %eq3A_283, %convert_element_type3A, %broadcast_in_dim3A_285 : vector<1024x1024xi1>, vector<1024x1024xf32>
    %reduce_min3A_287 = arith.constant dense<0x7F800000> : vector<1024xf32>
    %reduce_min3A_288 = vector.multi_reduction <minimumf>, %select_n3A_286, %reduce_min3A_287 [1] : vector<1024x1024xf32> to vector<1024xf32>
    %broadcast_in_dim3A_289 = vector.shape_cast %reduce_min3A_288 : vector<1024xf32> to vector<1024x1xf32>
    %eq3A_290 = vector.broadcast %broadcast_in_dim3A_289 : vector<1024x1xf32> to vector<1024x1024xf32>
    %eq3A_291 = arith.cmpf oeq, %convert_element_type3A, %eq3A_290 : vector<1024x1024xf32>
    %jit3A_292 = arith.constant 1.000000e+30 : f32
    %broadcast_in_dim3A_293 = vector.broadcast %jit3A_292 : f32 to vector<1024x1024xf32>
    %select_n3A_294 = arith.select %eq3A_291, %broadcast_in_dim3A_293, %select_n3A_278 : vector<1024x1024xi1>, vector<1024x1024xf32>
    %reduce_min3A_295 = arith.constant dense<0x7F800000> : vector<1024xf32>
    %reduce_min3A_296 = vector.multi_reduction <minimumf>, %select_n3A_294, %reduce_min3A_295 [1] : vector<1024x1024xf32> to vector<1024xf32>
    %broadcast_in_dim3A_297 = vector.shape_cast %reduce_min3A_296 : vector<1024xf32> to vector<1024x1xf32>
    %eq3A_298 = vector.broadcast %broadcast_in_dim3A_297 : vector<1024x1xf32> to vector<1024x1024xf32>
    %eq3A_299 = arith.cmpf oeq, %select_n3A_294, %eq3A_298 : vector<1024x1024xf32>
    %jit3A_300 = arith.constant 1.024000e+03 : f32
    %broadcast_in_dim3A_301 = vector.broadcast %jit3A_300 : f32 to vector<1024x1024xf32>
    %select_n3A_302 = arith.select %eq3A_299, %convert_element_type3A, %broadcast_in_dim3A_301 : vector<1024x1024xi1>, vector<1024x1024xf32>
    %reduce_min3A_303 = arith.constant dense<0x7F800000> : vector<1024xf32>
    %reduce_min3A_304 = vector.multi_reduction <minimumf>, %select_n3A_302, %reduce_min3A_303 [1] : vector<1024x1024xf32> to vector<1024xf32>
    %broadcast_in_dim3A_305 = vector.shape_cast %reduce_min3A_304 : vector<1024xf32> to vector<1024x1xf32>
    %eq3A_306 = vector.broadcast %broadcast_in_dim3A_305 : vector<1024x1xf32> to vector<1024x1024xf32>
    %eq3A_307 = arith.cmpf oeq, %convert_element_type3A, %eq3A_306 : vector<1024x1024xf32>
    %jit3A_308 = arith.constant 1.000000e+30 : f32
    %broadcast_in_dim3A_309 = vector.broadcast %jit3A_308 : f32 to vector<1024x1024xf32>
    %select_n3A_310 = arith.select %eq3A_307, %broadcast_in_dim3A_309, %select_n3A_294 : vector<1024x1024xi1>, vector<1024x1024xf32>
    %reduce_min3A_311 = arith.constant dense<0x7F800000> : vector<1024xf32>
    %reduce_min3A_312 = vector.multi_reduction <minimumf>, %select_n3A_310, %reduce_min3A_311 [1] : vector<1024x1024xf32> to vector<1024xf32>
    %broadcast_in_dim3A_313 = vector.shape_cast %reduce_min3A_312 : vector<1024xf32> to vector<1024x1xf32>
    %eq3A_314 = vector.broadcast %broadcast_in_dim3A_313 : vector<1024x1xf32> to vector<1024x1024xf32>
    %eq3A_315 = arith.cmpf oeq, %select_n3A_310, %eq3A_314 : vector<1024x1024xf32>
    %jit3A_316 = arith.constant 1.024000e+03 : f32
    %broadcast_in_dim3A_317 = vector.broadcast %jit3A_316 : f32 to vector<1024x1024xf32>
    %select_n3A_318 = arith.select %eq3A_315, %convert_element_type3A, %broadcast_in_dim3A_317 : vector<1024x1024xi1>, vector<1024x1024xf32>
    %reduce_min3A_319 = arith.constant dense<0x7F800000> : vector<1024xf32>
    %reduce_min3A_320 = vector.multi_reduction <minimumf>, %select_n3A_318, %reduce_min3A_319 [1] : vector<1024x1024xf32> to vector<1024xf32>
    %broadcast_in_dim3A_321 = vector.shape_cast %reduce_min3A_320 : vector<1024xf32> to vector<1024x1xf32>
    %eq3A_322 = vector.broadcast %broadcast_in_dim3A_321 : vector<1024x1xf32> to vector<1024x1024xf32>
    %eq3A_323 = arith.cmpf oeq, %convert_element_type3A, %eq3A_322 : vector<1024x1024xf32>
    %jit3A_324 = arith.constant 1.000000e+30 : f32
    %broadcast_in_dim3A_325 = vector.broadcast %jit3A_324 : f32 to vector<1024x1024xf32>
    %select_n3A_326 = arith.select %eq3A_323, %broadcast_in_dim3A_325, %select_n3A_310 : vector<1024x1024xi1>, vector<1024x1024xf32>
    %reduce_min3A_327 = arith.constant dense<0x7F800000> : vector<1024xf32>
    %reduce_min3A_328 = vector.multi_reduction <minimumf>, %select_n3A_326, %reduce_min3A_327 [1] : vector<1024x1024xf32> to vector<1024xf32>
    %broadcast_in_dim3A_329 = vector.shape_cast %reduce_min3A_328 : vector<1024xf32> to vector<1024x1xf32>
    %eq3A_330 = vector.broadcast %broadcast_in_dim3A_329 : vector<1024x1xf32> to vector<1024x1024xf32>
    %eq3A_331 = arith.cmpf oeq, %select_n3A_326, %eq3A_330 : vector<1024x1024xf32>
    %jit3A_332 = arith.constant 1.024000e+03 : f32
    %broadcast_in_dim3A_333 = vector.broadcast %jit3A_332 : f32 to vector<1024x1024xf32>
    %select_n3A_334 = arith.select %eq3A_331, %convert_element_type3A, %broadcast_in_dim3A_333 : vector<1024x1024xi1>, vector<1024x1024xf32>
    %reduce_min3A_335 = arith.constant dense<0x7F800000> : vector<1024xf32>
    %reduce_min3A_336 = vector.multi_reduction <minimumf>, %select_n3A_334, %reduce_min3A_335 [1] : vector<1024x1024xf32> to vector<1024xf32>
    %broadcast_in_dim3A_337 = vector.shape_cast %reduce_min3A_336 : vector<1024xf32> to vector<1024x1xf32>
    %eq3A_338 = vector.broadcast %broadcast_in_dim3A_337 : vector<1024x1xf32> to vector<1024x1024xf32>
    %eq3A_339 = arith.cmpf oeq, %convert_element_type3A, %eq3A_338 : vector<1024x1024xf32>
    %jit3A_340 = arith.constant 1.000000e+30 : f32
    %broadcast_in_dim3A_341 = vector.broadcast %jit3A_340 : f32 to vector<1024x1024xf32>
    %select_n3A_342 = arith.select %eq3A_339, %broadcast_in_dim3A_341, %select_n3A_326 : vector<1024x1024xi1>, vector<1024x1024xf32>
    %reduce_min3A_343 = arith.constant dense<0x7F800000> : vector<1024xf32>
    %reduce_min3A_344 = vector.multi_reduction <minimumf>, %select_n3A_342, %reduce_min3A_343 [1] : vector<1024x1024xf32> to vector<1024xf32>
    %broadcast_in_dim3A_345 = vector.shape_cast %reduce_min3A_344 : vector<1024xf32> to vector<1024x1xf32>
    %eq3A_346 = vector.broadcast %broadcast_in_dim3A_345 : vector<1024x1xf32> to vector<1024x1024xf32>
    %eq3A_347 = arith.cmpf oeq, %select_n3A_342, %eq3A_346 : vector<1024x1024xf32>
    %jit3A_348 = arith.constant 1.024000e+03 : f32
    %broadcast_in_dim3A_349 = vector.broadcast %jit3A_348 : f32 to vector<1024x1024xf32>
    %select_n3A_350 = arith.select %eq3A_347, %convert_element_type3A, %broadcast_in_dim3A_349 : vector<1024x1024xi1>, vector<1024x1024xf32>
    %reduce_min3A_351 = arith.constant dense<0x7F800000> : vector<1024xf32>
    %reduce_min3A_352 = vector.multi_reduction <minimumf>, %select_n3A_350, %reduce_min3A_351 [1] : vector<1024x1024xf32> to vector<1024xf32>
    %broadcast_in_dim3A_353 = vector.shape_cast %reduce_min3A_352 : vector<1024xf32> to vector<1024x1xf32>
    %eq3A_354 = vector.broadcast %broadcast_in_dim3A_353 : vector<1024x1xf32> to vector<1024x1024xf32>
    %eq3A_355 = arith.cmpf oeq, %convert_element_type3A, %eq3A_354 : vector<1024x1024xf32>
    %jit3A_356 = arith.constant 1.000000e+30 : f32
    %broadcast_in_dim3A_357 = vector.broadcast %jit3A_356 : f32 to vector<1024x1024xf32>
    %select_n3A_358 = arith.select %eq3A_355, %broadcast_in_dim3A_357, %select_n3A_342 : vector<1024x1024xi1>, vector<1024x1024xf32>
    %reduce_min3A_359 = arith.constant dense<0x7F800000> : vector<1024xf32>
    %reduce_min3A_360 = vector.multi_reduction <minimumf>, %select_n3A_358, %reduce_min3A_359 [1] : vector<1024x1024xf32> to vector<1024xf32>
    %broadcast_in_dim3A_361 = vector.shape_cast %reduce_min3A_360 : vector<1024xf32> to vector<1024x1xf32>
    %eq3A_362 = vector.broadcast %broadcast_in_dim3A_361 : vector<1024x1xf32> to vector<1024x1024xf32>
    %eq3A_363 = arith.cmpf oeq, %select_n3A_358, %eq3A_362 : vector<1024x1024xf32>
    %jit3A_364 = arith.constant 1.024000e+03 : f32
    %broadcast_in_dim3A_365 = vector.broadcast %jit3A_364 : f32 to vector<1024x1024xf32>
    %select_n3A_366 = arith.select %eq3A_363, %convert_element_type3A, %broadcast_in_dim3A_365 : vector<1024x1024xi1>, vector<1024x1024xf32>
    %reduce_min3A_367 = arith.constant dense<0x7F800000> : vector<1024xf32>
    %reduce_min3A_368 = vector.multi_reduction <minimumf>, %select_n3A_366, %reduce_min3A_367 [1] : vector<1024x1024xf32> to vector<1024xf32>
    %broadcast_in_dim3A_369 = vector.shape_cast %reduce_min3A_368 : vector<1024xf32> to vector<1024x1xf32>
    %eq3A_370 = vector.broadcast %broadcast_in_dim3A_369 : vector<1024x1xf32> to vector<1024x1024xf32>
    %eq3A_371 = arith.cmpf oeq, %convert_element_type3A, %eq3A_370 : vector<1024x1024xf32>
    %jit3A_372 = arith.constant 1.000000e+30 : f32
    %broadcast_in_dim3A_373 = vector.broadcast %jit3A_372 : f32 to vector<1024x1024xf32>
    %select_n3A_374 = arith.select %eq3A_371, %broadcast_in_dim3A_373, %select_n3A_358 : vector<1024x1024xi1>, vector<1024x1024xf32>
    %reduce_min3A_375 = arith.constant dense<0x7F800000> : vector<1024xf32>
    %reduce_min3A_376 = vector.multi_reduction <minimumf>, %select_n3A_374, %reduce_min3A_375 [1] : vector<1024x1024xf32> to vector<1024xf32>
    %broadcast_in_dim3A_377 = vector.shape_cast %reduce_min3A_376 : vector<1024xf32> to vector<1024x1xf32>
    %eq3A_378 = vector.broadcast %broadcast_in_dim3A_377 : vector<1024x1xf32> to vector<1024x1024xf32>
    %eq3A_379 = arith.cmpf oeq, %select_n3A_374, %eq3A_378 : vector<1024x1024xf32>
    %jit3A_380 = arith.constant 1.024000e+03 : f32
    %broadcast_in_dim3A_381 = vector.broadcast %jit3A_380 : f32 to vector<1024x1024xf32>
    %select_n3A_382 = arith.select %eq3A_379, %convert_element_type3A, %broadcast_in_dim3A_381 : vector<1024x1024xi1>, vector<1024x1024xf32>
    %reduce_min3A_383 = arith.constant dense<0x7F800000> : vector<1024xf32>
    %reduce_min3A_384 = vector.multi_reduction <minimumf>, %select_n3A_382, %reduce_min3A_383 [1] : vector<1024x1024xf32> to vector<1024xf32>
    %broadcast_in_dim3A_385 = vector.shape_cast %reduce_min3A_384 : vector<1024xf32> to vector<1024x1xf32>
    %eq3A_386 = vector.broadcast %broadcast_in_dim3A_385 : vector<1024x1xf32> to vector<1024x1024xf32>
    %eq3A_387 = arith.cmpf oeq, %convert_element_type3A, %eq3A_386 : vector<1024x1024xf32>
    %jit3A_388 = arith.constant 1.000000e+30 : f32
    %broadcast_in_dim3A_389 = vector.broadcast %jit3A_388 : f32 to vector<1024x1024xf32>
    %select_n3A_390 = arith.select %eq3A_387, %broadcast_in_dim3A_389, %select_n3A_374 : vector<1024x1024xi1>, vector<1024x1024xf32>
    %reduce_min3A_391 = arith.constant dense<0x7F800000> : vector<1024xf32>
    %reduce_min3A_392 = vector.multi_reduction <minimumf>, %select_n3A_390, %reduce_min3A_391 [1] : vector<1024x1024xf32> to vector<1024xf32>
    %broadcast_in_dim3A_393 = vector.shape_cast %reduce_min3A_392 : vector<1024xf32> to vector<1024x1xf32>
    %eq3A_394 = vector.broadcast %broadcast_in_dim3A_393 : vector<1024x1xf32> to vector<1024x1024xf32>
    %eq3A_395 = arith.cmpf oeq, %select_n3A_390, %eq3A_394 : vector<1024x1024xf32>
    %jit3A_396 = arith.constant 1.024000e+03 : f32
    %broadcast_in_dim3A_397 = vector.broadcast %jit3A_396 : f32 to vector<1024x1024xf32>
    %select_n3A_398 = arith.select %eq3A_395, %convert_element_type3A, %broadcast_in_dim3A_397 : vector<1024x1024xi1>, vector<1024x1024xf32>
    %reduce_min3A_399 = arith.constant dense<0x7F800000> : vector<1024xf32>
    %reduce_min3A_400 = vector.multi_reduction <minimumf>, %select_n3A_398, %reduce_min3A_399 [1] : vector<1024x1024xf32> to vector<1024xf32>
    %broadcast_in_dim3A_401 = vector.shape_cast %reduce_min3A_400 : vector<1024xf32> to vector<1024x1xf32>
    %concatenate3A_402 = tpu.concatenate %broadcast_in_dim3A_145, %broadcast_in_dim3A_161, %broadcast_in_dim3A_177, %broadcast_in_dim3A_193, %broadcast_in_dim3A_209, %broadcast_in_dim3A_225, %broadcast_in_dim3A_241, %broadcast_in_dim3A_257, %broadcast_in_dim3A_273, %broadcast_in_dim3A_289, %broadcast_in_dim3A_305, %broadcast_in_dim3A_321, %broadcast_in_dim3A_337, %broadcast_in_dim3A_353, %broadcast_in_dim3A_369, %broadcast_in_dim3A_385, %broadcast_in_dim3A_401 in 1 : vector<1024x1xf32>, vector<1024x1xf32>, vector<1024x1xf32>, vector<1024x1xf32>, vector<1024x1xf32>, vector<1024x1xf32>, vector<1024x1xf32>, vector<1024x1xf32>, vector<1024x1xf32>, vector<1024x1xf32>, vector<1024x1xf32>, vector<1024x1xf32>, vector<1024x1xf32>, vector<1024x1xf32>, vector<1024x1xf32>, vector<1024x1xf32>, vector<1024x1xf32> -> vector<1024x17xf32>
    %convert_element_type3A_403 = arith.fptosi %concatenate3A_402 : vector<1024x17xf32> to vector<1024x17xi32>
    %mul3A_404 = arith.constant 1024 : i32
    %mul3A_405 = arith.muli %arg0, %mul3A_404 : i32
    %add3A_406 = vector.broadcast %mul3A_405 : i32 to vector<1024x17xi32>
    %add3A_407 = arith.addi %convert_element_type3A_403, %add3A_406 : vector<1024x17xi32>
    %swap3A_408 = arith.constant 0 : index
    %swap3A_409 = arith.constant 0 : index
    %swap3A_410 = arith.constant 0 : index
    %swap3A_411 = vector.load %arg17[%swap3A_408, %swap3A_409, %swap3A_410] : memref<1x1024x17xi32, #tpu.memory_space<vmem>>, vector<1x1024x17xi32>
    %swap3A_412 = vector.shape_cast %swap3A_411 : vector<1x1024x17xi32> to vector<1024x17xi32>
    %swap3A_413 = vector.shape_cast %add3A_407 : vector<1024x17xi32> to vector<1x1024x17xi32>
    tpu.vector_store %arg17[%swap3A_408, %swap3A_409, %swap3A_410], %swap3A_413 {strides = array<i32>} : memref<1x1024x17xi32, #tpu.memory_space<vmem>>, vector<1x1024x17xi32>,
    return
  }
  func.func @transform_0(%arg0: i32) -> (i32, i32, i32) {
    %c0_i32 = arith.constant 0 : i32
    %c0_i32_0 = arith.constant 0 : i32
    %c0_i32_1 = arith.constant 0 : i32
    return %arg0, %c0_i32, %c0_i32_0 : i32, i32, i32
  }
  func.func @transform_1(%arg0: i32) -> (i32, i32, i32) {
    %c0_i32 = arith.constant 0 : i32
    %c0_i32_0 = arith.constant 0 : i32
    %c0_i32_1 = arith.constant 0 : i32
    return %arg0, %c0_i32, %c0_i32_0 : i32, i32, i32
  }
  func.func @transform_2(%arg0: i32) -> (i32, i32, i32) {
    %c0_i32 = arith.constant 0 : i32
    %c0_i32_0 = arith.constant 0 : i32
    %c0_i32_1 = arith.constant 0 : i32
    return %arg0, %c0_i32, %c0_i32_0 : i32, i32, i32
  }
  func.func @transform_3(%arg0: i32) -> (i32, i32, i32) {
    %c0_i32 = arith.constant 0 : i32
    %c0_i32_0 = arith.constant 0 : i32
    %c0_i32_1 = arith.constant 0 : i32
    return %arg0, %c0_i32, %c0_i32_0 : i32, i32, i32
  }
  func.func @transform_4(%arg0: i32) -> (i32, i32, i32) {
    %c0_i32 = arith.constant 0 : i32
    %c0_i32_0 = arith.constant 0 : i32
    %c0_i32_1 = arith.constant 0 : i32
    return %arg0, %c0_i32, %c0_i32_0 : i32, i32, i32
  }
  func.func @transform_5(%arg0: i32) -> (i32, i32) {
    %c0_i32 = arith.constant 0 : i32
    %c0_i32_0 = arith.constant 0 : i32
    %c0_i32_1 = arith.constant 0 : i32
    return %c0_i32, %c0_i32_0 : i32, i32
  }
  func.func @transform_6(%arg0: i32) -> (i32, i32) {
    %c0_i32 = arith.constant 0 : i32
    %c0_i32_0 = arith.constant 0 : i32
    %c0_i32_1 = arith.constant 0 : i32
    return %c0_i32, %c0_i32_0 : i32, i32
  }
  func.func @transform_7(%arg0: i32) -> (i32, i32) {
    %c0_i32 = arith.constant 0 : i32
    %c0_i32_0 = arith.constant 0 : i32
    %c0_i32_1 = arith.constant 0 : i32
    return %c0_i32, %c0_i32_0 : i32, i32
  }
  func.func @transform_8(%arg0: i32) -> (i32, i32) {
    %c0_i32 = arith.constant 0 : i32
    %c0_i32_0 = arith.constant 0 : i32
    %c0_i32_1 = arith.constant 0 : i32
    return %c0_i32, %c0_i32_0 : i32, i32
  }
  func.func @transform_9(%arg0: i32) -> (i32, i32) {
    %c0_i32 = arith.constant 0 : i32
    %c0_i32_0 = arith.constant 0 : i32
    %c0_i32_1 = arith.constant 0 : i32
    return %c0_i32, %c0_i32_0 : i32, i32
  }
  func.func @transform_10(%arg0: i32) -> (i32, i32) {
    %c0_i32 = arith.constant 0 : i32
    %c0_i32_0 = arith.constant 0 : i32
    %c0_i32_1 = arith.constant 0 : i32
    return %c0_i32, %c0_i32_0 : i32, i32
  }
  func.func @transform_11(%arg0: i32) -> (i32, i32) {
    %c0_i32 = arith.constant 0 : i32
    %c0_i32_0 = arith.constant 0 : i32
    %c0_i32_1 = arith.constant 0 : i32
    return %c0_i32, %c0_i32_0 : i32, i32
  }
  func.func @transform_12(%arg0: i32) -> (i32, i32) {
    %c0_i32 = arith.constant 0 : i32
    %c0_i32_0 = arith.constant 0 : i32
    %c0_i32_1 = arith.constant 0 : i32
    return %c0_i32, %c0_i32_0 : i32, i32
  }
  func.func @transform_13(%arg0: i32) -> (i32, i32) {
    %c0_i32 = arith.constant 0 : i32
    %c0_i32_0 = arith.constant 0 : i32
    %c0_i32_1 = arith.constant 0 : i32
    return %c0_i32, %c0_i32_0 : i32, i32
  }
  func.func @transform_14(%arg0: i32) -> (i32, i32, i32) {
    %c0_i32 = arith.constant 0 : i32
    %c0_i32_0 = arith.constant 0 : i32
    %c0_i32_1 = arith.constant 0 : i32
    return %arg0, %c0_i32, %c0_i32_0 : i32, i32, i32
  }
  func.func @transform_15(%arg0: i32) -> (i32, i32, i32) {
    %c0_i32 = arith.constant 0 : i32
    %c0_i32_0 = arith.constant 0 : i32
    %c0_i32_1 = arith.constant 0 : i32
    return %arg0, %c0_i32, %c0_i32_0 : i32, i32, i32
  }
  func.func @transform_16(%arg0: i32) -> (i32, i32, i32) {
    %c0_i32 = arith.constant 0 : i32
    %c0_i32_0 = arith.constant 0 : i32
    %c0_i32_1 = arith.constant 0 : i32
    return %arg0, %c0_i32, %c0_i32_0 : i32, i32, i32
  }
}

module attributes {stable_mosaic.version = 14 : i64} {
  func.func @_stage3_body(%arg0: i32, %arg1: memref<1x17408x128xf32, #tpu.memory_space<vmem>>, %arg2: memref<1x1024x3xf32, #tpu.memory_space<vmem>>, %arg3: memref<1x1024x128xf32, #tpu.memory_space<vmem>>, %arg4: memref<128x64xf32, #tpu.memory_space<vmem>>, %arg5: memref<1x64xf32, #tpu.memory_space<vmem>>, %arg6: memref<1x64xf32, #tpu.memory_space<vmem>>, %arg7: memref<64x64xf32, #tpu.memory_space<vmem>>, %arg8: memref<1x64xf32, #tpu.memory_space<vmem>>, %arg9: memref<1x1024x64xf32, #tpu.memory_space<vmem>>, %arg10: memref<1x1x1024xf32, #tpu.memory_space<vmem>>) attributes {dimension_semantics = [#tpu.dimension_semantics<arbitrary>], iteration_bounds = array<i64: 4>, scalar_prefetch = 0 : i64, scratch_operands = 0 : i64, tpu.core_type = #tpu.core_type<tc>, window_params = [{transform_indices = @transform_0, window_bounds = array<i64: 1, 17408, 128>}, {transform_indices = @transform_1, window_bounds = array<i64: 1, 1024, 3>}, {transform_indices = @transform_2, window_bounds = array<i64: 1, 1024, 128>}, {pipeline_mode = #tpu.pipeline_mode<synchronous>, transform_indices = @transform_3, window_bounds = array<i64: 128, 64>}, {pipeline_mode = #tpu.pipeline_mode<synchronous>, transform_indices = @transform_4, window_bounds = array<i64: 1, 64>}, {pipeline_mode = #tpu.pipeline_mode<synchronous>, transform_indices = @transform_5, window_bounds = array<i64: 1, 64>}, {pipeline_mode = #tpu.pipeline_mode<synchronous>, transform_indices = @transform_6, window_bounds = array<i64: 64, 64>}, {pipeline_mode = #tpu.pipeline_mode<synchronous>, transform_indices = @transform_7, window_bounds = array<i64: 1, 64>}, {transform_indices = @transform_8, window_bounds = array<i64: 1, 1024, 64>}, {transform_indices = @transform_9, window_bounds = array<i64: 1, 1, 1024>}]} {
    %get3A = arith.constant 0 : index
    %get3A_0 = arith.constant 0 : index
    %get3A_1 = arith.constant 0 : index
    %get3A_2 = vector.load %arg1[%get3A, %get3A_0, %get3A_1] : memref<1x17408x128xf32, #tpu.memory_space<vmem>>, vector<1x17408x128xf32>
    %get3A_3 = vector.shape_cast %get3A_2 : vector<1x17408x128xf32> to vector<17408x128xf32>
    %get3A_4 = arith.constant 0 : index
    %get3A_5 = arith.constant 0 : index
    %get3A_6 = arith.constant 0 : index
    %get3A_7 = vector.load %arg3[%get3A_4, %get3A_5, %get3A_6] : memref<1x1024x128xf32, #tpu.memory_space<vmem>>, vector<1x1024x128xf32>
    %get3A_8 = vector.shape_cast %get3A_7 : vector<1x1024x128xf32> to vector<1024x128xf32>
    %slice3A = vector.extract_strided_slice %get3A_8 {offsets = [0, 0], sizes = [1024, 64], strides = [1, 1]} : vector<1024x128xf32> to vector<1024x64xf32>
    %slice3A_9 = vector.extract_strided_slice %get3A_8 {offsets = [0, 64], sizes = [1024, 64], strides = [1, 1]} : vector<1024x128xf32> to vector<1024x64xf32>
    %get3A_10 = arith.constant 0 : index
    %get3A_11 = arith.constant 0 : index
    %get3A_12 = arith.constant 0 : index
    %get3A_13 = vector.load %arg2[%get3A_10, %get3A_11, %get3A_12] : memref<1x1024x3xf32, #tpu.memory_space<vmem>>, vector<1x1024x3xf32>
    %get3A_14 = vector.shape_cast %get3A_13 : vector<1x1024x3xf32> to vector<1024x3xf32>
    %get3A_15 = arith.constant 0 : index
    %get3A_16 = arith.constant 0 : index
    %get3A_17 = vector.load %arg4[%get3A_15, %get3A_16] : memref<128x64xf32, #tpu.memory_space<vmem>>, vector<128x64xf32>
    %convert_element_type3A = arith.truncf %get3A_3 : vector<17408x128xf32> to vector<17408x128xbf16>
    %convert_element_type3A_18 = arith.truncf %get3A_17 : vector<128x64xf32> to vector<128x64xbf16>
    %dot_general3A = arith.constant dense<0.000000e+00> : vector<17408x64xf32>
    %dot_general3A_19 = tpu.matmul %convert_element_type3A, %convert_element_type3A_18, %dot_general3A {dimension_numbers = #tpu.dot_dimension_numbers<[1], [0], [0], [1], [0, 0, 1, 1], [], []>, transpose_lhs_hint = false} : vector<17408x128xbf16>, vector<128x64xbf16>, vector<17408x64xf32> -> vector<17408x64xf32>
    %broadcast_in_dim3A = vector.shape_cast %get3A_14 : vector<1024x3xf32> to vector<1x1024x3xf32>
    %broadcast_in_dim3A_20 = vector.shape_cast %broadcast_in_dim3A : vector<1x1024x3xf32> to vector<1x1024x3xf32>
    %broadcast_in_dim3A_21 = vector.broadcast %broadcast_in_dim3A_20 : vector<1x1024x3xf32> to vector<17x1024x3xf32>
    %reshape3A = vector.shape_cast %broadcast_in_dim3A_21 : vector<17x1024x3xf32> to vector<17408x3xf32>
    %slice3A_22 = vector.extract_strided_slice %get3A_3 {offsets = [0, 64], sizes = [17408, 3], strides = [1, 1]} : vector<17408x128xf32> to vector<17408x3xf32>
    %sub3A = arith.subf %slice3A_22, %reshape3A : vector<17408x3xf32>
    %mul3A = arith.mulf %sub3A, %sub3A : vector<17408x3xf32>
    %reduce_sum3A = arith.constant dense<0.000000e+00> : vector<17408xf32>
    %reduce_sum3A_23 = vector.multi_reduction <add>, %mul3A, %reduce_sum3A [1] : vector<17408x3xf32> to vector<17408xf32>
    %broadcast_in_dim3A_24 = vector.shape_cast %reduce_sum3A_23 : vector<17408xf32> to vector<17408x1xf32>
    %sqrt3A = math.sqrt %broadcast_in_dim3A_24 : vector<17408x1xf32>
    %broadcast_in_dim3A_25 = vector.shape_cast %slice3A : vector<1024x64xf32> to vector<1x1024x64xf32>
    %broadcast_in_dim3A_26 = vector.shape_cast %broadcast_in_dim3A_25 : vector<1x1024x64xf32> to vector<1x1024x64xf32>
    %broadcast_in_dim3A_27 = vector.broadcast %broadcast_in_dim3A_26 : vector<1x1024x64xf32> to vector<17x1024x64xf32>
    %reshape3A_28 = vector.shape_cast %broadcast_in_dim3A_27 : vector<17x1024x64xf32> to vector<17408x64xf32>
    %add3A = arith.addf %dot_general3A_19, %reshape3A_28 : vector<17408x64xf32>
    %get3A_29 = arith.constant 0 : index
    %get3A_30 = arith.constant 0 : index
    %get3A_31 = vector.load %arg5[%get3A_29, %get3A_30] : memref<1x64xf32, #tpu.memory_space<vmem>>, vector<1x64xf32>
    %mul3A_32 = vector.broadcast %sqrt3A : vector<17408x1xf32> to vector<17408x64xf32>
    %mul3A_33 = vector.broadcast %get3A_31 : vector<1x64xf32> to vector<17408x64xf32>
    %mul3A_34 = arith.mulf %mul3A_32, %mul3A_33 : vector<17408x64xf32>
    %add3A_35 = arith.addf %add3A, %mul3A_34 : vector<17408x64xf32>
    %get3A_36 = arith.constant 0 : index
    %get3A_37 = arith.constant 0 : index
    %get3A_38 = vector.load %arg6[%get3A_36, %get3A_37] : memref<1x64xf32, #tpu.memory_space<vmem>>, vector<1x64xf32>
    %add3A_39 = vector.broadcast %get3A_38 : vector<1x64xf32> to vector<17408x64xf32>
    %add3A_40 = arith.addf %add3A_35, %add3A_39 : vector<17408x64xf32>
    %max3A = arith.constant 0.000000e+00 : f32
    %max3A_41 = vector.broadcast %max3A : f32 to vector<17408x64xf32>
    %max3A_42 = arith.maximumf %add3A_40, %max3A_41 : vector<17408x64xf32>
    %get3A_43 = arith.constant 0 : index
    %get3A_44 = arith.constant 0 : index
    %get3A_45 = vector.load %arg7[%get3A_43, %get3A_44] : memref<64x64xf32, #tpu.memory_space<vmem>>, vector<64x64xf32>
    %convert_element_type3A_46 = arith.truncf %max3A_42 : vector<17408x64xf32> to vector<17408x64xbf16>
    %convert_element_type3A_47 = arith.truncf %get3A_45 : vector<64x64xf32> to vector<64x64xbf16>
    %dot_general3A_48 = arith.constant dense<0.000000e+00> : vector<17408x64xf32>
    %dot_general3A_49 = tpu.matmul %convert_element_type3A_46, %convert_element_type3A_47, %dot_general3A_48 {dimension_numbers = #tpu.dot_dimension_numbers<[1], [0], [0], [1], [0, 0, 1, 1], [], []>, transpose_lhs_hint = false} : vector<17408x64xbf16>, vector<64x64xbf16>, vector<17408x64xf32> -> vector<17408x64xf32>
    %get3A_50 = arith.constant 0 : index
    %get3A_51 = arith.constant 0 : index
    %get3A_52 = vector.load %arg8[%get3A_50, %get3A_51] : memref<1x64xf32, #tpu.memory_space<vmem>>, vector<1x64xf32>
    %add3A_53 = vector.broadcast %get3A_52 : vector<1x64xf32> to vector<17408x64xf32>
    %add3A_54 = arith.addf %dot_general3A_49, %add3A_53 : vector<17408x64xf32>
    %slice3A_55 = vector.extract_strided_slice %get3A_3 {offsets = [0, 0], sizes = [17408, 64], strides = [1, 1]} : vector<17408x128xf32> to vector<17408x64xf32>
    %mul3A_56 = arith.mulf %add3A_54, %slice3A_55 : vector<17408x64xf32>
    %reshape3A_57 = vector.shape_cast %mul3A_56 : vector<17408x64xf32> to vector<17x1024x64xf32>
    %reduce_sum3A_58 = arith.constant dense<0.000000e+00> : vector<1024x64xf32>
    %reduce_sum3A_59 = vector.multi_reduction <add>, %reshape3A_57, %reduce_sum3A_58 [0] : vector<17x1024x64xf32> to vector<1024x64xf32>
    %add3A_60 = arith.addf %reduce_sum3A_59, %slice3A_9 : vector<1024x64xf32>
    %swap3A = arith.constant 0 : index
    %swap3A_61 = arith.constant 0 : index
    %swap3A_62 = arith.constant 0 : index
    %swap3A_63 = vector.load %arg9[%swap3A, %swap3A_61, %swap3A_62] : memref<1x1024x64xf32, #tpu.memory_space<vmem>>, vector<1x1024x64xf32>
    %swap3A_64 = vector.shape_cast %swap3A_63 : vector<1x1024x64xf32> to vector<1024x64xf32>
    %swap3A_65 = vector.shape_cast %add3A_60 : vector<1024x64xf32> to vector<1x1024x64xf32>
    tpu.vector_store %arg9[%swap3A, %swap3A_61, %swap3A_62], %swap3A_65 {strides = array<i32>} : memref<1x1024x64xf32, #tpu.memory_space<vmem>>, vector<1x1024x64xf32>,
    %broadcast_in_dim3A_66 = arith.constant 1.000000e+00 : f32
    %broadcast_in_dim3A_67 = vector.broadcast %broadcast_in_dim3A_66 : f32 to vector<1x64xf32>
    %dot_general3A_68 = arith.constant dense<0.000000e+00> : vector<1x1024xf32>
    %dot_general3A_69 = tpu.matmul %broadcast_in_dim3A_67, %add3A_60, %dot_general3A_68 {dimension_numbers = #tpu.dot_dimension_numbers<[1], [1], [0], [0], [0, 0, 1, 0], [], []>, precision = #tpu.contract_precision<fp32>, transpose_lhs_hint = false} : vector<1x64xf32>, vector<1024x64xf32>, vector<1x1024xf32> -> vector<1x1024xf32>
    %swap3A_70 = arith.constant 0 : index
    %swap3A_71 = arith.constant 0 : index
    %swap3A_72 = arith.constant 0 : index
    %swap3A_73 = vector.load %arg10[%swap3A_70, %swap3A_71, %swap3A_72] : memref<1x1x1024xf32, #tpu.memory_space<vmem>>, vector<1x1x1024xf32>
    %swap3A_74 = vector.shape_cast %swap3A_73 : vector<1x1x1024xf32> to vector<1x1024xf32>
    %swap3A_75 = vector.shape_cast %dot_general3A_69 : vector<1x1024xf32> to vector<1x1x1024xf32>
    tpu.vector_store %arg10[%swap3A_70, %swap3A_71, %swap3A_72], %swap3A_75 {strides = array<i32>} : memref<1x1x1024xf32, #tpu.memory_space<vmem>>, vector<1x1x1024xf32>,
    return
  }
  func.func @transform_0(%arg0: i32) -> (i32, i32, i32) {
    %c0_i32 = arith.constant 0 : i32
    %c0_i32_0 = arith.constant 0 : i32
    %c0_i32_1 = arith.constant 0 : i32
    return %arg0, %c0_i32, %c0_i32_0 : i32, i32, i32
  }
  func.func @transform_1(%arg0: i32) -> (i32, i32, i32) {
    %c0_i32 = arith.constant 0 : i32
    %c0_i32_0 = arith.constant 0 : i32
    %c0_i32_1 = arith.constant 0 : i32
    return %arg0, %c0_i32, %c0_i32_0 : i32, i32, i32
  }
  func.func @transform_2(%arg0: i32) -> (i32, i32, i32) {
    %c0_i32 = arith.constant 0 : i32
    %c0_i32_0 = arith.constant 0 : i32
    %c0_i32_1 = arith.constant 0 : i32
    return %arg0, %c0_i32, %c0_i32_0 : i32, i32, i32
  }
  func.func @transform_3(%arg0: i32) -> (i32, i32) {
    %c0_i32 = arith.constant 0 : i32
    %c0_i32_0 = arith.constant 0 : i32
    %c0_i32_1 = arith.constant 0 : i32
    return %c0_i32, %c0_i32_0 : i32, i32
  }
  func.func @transform_4(%arg0: i32) -> (i32, i32) {
    %c0_i32 = arith.constant 0 : i32
    %c0_i32_0 = arith.constant 0 : i32
    %c0_i32_1 = arith.constant 0 : i32
    return %c0_i32, %c0_i32_0 : i32, i32
  }
  func.func @transform_5(%arg0: i32) -> (i32, i32) {
    %c0_i32 = arith.constant 0 : i32
    %c0_i32_0 = arith.constant 0 : i32
    %c0_i32_1 = arith.constant 0 : i32
    return %c0_i32, %c0_i32_0 : i32, i32
  }
  func.func @transform_6(%arg0: i32) -> (i32, i32) {
    %c0_i32 = arith.constant 0 : i32
    %c0_i32_0 = arith.constant 0 : i32
    %c0_i32_1 = arith.constant 0 : i32
    return %c0_i32, %c0_i32_0 : i32, i32
  }
  func.func @transform_7(%arg0: i32) -> (i32, i32) {
    %c0_i32 = arith.constant 0 : i32
    %c0_i32_0 = arith.constant 0 : i32
    %c0_i32_1 = arith.constant 0 : i32
    return %c0_i32, %c0_i32_0 : i32, i32
  }
  func.func @transform_8(%arg0: i32) -> (i32, i32, i32) {
    %c0_i32 = arith.constant 0 : i32
    %c0_i32_0 = arith.constant 0 : i32
    %c0_i32_1 = arith.constant 0 : i32
    return %arg0, %c0_i32, %c0_i32_0 : i32, i32, i32
  }
  func.func @transform_9(%arg0: i32) -> (i32, i32, i32) {
    %c0_i32 = arith.constant 0 : i32
    %c0_i32_0 = arith.constant 0 : i32
    %c0_i32_1 = arith.constant 0 : i32
    return %arg0, %c0_i32, %c0_i32_0 : i32, i32, i32
  }
}

</mosaic_0001>

<sc_bundles>
// kernel: kernel.14.cloned.1.call-start
scs
__scs_entry_jumppad:
0x0: {  	(pc) =	sbr.rel $0x88, $3  }
0x1: {  	(tag) =	ssettag $0x0;
	lr =	simm.s32 $0x1  }
0x2: {  	[smem:$0x3F91] =	sst lr;
	_ =	strace $0xD0000000  }
0x3: {  	_ = 	snop  }
0x4: {  	_ = 	snop  }
0x5: {  	_ = 	snop  }
0x6: {  	_ = 	snop  }
0x7: {  	_ = 	snop  }
__scs_overlays_trampoline_lowered:
0x8: {  	[smem:$0x3FA0] =	sst s0  }
0x9: {  	[smem:$0x3FA1] =	sst s1  }
0xa: {  	[smem:$0x3FA2] =	sst s2  }
0xb: {  	[smem:$0x3FA3] =	sst s3  }
0xc: {  	[smem:$0x3FA4] =	sst s4  }
0xd: {  	[smem:$0x3FA5] =	sst s5  }
0xe: {  	[smem:$0x3FA6] =	sst s6  }
0xf: {  	[smem:$0x3FA7] =	sst s7  }
0x10: {  	[smem:$0x3FA8] =	sst s8  }
0x11: {  	[smem:$0x3FA9] =	sst s9;
	s0 =	simm.s32 @!p0 $0x0  }
0x12: {  	s1 =	sld [smem:$0x3F8F];
	s0 =	simm.s32 @p0 $0x1  }
0x13: {  	[smem:$0x3FAA] =	sst s0;
	s0 =	simm.s32 @!p1 $0x0  }
0x14: {  	s2 =	sld [smem:$0x3F8E];
	s0 =	simm.s32 @p1 $0x1  }
0x15: {  	[smem:$0x3FAB] =	sst s0;
	s0 =	simm.s32 @!p2 $0x0  }
0x16: {  	s3 =	sld [smem:$0x3FDB];
	s0 =	simm.s32 @p2 $0x1  }
0x17: {  	s4 =	simm.s32 $0x1BF5;
	[smem:$0x3FAD] =	sst s0  }
0x18: {  	s0 =	sld [smem:$0x3F90];
	_ =	swait.ge [sflag:s4], $0x0  }
0x19: {  	s7 =	sld [smem:$0x3F91]  }
0x1a: {  	s8 =	sadd.s32 $0xFFFFE003, lr  }
0x1b: {  	s9 =	sadd.s32 $0xFFFFFEF7, lr;
	s5 =	simm.s32 $0xFFFFFFFF;
	p2 =	slt.u32 s8, $0xFFFFF086  }
0x1c: {  	p1 =	slt.u32 s9, $0xF7A;
	s5 =	simm.s32 @!p2 $0x0  }
0x1d: {  	s5 =	simm.s32 @p1 $0x1;
	p0 =	seq.s32 s7, s2  }
0x1e: {  	s7 =	smul.u32 @!p0 $0xF7A, s2;
	p2 =	seq.s32 @!p0 s5, $0x0  }
0x1f: {  	s9 =	smul.u32 $0xF7A, s1;
	s8 =	simm.s32 @!p0 $0x1BF5;
	p2 =	por !p2, p0  }
0x20: {  	[sflag:s8] =	ssyncset.s32 @!p0 $0xFFFFF086;
	s6 =	sadd.s32 @!p0 s3, s7;
	s7 =	simm.s32 @!p0 $0x108  }
0x21: {  	s3 =	sadd.s32 s3, s9;
	s6 =	sadd.s32 @!p0 $0x88, s6;
	s7 =	simm.s32 @p2 $0x1082  }
0x22: {  	[simem:s7], [sflag:s8] =	dma.local @!p0 [hbm:s6], $0xF7A  }
0x23: {  	s9 =	sor.u32 $0xD0000000, s2;
	s6 =	simm.s32 $0x108;
	_ =	swait.ge @!p0 [sflag:s8], $0x0  }
0x24: {  	s3 =	sadd.s32 $0x88, s3;
	s6 =	simm.s32 @!p1 $0x1082;
	[sflag:s4] =	ssyncset.s32 $0xFFFFF086  }
0x25: {  	[simem:s6], [sflag:s4] =	dma.local [hbm:s3], $0xF7A  }
0x26: {  	[smem:$0x3F91] =	sst s1;
	(tag) =	ssettag s2;
	_ =	strace s9  }
0x27: {  	s1 =	sld [smem:$0x3FA1]  }
0x28: {  	s2 =	sld [smem:$0x3FA2]  }
0x29: {  	s4 =	sld [smem:$0x3FA4]  }
0x2a: {  	p0 =	seq.s32 s5, $0x0;
	s5 =	sld [smem:$0x3FA5]  }
0x2b: {  	s6 =	sld [smem:$0x3FA6]  }
0x2c: {  	s7 =	sld [smem:$0x3FA7]  }
0x2d: {  	s3 =	simm.s32 $0x108;
	s8 =	sld [smem:$0x3FA8]  }
0x2e: {  	s3 =	simm.s32 @!p0 $0x1082;
	s9 =	sld [smem:$0x3FA9]  }
0x2f: {  	lr =	sadd.s32 s0, s3;
	s0 =	sld [smem:$0x3FA0]  }
0x30: {  	s3 =	sld [smem:$0x3FA3]  }
0x31: {  	[smem:$0x3FAC] =	sst s10  }
0x32: {  	s10 =	sld [smem:$0x3FAA];
	_ =	sdelay $0x3  }
0x33: {  	p0 =	seq.s32 s10, $0x1;
	s10 =	sld [smem:$0x3FAC];
	_ =	sdelay $0x3  }
0x34: {  	[smem:$0x3FAC] =	sst s10  }
0x35: {  	s10 =	sld [smem:$0x3FAB];
	_ =	sdelay $0x3  }
0x36: {  	p1 =	seq.s32 s10, $0x1;
	s10 =	sld [smem:$0x3FAC];
	_ =	sdelay $0x3  }
0x37: {  	[smem:$0x3FAC] =	sst s10  }
0x38: {  	s10 =	sld [smem:$0x3FAD]  }
0x39: {  	_ = 	snop;
	(pc) =	sbr.ind lr, $3  }
0x3a: {  	_ = 	snop  }
0x3b: {  	_ = 	snop  }
0x3c: {  	p2 =	seq.s32 s10, $0x1;
	s10 =	sld [smem:$0x3FAC]  }
0x3d: {  	_ =	shalt  }
0x3e: {  	_ =	shalt  }
0x3f: {  	_ =	shalt  }
0x40: {  	_ =	shalt  }
0x41: {  	_ =	shalt  }
0x42: {  	_ =	shalt  }
0x43: {  	_ =	shalt  }
0x44: {  	_ =	shalt  }
0x45: {  	_ =	shalt  }
0x46: {  	_ =	shalt  }
0x47: {  	_ =	shalt  }
0x48: {  	_ =	shalt  }
0x49: {  	_ =	shalt  }
0x4a: {  	_ =	shalt  }
0x4b: {  	_ =	shalt  }
0x4c: {  	_ =	shalt  }
0x4d: {  	_ =	shalt  }
0x4e: {  	_ =	shalt  }
0x4f: {  	_ =	shalt  }
0x50: {  	_ =	shalt  }
0x51: {  	_ =	shalt  }
0x52: {  	_ =	shalt  }
0x53: {  	_ =	shalt  }
0x54: {  	_ =	shalt  }
0x55: {  	_ =	shalt  }
0x56: {  	_ =	shalt  }
0x57: {  	_ =	shalt  }
0x58: {  	_ =	shalt  }
0x59: {  	_ =	shalt  }
0x5a: {  	_ =	shalt  }
0x5b: {  	_ =	shalt  }
0x5c: {  	_ =	shalt  }
0x5d: {  	_ =	shalt  }
0x5e: {  	_ =	shalt  }
0x5f: {  	_ =	shalt  }
0x60: {  	_ =	shalt  }
0x61: {  	_ =	shalt  }
0x62: {  	_ =	shalt  }
0x63: {  	_ =	shalt  }
0x64: {  	_ =	shalt  }
0x65: {  	_ =	shalt  }
0x66: {  	_ =	shalt  }
0x67: {  	_ =	shalt  }
0x68: {  	_ =	shalt  }
0x69: {  	_ =	shalt  }
0x6a: {  	_ =	shalt  }
0x6b: {  	_ =	shalt  }
0x6c: {  	_ =	shalt  }
0x6d: {  	_ =	shalt  }
0x6e: {  	_ =	shalt  }
0x6f: {  	_ =	shalt  }
0x70: {  	_ =	shalt  }
0x71: {  	_ =	shalt  }
0x72: {  	_ =	shalt  }
0x73: {  	_ =	shalt  }
0x74: {  	_ =	shalt  }
0x75: {  	_ =	shalt  }
0x76: {  	_ =	shalt  }
0x77: {  	_ =	shalt  }
0x78: {  	_ =	shalt  }
0x79: {  	_ =	shalt  }
0x7a: {  	_ =	shalt  }
0x7b: {  	_ =	shalt  }
0x7c: {  	_ =	shalt  }
0x7d: {  	_ =	shalt  }
0x7e: {  	_ =	shalt  }
0x7f: {  	_ =	shalt  }
0x80: {  	_ =	shalt  }
0x81: {  	_ =	shalt  }
0x82: {  	_ =	shalt  }
0x83: {  	_ =	shalt  }
0x84: {  	_ =	shalt  }
0x85: {  	_ =	shalt  }
0x86: {  	_ =	shalt  }
0x87: {  	_ =	shalt  }
.Lfunc_end0:
.L_simem_size_0:
called_computation_lowered:
.L_overlay_start_0:
0x88: {  	s2 =	sld [smem:$0x3FD9]  }
0x89: {  	s3 =	sld [smem:$0x3FFE];
	_ =	sdelay $0x1  }
0x8a: {  	s1 =	srdreg.scid  }
0x8b: {  	s0 =	sand.u32 $0x1, s1  }
0x8c: {  	s15 =	sshll.u32 s0, $0xA;
	s2 =	sadd.s32 s3, s2  }
0x8d: {  	s2 =	sadd.s32 s2, s15  }
0x8e: {  	[smem:$0x3FB8] =	sst s2  }
0x8f: {  	_ = 	snop  }
0x90: {  	s2 =	sld [smem:$0x3FD0];
	_ =	sdelay $0x2  }
0x91: {  	s16 =	simm.s32 $0xD;
	s4 =	simm.s32 $0x10  }
0x92: {  	[smem:s4], [sflag:s16] =	dma.local [hbm:s2], $0x1  }
0x93: {  	_ =	swait.eq [sflag:s16], $0x1  }
0x94: {  	[sflag:s16] =	ssyncset.done $0x0  }
0x95: {  	[sflag:s16] =	ssyncadd.s32 $0xFFFFFFFF  }
0x96: {  	s17 =	sld [smem:$0x10];
	(tm) =	ssettm $0x1  }
0x97: {  	s18 =	sld [smem:$0x3FFB];
	_ =	sdelay $0x3  }
0x98: {  	_ =	strace s18  }
0x99: {  	s2 =	sld [smem:$0x3FFC];
	_ =	sdelay $0x3  }
0x9a: {  	_ =	strace s2  }
0x9b: {  	s2 =	sld [smem:$0x3FFD];
	_ =	sdelay $0x3  }
0x9c: {  	_ =	strace s2  }
0x9d: {  	_ =	strace $0x8FFFFFFF  }
0x9e: {  	s19 =	sld [smem:$0x3FDB];
	_ =	sdelay $0x1  }
0x9f: {  	s20 =	simm.s32 $_scs_section_size  }
0xa0: {  	s5 =	simm.s32 $_size__tile_overlayer_lowered;
	s6 =	simm.s32 $_tile_overlayer_lowered  }
0xa1: {  	s7 =	simm.s32 $0x1BFF;
	s21 =	sshll.u32 s6, $0x1;
	s4 =	sadd.s32 s20, s19  }
0xa2: {  	s22 =	simm.s32 $0x0;
	s5 =	sshll.u32 s5, $0x1;
	s6 =	sadd.s32 s21, s4  }
0xa3: {  	[timem:s22], [sflag:s7] =	dma.local [hbm:s6], s5  }
0xa4: {  	_ =	swait.ge [sflag:s7], s5  }
0xa5: {  	s5 =	ssub.s32 $0x0, s5;
	[sflag:s7] =	ssyncset.done $0x0  }
0xa6: {  	[sflag:s7] =	ssyncadd.s32 s5;
	_ =	sdelay $0x1  }
0xa7: {  	s23 =	simm.s32 $0x1B8B  }
0xa8: {  	_ =	swait.ge [sflag:s23], $0x1  }
0xa9: {  	[sflag:s23] =	ssyncset.done $0x0  }
0xaa: {  	[sflag:s23] =	ssyncadd.s32 $0xFFFFFFFF  }
0xab: {  	s5 =	sld [smem:$0x0]  }
0xac: {  	s6 =	sand.u32 $0xFFFFFFFE, s1  }
0xad: {  	p0 =	sne.s32 s1, s6  }
0xae: {  	s6 =	sshll.u32 @p0 s6, $0xE  }
0xaf: {  	s6 =	sadd.s32 @p0 $0x11B8D, s6;
	s7 =	sshll.u32 @p0 s5, $0x11  }
0xb0: {  	s6 =	sor.u32 @p0 s7, s6  }
0xb1: {  	[sflag:s6] =	ssyncadd.remote.s32 @p0 $0x1;
	_ =	sdelay $0x1  }
0xb2: {  	s6 =	simm.s32 @p0 $0x1B8D  }
0xb3: {  	_ =	swait.eq @p0 [sflag:s6], $0x1  }
0xb4: {  	[sflag:s6] =	ssyncadd.s32 @p0 $0xFFFFFFFF  }
0xb5: {  	s7 =	sshll.u32 @!p0 s1, $0xE  }
0xb6: {  	s7 =	sor.u32 @!p0 $0x4000, s7;
	s6 =	simm.s32 @!p0 $0x1B8D  }
0xb7: {  	s5 =	sshll.u32 @!p0 s5, $0x11;
	s7 =	sadd.s32 @!p0 $0x11B8D, s7;
	_ =	swait.eq @!p0 [sflag:s6], $0x1  }
0xb8: {  	s5 =	sor.u32 @!p0 s5, s7;
	[sflag:s6] =	ssyncadd.s32 @!p0 $0xFFFFFFFF  }
0xb9: {  	s25 =	simm.s32 $0x1B8E;
	s24 =	sld [smem:$0x3FFE];
	[sflag:s5] =	ssyncadd.remote.s32 @!p0 $0x1  }
0xba: {  	s26 =	simm.s32 $execute0_lowered;
	[smem:$0x3FD2] =	sst s25  }
0xbb: {  	s6 =	sshll.u32 s26, $0x1;
	_ =	strace $0x80000050;
	[dreg:$0x1] =	wrdreg $0xFFFFFFFF  }
0xbc: {  	s28 =	simm.s32 $_size_execute0_lowered;
	s4 =	sadd.s32 s4, s6;
	[dreg:$0x0] =	wrdreg $0x0  }
0xbd: {  	s6 =	sshll.u32 s28, $0x1;
	[dreg:$0x2] =	wrdreg s4  }
0xbe: {  	[dreg:$0x3] =	wrdreg s6  }
0xbf: {  	[dreg:$0x4] =	wrdreg $0xC0  }
0xc0: {  	_ =	task [dreg:s22], $0x5FFFF  }
0xc1: {  	[dreg:$0x1] =	wrdreg $0xFFFFFFFF  }
0xc2: {  	[dreg:$0x0] =	wrdreg $0x60  }
0xc3: {  	[dreg:$0x2] =	wrdreg s17  }
0xc4: {  	[dreg:$0x3] =	wrdreg s24  }
0xc5: {  	[dreg:$0x4] =	wrdreg $0x9  }
0xc6: {  	_ =	task.clear_ibuf [dreg:s22], $0x5FFFF;
	_ =	strace $0x90000050  }
0xc7: {  	s29 =	simm.s32 $0x9;
	_ =	strace $0x80000059  }
0xc8: {  	_ =	swait.ge [sflag:s29], $0x1  }
0xc9: {  	[sflag:s29] =	ssyncadd.s32 $0xFFFFFFFF  }
0xca: {  	_ =	strace $0x90000059  }
0xcb: {  	_ =	sfence  }
0xcc: {  	s30 =	sld [smem:$0x0];
	_ =	sdelay $0x2  }
0xcd: {  	s31 =	sshll.u32 s1, $0xD;
	s1 =	sshrl.u32 s1, $0x2  }
0xce: {  	s4 =	sand.u32 $0x4000, s31;
	s1 =	sadd.s32 s1, s30  }
0xcf: {  	s0 =	sor.u32 s4, s0;
	s1 =	sshll.u32 s1, $0x11  }
0xd0: {  	s0 =	sor.u32 s1, s0  }
0xd1: {  	s0 =	sadd.s32 $0x8F2B, s0  }
0xd2: {  	[sflag:s0] =	ssyncadd.remote.s32 $0x1  }
0xd3: {  	_ =	sfence.sel $0xFFFF  }
0xd4: {  	[dreg:$0x0] =	wrdreg $0xFFFFFFFF;
	(pc) =	sbr.abs _section_cstart, $3  }
0xd5: {  	[dreg:$0x1] =	wrdreg $0xFFFFFFFF  }
0xd6: {  	_ =	task.clear_ibuf [dreg:s22], $0x2FFFF;
	_ =	strace $0x9FFFFFFF  }
0xd7: {  	(tm) =	ssettm $0x7FFFFFFF  }
tec
execute0_lowered:
.L_overlay_start_1:
0x0: {  	(tag) =	ssettag $0x1  }
0x1: {  	s0 =	rddreg [dreg:$0x0]  }
0x2: {  	s1 =	srdreg.scid;
	s5 =	rddreg [dreg:$0x1];
	s2 =	simm.s32 $0x0  }
0x3: {  	s10 =	simm.s32 $0x100;
	s11 =	simm.s32 $0x0;
	[dreg:$0x3] =	wrdreg s0  }
0x4: {  	s7 =	sand.u32 $0x1, s1;
	s1 =	stileid.u32;
	s0 =	rddreg [dreg:$0x2]  }
0x5: {  	[smem:$0x7FF] =	sst s2;
	s4 =	sadd.s32 $0x1C8C00, s5;
	s3 =	sshll.u32 s7, $0x4  }
0x6: {  	s5 =	sadd.s32 $0x1CAE00, s5;
	_ =	strace $0x80000051;
	s3 =	sor.u32 s1, s3  }
0x7: {  	p0 =	seq.s32 s7, $0x0;
	s6 =	smul.u32 $0x9, s3;
	s3 =	sshll.u32 s3, $0x3  }
0x8: {  	s8 =	ssub.s32 $0x2, s7;
	[dreg:$0x5] =	wrdreg s5;
	s3 =	sadd.s32 $0x10, s3  }
0x9: {  	s5 =	sxor.u32 $0x9, s7;
	s7 =	ssub.s32 $0x8, s7;
	s3 =	smov.u32 @p0 s6  }
0xa: {  	[dreg:$0x4] =	wrdreg s10;
	s30 =	sshrl.u32 s8, $0x1;
	s9 =	sshll.u32 s3, $0x5  }
0xb: {  	s10 =	simm.s32 $0x5;
	s8 =	ssub.s32 s8, s30;
	s31 =	sand.u32 $0x1FFFFFE0, s9  }
0xc: {  	s8 =	smax.u32 s8, $0x1;
	s9 =	simm.s32 $0x1;
	s6 =	sadd.s32 s4, s31  }
.LBB2_1:
0xd: {  	_ =	strace $0x80000052;
	p2 =	sne.s32 s5, $0x1  }
.Ltmp0:
0xe: {  	p0 =	seq.s32 s5, $0x1;
	s13 =	simm.s32 $0x1;
	(pc) =	sbr.rel @!p2 .LBB2_2-.Ltmp0, $4  }
0xf: {  	[tilespmem:s2], [sflag:$0x1] =	stream.linear.gather [hbm4b:s6+s2], $0x100, $0x200038;
	[tilespmem:$0x10200] =	vst v63  }
0x10: {  	s12 =	simm.s32 $0x1;
	p1 =	por $0x1, $0x1;
	s13 =	simm.s32 @p0 $0x0  }
0x11: {  	p6 =	sgt.u32 s7, $0x0;
	p4 =	por p1, p1;
	p3 =	sne.s32 s13, $0x0  }
0x12: {  	_ =	strace $0x90000052;
	p5 =	por !p6, !p3;
	p6 =	por $0x0, $0x0  }
0x13: {  	p2 =	por !p5, !p5  }
0x14: {  	s21 =	sand.u32 $0x1, s2;
	s19 =	simm.s32 $0x2;
	s14 =	sadd.s32 @p2 s3, s13  }
0x15: {  	p1 =	por p3, p3;
	s15 =	sand.u32 @p2 $0x1, s9;
	s14 =	sshll.u32 @p2 s14, $0x5  }
0x16: {  	_ =	strace @p2 $0x80000053;
	s17 =	simm.s32 @p2 $0x0;
	s14 =	sand.u32 @p2 $0x1FFFFFE0, s14  }
0x17: {  	s16 =	sshll.u32 @p2 s15, $0x8;
	s15 =	sadd.s32 @p2 $0x1, s15;
	s14 =	sadd.s32 @p2 s4, s14  }
0x18: {  	[tilespmem:s16], [sflag:s15] =	stream.linear.gather @p2 [hbm4b:s14+s17], $0x100, $0x200038;
	[tilespmem:$0x10200] =	vst v63  }
0x19: {  	s30 =	simm.s32 $0x0;
	p6 =	por $0x0, $0x0;
	_ =	strace @p2 $0x90000053  }
0x1a: {  	p0 =	sne.s32 s5, $0x2;
	s29 =	sadd.s32 $0x1, s21;
	_ =	strace $0x80000054  }
0x1b: {  	s24 =	sadd.s32 $0x0, s3;
	p5 =	sgt.u32 s7, $0x1;
	_ =	swait.ge [sflag:s29], $0x100  }
0x1c: {  	s23 =	simm.s32 $0x1;
	s22 =	sshll.u32 s21, $0xF;
	[sflag:s29] =	ssyncset.done $0x0  }
0x1d: {  	s22 =	sor.u32 $0x200, s22;
	s16 =	sand.u32 @!p4 $0x1, s2;
	[sflag:s29] =	ssyncadd.s32 $0xFFFFFF00  }
0x1e: {  	s15 =	simm.s32 $0x1;
	s17 =	sadd.s32 $0x1, s13;
	_ =	strace $0x90000054  }
0x1f: {  	s14 =	sand.u32 $0x100, s30;
	s15 =	simm.s32 @!p2 $0x0;
	_ =	strace $0x80000055  }
0x20: {  	p2 =	por p4, p4;
	p4 =	por p6, p6;
	s20 =	rddreg [dreg:$0x4]  }
0x21: {  	p3 =	seq.s32 s17, s5;
	p6 =	seq.s32 s7, $0x0;
	s31 =	rddreg [dreg:$0x3]  }
0x22: {  	[tilespmem:s22], [sflag:$0x5] =	stream.indirect.gather [hbm4b:s31+s20], $0x80, s14, s20, $0x2000b8;
	[tilespmem:$0x10200] =	vst v63  }
.Ltmp1:
0x23: {  	s18 =	sadd.s32 $0x1, s15;
	s17 =	simm.s32 @p3 $0x0;
	(pc) =	sbr.rel @!p0 .LBB2_4-.Ltmp1, $4  }
0x24: {  	p1 =	por p6, p1;
	p6 =	por $0x0, $0x0;
	_ =	swait.ge [sflag:s10], $0x8000  }
0x25: {  	s15 =	simm.s32 $0x0;
	p3 =	sne.s32 s13, s17;
	[sflag:s10] =	ssyncset.done $0x0  }
0x26: {  	s23 =	simm.s32 @!p6 $0x0;
	p5 =	por !p5, !p3;
	[sflag:s10] =	ssyncadd.s32 $0xFFFF8000  }
0x27: {  	s14 =	simm.s32 $0x0;
	s20 =	simm.s32 $0x0;
	_ =	strace $0x90000055  }
.LBB2_5:
0x28: {  	_ =	strace @p1 $0x80000056;
	s14 =	sadd.s32 s23, s14;
	s23 =	smov.u32 s12  }
0x29: {  	s12 =	smov.u32 s19;
	s19 =	sadd.s32 $0x1, s19;
	p0 =	por p3, p3  }
0x2a: {  	s29 =	sshll.u32 @p1 s24, $0xC;
	s21 =	sadd.s32 @p1 $0x3, s21;
	s25 =	simm.s32 @!p0 $0x0  }
0x2b: {  	s26 =	rddreg [dreg:$0x5];
	s29 =	sand.u32 @p1 $0x1FFFF000, s29;
	s25 =	simm.s32 @p0 $0x1  }
0x2c: {  	s26 =	sadd.s32 @p1 s26, s29;
	s29 =	simm.s32 @p1 $0x0;
	p0 =	sne.s32 s5, s19  }
0x2d: {  	[hbm4b:s26+s29] =	stream.linear.scatter @p1 [tilespmem:s22], [sflag:s21], $0x8000, $0x200038;
	[tilespmem:$0x10200] =	vst v63  }
0x2e: {  	s21 =	sadd.s32 @!p2 $0x3, s16;
	s16 =	simm.s32 @!p0 $0x0  }
0x2f: {  	s28 =	simm.s32 $0x1;
	[smem:$0x7FC] =	sst s25;
	s16 =	simm.s32 @p0 $0x1  }
0x30: {  	s28 =	simm.s32 @!p1 $0x0;
	_ =	strace @p1 $0x90000056;
	[smem:$0x7FD] =	sst s16  }
0x31: {  	s20 =	sadd.s32 s28, s20;
	s25 =	sand.u32 @!p4 $0x1, s14;
	_ =	strace @!p2 $0x80000057  }
0x32: {  	p1 =	por !p5, !p5;
	s16 =	smov.u32 s25;
	_ =	swait.ge @!p2 [sflag:s21], $0x8000  }
0x33: {  	s22 =	sand.u32 @p1 $0x1, s18;
	s25 =	sadd.s32 @p1 s3, s17;
	[sflag:s21] =	ssyncset.done @!p2 $0x0  }
0x34: {  	s26 =	sshll.u32 @p1 s22, $0x8;
	s25 =	sshll.u32 @p1 s25, $0x5;
	[sflag:s21] =	ssyncadd.s32 @!p2 $0xFFFF8000  }
0x35: {  	s21 =	sadd.s32 @p1 $0x1, s22;
	s22 =	sand.u32 @p1 $0x1FFFFFE0, s25;
	_ =	strace @!p2 $0x90000057  }
0x36: {  	s25 =	simm.s32 @p1 $0x0;
	s22 =	sadd.s32 @p1 s4, s22;
	_ =	strace @p1 $0x80000053  }
0x37: {  	[tilespmem:s26], [sflag:s21] =	stream.linear.gather @p1 [hbm4b:s22+s25], $0x100, $0x200038;
	[tilespmem:$0x10200] =	vst v63  }
0x38: {  	s15 =	sadd.s32 s28, s15;
	s28 =	sand.u32 $0x1, s20;
	_ =	strace @p1 $0x90000053  }
0x39: {  	s28 =	sadd.s32 $0x1, s28;
	_ =	strace $0x80000054  }
0x3a: {  	_ =	swait.ge [sflag:s28], $0x100  }
0x3b: {  	[sflag:s28] =	ssyncset.done $0x0  }
0x3c: {  	s21 =	simm.s32 $0x1;
	[sflag:s28] =	ssyncadd.s32 $0xFFFFFF00  }
0x3d: {  	s21 =	simm.s32 @!p1 $0x0;
	_ =	strace $0x90000054  }
0x3e: {  	s18 =	sadd.s32 s21, s18;
	s21 =	sand.u32 $0x1, s15;
	_ =	strace $0x80000055  }
0x3f: {  	s31 =	sshll.u32 s20, $0x8;
	s29 =	sshll.u32 s21, $0xF;
	s25 =	rddreg [dreg:$0x4]  }
0x40: {  	s31 =	sand.u32 $0x100, s31;
	s22 =	sor.u32 $0x200, s29;
	s26 =	rddreg [dreg:$0x3]  }
0x41: {  	[tilespmem:s22], [sflag:$0x5] =	stream.indirect.gather [hbm4b:s26+s25], $0x80, s31, s25, $0x2000b8;
	[tilespmem:$0x10200] =	vst v63  }
0x42: {  	_ =	swait.ge [sflag:s10], $0x8000  }
0x43: {  	[sflag:s10] =	ssyncset.done $0x0  }
0x44: {  	[sflag:s10] =	ssyncadd.s32 $0xFFFF8000  }
0x45: {  	s30 =	sadd.s32 $0x1, s17;
	_ =	strace $0x90000055  }
0x46: {  	s24 =	sadd.s32 s3, s13;
	s13 =	smov.u32 s17;
	s31 =	sld [smem:$0x7FD]  }
0x47: {  	p0 =	sne.s32 s23, $0x0;
	s17 =	smov.u32 s30;
	p1 =	seq.s32 s30, s5  }
0x48: {  	s17 =	simm.s32 @p1 $0x0;
	p1 =	seq.s32 s7, s23;
	s23 =	simm.s32 $0x1  }
0x49: {  	s23 =	simm.s32 @!p0 $0x0;
	p0 =	seq.s32 s31, $0x1  }
.Ltmp2:
0x4a: {  	s30 =	sld [smem:$0x7FC];
	(pc) =	sbr.rel @p0 .LBB2_5-.Ltmp2, $4  }
0x4b: {  	p3 =	seq.s32 s12, $0x0  }
0x4c: {  	p6 =	por p3, p3;
	p5 =	slt.u32 s12, s7  }
0x4d: {  	p2 =	por p4, p4;
	p3 =	sne.s32 s13, s17;
	p4 =	seq.s32 s30, $0x1  }
0x4e: {  	p5 =	por !p5, !p3;
	p1 =	por p1, p4;
	p4 =	por p6, p6  }
0x4f: {  	p6 =	por $0x1, $0x1  }
.LBB2_7:
0x50: {  	p0 =	por !p1, !p6  }
0x51: {  	s25 =	simm.s32 $0x1;
	_ =	strace @!p0 $0x80000056;
	s24 =	sshll.u32 @!p0 s24, $0xC  }
0x52: {  	p2 =	por p2, !p6;
	s19 =	rddreg [dreg:$0x5];
	s24 =	sand.u32 @!p0 $0x1FFFF000, s24  }
0x53: {  	s21 =	sadd.s32 @!p0 $0x3, s21;
	s19 =	sadd.s32 @!p0 s19, s24;
	s24 =	simm.s32 @!p0 $0x0  }
0x54: {  	[hbm4b:s19+s24] =	stream.linear.scatter @!p0 [tilespmem:s22], [sflag:s21], $0x8000, $0x200038;
	[tilespmem:$0x10200] =	vst v63  }
0x55: {  	p1 =	por !p5, !p5;
	s25 =	simm.s32 @p0 $0x0;
	_ =	strace @!p0 $0x90000056  }
0x56: {  	s16 =	sadd.s32 @!p2 $0x3, s16;
	s17 =	sadd.s32 @p1 s3, s17;
	_ =	strace @!p2 $0x80000057  }
0x57: {  	s18 =	sand.u32 @p1 $0x1, s18;
	s17 =	sshll.u32 @p1 s17, $0x5;
	_ =	swait.ge @!p2 [sflag:s16], $0x8000  }
0x58: {  	s17 =	sand.u32 @p1 $0x1FFFFFE0, s17;
	s19 =	sadd.s32 @p6 s25, s20;
	[sflag:s16] =	ssyncset.done @!p2 $0x0  }
0x59: {  	s20 =	simm.s32 $0x0;
	s17 =	sadd.s32 @p1 s4, s17;
	[sflag:s16] =	ssyncadd.s32 @!p2 $0xFFFF8000  }
0x5a: {  	s20 =	smov.u32 @p6 s19;
	s19 =	sshll.u32 @p1 s18, $0x8;
	_ =	strace @!p2 $0x90000057  }
0x5b: {  	s16 =	sadd.s32 @p1 $0x1, s18;
	s18 =	simm.s32 @p1 $0x0;
	_ =	strace @p1 $0x80000053  }
0x5c: {  	[tilespmem:s19], [sflag:s16] =	stream.linear.gather @p1 [hbm4b:s17+s18], $0x100, $0x200038;
	[tilespmem:$0x10200] =	vst v63  }
0x5d: {  	s26 =	sand.u32 $0x1, s20;
	_ =	strace @p1 $0x90000053  }
0x5e: {  	s16 =	sadd.s32 $0x1, s26;
	_ =	strace $0x80000054  }
0x5f: {  	_ =	swait.ge [sflag:s16], $0x100  }
0x60: {  	[sflag:s16] =	ssyncset.done $0x0  }
0x61: {  	s15 =	sadd.s32 @p6 s25, s15;
	[sflag:s16] =	ssyncadd.s32 $0xFFFFFF00;
	s16 =	simm.s32 $0x0  }
0x62: {  	_ =	strace $0x90000054;
	s16 =	smov.u32 @p6 s15  }
0x63: {  	_ =	strace $0x80000055;
	s16 =	sand.u32 $0x1, s16  }
0x64: {  	s30 =	sshll.u32 s20, $0x8;
	s28 =	rddreg [dreg:$0x4];
	s31 =	sshll.u32 s16, $0xF  }
0x65: {  	s18 =	sand.u32 $0x100, s30;
	s29 =	rddreg [dreg:$0x3];
	s19 =	sor.u32 $0x200, s31  }
0x66: {  	[tilespmem:s19], [sflag:$0x5] =	stream.indirect.gather [hbm4b:s29+s28], $0x80, s18, s28, $0x2000b8;
	[tilespmem:$0x10200] =	vst v63  }
0x67: {  	_ =	swait.ge [sflag:s10], $0x8000  }
0x68: {  	p3 =	por p3, p3;
	[sflag:s10] =	ssyncset.done $0x0  }
0x69: {  	p5 =	seq.s32 s7, s12;
	s13 =	sadd.s32 s3, s13;
	[sflag:s10] =	ssyncadd.s32 $0xFFFF8000  }
0x6a: {  	s14 =	sadd.s32 @p6 s23, s14;
	p1 =	por p5, p3;
	_ =	strace $0x90000055  }
0x6b: {  	s17 =	simm.s32 $0x0;
	s13 =	sshll.u32 @p1 s13, $0xC;
	_ =	strace @p1 $0x80000056  }
0x6c: {  	s17 =	smov.u32 @p6 s14;
	s13 =	sand.u32 @p1 $0x1FFFF000, s13;
	s15 =	rddreg [dreg:$0x5]  }
0x6d: {  	s14 =	sadd.s32 @p1 $0x3, s16;
	s13 =	sadd.s32 @p1 s15, s13;
	s15 =	simm.s32 @p1 $0x0  }
0x6e: {  	[hbm4b:s13+s15] =	stream.linear.scatter @p1 [tilespmem:s19], [sflag:s14], $0x8000, $0x200038;
	[tilespmem:$0x10200] =	vst v63  }
0x6f: {  	p0 =	por p4, p4;
	s13 =	sand.u32 @!p4 $0x1, s17;
	_ =	strace @p1 $0x90000056  }
0x70: {  	s13 =	sadd.s32 @!p0 $0x3, s13;
	_ =	strace @!p0 $0x80000057  }
0x71: {  	p1 =	sne.s32 s12, $0x0;
	s12 =	simm.s32 $0x1;
	_ =	swait.ge @!p0 [sflag:s13], $0x8000  }
0x72: {  	s12 =	simm.s32 @!p1 $0x0;
	[sflag:s13] =	ssyncset.done @!p0 $0x0  }
0x73: {  	s11 =	sadd.s32 $0x1, s11;
	s12 =	sadd.s32 s12, s17;
	[sflag:s13] =	ssyncadd.s32 @!p0 $0xFFFF8000  }
0x74: {  	s12 =	sand.u32 $0x1, s12;
	_ =	strace @!p0 $0x90000057;
	p0 =	sne.s32 s11, s8  }
.Ltmp3:
0x75: {  	s12 =	sadd.s32 $0x3, s12;
	_ =	strace $0x80000058;
	(pc) =	sbr.rel @p0 .LBB2_1-.Ltmp3, $4  }
.Ltmp4:
0x76: {  	_ =	swait.ge [sflag:s12], $0x8000;
	(pc) =	sbr.rel @!p0 .LBB2_8-.Ltmp4, $4  }
0x77: {  	[sflag:s12] =	ssyncset.done $0x0  }
0x78: {  	[sflag:s12] =	ssyncadd.s32 $0xFFFF8000  }
0x79: {  	_ =	strace $0x90000058  }
0x7a: {  	_ = 	snop  }
.LBB2_2:
.Ltmp5:
0x7b: {  	(pc) =	sbr.rel .LBB2_7-.Ltmp5, $4  }
0x7c: {  	_ = 	snop  }
0x7d: {  	s14 =	simm.s32 $0x0  }
0x7e: {  	s12 =	simm.s32 $0x0;
	s15 =	simm.s32 $0x0;
	s17 =	smov.u32 s13  }
0x7f: {  	s20 =	simm.s32 $0x0;
	s18 =	simm.s32 $0x1;
	s13 =	simm.s32 $0x0  }
.LBB2_4:
.Ltmp6:
0x80: {  	(pc) =	sbr.rel .LBB2_7-.Ltmp6, $3  }
0x81: {  	_ =	sdelay $0x1  }
0x82: {  	s14 =	simm.s32 $0x0  }
0x83: {  	s15 =	simm.s32 $0x0;
	s20 =	simm.s32 $0x0;
	p6 =	por $0x1, $0x1  }
.LBB2_8:
0x84: {  	_ =	sfence.sel $0x180000  }
0x85: {  	[bflag:$0x0] =	sbarrier.arrive $0xFFFF  }
0x86: {  	p0 =	sne.s32 s1, $0x0;
	_ =	strace $0x90000051  }
0x87: {  	s0 =	sadd.s32 @!p0 $0x100000, s0;
	[bflag:$0x2] =	sbarrier.arrive $0xFFFF  }
0x88: {  	[sflag:s0] =	ssyncadd.tile.s32 @!p0 $0x1;
	_ =	shalt  }
.Lfunc_end2:
_tile_overlayer_lowered:
.L_overlay_start_2:
0x89: {  	(tag) =	ssettag $0x2  }
0x8a: {  	s0 =	rddreg [dreg:$0x0];
	s2 =	stileid.u32  }
0x8b: {  	s1 =	rddreg [dreg:$0x1];
	p0 =	sne.s32 s2, $0x0  }
0x8c: {  	s3 =	rddreg [dreg:$0x2];
	[bflag:$0x3] =	sbarrier.arrive $0xFFFF;
	s2 =	simm.s32 @!p0 $0x1C01  }
0x8d: {  	[timem:s3], [sflag:s2] =	dma.local @!p0 [hbm:s0], s1  }
0x8e: {  	s0 =	simm.s32 @!p0 $0x1  }
0x8f: {  	_ =	swait.ge @!p0 [sflag:s0], s1  }
0x90: {  	s1 =	ssub.s32 @!p0 $0x0, s1;
	[sflag:s0] =	ssyncset.done @!p0 $0x0  }
0x91: {  	[sflag:s0] =	ssyncadd.s32 @!p0 s1  }
0x92: {  	[bflag:$0x3] =	sbarrier.arrive $0xFFFF  }
0x93: {  	_ =	shalt  }

// kernel: kernel.17.cloned.1.call-start
scs
__scs_entry_jumppad:
0x0: {  	(pc) =	sbr.rel $0x88, $3  }
0x1: {  	(tag) =	ssettag $0x0;
	lr =	simm.s32 $0x1  }
0x2: {  	[smem:$0x3F91] =	sst lr;
	_ =	strace $0xD0000000  }
0x3: {  	_ = 	snop  }
0x4: {  	_ = 	snop  }
0x5: {  	_ = 	snop  }
0x6: {  	_ = 	snop  }
0x7: {  	_ = 	snop  }
__scs_overlays_trampoline_lowered:
0x8: {  	[smem:$0x3FA0] =	sst s0  }
0x9: {  	[smem:$0x3FA1] =	sst s1  }
0xa: {  	[smem:$0x3FA2] =	sst s2  }
0xb: {  	[smem:$0x3FA3] =	sst s3  }
0xc: {  	[smem:$0x3FA4] =	sst s4  }
0xd: {  	[smem:$0x3FA5] =	sst s5  }
0xe: {  	[smem:$0x3FA6] =	sst s6  }
0xf: {  	[smem:$0x3FA7] =	sst s7  }
0x10: {  	[smem:$0x3FA8] =	sst s8  }
0x11: {  	[smem:$0x3FA9] =	sst s9;
	s0 =	simm.s32 @!p0 $0x0  }
0x12: {  	s1 =	sld [smem:$0x3F8F];
	s0 =	simm.s32 @p0 $0x1  }
0x13: {  	[smem:$0x3FAA] =	sst s0;
	s0 =	simm.s32 @!p1 $0x0  }
0x14: {  	s2 =	sld [smem:$0x3F8E];
	s0 =	simm.s32 @p1 $0x1  }
0x15: {  	[smem:$0x3FAB] =	sst s0;
	s0 =	simm.s32 @!p2 $0x0  }
0x16: {  	s3 =	sld [smem:$0x3FDB];
	s0 =	simm.s32 @p2 $0x1  }
0x17: {  	s4 =	simm.s32 $0x1BF5;
	[smem:$0x3FAD] =	sst s0  }
0x18: {  	s0 =	sld [smem:$0x3F90];
	_ =	swait.ge [sflag:s4], $0x0  }
0x19: {  	s7 =	sld [smem:$0x3F91]  }
0x1a: {  	s8 =	sadd.s32 $0xFFFFE003, lr  }
0x1b: {  	s9 =	sadd.s32 $0xFFFFFEF7, lr;
	s5 =	simm.s32 $0xFFFFFFFF;
	p2 =	slt.u32 s8, $0xFFFFF086  }
0x1c: {  	p1 =	slt.u32 s9, $0xF7A;
	s5 =	simm.s32 @!p2 $0x0  }
0x1d: {  	s5 =	simm.s32 @p1 $0x1;
	p0 =	seq.s32 s7, s2  }
0x1e: {  	s7 =	smul.u32 @!p0 $0xF7A, s2;
	p2 =	seq.s32 @!p0 s5, $0x0  }
0x1f: {  	s9 =	smul.u32 $0xF7A, s1;
	s8 =	simm.s32 @!p0 $0x1BF5;
	p2 =	por !p2, p0  }
0x20: {  	[sflag:s8] =	ssyncset.s32 @!p0 $0xFFFFF086;
	s6 =	sadd.s32 @!p0 s3, s7;
	s7 =	simm.s32 @!p0 $0x108  }
0x21: {  	s3 =	sadd.s32 s3, s9;
	s6 =	sadd.s32 @!p0 $0x88, s6;
	s7 =	simm.s32 @p2 $0x1082  }
0x22: {  	[simem:s7], [sflag:s8] =	dma.local @!p0 [hbm:s6], $0xF7A  }
0x23: {  	s9 =	sor.u32 $0xD0000000, s2;
	s6 =	simm.s32 $0x108;
	_ =	swait.ge @!p0 [sflag:s8], $0x0  }
0x24: {  	s3 =	sadd.s32 $0x88, s3;
	s6 =	simm.s32 @!p1 $0x1082;
	[sflag:s4] =	ssyncset.s32 $0xFFFFF086  }
0x25: {  	[simem:s6], [sflag:s4] =	dma.local [hbm:s3], $0xF7A  }
0x26: {  	[smem:$0x3F91] =	sst s1;
	(tag) =	ssettag s2;
	_ =	strace s9  }
0x27: {  	s1 =	sld [smem:$0x3FA1]  }
0x28: {  	s2 =	sld [smem:$0x3FA2]  }
0x29: {  	s4 =	sld [smem:$0x3FA4]  }
0x2a: {  	p0 =	seq.s32 s5, $0x0;
	s5 =	sld [smem:$0x3FA5]  }
0x2b: {  	s6 =	sld [smem:$0x3FA6]  }
0x2c: {  	s7 =	sld [smem:$0x3FA7]  }
0x2d: {  	s3 =	simm.s32 $0x108;
	s8 =	sld [smem:$0x3FA8]  }
0x2e: {  	s3 =	simm.s32 @!p0 $0x1082;
	s9 =	sld [smem:$0x3FA9]  }
0x2f: {  	lr =	sadd.s32 s0, s3;
	s0 =	sld [smem:$0x3FA0]  }
0x30: {  	s3 =	sld [smem:$0x3FA3]  }
0x31: {  	[smem:$0x3FAC] =	sst s10  }
0x32: {  	s10 =	sld [smem:$0x3FAA];
	_ =	sdelay $0x3  }
0x33: {  	p0 =	seq.s32 s10, $0x1;
	s10 =	sld [smem:$0x3FAC];
	_ =	sdelay $0x3  }
0x34: {  	[smem:$0x3FAC] =	sst s10  }
0x35: {  	s10 =	sld [smem:$0x3FAB];
	_ =	sdelay $0x3  }
0x36: {  	p1 =	seq.s32 s10, $0x1;
	s10 =	sld [smem:$0x3FAC];
	_ =	sdelay $0x3  }
0x37: {  	[smem:$0x3FAC] =	sst s10  }
0x38: {  	s10 =	sld [smem:$0x3FAD]  }
0x39: {  	_ = 	snop;
	(pc) =	sbr.ind lr, $3  }
0x3a: {  	_ = 	snop  }
0x3b: {  	_ = 	snop  }
0x3c: {  	p2 =	seq.s32 s10, $0x1;
	s10 =	sld [smem:$0x3FAC]  }
0x3d: {  	_ =	shalt  }
0x3e: {  	_ =	shalt  }
0x3f: {  	_ =	shalt  }
0x40: {  	_ =	shalt  }
0x41: {  	_ =	shalt  }
0x42: {  	_ =	shalt  }
0x43: {  	_ =	shalt  }
0x44: {  	_ =	shalt  }
0x45: {  	_ =	shalt  }
0x46: {  	_ =	shalt  }
0x47: {  	_ =	shalt  }
0x48: {  	_ =	shalt  }
0x49: {  	_ =	shalt  }
0x4a: {  	_ =	shalt  }
0x4b: {  	_ =	shalt  }
0x4c: {  	_ =	shalt  }
0x4d: {  	_ =	shalt  }
0x4e: {  	_ =	shalt  }
0x4f: {  	_ =	shalt  }
0x50: {  	_ =	shalt  }
0x51: {  	_ =	shalt  }
0x52: {  	_ =	shalt  }
0x53: {  	_ =	shalt  }
0x54: {  	_ =	shalt  }
0x55: {  	_ =	shalt  }
0x56: {  	_ =	shalt  }
0x57: {  	_ =	shalt  }
0x58: {  	_ =	shalt  }
0x59: {  	_ =	shalt  }
0x5a: {  	_ =	shalt  }
0x5b: {  	_ =	shalt  }
0x5c: {  	_ =	shalt  }
0x5d: {  	_ =	shalt  }
0x5e: {  	_ =	shalt  }
0x5f: {  	_ =	shalt  }
0x60: {  	_ =	shalt  }
0x61: {  	_ =	shalt  }
0x62: {  	_ =	shalt  }
0x63: {  	_ =	shalt  }
0x64: {  	_ =	shalt  }
0x65: {  	_ =	shalt  }
0x66: {  	_ =	shalt  }
0x67: {  	_ =	shalt  }
0x68: {  	_ =	shalt  }
0x69: {  	_ =	shalt  }
0x6a: {  	_ =	shalt  }
0x6b: {  	_ =	shalt  }
0x6c: {  	_ =	shalt  }
0x6d: {  	_ =	shalt  }
0x6e: {  	_ =	shalt  }
0x6f: {  	_ =	shalt  }
0x70: {  	_ =	shalt  }
0x71: {  	_ =	shalt  }
0x72: {  	_ =	shalt  }
0x73: {  	_ =	shalt  }
0x74: {  	_ =	shalt  }
0x75: {  	_ =	shalt  }
0x76: {  	_ =	shalt  }
0x77: {  	_ =	shalt  }
0x78: {  	_ =	shalt  }
0x79: {  	_ =	shalt  }
0x7a: {  	_ =	shalt  }
0x7b: {  	_ =	shalt  }
0x7c: {  	_ =	shalt  }
0x7d: {  	_ =	shalt  }
0x7e: {  	_ =	shalt  }
0x7f: {  	_ =	shalt  }
0x80: {  	_ =	shalt  }
0x81: {  	_ =	shalt  }
0x82: {  	_ =	shalt  }
0x83: {  	_ =	shalt  }
0x84: {  	_ =	shalt  }
0x85: {  	_ =	shalt  }
0x86: {  	_ =	shalt  }
0x87: {  	_ =	shalt  }
.Lfunc_end0:
.L_simem_size_0:
called_computation.1_lowered:
.L_overlay_start_0:
0x88: {  	s2 =	sld [smem:$0x3FD9]  }
0x89: {  	s3 =	sld [smem:$0x3FFE];
	_ =	sdelay $0x1  }
0x8a: {  	s1 =	srdreg.scid  }
0x8b: {  	s0 =	sand.u32 $0x1, s1  }
0x8c: {  	s16 =	sshll.u32 s0, $0xA;
	s2 =	sadd.s32 s3, s2  }
0x8d: {  	s2 =	sadd.s32 s2, s16  }
0x8e: {  	[smem:$0x3FB8] =	sst s2  }
0x8f: {  	_ = 	snop  }
0x90: {  	(tm) =	ssettm $0x1  }
0x91: {  	s17 =	sld [smem:$0x3FFB];
	_ =	sdelay $0x3  }
0x92: {  	_ =	strace s17  }
0x93: {  	s2 =	sld [smem:$0x3FFC];
	_ =	sdelay $0x3  }
0x94: {  	_ =	strace s2  }
0x95: {  	s2 =	sld [smem:$0x3FFD];
	_ =	sdelay $0x3  }
0x96: {  	_ =	strace s2  }
0x97: {  	_ =	strace $0x8FFFFFFF  }
0x98: {  	s18 =	sld [smem:$0x3FDB];
	_ =	sdelay $0x1  }
0x99: {  	s19 =	simm.s32 $_scs_section_size  }
0x9a: {  	s4 =	simm.s32 $_size__tile_overlayer_lowered;
	s5 =	simm.s32 $_tile_overlayer_lowered  }
0x9b: {  	s22 =	simm.s32 $0x1BFF;
	s21 =	sshll.u32 s5, $0x1;
	s2 =	sadd.s32 s19, s18  }
0x9c: {  	s6 =	simm.s32 $0x0;
	s20 =	sshll.u32 s4, $0x1;
	s4 =	sadd.s32 s21, s2  }
0x9d: {  	[timem:s6], [sflag:s22] =	dma.local [hbm:s4], s20  }
0x9e: {  	_ =	swait.ge [sflag:s22], s20  }
0x9f: {  	s3 =	ssub.s32 $0x0, s20;
	[sflag:s22] =	ssyncset.done $0x0  }
0xa0: {  	[sflag:s22] =	ssyncadd.s32 s3;
	_ =	sdelay $0x1  }
0xa1: {  	s23 =	simm.s32 $0x1B8B  }
0xa2: {  	_ =	swait.ge [sflag:s23], $0x1  }
0xa3: {  	[sflag:s23] =	ssyncset.done $0x0  }
0xa4: {  	s25 =	simm.s32 $0x1B8E;
	s24 =	sld [smem:$0x3FFE];
	[sflag:s23] =	ssyncadd.s32 $0xFFFFFFFF  }
0xa5: {  	s26 =	simm.s32 $execute0_lowered;
	[smem:$0x3FD2] =	sst s25  }
0xa6: {  	s4 =	sshll.u32 s26, $0x1;
	_ =	strace $0x80000046;
	[dreg:$0x1] =	wrdreg $0xFFFFFFFF  }
0xa7: {  	s28 =	simm.s32 $_size_execute0_lowered;
	s2 =	sadd.s32 s2, s4;
	[dreg:$0x0] =	wrdreg $0x0  }
0xa8: {  	s4 =	sshll.u32 s28, $0x1;
	[dreg:$0x2] =	wrdreg s2  }
0xa9: {  	[dreg:$0x3] =	wrdreg s4  }
0xaa: {  	[dreg:$0x4] =	wrdreg $0xC0  }
0xab: {  	_ =	task [dreg:s6], $0x5FFFF  }
0xac: {  	[dreg:$0x1] =	wrdreg $0xFFFFFFFF  }
0xad: {  	[dreg:$0x0] =	wrdreg $0x60  }
0xae: {  	[dreg:$0x2] =	wrdreg s24  }
0xaf: {  	[dreg:$0x3] =	wrdreg $0xA  }
0xb0: {  	_ =	task.clear_ibuf [dreg:s6], $0x4FFFF;
	_ =	strace $0x90000046  }
0xb1: {  	s29 =	simm.s32 $0xA;
	_ =	strace $0x8000004F  }
0xb2: {  	_ =	swait.ge [sflag:s29], $0x1  }
0xb3: {  	[sflag:s29] =	ssyncadd.s32 $0xFFFFFFFF  }
0xb4: {  	_ =	strace $0x9000004F  }
0xb5: {  	_ =	sfence  }
0xb6: {  	s30 =	sld [smem:$0x0];
	_ =	sdelay $0x2  }
0xb7: {  	s31 =	sshll.u32 s1, $0xD;
	s1 =	sshrl.u32 s1, $0x2  }
0xb8: {  	s3 =	sand.u32 $0x4000, s31;
	s1 =	sadd.s32 s1, s30  }
0xb9: {  	s0 =	sor.u32 s3, s0;
	s1 =	sshll.u32 s1, $0x11  }
0xba: {  	s0 =	sor.u32 s1, s0  }
0xbb: {  	s0 =	sadd.s32 $0x8F2B, s0  }
0xbc: {  	[sflag:s0] =	ssyncadd.remote.s32 $0x1  }
0xbd: {  	_ =	sfence.sel $0xFFFF  }
0xbe: {  	[dreg:$0x0] =	wrdreg $0xFFFFFFFF;
	(pc) =	sbr.abs _section_cstart, $3  }
0xbf: {  	[dreg:$0x1] =	wrdreg $0xFFFFFFFF  }
0xc0: {  	_ =	task.clear_ibuf [dreg:s6], $0x2FFFF;
	_ =	strace $0x9FFFFFFF  }
0xc1: {  	(tm) =	ssettm $0x7FFFFFFF  }
tec
execute0_lowered:
.L_overlay_start_1:
0x0: {  	(tag) =	ssettag $0x1  }
0x1: {  	s5 =	rddreg [dreg:$0x0]  }
0x2: {  	s1 =	srdreg.scid;
	s0 =	rddreg [dreg:$0x1];
	s2 =	simm.s32 $0x0  }
0x3: {  	s10 =	simm.s32 $0x100;
	s11 =	simm.s32 $0x0;
	s7 =	sand.u32 $0x1, s1  }
0x4: {  	[smem:$0x7FF] =	sst s2;
	s1 =	stileid.u32;
	s4 =	sadd.s32 $0x88C00, s5  }
0x5: {  	s3 =	sshll.u32 s7, $0x4;
	_ =	strace $0x80000047;
	[dreg:$0x2] =	wrdreg s4  }
0x6: {  	p0 =	seq.s32 s7, $0x0;
	s4 =	sadd.s32 $0x56A00, s5;
	s3 =	sor.u32 s1, s3  }
0x7: {  	s8 =	ssub.s32 $0x2, s7;
	s6 =	smul.u32 $0x9, s3;
	s3 =	sshll.u32 s3, $0x3  }
0x8: {  	s5 =	sadd.s32 $0xB8C00, s5;
	[dreg:$0x3] =	wrdreg s10;
	s3 =	sadd.s32 $0x10, s3  }
0x9: {  	s10 =	simm.s32 $0x5;
	s30 =	sshrl.u32 s8, $0x1;
	s3 =	smov.u32 @p0 s6  }
0xa: {  	[dreg:$0x4] =	wrdreg s5;
	s5 =	sxor.u32 $0x9, s7;
	s9 =	sshll.u32 s3, $0x5  }
0xb: {  	s7 =	ssub.s32 $0x8, s7;
	s8 =	ssub.s32 s8, s30;
	s31 =	sand.u32 $0x1FFFFFE0, s9  }
0xc: {  	s8 =	smax.u32 s8, $0x1;
	s9 =	simm.s32 $0x1;
	s6 =	sadd.s32 s4, s31  }
.LBB2_1:
0xd: {  	_ =	strace $0x80000048;
	p2 =	sne.s32 s5, $0x1  }
.Ltmp0:
0xe: {  	p0 =	seq.s32 s5, $0x1;
	s13 =	simm.s32 $0x1;
	(pc) =	sbr.rel @!p2 .LBB2_2-.Ltmp0, $4  }
0xf: {  	[tilespmem:s2], [sflag:$0x1] =	stream.linear.gather [hbm4b:s6+s2], $0x100, $0x200038;
	[tilespmem:$0x10200] =	vst v63  }
0x10: {  	s12 =	simm.s32 $0x1;
	p1 =	por $0x1, $0x1;
	s13 =	simm.s32 @p0 $0x0  }
0x11: {  	p6 =	sgt.u32 s7, $0x0;
	p4 =	por p1, p1;
	p3 =	sne.s32 s13, $0x0  }
0x12: {  	_ =	strace $0x90000048;
	p5 =	por !p6, !p3;
	p6 =	por $0x0, $0x0  }
0x13: {  	p2 =	por !p5, !p5  }
0x14: {  	s21 =	sand.u32 $0x1, s2;
	s19 =	simm.s32 $0x2;
	s14 =	sadd.s32 @p2 s3, s13  }
0x15: {  	p1 =	por p3, p3;
	s15 =	sand.u32 @p2 $0x1, s9;
	s14 =	sshll.u32 @p2 s14, $0x5  }
0x16: {  	_ =	strace @p2 $0x80000049;
	s17 =	simm.s32 @p2 $0x0;
	s14 =	sand.u32 @p2 $0x1FFFFFE0, s14  }
0x17: {  	s16 =	sshll.u32 @p2 s15, $0x8;
	s15 =	sadd.s32 @p2 $0x1, s15;
	s14 =	sadd.s32 @p2 s4, s14  }
0x18: {  	[tilespmem:s16], [sflag:s15] =	stream.linear.gather @p2 [hbm4b:s14+s17], $0x100, $0x200038;
	[tilespmem:$0x10200] =	vst v63  }
0x19: {  	s30 =	simm.s32 $0x0;
	p6 =	por $0x0, $0x0;
	_ =	strace @p2 $0x90000049  }
0x1a: {  	p0 =	sne.s32 s5, $0x2;
	s29 =	sadd.s32 $0x1, s21;
	_ =	strace $0x8000004A  }
0x1b: {  	s24 =	sadd.s32 $0x0, s3;
	p5 =	sgt.u32 s7, $0x1;
	_ =	swait.ge [sflag:s29], $0x100  }
0x1c: {  	s23 =	simm.s32 $0x1;
	s22 =	sshll.u32 s21, $0xF;
	[sflag:s29] =	ssyncset.done $0x0  }
0x1d: {  	s22 =	sor.u32 $0x200, s22;
	s16 =	sand.u32 @!p4 $0x1, s2;
	[sflag:s29] =	ssyncadd.s32 $0xFFFFFF00  }
0x1e: {  	s15 =	simm.s32 $0x1;
	s17 =	sadd.s32 $0x1, s13;
	_ =	strace $0x9000004A  }
0x1f: {  	s14 =	sand.u32 $0x100, s30;
	s15 =	simm.s32 @!p2 $0x0;
	_ =	strace $0x8000004B  }
0x20: {  	p2 =	por p4, p4;
	p4 =	por p6, p6;
	s20 =	rddreg [dreg:$0x3]  }
0x21: {  	p3 =	seq.s32 s17, s5;
	p6 =	seq.s32 s7, $0x0;
	s31 =	rddreg [dreg:$0x2]  }
0x22: {  	[tilespmem:s22], [sflag:$0x5] =	stream.indirect.gather [hbm4b:s31+s20], $0x80, s14, s20, $0x2000b8;
	[tilespmem:$0x10200] =	vst v63  }
.Ltmp1:
0x23: {  	s18 =	sadd.s32 $0x1, s15;
	s17 =	simm.s32 @p3 $0x0;
	(pc) =	sbr.rel @!p0 .LBB2_4-.Ltmp1, $4  }
0x24: {  	p1 =	por p6, p1;
	p6 =	por $0x0, $0x0;
	_ =	swait.ge [sflag:s10], $0x8000  }
0x25: {  	s15 =	simm.s32 $0x0;
	p3 =	sne.s32 s13, s17;
	[sflag:s10] =	ssyncset.done $0x0  }
0x26: {  	s23 =	simm.s32 @!p6 $0x0;
	p5 =	por !p5, !p3;
	[sflag:s10] =	ssyncadd.s32 $0xFFFF8000  }
0x27: {  	s14 =	simm.s32 $0x0;
	s20 =	simm.s32 $0x0;
	_ =	strace $0x9000004B  }
.LBB2_5:
0x28: {  	_ =	strace @p1 $0x8000004C;
	s14 =	sadd.s32 s23, s14;
	s23 =	smov.u32 s12  }
0x29: {  	s12 =	smov.u32 s19;
	s19 =	sadd.s32 $0x1, s19;
	p0 =	por p3, p3  }
0x2a: {  	s29 =	sshll.u32 @p1 s24, $0xC;
	s21 =	sadd.s32 @p1 $0x3, s21;
	s25 =	simm.s32 @!p0 $0x0  }
0x2b: {  	s26 =	rddreg [dreg:$0x4];
	s29 =	sand.u32 @p1 $0x1FFFF000, s29;
	s25 =	simm.s32 @p0 $0x1  }
0x2c: {  	s26 =	sadd.s32 @p1 s26, s29;
	s29 =	simm.s32 @p1 $0x0;
	p0 =	sne.s32 s5, s19  }
0x2d: {  	[hbm4b:s26+s29] =	stream.linear.scatter @p1 [tilespmem:s22], [sflag:s21], $0x8000, $0x200038;
	[tilespmem:$0x10200] =	vst v63  }
0x2e: {  	s21 =	sadd.s32 @!p2 $0x3, s16;
	s16 =	simm.s32 @!p0 $0x0  }
0x2f: {  	s28 =	simm.s32 $0x1;
	[smem:$0x7FC] =	sst s25;
	s16 =	simm.s32 @p0 $0x1  }
0x30: {  	s28 =	simm.s32 @!p1 $0x0;
	_ =	strace @p1 $0x9000004C;
	[smem:$0x7FD] =	sst s16  }
0x31: {  	s20 =	sadd.s32 s28, s20;
	s25 =	sand.u32 @!p4 $0x1, s14;
	_ =	strace @!p2 $0x8000004D  }
0x32: {  	p1 =	por !p5, !p5;
	s16 =	smov.u32 s25;
	_ =	swait.ge @!p2 [sflag:s21], $0x8000  }
0x33: {  	s22 =	sand.u32 @p1 $0x1, s18;
	s25 =	sadd.s32 @p1 s3, s17;
	[sflag:s21] =	ssyncset.done @!p2 $0x0  }
0x34: {  	s26 =	sshll.u32 @p1 s22, $0x8;
	s25 =	sshll.u32 @p1 s25, $0x5;
	[sflag:s21] =	ssyncadd.s32 @!p2 $0xFFFF8000  }
0x35: {  	s21 =	sadd.s32 @p1 $0x1, s22;
	s22 =	sand.u32 @p1 $0x1FFFFFE0, s25;
	_ =	strace @!p2 $0x9000004D  }
0x36: {  	s25 =	simm.s32 @p1 $0x0;
	s22 =	sadd.s32 @p1 s4, s22;
	_ =	strace @p1 $0x80000049  }
0x37: {  	[tilespmem:s26], [sflag:s21] =	stream.linear.gather @p1 [hbm4b:s22+s25], $0x100, $0x200038;
	[tilespmem:$0x10200] =	vst v63  }
0x38: {  	s15 =	sadd.s32 s28, s15;
	s28 =	sand.u32 $0x1, s20;
	_ =	strace @p1 $0x90000049  }
0x39: {  	s28 =	sadd.s32 $0x1, s28;
	_ =	strace $0x8000004A  }
0x3a: {  	_ =	swait.ge [sflag:s28], $0x100  }
0x3b: {  	[sflag:s28] =	ssyncset.done $0x0  }
0x3c: {  	s21 =	simm.s32 $0x1;
	[sflag:s28] =	ssyncadd.s32 $0xFFFFFF00  }
0x3d: {  	s21 =	simm.s32 @!p1 $0x0;
	_ =	strace $0x9000004A  }
0x3e: {  	s18 =	sadd.s32 s21, s18;
	s21 =	sand.u32 $0x1, s15;
	_ =	strace $0x8000004B  }
0x3f: {  	s31 =	sshll.u32 s20, $0x8;
	s29 =	sshll.u32 s21, $0xF;
	s25 =	rddreg [dreg:$0x3]  }
0x40: {  	s31 =	sand.u32 $0x100, s31;
	s22 =	sor.u32 $0x200, s29;
	s26 =	rddreg [dreg:$0x2]  }
0x41: {  	[tilespmem:s22], [sflag:$0x5] =	stream.indirect.gather [hbm4b:s26+s25], $0x80, s31, s25, $0x2000b8;
	[tilespmem:$0x10200] =	vst v63  }
0x42: {  	_ =	swait.ge [sflag:s10], $0x8000  }
0x43: {  	[sflag:s10] =	ssyncset.done $0x0  }
0x44: {  	[sflag:s10] =	ssyncadd.s32 $0xFFFF8000  }
0x45: {  	s30 =	sadd.s32 $0x1, s17;
	_ =	strace $0x9000004B  }
0x46: {  	s24 =	sadd.s32 s3, s13;
	s13 =	smov.u32 s17;
	s31 =	sld [smem:$0x7FD]  }
0x47: {  	p0 =	sne.s32 s23, $0x0;
	s17 =	smov.u32 s30;
	p1 =	seq.s32 s30, s5  }
0x48: {  	s17 =	simm.s32 @p1 $0x0;
	p1 =	seq.s32 s7, s23;
	s23 =	simm.s32 $0x1  }
0x49: {  	s23 =	simm.s32 @!p0 $0x0;
	p0 =	seq.s32 s31, $0x1  }
.Ltmp2:
0x4a: {  	s30 =	sld [smem:$0x7FC];
	(pc) =	sbr.rel @p0 .LBB2_5-.Ltmp2, $4  }
0x4b: {  	p3 =	seq.s32 s12, $0x0  }
0x4c: {  	p6 =	por p3, p3;
	p5 =	slt.u32 s12, s7  }
0x4d: {  	p2 =	por p4, p4;
	p3 =	sne.s32 s13, s17;
	p4 =	seq.s32 s30, $0x1  }
0x4e: {  	p5 =	por !p5, !p3;
	p1 =	por p1, p4;
	p4 =	por p6, p6  }
0x4f: {  	p6 =	por $0x1, $0x1  }
.LBB2_7:
0x50: {  	p0 =	por !p1, !p6  }
0x51: {  	s25 =	simm.s32 $0x1;
	_ =	strace @!p0 $0x8000004C;
	s24 =	sshll.u32 @!p0 s24, $0xC  }
0x52: {  	p2 =	por p2, !p6;
	s19 =	rddreg [dreg:$0x4];
	s24 =	sand.u32 @!p0 $0x1FFFF000, s24  }
0x53: {  	s21 =	sadd.s32 @!p0 $0x3, s21;
	s19 =	sadd.s32 @!p0 s19, s24;
	s24 =	simm.s32 @!p0 $0x0  }
0x54: {  	[hbm4b:s19+s24] =	stream.linear.scatter @!p0 [tilespmem:s22], [sflag:s21], $0x8000, $0x200038;
	[tilespmem:$0x10200] =	vst v63  }
0x55: {  	p1 =	por !p5, !p5;
	s25 =	simm.s32 @p0 $0x0;
	_ =	strace @!p0 $0x9000004C  }
0x56: {  	s16 =	sadd.s32 @!p2 $0x3, s16;
	s17 =	sadd.s32 @p1 s3, s17;
	_ =	strace @!p2 $0x8000004D  }
0x57: {  	s18 =	sand.u32 @p1 $0x1, s18;
	s17 =	sshll.u32 @p1 s17, $0x5;
	_ =	swait.ge @!p2 [sflag:s16], $0x8000  }
0x58: {  	s17 =	sand.u32 @p1 $0x1FFFFFE0, s17;
	s19 =	sadd.s32 @p6 s25, s20;
	[sflag:s16] =	ssyncset.done @!p2 $0x0  }
0x59: {  	s20 =	simm.s32 $0x0;
	s17 =	sadd.s32 @p1 s4, s17;
	[sflag:s16] =	ssyncadd.s32 @!p2 $0xFFFF8000  }
0x5a: {  	s20 =	smov.u32 @p6 s19;
	s19 =	sshll.u32 @p1 s18, $0x8;
	_ =	strace @!p2 $0x9000004D  }
0x5b: {  	s16 =	sadd.s32 @p1 $0x1, s18;
	s18 =	simm.s32 @p1 $0x0;
	_ =	strace @p1 $0x80000049  }
0x5c: {  	[tilespmem:s19], [sflag:s16] =	stream.linear.gather @p1 [hbm4b:s17+s18], $0x100, $0x200038;
	[tilespmem:$0x10200] =	vst v63  }
0x5d: {  	s26 =	sand.u32 $0x1, s20;
	_ =	strace @p1 $0x90000049  }
0x5e: {  	s16 =	sadd.s32 $0x1, s26;
	_ =	strace $0x8000004A  }
0x5f: {  	_ =	swait.ge [sflag:s16], $0x100  }
0x60: {  	[sflag:s16] =	ssyncset.done $0x0  }
0x61: {  	s15 =	sadd.s32 @p6 s25, s15;
	[sflag:s16] =	ssyncadd.s32 $0xFFFFFF00;
	s16 =	simm.s32 $0x0  }
0x62: {  	_ =	strace $0x9000004A;
	s16 =	smov.u32 @p6 s15  }
0x63: {  	_ =	strace $0x8000004B;
	s16 =	sand.u32 $0x1, s16  }
0x64: {  	s30 =	sshll.u32 s20, $0x8;
	s28 =	rddreg [dreg:$0x3];
	s31 =	sshll.u32 s16, $0xF  }
0x65: {  	s18 =	sand.u32 $0x100, s30;
	s29 =	rddreg [dreg:$0x2];
	s19 =	sor.u32 $0x200, s31  }
0x66: {  	[tilespmem:s19], [sflag:$0x5] =	stream.indirect.gather [hbm4b:s29+s28], $0x80, s18, s28, $0x2000b8;
	[tilespmem:$0x10200] =	vst v63  }
0x67: {  	_ =	swait.ge [sflag:s10], $0x8000  }
0x68: {  	p3 =	por p3, p3;
	[sflag:s10] =	ssyncset.done $0x0  }
0x69: {  	p5 =	seq.s32 s7, s12;
	s13 =	sadd.s32 s3, s13;
	[sflag:s10] =	ssyncadd.s32 $0xFFFF8000  }
0x6a: {  	s14 =	sadd.s32 @p6 s23, s14;
	p1 =	por p5, p3;
	_ =	strace $0x9000004B  }
0x6b: {  	s17 =	simm.s32 $0x0;
	s13 =	sshll.u32 @p1 s13, $0xC;
	_ =	strace @p1 $0x8000004C  }
0x6c: {  	s17 =	smov.u32 @p6 s14;
	s13 =	sand.u32 @p1 $0x1FFFF000, s13;
	s15 =	rddreg [dreg:$0x4]  }
0x6d: {  	s14 =	sadd.s32 @p1 $0x3, s16;
	s13 =	sadd.s32 @p1 s15, s13;
	s15 =	simm.s32 @p1 $0x0  }
0x6e: {  	[hbm4b:s13+s15] =	stream.linear.scatter @p1 [tilespmem:s19], [sflag:s14], $0x8000, $0x200038;
	[tilespmem:$0x10200] =	vst v63  }
0x6f: {  	p0 =	por p4, p4;
	s13 =	sand.u32 @!p4 $0x1, s17;
	_ =	strace @p1 $0x9000004C  }
0x70: {  	s13 =	sadd.s32 @!p0 $0x3, s13;
	_ =	strace @!p0 $0x8000004D  }
0x71: {  	p1 =	sne.s32 s12, $0x0;
	s12 =	simm.s32 $0x1;
	_ =	swait.ge @!p0 [sflag:s13], $0x8000  }
0x72: {  	s12 =	simm.s32 @!p1 $0x0;
	[sflag:s13] =	ssyncset.done @!p0 $0x0  }
0x73: {  	s11 =	sadd.s32 $0x1, s11;
	s12 =	sadd.s32 s12, s17;
	[sflag:s13] =	ssyncadd.s32 @!p0 $0xFFFF8000  }
0x74: {  	s12 =	sand.u32 $0x1, s12;
	_ =	strace @!p0 $0x9000004D;
	p0 =	sne.s32 s11, s8  }
.Ltmp3:
0x75: {  	s12 =	sadd.s32 $0x3, s12;
	_ =	strace $0x8000004E;
	(pc) =	sbr.rel @p0 .LBB2_1-.Ltmp3, $4  }
.Ltmp4:
0x76: {  	_ =	swait.ge [sflag:s12], $0x8000;
	(pc) =	sbr.rel @!p0 .LBB2_8-.Ltmp4, $4  }
0x77: {  	[sflag:s12] =	ssyncset.done $0x0  }
0x78: {  	[sflag:s12] =	ssyncadd.s32 $0xFFFF8000  }
0x79: {  	_ =	strace $0x9000004E  }
0x7a: {  	_ = 	snop  }
.LBB2_2:
.Ltmp5:
0x7b: {  	(pc) =	sbr.rel .LBB2_7-.Ltmp5, $4  }
0x7c: {  	_ = 	snop  }
0x7d: {  	s14 =	simm.s32 $0x0  }
0x7e: {  	s12 =	simm.s32 $0x0;
	s15 =	simm.s32 $0x0;
	s17 =	smov.u32 s13  }
0x7f: {  	s20 =	simm.s32 $0x0;
	s18 =	simm.s32 $0x1;
	s13 =	simm.s32 $0x0  }
.LBB2_4:
.Ltmp6:
0x80: {  	(pc) =	sbr.rel .LBB2_7-.Ltmp6, $3  }
0x81: {  	_ =	sdelay $0x1  }
0x82: {  	s14 =	simm.s32 $0x0  }
0x83: {  	s15 =	simm.s32 $0x0;
	s20 =	simm.s32 $0x0;
	p6 =	por $0x1, $0x1  }
.LBB2_8:
0x84: {  	_ =	sfence.sel $0x180000  }
0x85: {  	[bflag:$0x0] =	sbarrier.arrive $0xFFFF  }
0x86: {  	p0 =	sne.s32 s1, $0x0;
	_ =	strace $0x90000047  }
0x87: {  	s0 =	sadd.s32 @!p0 $0x100000, s0;
	[bflag:$0x2] =	sbarrier.arrive $0xFFFF  }
0x88: {  	[sflag:s0] =	ssyncadd.tile.s32 @!p0 $0x1;
	_ =	shalt  }
.Lfunc_end2:
_tile_overlayer_lowered:
.L_overlay_start_2:
0x89: {  	(tag) =	ssettag $0x2  }
0x8a: {  	s0 =	rddreg [dreg:$0x0];
	s2 =	stileid.u32  }
0x8b: {  	s1 =	rddreg [dreg:$0x1];
	p0 =	sne.s32 s2, $0x0  }
0x8c: {  	s3 =	rddreg [dreg:$0x2];
	[bflag:$0x3] =	sbarrier.arrive $0xFFFF;
	s2 =	simm.s32 @!p0 $0x1C01  }
0x8d: {  	[timem:s3], [sflag:s2] =	dma.local @!p0 [hbm:s0], s1  }
0x8e: {  	s0 =	simm.s32 @!p0 $0x1  }
0x8f: {  	_ =	swait.ge @!p0 [sflag:s0], s1  }
0x90: {  	s1 =	ssub.s32 @!p0 $0x0, s1;
	[sflag:s0] =	ssyncset.done @!p0 $0x0  }
0x91: {  	[sflag:s0] =	ssyncadd.s32 @!p0 s1  }
0x92: {  	[bflag:$0x3] =	sbarrier.arrive $0xFFFF  }
0x93: {  	_ =	shalt  }

// kernel: kernel.20.cloned.1.call-start
scs
__scs_entry_jumppad:
0x0: {  	(pc) =	sbr.rel $0x88, $3  }
0x1: {  	(tag) =	ssettag $0x0;
	lr =	simm.s32 $0x1  }
0x2: {  	[smem:$0x3F91] =	sst lr;
	_ =	strace $0xD0000000  }
0x3: {  	_ = 	snop  }
0x4: {  	_ = 	snop  }
0x5: {  	_ = 	snop  }
0x6: {  	_ = 	snop  }
0x7: {  	_ = 	snop  }
__scs_overlays_trampoline_lowered:
0x8: {  	[smem:$0x3FA0] =	sst s0  }
0x9: {  	[smem:$0x3FA1] =	sst s1  }
0xa: {  	[smem:$0x3FA2] =	sst s2  }
0xb: {  	[smem:$0x3FA3] =	sst s3  }
0xc: {  	[smem:$0x3FA4] =	sst s4  }
0xd: {  	[smem:$0x3FA5] =	sst s5  }
0xe: {  	[smem:$0x3FA6] =	sst s6  }
0xf: {  	[smem:$0x3FA7] =	sst s7  }
0x10: {  	[smem:$0x3FA8] =	sst s8  }
0x11: {  	[smem:$0x3FA9] =	sst s9;
	s0 =	simm.s32 @!p0 $0x0  }
0x12: {  	s1 =	sld [smem:$0x3F8F];
	s0 =	simm.s32 @p0 $0x1  }
0x13: {  	[smem:$0x3FAA] =	sst s0;
	s0 =	simm.s32 @!p1 $0x0  }
0x14: {  	s2 =	sld [smem:$0x3F8E];
	s0 =	simm.s32 @p1 $0x1  }
0x15: {  	[smem:$0x3FAB] =	sst s0;
	s0 =	simm.s32 @!p2 $0x0  }
0x16: {  	s3 =	sld [smem:$0x3FDB];
	s0 =	simm.s32 @p2 $0x1  }
0x17: {  	s4 =	simm.s32 $0x1BF5;
	[smem:$0x3FAD] =	sst s0  }
0x18: {  	s0 =	sld [smem:$0x3F90];
	_ =	swait.ge [sflag:s4], $0x0  }
0x19: {  	s7 =	sld [smem:$0x3F91]  }
0x1a: {  	s8 =	sadd.s32 $0xFFFFE003, lr  }
0x1b: {  	s9 =	sadd.s32 $0xFFFFFEF7, lr;
	s5 =	simm.s32 $0xFFFFFFFF;
	p2 =	slt.u32 s8, $0xFFFFF086  }
0x1c: {  	p1 =	slt.u32 s9, $0xF7A;
	s5 =	simm.s32 @!p2 $0x0  }
0x1d: {  	s5 =	simm.s32 @p1 $0x1;
	p0 =	seq.s32 s7, s2  }
0x1e: {  	s7 =	smul.u32 @!p0 $0xF7A, s2;
	p2 =	seq.s32 @!p0 s5, $0x0  }
0x1f: {  	s9 =	smul.u32 $0xF7A, s1;
	s8 =	simm.s32 @!p0 $0x1BF5;
	p2 =	por !p2, p0  }
0x20: {  	[sflag:s8] =	ssyncset.s32 @!p0 $0xFFFFF086;
	s6 =	sadd.s32 @!p0 s3, s7;
	s7 =	simm.s32 @!p0 $0x108  }
0x21: {  	s3 =	sadd.s32 s3, s9;
	s6 =	sadd.s32 @!p0 $0x88, s6;
	s7 =	simm.s32 @p2 $0x1082  }
0x22: {  	[simem:s7], [sflag:s8] =	dma.local @!p0 [hbm:s6], $0xF7A  }
0x23: {  	s9 =	sor.u32 $0xD0000000, s2;
	s6 =	simm.s32 $0x108;
	_ =	swait.ge @!p0 [sflag:s8], $0x0  }
0x24: {  	s3 =	sadd.s32 $0x88, s3;
	s6 =	simm.s32 @!p1 $0x1082;
	[sflag:s4] =	ssyncset.s32 $0xFFFFF086  }
0x25: {  	[simem:s6], [sflag:s4] =	dma.local [hbm:s3], $0xF7A  }
0x26: {  	[smem:$0x3F91] =	sst s1;
	(tag) =	ssettag s2;
	_ =	strace s9  }
0x27: {  	s1 =	sld [smem:$0x3FA1]  }
0x28: {  	s2 =	sld [smem:$0x3FA2]  }
0x29: {  	s4 =	sld [smem:$0x3FA4]  }
0x2a: {  	p0 =	seq.s32 s5, $0x0;
	s5 =	sld [smem:$0x3FA5]  }
0x2b: {  	s6 =	sld [smem:$0x3FA6]  }
0x2c: {  	s7 =	sld [smem:$0x3FA7]  }
0x2d: {  	s3 =	simm.s32 $0x108;
	s8 =	sld [smem:$0x3FA8]  }
0x2e: {  	s3 =	simm.s32 @!p0 $0x1082;
	s9 =	sld [smem:$0x3FA9]  }
0x2f: {  	lr =	sadd.s32 s0, s3;
	s0 =	sld [smem:$0x3FA0]  }
0x30: {  	s3 =	sld [smem:$0x3FA3]  }
0x31: {  	[smem:$0x3FAC] =	sst s10  }
0x32: {  	s10 =	sld [smem:$0x3FAA];
	_ =	sdelay $0x3  }
0x33: {  	p0 =	seq.s32 s10, $0x1;
	s10 =	sld [smem:$0x3FAC];
	_ =	sdelay $0x3  }
0x34: {  	[smem:$0x3FAC] =	sst s10  }
0x35: {  	s10 =	sld [smem:$0x3FAB];
	_ =	sdelay $0x3  }
0x36: {  	p1 =	seq.s32 s10, $0x1;
	s10 =	sld [smem:$0x3FAC];
	_ =	sdelay $0x3  }
0x37: {  	[smem:$0x3FAC] =	sst s10  }
0x38: {  	s10 =	sld [smem:$0x3FAD]  }
0x39: {  	_ = 	snop;
	(pc) =	sbr.ind lr, $3  }
0x3a: {  	_ = 	snop  }
0x3b: {  	_ = 	snop  }
0x3c: {  	p2 =	seq.s32 s10, $0x1;
	s10 =	sld [smem:$0x3FAC]  }
0x3d: {  	_ =	shalt  }
0x3e: {  	_ =	shalt  }
0x3f: {  	_ =	shalt  }
0x40: {  	_ =	shalt  }
0x41: {  	_ =	shalt  }
0x42: {  	_ =	shalt  }
0x43: {  	_ =	shalt  }
0x44: {  	_ =	shalt  }
0x45: {  	_ =	shalt  }
0x46: {  	_ =	shalt  }
0x47: {  	_ =	shalt  }
0x48: {  	_ =	shalt  }
0x49: {  	_ =	shalt  }
0x4a: {  	_ =	shalt  }
0x4b: {  	_ =	shalt  }
0x4c: {  	_ =	shalt  }
0x4d: {  	_ =	shalt  }
0x4e: {  	_ =	shalt  }
0x4f: {  	_ =	shalt  }
0x50: {  	_ =	shalt  }
0x51: {  	_ =	shalt  }
0x52: {  	_ =	shalt  }
0x53: {  	_ =	shalt  }
0x54: {  	_ =	shalt  }
0x55: {  	_ =	shalt  }
0x56: {  	_ =	shalt  }
0x57: {  	_ =	shalt  }
0x58: {  	_ =	shalt  }
0x59: {  	_ =	shalt  }
0x5a: {  	_ =	shalt  }
0x5b: {  	_ =	shalt  }
0x5c: {  	_ =	shalt  }
0x5d: {  	_ =	shalt  }
0x5e: {  	_ =	shalt  }
0x5f: {  	_ =	shalt  }
0x60: {  	_ =	shalt  }
0x61: {  	_ =	shalt  }
0x62: {  	_ =	shalt  }
0x63: {  	_ =	shalt  }
0x64: {  	_ =	shalt  }
0x65: {  	_ =	shalt  }
0x66: {  	_ =	shalt  }
0x67: {  	_ =	shalt  }
0x68: {  	_ =	shalt  }
0x69: {  	_ =	shalt  }
0x6a: {  	_ =	shalt  }
0x6b: {  	_ =	shalt  }
0x6c: {  	_ =	shalt  }
0x6d: {  	_ =	shalt  }
0x6e: {  	_ =	shalt  }
0x6f: {  	_ =	shalt  }
0x70: {  	_ =	shalt  }
0x71: {  	_ =	shalt  }
0x72: {  	_ =	shalt  }
0x73: {  	_ =	shalt  }
0x74: {  	_ =	shalt  }
0x75: {  	_ =	shalt  }
0x76: {  	_ =	shalt  }
0x77: {  	_ =	shalt  }
0x78: {  	_ =	shalt  }
0x79: {  	_ =	shalt  }
0x7a: {  	_ =	shalt  }
0x7b: {  	_ =	shalt  }
0x7c: {  	_ =	shalt  }
0x7d: {  	_ =	shalt  }
0x7e: {  	_ =	shalt  }
0x7f: {  	_ =	shalt  }
0x80: {  	_ =	shalt  }
0x81: {  	_ =	shalt  }
0x82: {  	_ =	shalt  }
0x83: {  	_ =	shalt  }
0x84: {  	_ =	shalt  }
0x85: {  	_ =	shalt  }
0x86: {  	_ =	shalt  }
0x87: {  	_ =	shalt  }
.Lfunc_end0:
.L_simem_size_0:
called_computation.2_lowered:
.L_overlay_start_0:
0x88: {  	s2 =	sld [smem:$0x3FD9]  }
0x89: {  	s3 =	sld [smem:$0x3FFE];
	_ =	sdelay $0x1  }
0x8a: {  	s1 =	srdreg.scid  }
0x8b: {  	s0 =	sand.u32 $0x1, s1  }
0x8c: {  	s17 =	sshll.u32 s0, $0xA;
	s2 =	sadd.s32 s3, s2  }
0x8d: {  	s2 =	sadd.s32 s2, s17  }
0x8e: {  	[smem:$0x3FB8] =	sst s2  }
0x8f: {  	_ = 	snop  }
0x90: {  	(tm) =	ssettm $0x1  }
0x91: {  	s18 =	sld [smem:$0x3FFB];
	_ =	sdelay $0x3  }
0x92: {  	_ =	strace s18  }
0x93: {  	s2 =	sld [smem:$0x3FFC];
	_ =	sdelay $0x3  }
0x94: {  	_ =	strace s2  }
0x95: {  	s2 =	sld [smem:$0x3FFD];
	_ =	sdelay $0x3  }
0x96: {  	_ =	strace s2  }
0x97: {  	_ =	strace $0x8FFFFFFF  }
0x98: {  	s19 =	sld [smem:$0x3FDB];
	_ =	sdelay $0x1  }
0x99: {  	s20 =	simm.s32 $_scs_section_size  }
0x9a: {  	s4 =	simm.s32 $_size__tile_overlayer_lowered;
	s5 =	simm.s32 $_tile_overlayer_lowered  }
0x9b: {  	s6 =	simm.s32 $0x1BFF;
	s21 =	sshll.u32 s5, $0x1;
	s3 =	sadd.s32 s20, s19  }
0x9c: {  	s22 =	simm.s32 $0x0;
	s4 =	sshll.u32 s4, $0x1;
	s5 =	sadd.s32 s21, s3  }
0x9d: {  	[timem:s22], [sflag:s6] =	dma.local [hbm:s5], s4  }
0x9e: {  	_ =	swait.ge [sflag:s6], s4  }
0x9f: {  	s4 =	ssub.s32 $0x0, s4;
	[sflag:s6] =	ssyncset.done $0x0  }
0xa0: {  	[sflag:s6] =	ssyncadd.s32 s4;
	_ =	sdelay $0x1  }
0xa1: {  	s23 =	simm.s32 $0x1B8B  }
0xa2: {  	_ =	swait.ge [sflag:s23], $0x1  }
0xa3: {  	[sflag:s23] =	ssyncset.done $0x0  }
0xa4: {  	[sflag:s23] =	ssyncadd.s32 $0xFFFFFFFF  }
0xa5: {  	s4 =	sld [smem:$0x0]  }
0xa6: {  	s5 =	sand.u32 $0xFFFFFFFE, s1  }
0xa7: {  	p0 =	sne.s32 s1, s5  }
0xa8: {  	s5 =	sshll.u32 @p0 s5, $0xE  }
0xa9: {  	s5 =	sadd.s32 @p0 $0x11B8D, s5;
	s6 =	sshll.u32 @p0 s4, $0x11  }
0xaa: {  	s5 =	sor.u32 @p0 s6, s5  }
0xab: {  	[sflag:s5] =	ssyncadd.remote.s32 @p0 $0x1;
	_ =	sdelay $0x1  }
0xac: {  	s5 =	simm.s32 @p0 $0x1B8D  }
0xad: {  	_ =	swait.eq @p0 [sflag:s5], $0x1  }
0xae: {  	[sflag:s5] =	ssyncadd.s32 @p0 $0xFFFFFFFF  }
0xaf: {  	s6 =	sshll.u32 @!p0 s1, $0xE  }
0xb0: {  	s6 =	sor.u32 @!p0 $0x4000, s6;
	s5 =	simm.s32 @!p0 $0x1B8D  }
0xb1: {  	s4 =	sshll.u32 @!p0 s4, $0x11;
	s6 =	sadd.s32 @!p0 $0x11B8D, s6;
	_ =	swait.eq @!p0 [sflag:s5], $0x1  }
0xb2: {  	s4 =	sor.u32 @!p0 s4, s6;
	[sflag:s5] =	ssyncadd.s32 @!p0 $0xFFFFFFFF  }
0xb3: {  	s25 =	simm.s32 $0x1B8E;
	s24 =	sld [smem:$0x3FFE];
	[sflag:s4] =	ssyncadd.remote.s32 @!p0 $0x1  }
0xb4: {  	s26 =	simm.s32 $execute0_lowered;
	[smem:$0x3FD2] =	sst s25  }
0xb5: {  	s5 =	sshll.u32 s26, $0x1;
	_ =	strace $0x8000005A;
	[dreg:$0x1] =	wrdreg $0xFFFFFFFF  }
0xb6: {  	s28 =	simm.s32 $_size_execute0_lowered;
	s3 =	sadd.s32 s3, s5;
	[dreg:$0x0] =	wrdreg $0x0  }
0xb7: {  	s5 =	sshll.u32 s28, $0x1;
	[dreg:$0x2] =	wrdreg s3  }
0xb8: {  	[dreg:$0x3] =	wrdreg s5  }
0xb9: {  	[dreg:$0x4] =	wrdreg $0xC0  }
0xba: {  	_ =	task [dreg:s22], $0x5FFFF  }
0xbb: {  	[dreg:$0x1] =	wrdreg $0xFFFFFFFF  }
0xbc: {  	[dreg:$0x0] =	wrdreg $0x60  }
0xbd: {  	[dreg:$0x2] =	wrdreg s24  }
0xbe: {  	[dreg:$0x3] =	wrdreg $0xB  }
0xbf: {  	_ =	task.clear_ibuf [dreg:s22], $0x4FFFF;
	_ =	strace $0x9000005A  }
0xc0: {  	s29 =	simm.s32 $0xB;
	_ =	strace $0x80000063  }
0xc1: {  	_ =	swait.ge [sflag:s29], $0x1  }
0xc2: {  	[sflag:s29] =	ssyncadd.s32 $0xFFFFFFFF  }
0xc3: {  	_ =	strace $0x90000063  }
0xc4: {  	_ =	sfence  }
0xc5: {  	s30 =	sld [smem:$0x0];
	_ =	sdelay $0x2  }
0xc6: {  	s31 =	sshll.u32 s1, $0xD;
	s1 =	sshrl.u32 s1, $0x2  }
0xc7: {  	s4 =	sand.u32 $0x4000, s31;
	s1 =	sadd.s32 s1, s30  }
0xc8: {  	s0 =	sor.u32 s4, s0;
	s1 =	sshll.u32 s1, $0x11  }
0xc9: {  	s0 =	sor.u32 s1, s0  }
0xca: {  	s0 =	sadd.s32 $0x8F2B, s0  }
0xcb: {  	[sflag:s0] =	ssyncadd.remote.s32 $0x1  }
0xcc: {  	_ =	sfence.sel $0xFFFF  }
0xcd: {  	[dreg:$0x0] =	wrdreg $0xFFFFFFFF;
	(pc) =	sbr.abs _section_cstart, $3  }
0xce: {  	[dreg:$0x1] =	wrdreg $0xFFFFFFFF  }
0xcf: {  	_ =	task.clear_ibuf [dreg:s22], $0x2FFFF;
	_ =	strace $0x9FFFFFFF  }
0xd0: {  	(tm) =	ssettm $0x7FFFFFFF  }
0xd1: {  	_ =	shalt  }
tec
execute0_lowered:
.L_overlay_start_1:
0x0: {  	(tag) =	ssettag $0x1  }
0x1: {  	s5 =	rddreg [dreg:$0x0]  }
0x2: {  	s1 =	srdreg.scid;
	s0 =	rddreg [dreg:$0x1];
	s2 =	simm.s32 $0x0  }
0x3: {  	s10 =	simm.s32 $0x100;
	s11 =	simm.s32 $0x0;
	s7 =	sand.u32 $0x1, s1  }
0x4: {  	[smem:$0x7FF] =	sst s2;
	s1 =	stileid.u32;
	s4 =	sadd.s32 $0x98C00, s5  }
0x5: {  	s3 =	sshll.u32 s7, $0x4;
	_ =	strace $0x8000005B;
	[dreg:$0x2] =	wrdreg s4  }
0x6: {  	p0 =	seq.s32 s7, $0x0;
	s4 =	sadd.s32 $0x2DAE00, s5;
	s3 =	sor.u32 s1, s3  }
0x7: {  	s8 =	ssub.s32 $0x2, s7;
	s6 =	smul.u32 $0x9, s3;
	s3 =	sshll.u32 s3, $0x3  }
0x8: {  	s5 =	sadd.s32 $0x2DD000, s5;
	[dreg:$0x3] =	wrdreg s10;
	s3 =	sadd.s32 $0x10, s3  }
0x9: {  	s10 =	simm.s32 $0x5;
	s30 =	sshrl.u32 s8, $0x1;
	s3 =	smov.u32 @p0 s6  }
0xa: {  	[dreg:$0x4] =	wrdreg s5;
	s5 =	sxor.u32 $0x9, s7;
	s9 =	sshll.u32 s3, $0x5  }
0xb: {  	s7 =	ssub.s32 $0x8, s7;
	s8 =	ssub.s32 s8, s30;
	s31 =	sand.u32 $0x1FFFFFE0, s9  }
0xc: {  	s8 =	smax.u32 s8, $0x1;
	s9 =	simm.s32 $0x1;
	s6 =	sadd.s32 s4, s31  }
.LBB2_1:
0xd: {  	_ =	strace $0x8000005C;
	p2 =	sne.s32 s5, $0x1  }
.Ltmp0:
0xe: {  	p0 =	seq.s32 s5, $0x1;
	s13 =	simm.s32 $0x1;
	(pc) =	sbr.rel @!p2 .LBB2_2-.Ltmp0, $4  }
0xf: {  	[tilespmem:s2], [sflag:$0x1] =	stream.linear.gather [hbm4b:s6+s2], $0x100, $0x200038;
	[tilespmem:$0x10200] =	vst v63  }
0x10: {  	s12 =	simm.s32 $0x1;
	p1 =	por $0x1, $0x1;
	s13 =	simm.s32 @p0 $0x0  }
0x11: {  	p6 =	sgt.u32 s7, $0x0;
	p4 =	por p1, p1;
	p3 =	sne.s32 s13, $0x0  }
0x12: {  	_ =	strace $0x9000005C;
	p5 =	por !p6, !p3;
	p6 =	por $0x0, $0x0  }
0x13: {  	p2 =	por !p5, !p5  }
0x14: {  	s21 =	sand.u32 $0x1, s2;
	s19 =	simm.s32 $0x2;
	s14 =	sadd.s32 @p2 s3, s13  }
0x15: {  	p1 =	por p3, p3;
	s15 =	sand.u32 @p2 $0x1, s9;
	s14 =	sshll.u32 @p2 s14, $0x5  }
0x16: {  	_ =	strace @p2 $0x8000005D;
	s17 =	simm.s32 @p2 $0x0;
	s14 =	sand.u32 @p2 $0x1FFFFFE0, s14  }
0x17: {  	s16 =	sshll.u32 @p2 s15, $0x8;
	s15 =	sadd.s32 @p2 $0x1, s15;
	s14 =	sadd.s32 @p2 s4, s14  }
0x18: {  	[tilespmem:s16], [sflag:s15] =	stream.linear.gather @p2 [hbm4b:s14+s17], $0x100, $0x200038;
	[tilespmem:$0x10200] =	vst v63  }
0x19: {  	s30 =	simm.s32 $0x0;
	p6 =	por $0x0, $0x0;
	_ =	strace @p2 $0x9000005D  }
0x1a: {  	p0 =	sne.s32 s5, $0x2;
	s29 =	sadd.s32 $0x1, s21;
	_ =	strace $0x8000005E  }
0x1b: {  	s24 =	sadd.s32 $0x0, s3;
	p5 =	sgt.u32 s7, $0x1;
	_ =	swait.ge [sflag:s29], $0x100  }
0x1c: {  	s23 =	simm.s32 $0x1;
	s22 =	sshll.u32 s21, $0xF;
	[sflag:s29] =	ssyncset.done $0x0  }
0x1d: {  	s22 =	sor.u32 $0x200, s22;
	s16 =	sand.u32 @!p4 $0x1, s2;
	[sflag:s29] =	ssyncadd.s32 $0xFFFFFF00  }
0x1e: {  	s15 =	simm.s32 $0x1;
	s17 =	sadd.s32 $0x1, s13;
	_ =	strace $0x9000005E  }
0x1f: {  	s14 =	sand.u32 $0x100, s30;
	s15 =	simm.s32 @!p2 $0x0;
	_ =	strace $0x8000005F  }
0x20: {  	p2 =	por p4, p4;
	p4 =	por p6, p6;
	s20 =	rddreg [dreg:$0x3]  }
0x21: {  	p3 =	seq.s32 s17, s5;
	p6 =	seq.s32 s7, $0x0;
	s31 =	rddreg [dreg:$0x2]  }
0x22: {  	[tilespmem:s22], [sflag:$0x5] =	stream.indirect.gather [hbm4b:s31+s20], $0x80, s14, s20, $0x2000b8;
	[tilespmem:$0x10200] =	vst v63  }
.Ltmp1:
0x23: {  	s18 =	sadd.s32 $0x1, s15;
	s17 =	simm.s32 @p3 $0x0;
	(pc) =	sbr.rel @!p0 .LBB2_4-.Ltmp1, $4  }
0x24: {  	p1 =	por p6, p1;
	p6 =	por $0x0, $0x0;
	_ =	swait.ge [sflag:s10], $0x8000  }
0x25: {  	s15 =	simm.s32 $0x0;
	p3 =	sne.s32 s13, s17;
	[sflag:s10] =	ssyncset.done $0x0  }
0x26: {  	s23 =	simm.s32 @!p6 $0x0;
	p5 =	por !p5, !p3;
	[sflag:s10] =	ssyncadd.s32 $0xFFFF8000  }
0x27: {  	s14 =	simm.s32 $0x0;
	s20 =	simm.s32 $0x0;
	_ =	strace $0x9000005F  }
.LBB2_5:
0x28: {  	_ =	strace @p1 $0x80000060;
	s14 =	sadd.s32 s23, s14;
	s23 =	smov.u32 s12  }
0x29: {  	s12 =	smov.u32 s19;
	s19 =	sadd.s32 $0x1, s19;
	p0 =	por p3, p3  }
0x2a: {  	s29 =	sshll.u32 @p1 s24, $0xC;
	s21 =	sadd.s32 @p1 $0x3, s21;
	s25 =	simm.s32 @!p0 $0x0  }
0x2b: {  	s26 =	rddreg [dreg:$0x4];
	s29 =	sand.u32 @p1 $0x1FFFF000, s29;
	s25 =	simm.s32 @p0 $0x1  }
0x2c: {  	s26 =	sadd.s32 @p1 s26, s29;
	s29 =	simm.s32 @p1 $0x0;
	p0 =	sne.s32 s5, s19  }
0x2d: {  	[hbm4b:s26+s29] =	stream.linear.scatter @p1 [tilespmem:s22], [sflag:s21], $0x8000, $0x200038;
	[tilespmem:$0x10200] =	vst v63  }
0x2e: {  	s21 =	sadd.s32 @!p2 $0x3, s16;
	s16 =	simm.s32 @!p0 $0x0  }
0x2f: {  	s28 =	simm.s32 $0x1;
	[smem:$0x7FC] =	sst s25;
	s16 =	simm.s32 @p0 $0x1  }
0x30: {  	s28 =	simm.s32 @!p1 $0x0;
	_ =	strace @p1 $0x90000060;
	[smem:$0x7FD] =	sst s16  }
0x31: {  	s20 =	sadd.s32 s28, s20;
	s25 =	sand.u32 @!p4 $0x1, s14;
	_ =	strace @!p2 $0x80000061  }
0x32: {  	p1 =	por !p5, !p5;
	s16 =	smov.u32 s25;
	_ =	swait.ge @!p2 [sflag:s21], $0x8000  }
0x33: {  	s22 =	sand.u32 @p1 $0x1, s18;
	s25 =	sadd.s32 @p1 s3, s17;
	[sflag:s21] =	ssyncset.done @!p2 $0x0  }
0x34: {  	s26 =	sshll.u32 @p1 s22, $0x8;
	s25 =	sshll.u32 @p1 s25, $0x5;
	[sflag:s21] =	ssyncadd.s32 @!p2 $0xFFFF8000  }
0x35: {  	s21 =	sadd.s32 @p1 $0x1, s22;
	s22 =	sand.u32 @p1 $0x1FFFFFE0, s25;
	_ =	strace @!p2 $0x90000061  }
0x36: {  	s25 =	simm.s32 @p1 $0x0;
	s22 =	sadd.s32 @p1 s4, s22;
	_ =	strace @p1 $0x8000005D  }
0x37: {  	[tilespmem:s26], [sflag:s21] =	stream.linear.gather @p1 [hbm4b:s22+s25], $0x100, $0x200038;
	[tilespmem:$0x10200] =	vst v63  }
0x38: {  	s15 =	sadd.s32 s28, s15;
	s28 =	sand.u32 $0x1, s20;
	_ =	strace @p1 $0x9000005D  }
0x39: {  	s28 =	sadd.s32 $0x1, s28;
	_ =	strace $0x8000005E  }
0x3a: {  	_ =	swait.ge [sflag:s28], $0x100  }
0x3b: {  	[sflag:s28] =	ssyncset.done $0x0  }
0x3c: {  	s21 =	simm.s32 $0x1;
	[sflag:s28] =	ssyncadd.s32 $0xFFFFFF00  }
0x3d: {  	s21 =	simm.s32 @!p1 $0x0;
	_ =	strace $0x9000005E  }
0x3e: {  	s18 =	sadd.s32 s21, s18;
	s21 =	sand.u32 $0x1, s15;
	_ =	strace $0x8000005F  }
0x3f: {  	s31 =	sshll.u32 s20, $0x8;
	s29 =	sshll.u32 s21, $0xF;
	s25 =	rddreg [dreg:$0x3]  }
0x40: {  	s31 =	sand.u32 $0x100, s31;
	s22 =	sor.u32 $0x200, s29;
	s26 =	rddreg [dreg:$0x2]  }
0x41: {  	[tilespmem:s22], [sflag:$0x5] =	stream.indirect.gather [hbm4b:s26+s25], $0x80, s31, s25, $0x2000b8;
	[tilespmem:$0x10200] =	vst v63  }
0x42: {  	_ =	swait.ge [sflag:s10], $0x8000  }
0x43: {  	[sflag:s10] =	ssyncset.done $0x0  }
0x44: {  	[sflag:s10] =	ssyncadd.s32 $0xFFFF8000  }
0x45: {  	s30 =	sadd.s32 $0x1, s17;
	_ =	strace $0x9000005F  }
0x46: {  	s24 =	sadd.s32 s3, s13;
	s13 =	smov.u32 s17;
	s31 =	sld [smem:$0x7FD]  }
0x47: {  	p0 =	sne.s32 s23, $0x0;
	s17 =	smov.u32 s30;
	p1 =	seq.s32 s30, s5  }
0x48: {  	s17 =	simm.s32 @p1 $0x0;
	p1 =	seq.s32 s7, s23;
	s23 =	simm.s32 $0x1  }
0x49: {  	s23 =	simm.s32 @!p0 $0x0;
	p0 =	seq.s32 s31, $0x1  }
.Ltmp2:
0x4a: {  	s30 =	sld [smem:$0x7FC];
	(pc) =	sbr.rel @p0 .LBB2_5-.Ltmp2, $4  }
0x4b: {  	p3 =	seq.s32 s12, $0x0  }
0x4c: {  	p6 =	por p3, p3;
	p5 =	slt.u32 s12, s7  }
0x4d: {  	p2 =	por p4, p4;
	p3 =	sne.s32 s13, s17;
	p4 =	seq.s32 s30, $0x1  }
0x4e: {  	p5 =	por !p5, !p3;
	p1 =	por p1, p4;
	p4 =	por p6, p6  }
0x4f: {  	p6 =	por $0x1, $0x1  }
.LBB2_7:
0x50: {  	p0 =	por !p1, !p6  }
0x51: {  	s25 =	simm.s32 $0x1;
	_ =	strace @!p0 $0x80000060;
	s24 =	sshll.u32 @!p0 s24, $0xC  }
0x52: {  	p2 =	por p2, !p6;
	s19 =	rddreg [dreg:$0x4];
	s24 =	sand.u32 @!p0 $0x1FFFF000, s24  }
0x53: {  	s21 =	sadd.s32 @!p0 $0x3, s21;
	s19 =	sadd.s32 @!p0 s19, s24;
	s24 =	simm.s32 @!p0 $0x0  }
0x54: {  	[hbm4b:s19+s24] =	stream.linear.scatter @!p0 [tilespmem:s22], [sflag:s21], $0x8000, $0x200038;
	[tilespmem:$0x10200] =	vst v63  }
0x55: {  	p1 =	por !p5, !p5;
	s25 =	simm.s32 @p0 $0x0;
	_ =	strace @!p0 $0x90000060  }
0x56: {  	s16 =	sadd.s32 @!p2 $0x3, s16;
	s17 =	sadd.s32 @p1 s3, s17;
	_ =	strace @!p2 $0x80000061  }
0x57: {  	s18 =	sand.u32 @p1 $0x1, s18;
	s17 =	sshll.u32 @p1 s17, $0x5;
	_ =	swait.ge @!p2 [sflag:s16], $0x8000  }
0x58: {  	s17 =	sand.u32 @p1 $0x1FFFFFE0, s17;
	s19 =	sadd.s32 @p6 s25, s20;
	[sflag:s16] =	ssyncset.done @!p2 $0x0  }
0x59: {  	s20 =	simm.s32 $0x0;
	s17 =	sadd.s32 @p1 s4, s17;
	[sflag:s16] =	ssyncadd.s32 @!p2 $0xFFFF8000  }
0x5a: {  	s20 =	smov.u32 @p6 s19;
	s19 =	sshll.u32 @p1 s18, $0x8;
	_ =	strace @!p2 $0x90000061  }
0x5b: {  	s16 =	sadd.s32 @p1 $0x1, s18;
	s18 =	simm.s32 @p1 $0x0;
	_ =	strace @p1 $0x8000005D  }
0x5c: {  	[tilespmem:s19], [sflag:s16] =	stream.linear.gather @p1 [hbm4b:s17+s18], $0x100, $0x200038;
	[tilespmem:$0x10200] =	vst v63  }
0x5d: {  	s26 =	sand.u32 $0x1, s20;
	_ =	strace @p1 $0x9000005D  }
0x5e: {  	s16 =	sadd.s32 $0x1, s26;
	_ =	strace $0x8000005E  }
0x5f: {  	_ =	swait.ge [sflag:s16], $0x100  }
0x60: {  	[sflag:s16] =	ssyncset.done $0x0  }
0x61: {  	s15 =	sadd.s32 @p6 s25, s15;
	[sflag:s16] =	ssyncadd.s32 $0xFFFFFF00;
	s16 =	simm.s32 $0x0  }
0x62: {  	_ =	strace $0x9000005E;
	s16 =	smov.u32 @p6 s15  }
0x63: {  	_ =	strace $0x8000005F;
	s16 =	sand.u32 $0x1, s16  }
0x64: {  	s30 =	sshll.u32 s20, $0x8;
	s28 =	rddreg [dreg:$0x3];
	s31 =	sshll.u32 s16, $0xF  }
0x65: {  	s18 =	sand.u32 $0x100, s30;
	s29 =	rddreg [dreg:$0x2];
	s19 =	sor.u32 $0x200, s31  }
0x66: {  	[tilespmem:s19], [sflag:$0x5] =	stream.indirect.gather [hbm4b:s29+s28], $0x80, s18, s28, $0x2000b8;
	[tilespmem:$0x10200] =	vst v63  }
0x67: {  	_ =	swait.ge [sflag:s10], $0x8000  }
0x68: {  	p3 =	por p3, p3;
	[sflag:s10] =	ssyncset.done $0x0  }
0x69: {  	p5 =	seq.s32 s7, s12;
	s13 =	sadd.s32 s3, s13;
	[sflag:s10] =	ssyncadd.s32 $0xFFFF8000  }
0x6a: {  	s14 =	sadd.s32 @p6 s23, s14;
	p1 =	por p5, p3;
	_ =	strace $0x9000005F  }
0x6b: {  	s17 =	simm.s32 $0x0;
	s13 =	sshll.u32 @p1 s13, $0xC;
	_ =	strace @p1 $0x80000060  }
0x6c: {  	s17 =	smov.u32 @p6 s14;
	s13 =	sand.u32 @p1 $0x1FFFF000, s13;
	s15 =	rddreg [dreg:$0x4]  }
0x6d: {  	s14 =	sadd.s32 @p1 $0x3, s16;
	s13 =	sadd.s32 @p1 s15, s13;
	s15 =	simm.s32 @p1 $0x0  }
0x6e: {  	[hbm4b:s13+s15] =	stream.linear.scatter @p1 [tilespmem:s19], [sflag:s14], $0x8000, $0x200038;
	[tilespmem:$0x10200] =	vst v63  }
0x6f: {  	p0 =	por p4, p4;
	s13 =	sand.u32 @!p4 $0x1, s17;
	_ =	strace @p1 $0x90000060  }
0x70: {  	s13 =	sadd.s32 @!p0 $0x3, s13;
	_ =	strace @!p0 $0x80000061  }
0x71: {  	p1 =	sne.s32 s12, $0x0;
	s12 =	simm.s32 $0x1;
	_ =	swait.ge @!p0 [sflag:s13], $0x8000  }
0x72: {  	s12 =	simm.s32 @!p1 $0x0;
	[sflag:s13] =	ssyncset.done @!p0 $0x0  }
0x73: {  	s11 =	sadd.s32 $0x1, s11;
	s12 =	sadd.s32 s12, s17;
	[sflag:s13] =	ssyncadd.s32 @!p0 $0xFFFF8000  }
0x74: {  	s12 =	sand.u32 $0x1, s12;
	_ =	strace @!p0 $0x90000061;
	p0 =	sne.s32 s11, s8  }
.Ltmp3:
0x75: {  	s12 =	sadd.s32 $0x3, s12;
	_ =	strace $0x80000062;
	(pc) =	sbr.rel @p0 .LBB2_1-.Ltmp3, $4  }
.Ltmp4:
0x76: {  	_ =	swait.ge [sflag:s12], $0x8000;
	(pc) =	sbr.rel @!p0 .LBB2_8-.Ltmp4, $4  }
0x77: {  	[sflag:s12] =	ssyncset.done $0x0  }
0x78: {  	[sflag:s12] =	ssyncadd.s32 $0xFFFF8000  }
0x79: {  	_ =	strace $0x90000062  }
0x7a: {  	_ = 	snop  }
.LBB2_2:
.Ltmp5:
0x7b: {  	(pc) =	sbr.rel .LBB2_7-.Ltmp5, $4  }
0x7c: {  	_ = 	snop  }
0x7d: {  	s14 =	simm.s32 $0x0  }
0x7e: {  	s12 =	simm.s32 $0x0;
	s15 =	simm.s32 $0x0;
	s17 =	smov.u32 s13  }
0x7f: {  	s20 =	simm.s32 $0x0;
	s18 =	simm.s32 $0x1;
	s13 =	simm.s32 $0x0  }
.LBB2_4:
.Ltmp6:
0x80: {  	(pc) =	sbr.rel .LBB2_7-.Ltmp6, $3  }
0x81: {  	_ =	sdelay $0x1  }
0x82: {  	s14 =	simm.s32 $0x0  }
0x83: {  	s15 =	simm.s32 $0x0;
	s20 =	simm.s32 $0x0;
	p6 =	por $0x1, $0x1  }
.LBB2_8:
0x84: {  	_ =	sfence.sel $0x180000  }
0x85: {  	[bflag:$0x0] =	sbarrier.arrive $0xFFFF  }
0x86: {  	p0 =	sne.s32 s1, $0x0;
	_ =	strace $0x9000005B  }
0x87: {  	s0 =	sadd.s32 @!p0 $0x100000, s0;
	[bflag:$0x2] =	sbarrier.arrive $0xFFFF  }
0x88: {  	[sflag:s0] =	ssyncadd.tile.s32 @!p0 $0x1;
	_ =	shalt  }
.Lfunc_end2:
_tile_overlayer_lowered:
.L_overlay_start_2:
0x89: {  	(tag) =	ssettag $0x2  }
0x8a: {  	s0 =	rddreg [dreg:$0x0];
	s2 =	stileid.u32  }
0x8b: {  	s1 =	rddreg [dreg:$0x1];
	p0 =	sne.s32 s2, $0x0  }
0x8c: {  	s3 =	rddreg [dreg:$0x2];
	[bflag:$0x3] =	sbarrier.arrive $0xFFFF;
	s2 =	simm.s32 @!p0 $0x1C01  }
0x8d: {  	[timem:s3], [sflag:s2] =	dma.local @!p0 [hbm:s0], s1  }
0x8e: {  	s0 =	simm.s32 @!p0 $0x1  }
0x8f: {  	_ =	swait.ge @!p0 [sflag:s0], s1  }
0x90: {  	s1 =	ssub.s32 @!p0 $0x0, s1;
	[sflag:s0] =	ssyncset.done @!p0 $0x0  }
0x91: {  	[sflag:s0] =	ssyncadd.s32 @!p0 s1  }
0x92: {  	[bflag:$0x3] =	sbarrier.arrive $0xFFFF  }
0x93: {  	_ =	shalt  }

// kernel: kernel.23.cloned.1.call-start
scs
__scs_entry_jumppad:
0x0: {  	(pc) =	sbr.rel $0x88, $3  }
0x1: {  	(tag) =	ssettag $0x0;
	lr =	simm.s32 $0x1  }
0x2: {  	[smem:$0x3F91] =	sst lr;
	_ =	strace $0xD0000000  }
0x3: {  	_ = 	snop  }
0x4: {  	_ = 	snop  }
0x5: {  	_ = 	snop  }
0x6: {  	_ = 	snop  }
0x7: {  	_ = 	snop  }
__scs_overlays_trampoline_lowered:
0x8: {  	[smem:$0x3FA0] =	sst s0  }
0x9: {  	[smem:$0x3FA1] =	sst s1  }
0xa: {  	[smem:$0x3FA2] =	sst s2  }
0xb: {  	[smem:$0x3FA3] =	sst s3  }
0xc: {  	[smem:$0x3FA4] =	sst s4  }
0xd: {  	[smem:$0x3FA5] =	sst s5  }
0xe: {  	[smem:$0x3FA6] =	sst s6  }
0xf: {  	[smem:$0x3FA7] =	sst s7  }
0x10: {  	[smem:$0x3FA8] =	sst s8  }
0x11: {  	[smem:$0x3FA9] =	sst s9;
	s0 =	simm.s32 @!p0 $0x0  }
0x12: {  	s1 =	sld [smem:$0x3F8F];
	s0 =	simm.s32 @p0 $0x1  }
0x13: {  	[smem:$0x3FAA] =	sst s0;
	s0 =	simm.s32 @!p1 $0x0  }
0x14: {  	s2 =	sld [smem:$0x3F8E];
	s0 =	simm.s32 @p1 $0x1  }
0x15: {  	[smem:$0x3FAB] =	sst s0;
	s0 =	simm.s32 @!p2 $0x0  }
0x16: {  	s3 =	sld [smem:$0x3FDB];
	s0 =	simm.s32 @p2 $0x1  }
0x17: {  	s4 =	simm.s32 $0x1BF5;
	[smem:$0x3FAD] =	sst s0  }
0x18: {  	s0 =	sld [smem:$0x3F90];
	_ =	swait.ge [sflag:s4], $0x0  }
0x19: {  	s7 =	sld [smem:$0x3F91]  }
0x1a: {  	s8 =	sadd.s32 $0xFFFFE003, lr  }
0x1b: {  	s9 =	sadd.s32 $0xFFFFFEF7, lr;
	s5 =	simm.s32 $0xFFFFFFFF;
	p2 =	slt.u32 s8, $0xFFFFF086  }
0x1c: {  	p1 =	slt.u32 s9, $0xF7A;
	s5 =	simm.s32 @!p2 $0x0  }
0x1d: {  	s5 =	simm.s32 @p1 $0x1;
	p0 =	seq.s32 s7, s2  }
0x1e: {  	s7 =	smul.u32 @!p0 $0xF7A, s2;
	p2 =	seq.s32 @!p0 s5, $0x0  }
0x1f: {  	s9 =	smul.u32 $0xF7A, s1;
	s8 =	simm.s32 @!p0 $0x1BF5;
	p2 =	por !p2, p0  }
0x20: {  	[sflag:s8] =	ssyncset.s32 @!p0 $0xFFFFF086;
	s6 =	sadd.s32 @!p0 s3, s7;
	s7 =	simm.s32 @!p0 $0x108  }
0x21: {  	s3 =	sadd.s32 s3, s9;
	s6 =	sadd.s32 @!p0 $0x88, s6;
	s7 =	simm.s32 @p2 $0x1082  }
0x22: {  	[simem:s7], [sflag:s8] =	dma.local @!p0 [hbm:s6], $0xF7A  }
0x23: {  	s9 =	sor.u32 $0xD0000000, s2;
	s6 =	simm.s32 $0x108;
	_ =	swait.ge @!p0 [sflag:s8], $0x0  }
0x24: {  	s3 =	sadd.s32 $0x88, s3;
	s6 =	simm.s32 @!p1 $0x1082;
	[sflag:s4] =	ssyncset.s32 $0xFFFFF086  }
0x25: {  	[simem:s6], [sflag:s4] =	dma.local [hbm:s3], $0xF7A  }
0x26: {  	[smem:$0x3F91] =	sst s1;
	(tag) =	ssettag s2;
	_ =	strace s9  }
0x27: {  	s1 =	sld [smem:$0x3FA1]  }
0x28: {  	s2 =	sld [smem:$0x3FA2]  }
0x29: {  	s4 =	sld [smem:$0x3FA4]  }
0x2a: {  	p0 =	seq.s32 s5, $0x0;
	s5 =	sld [smem:$0x3FA5]  }
0x2b: {  	s6 =	sld [smem:$0x3FA6]  }
0x2c: {  	s7 =	sld [smem:$0x3FA7]  }
0x2d: {  	s3 =	simm.s32 $0x108;
	s8 =	sld [smem:$0x3FA8]  }
0x2e: {  	s3 =	simm.s32 @!p0 $0x1082;
	s9 =	sld [smem:$0x3FA9]  }
0x2f: {  	lr =	sadd.s32 s0, s3;
	s0 =	sld [smem:$0x3FA0]  }
0x30: {  	s3 =	sld [smem:$0x3FA3]  }
0x31: {  	[smem:$0x3FAC] =	sst s10  }
0x32: {  	s10 =	sld [smem:$0x3FAA];
	_ =	sdelay $0x3  }
0x33: {  	p0 =	seq.s32 s10, $0x1;
	s10 =	sld [smem:$0x3FAC];
	_ =	sdelay $0x3  }
0x34: {  	[smem:$0x3FAC] =	sst s10  }
0x35: {  	s10 =	sld [smem:$0x3FAB];
	_ =	sdelay $0x3  }
0x36: {  	p1 =	seq.s32 s10, $0x1;
	s10 =	sld [smem:$0x3FAC];
	_ =	sdelay $0x3  }
0x37: {  	[smem:$0x3FAC] =	sst s10  }
0x38: {  	s10 =	sld [smem:$0x3FAD]  }
0x39: {  	_ = 	snop;
	(pc) =	sbr.ind lr, $3  }
0x3a: {  	_ = 	snop  }
0x3b: {  	_ = 	snop  }
0x3c: {  	p2 =	seq.s32 s10, $0x1;
	s10 =	sld [smem:$0x3FAC]  }
0x3d: {  	_ =	shalt  }
0x3e: {  	_ =	shalt  }
0x3f: {  	_ =	shalt  }
0x40: {  	_ =	shalt  }
0x41: {  	_ =	shalt  }
0x42: {  	_ =	shalt  }
0x43: {  	_ =	shalt  }
0x44: {  	_ =	shalt  }
0x45: {  	_ =	shalt  }
0x46: {  	_ =	shalt  }
0x47: {  	_ =	shalt  }
0x48: {  	_ =	shalt  }
0x49: {  	_ =	shalt  }
0x4a: {  	_ =	shalt  }
0x4b: {  	_ =	shalt  }
0x4c: {  	_ =	shalt  }
0x4d: {  	_ =	shalt  }
0x4e: {  	_ =	shalt  }
0x4f: {  	_ =	shalt  }
0x50: {  	_ =	shalt  }
0x51: {  	_ =	shalt  }
0x52: {  	_ =	shalt  }
0x53: {  	_ =	shalt  }
0x54: {  	_ =	shalt  }
0x55: {  	_ =	shalt  }
0x56: {  	_ =	shalt  }
0x57: {  	_ =	shalt  }
0x58: {  	_ =	shalt  }
0x59: {  	_ =	shalt  }
0x5a: {  	_ =	shalt  }
0x5b: {  	_ =	shalt  }
0x5c: {  	_ =	shalt  }
0x5d: {  	_ =	shalt  }
0x5e: {  	_ =	shalt  }
0x5f: {  	_ =	shalt  }
0x60: {  	_ =	shalt  }
0x61: {  	_ =	shalt  }
0x62: {  	_ =	shalt  }
0x63: {  	_ =	shalt  }
0x64: {  	_ =	shalt  }
0x65: {  	_ =	shalt  }
0x66: {  	_ =	shalt  }
0x67: {  	_ =	shalt  }
0x68: {  	_ =	shalt  }
0x69: {  	_ =	shalt  }
0x6a: {  	_ =	shalt  }
0x6b: {  	_ =	shalt  }
0x6c: {  	_ =	shalt  }
0x6d: {  	_ =	shalt  }
0x6e: {  	_ =	shalt  }
0x6f: {  	_ =	shalt  }
0x70: {  	_ =	shalt  }
0x71: {  	_ =	shalt  }
0x72: {  	_ =	shalt  }
0x73: {  	_ =	shalt  }
0x74: {  	_ =	shalt  }
0x75: {  	_ =	shalt  }
0x76: {  	_ =	shalt  }
0x77: {  	_ =	shalt  }
0x78: {  	_ =	shalt  }
0x79: {  	_ =	shalt  }
0x7a: {  	_ =	shalt  }
0x7b: {  	_ =	shalt  }
0x7c: {  	_ =	shalt  }
0x7d: {  	_ =	shalt  }
0x7e: {  	_ =	shalt  }
0x7f: {  	_ =	shalt  }
0x80: {  	_ =	shalt  }
0x81: {  	_ =	shalt  }
0x82: {  	_ =	shalt  }
0x83: {  	_ =	shalt  }
0x84: {  	_ =	shalt  }
0x85: {  	_ =	shalt  }
0x86: {  	_ =	shalt  }
0x87: {  	_ =	shalt  }
.Lfunc_end0:
.L_simem_size_0:
called_computation.3_lowered:
.L_overlay_start_0:
0x88: {  	s2 =	sld [smem:$0x3FD9]  }
0x89: {  	s3 =	sld [smem:$0x3FFE];
	_ =	sdelay $0x1  }
0x8a: {  	s1 =	srdreg.scid  }
0x8b: {  	s0 =	sand.u32 $0x1, s1  }
0x8c: {  	s17 =	sshll.u32 s0, $0xA;
	s2 =	sadd.s32 s3, s2  }
0x8d: {  	s2 =	sadd.s32 s2, s17  }
0x8e: {  	[smem:$0x3FB8] =	sst s2  }
0x8f: {  	_ = 	snop  }
0x90: {  	(tm) =	ssettm $0x1  }
0x91: {  	s18 =	sld [smem:$0x3FFB];
	_ =	sdelay $0x3  }
0x92: {  	_ =	strace s18  }
0x93: {  	s2 =	sld [smem:$0x3FFC];
	_ =	sdelay $0x3  }
0x94: {  	_ =	strace s2  }
0x95: {  	s2 =	sld [smem:$0x3FFD];
	_ =	sdelay $0x3  }
0x96: {  	_ =	strace s2  }
0x97: {  	_ =	strace $0x8FFFFFFF  }
0x98: {  	s19 =	sld [smem:$0x3FDB];
	_ =	sdelay $0x1  }
0x99: {  	s20 =	simm.s32 $_scs_section_size  }
0x9a: {  	s4 =	simm.s32 $_size__tile_overlayer_lowered;
	s5 =	simm.s32 $_tile_overlayer_lowered  }
0x9b: {  	s6 =	simm.s32 $0x1BFF;
	s21 =	sshll.u32 s5, $0x1;
	s3 =	sadd.s32 s20, s19  }
0x9c: {  	s22 =	simm.s32 $0x0;
	s4 =	sshll.u32 s4, $0x1;
	s5 =	sadd.s32 s21, s3  }
0x9d: {  	[timem:s22], [sflag:s6] =	dma.local [hbm:s5], s4  }
0x9e: {  	_ =	swait.ge [sflag:s6], s4  }
0x9f: {  	s4 =	ssub.s32 $0x0, s4;
	[sflag:s6] =	ssyncset.done $0x0  }
0xa0: {  	[sflag:s6] =	ssyncadd.s32 s4;
	_ =	sdelay $0x1  }
0xa1: {  	s23 =	simm.s32 $0x1B8B  }
0xa2: {  	_ =	swait.ge [sflag:s23], $0x1  }
0xa3: {  	[sflag:s23] =	ssyncset.done $0x0  }
0xa4: {  	[sflag:s23] =	ssyncadd.s32 $0xFFFFFFFF  }
0xa5: {  	s4 =	sld [smem:$0x0]  }
0xa6: {  	s5 =	sand.u32 $0xFFFFFFFE, s1  }
0xa7: {  	p0 =	sne.s32 s1, s5  }
0xa8: {  	s5 =	sshll.u32 @p0 s5, $0xE  }
0xa9: {  	s5 =	sadd.s32 @p0 $0x11B8D, s5;
	s6 =	sshll.u32 @p0 s4, $0x11  }
0xaa: {  	s5 =	sor.u32 @p0 s6, s5  }
0xab: {  	[sflag:s5] =	ssyncadd.remote.s32 @p0 $0x1;
	_ =	sdelay $0x1  }
0xac: {  	s5 =	simm.s32 @p0 $0x1B8D  }
0xad: {  	_ =	swait.eq @p0 [sflag:s5], $0x1  }
0xae: {  	[sflag:s5] =	ssyncadd.s32 @p0 $0xFFFFFFFF  }
0xaf: {  	s6 =	sshll.u32 @!p0 s1, $0xE  }
0xb0: {  	s6 =	sor.u32 @!p0 $0x4000, s6;
	s5 =	simm.s32 @!p0 $0x1B8D  }
0xb1: {  	s4 =	sshll.u32 @!p0 s4, $0x11;
	s6 =	sadd.s32 @!p0 $0x11B8D, s6;
	_ =	swait.eq @!p0 [sflag:s5], $0x1  }
0xb2: {  	s4 =	sor.u32 @!p0 s4, s6;
	[sflag:s5] =	ssyncadd.s32 @!p0 $0xFFFFFFFF  }
0xb3: {  	s25 =	simm.s32 $0x1B8E;
	s24 =	sld [smem:$0x3FFE];
	[sflag:s4] =	ssyncadd.remote.s32 @!p0 $0x1  }
0xb4: {  	s26 =	simm.s32 $execute0_lowered;
	[smem:$0x3FD2] =	sst s25  }
0xb5: {  	s5 =	sshll.u32 s26, $0x1;
	_ =	strace $0x80000064;
	[dreg:$0x1] =	wrdreg $0xFFFFFFFF  }
0xb6: {  	s28 =	simm.s32 $_size_execute0_lowered;
	s3 =	sadd.s32 s3, s5;
	[dreg:$0x0] =	wrdreg $0x0  }
0xb7: {  	s5 =	sshll.u32 s28, $0x1;
	[dreg:$0x2] =	wrdreg s3  }
0xb8: {  	[dreg:$0x3] =	wrdreg s5  }
0xb9: {  	[dreg:$0x4] =	wrdreg $0xC0  }
0xba: {  	_ =	task [dreg:s22], $0x5FFFF  }
0xbb: {  	[dreg:$0x1] =	wrdreg $0xFFFFFFFF  }
0xbc: {  	[dreg:$0x0] =	wrdreg $0x60  }
0xbd: {  	[dreg:$0x2] =	wrdreg s24  }
0xbe: {  	[dreg:$0x3] =	wrdreg $0xC  }
0xbf: {  	_ =	task.clear_ibuf [dreg:s22], $0x4FFFF;
	_ =	strace $0x90000064  }
0xc0: {  	s29 =	simm.s32 $0xC;
	_ =	strace $0x8000006D  }
0xc1: {  	_ =	swait.ge [sflag:s29], $0x1  }
0xc2: {  	[sflag:s29] =	ssyncadd.s32 $0xFFFFFFFF  }
0xc3: {  	_ =	strace $0x9000006D  }
0xc4: {  	_ =	sfence  }
0xc5: {  	s30 =	sld [smem:$0x0];
	_ =	sdelay $0x2  }
0xc6: {  	s31 =	sshll.u32 s1, $0xD;
	s1 =	sshrl.u32 s1, $0x2  }
0xc7: {  	s4 =	sand.u32 $0x4000, s31;
	s1 =	sadd.s32 s1, s30  }
0xc8: {  	s0 =	sor.u32 s4, s0;
	s1 =	sshll.u32 s1, $0x11  }
0xc9: {  	s0 =	sor.u32 s1, s0  }
0xca: {  	s0 =	sadd.s32 $0x8F2B, s0  }
0xcb: {  	[sflag:s0] =	ssyncadd.remote.s32 $0x1  }
0xcc: {  	_ =	sfence.sel $0xFFFF  }
0xcd: {  	[dreg:$0x0] =	wrdreg $0xFFFFFFFF;
	(pc) =	sbr.abs _section_cstart, $3  }
0xce: {  	[dreg:$0x1] =	wrdreg $0xFFFFFFFF  }
0xcf: {  	_ =	task.clear_ibuf [dreg:s22], $0x2FFFF;
	_ =	strace $0x9FFFFFFF  }
0xd0: {  	(tm) =	ssettm $0x7FFFFFFF  }
0xd1: {  	_ =	shalt  }
tec
execute0_lowered:
.L_overlay_start_1:
0x0: {  	(tag) =	ssettag $0x1  }
0x1: {  	s5 =	rddreg [dreg:$0x0]  }
0x2: {  	s1 =	srdreg.scid;
	s0 =	rddreg [dreg:$0x1];
	s2 =	simm.s32 $0x0  }
0x3: {  	s10 =	simm.s32 $0x100;
	s11 =	simm.s32 $0x0;
	s7 =	sand.u32 $0x1, s1  }
0x4: {  	[smem:$0x7FF] =	sst s2;
	s1 =	stileid.u32;
	s4 =	sadd.s32 $0xA8C00, s5  }
0x5: {  	s3 =	sshll.u32 s7, $0x4;
	_ =	strace $0x80000065;
	[dreg:$0x2] =	wrdreg s4  }
0x6: {  	p0 =	seq.s32 s7, $0x0;
	s4 =	sadd.s32 $0x3ED000, s5;
	s3 =	sor.u32 s1, s3  }
0x7: {  	s8 =	ssub.s32 $0x2, s7;
	s6 =	smul.u32 $0x9, s3;
	s3 =	sshll.u32 s3, $0x3  }
0x8: {  	s5 =	sadd.s32 $0x3EF200, s5;
	[dreg:$0x3] =	wrdreg s10;
	s3 =	sadd.s32 $0x10, s3  }
0x9: {  	s10 =	simm.s32 $0x5;
	s30 =	sshrl.u32 s8, $0x1;
	s3 =	smov.u32 @p0 s6  }
0xa: {  	[dreg:$0x4] =	wrdreg s5;
	s5 =	sxor.u32 $0x9, s7;
	s9 =	sshll.u32 s3, $0x5  }
0xb: {  	s7 =	ssub.s32 $0x8, s7;
	s8 =	ssub.s32 s8, s30;
	s31 =	sand.u32 $0x1FFFFFE0, s9  }
0xc: {  	s8 =	smax.u32 s8, $0x1;
	s9 =	simm.s32 $0x1;
	s6 =	sadd.s32 s4, s31  }
.LBB2_1:
0xd: {  	_ =	strace $0x80000066;
	p2 =	sne.s32 s5, $0x1  }
.Ltmp0:
0xe: {  	p0 =	seq.s32 s5, $0x1;
	s13 =	simm.s32 $0x1;
	(pc) =	sbr.rel @!p2 .LBB2_2-.Ltmp0, $4  }
0xf: {  	[tilespmem:s2], [sflag:$0x1] =	stream.linear.gather [hbm4b:s6+s2], $0x100, $0x200038;
	[tilespmem:$0x10200] =	vst v63  }
0x10: {  	s12 =	simm.s32 $0x1;
	p1 =	por $0x1, $0x1;
	s13 =	simm.s32 @p0 $0x0  }
0x11: {  	p6 =	sgt.u32 s7, $0x0;
	p4 =	por p1, p1;
	p3 =	sne.s32 s13, $0x0  }
0x12: {  	_ =	strace $0x90000066;
	p5 =	por !p6, !p3;
	p6 =	por $0x0, $0x0  }
0x13: {  	p2 =	por !p5, !p5  }
0x14: {  	s21 =	sand.u32 $0x1, s2;
	s19 =	simm.s32 $0x2;
	s14 =	sadd.s32 @p2 s3, s13  }
0x15: {  	p1 =	por p3, p3;
	s15 =	sand.u32 @p2 $0x1, s9;
	s14 =	sshll.u32 @p2 s14, $0x5  }
0x16: {  	_ =	strace @p2 $0x80000067;
	s17 =	simm.s32 @p2 $0x0;
	s14 =	sand.u32 @p2 $0x1FFFFFE0, s14  }
0x17: {  	s16 =	sshll.u32 @p2 s15, $0x8;
	s15 =	sadd.s32 @p2 $0x1, s15;
	s14 =	sadd.s32 @p2 s4, s14  }
0x18: {  	[tilespmem:s16], [sflag:s15] =	stream.linear.gather @p2 [hbm4b:s14+s17], $0x100, $0x200038;
	[tilespmem:$0x10200] =	vst v63  }
0x19: {  	s30 =	simm.s32 $0x0;
	p6 =	por $0x0, $0x0;
	_ =	strace @p2 $0x90000067  }
0x1a: {  	p0 =	sne.s32 s5, $0x2;
	s29 =	sadd.s32 $0x1, s21;
	_ =	strace $0x80000068  }
0x1b: {  	s24 =	sadd.s32 $0x0, s3;
	p5 =	sgt.u32 s7, $0x1;
	_ =	swait.ge [sflag:s29], $0x100  }
0x1c: {  	s23 =	simm.s32 $0x1;
	s22 =	sshll.u32 s21, $0xF;
	[sflag:s29] =	ssyncset.done $0x0  }
0x1d: {  	s22 =	sor.u32 $0x200, s22;
	s16 =	sand.u32 @!p4 $0x1, s2;
	[sflag:s29] =	ssyncadd.s32 $0xFFFFFF00  }
0x1e: {  	s15 =	simm.s32 $0x1;
	s17 =	sadd.s32 $0x1, s13;
	_ =	strace $0x90000068  }
0x1f: {  	s14 =	sand.u32 $0x100, s30;
	s15 =	simm.s32 @!p2 $0x0;
	_ =	strace $0x80000069  }
0x20: {  	p2 =	por p4, p4;
	p4 =	por p6, p6;
	s20 =	rddreg [dreg:$0x3]  }
0x21: {  	p3 =	seq.s32 s17, s5;
	p6 =	seq.s32 s7, $0x0;
	s31 =	rddreg [dreg:$0x2]  }
0x22: {  	[tilespmem:s22], [sflag:$0x5] =	stream.indirect.gather [hbm4b:s31+s20], $0x80, s14, s20, $0x2000b8;
	[tilespmem:$0x10200] =	vst v63  }
.Ltmp1:
0x23: {  	s18 =	sadd.s32 $0x1, s15;
	s17 =	simm.s32 @p3 $0x0;
	(pc) =	sbr.rel @!p0 .LBB2_4-.Ltmp1, $4  }
0x24: {  	p1 =	por p6, p1;
	p6 =	por $0x0, $0x0;
	_ =	swait.ge [sflag:s10], $0x8000  }
0x25: {  	s15 =	simm.s32 $0x0;
	p3 =	sne.s32 s13, s17;
	[sflag:s10] =	ssyncset.done $0x0  }
0x26: {  	s23 =	simm.s32 @!p6 $0x0;
	p5 =	por !p5, !p3;
	[sflag:s10] =	ssyncadd.s32 $0xFFFF8000  }
0x27: {  	s14 =	simm.s32 $0x0;
	s20 =	simm.s32 $0x0;
	_ =	strace $0x90000069  }
.LBB2_5:
0x28: {  	_ =	strace @p1 $0x8000006A;
	s14 =	sadd.s32 s23, s14;
	s23 =	smov.u32 s12  }
0x29: {  	s12 =	smov.u32 s19;
	s19 =	sadd.s32 $0x1, s19;
	p0 =	por p3, p3  }
0x2a: {  	s29 =	sshll.u32 @p1 s24, $0xC;
	s21 =	sadd.s32 @p1 $0x3, s21;
	s25 =	simm.s32 @!p0 $0x0  }
0x2b: {  	s26 =	rddreg [dreg:$0x4];
	s29 =	sand.u32 @p1 $0x1FFFF000, s29;
	s25 =	simm.s32 @p0 $0x1  }
0x2c: {  	s26 =	sadd.s32 @p1 s26, s29;
	s29 =	simm.s32 @p1 $0x0;
	p0 =	sne.s32 s5, s19  }
0x2d: {  	[hbm4b:s26+s29] =	stream.linear.scatter @p1 [tilespmem:s22], [sflag:s21], $0x8000, $0x200038;
	[tilespmem:$0x10200] =	vst v63  }
0x2e: {  	s21 =	sadd.s32 @!p2 $0x3, s16;
	s16 =	simm.s32 @!p0 $0x0  }
0x2f: {  	s28 =	simm.s32 $0x1;
	[smem:$0x7FC] =	sst s25;
	s16 =	simm.s32 @p0 $0x1  }
0x30: {  	s28 =	simm.s32 @!p1 $0x0;
	_ =	strace @p1 $0x9000006A;
	[smem:$0x7FD] =	sst s16  }
0x31: {  	s20 =	sadd.s32 s28, s20;
	s25 =	sand.u32 @!p4 $0x1, s14;
	_ =	strace @!p2 $0x8000006B  }
0x32: {  	p1 =	por !p5, !p5;
	s16 =	smov.u32 s25;
	_ =	swait.ge @!p2 [sflag:s21], $0x8000  }
0x33: {  	s22 =	sand.u32 @p1 $0x1, s18;
	s25 =	sadd.s32 @p1 s3, s17;
	[sflag:s21] =	ssyncset.done @!p2 $0x0  }
0x34: {  	s26 =	sshll.u32 @p1 s22, $0x8;
	s25 =	sshll.u32 @p1 s25, $0x5;
	[sflag:s21] =	ssyncadd.s32 @!p2 $0xFFFF8000  }
0x35: {  	s21 =	sadd.s32 @p1 $0x1, s22;
	s22 =	sand.u32 @p1 $0x1FFFFFE0, s25;
	_ =	strace @!p2 $0x9000006B  }
0x36: {  	s25 =	simm.s32 @p1 $0x0;
	s22 =	sadd.s32 @p1 s4, s22;
	_ =	strace @p1 $0x80000067  }
0x37: {  	[tilespmem:s26], [sflag:s21] =	stream.linear.gather @p1 [hbm4b:s22+s25], $0x100, $0x200038;
	[tilespmem:$0x10200] =	vst v63  }
0x38: {  	s15 =	sadd.s32 s28, s15;
	s28 =	sand.u32 $0x1, s20;
	_ =	strace @p1 $0x90000067  }
0x39: {  	s28 =	sadd.s32 $0x1, s28;
	_ =	strace $0x80000068  }
0x3a: {  	_ =	swait.ge [sflag:s28], $0x100  }
0x3b: {  	[sflag:s28] =	ssyncset.done $0x0  }
0x3c: {  	s21 =	simm.s32 $0x1;
	[sflag:s28] =	ssyncadd.s32 $0xFFFFFF00  }
0x3d: {  	s21 =	simm.s32 @!p1 $0x0;
	_ =	strace $0x90000068  }
0x3e: {  	s18 =	sadd.s32 s21, s18;
	s21 =	sand.u32 $0x1, s15;
	_ =	strace $0x80000069  }
0x3f: {  	s31 =	sshll.u32 s20, $0x8;
	s29 =	sshll.u32 s21, $0xF;
	s25 =	rddreg [dreg:$0x3]  }
0x40: {  	s31 =	sand.u32 $0x100, s31;
	s22 =	sor.u32 $0x200, s29;
	s26 =	rddreg [dreg:$0x2]  }
0x41: {  	[tilespmem:s22], [sflag:$0x5] =	stream.indirect.gather [hbm4b:s26+s25], $0x80, s31, s25, $0x2000b8;
	[tilespmem:$0x10200] =	vst v63  }
0x42: {  	_ =	swait.ge [sflag:s10], $0x8000  }
0x43: {  	[sflag:s10] =	ssyncset.done $0x0  }
0x44: {  	[sflag:s10] =	ssyncadd.s32 $0xFFFF8000  }
0x45: {  	s30 =	sadd.s32 $0x1, s17;
	_ =	strace $0x90000069  }
0x46: {  	s24 =	sadd.s32 s3, s13;
	s13 =	smov.u32 s17;
	s31 =	sld [smem:$0x7FD]  }
0x47: {  	p0 =	sne.s32 s23, $0x0;
	s17 =	smov.u32 s30;
	p1 =	seq.s32 s30, s5  }
0x48: {  	s17 =	simm.s32 @p1 $0x0;
	p1 =	seq.s32 s7, s23;
	s23 =	simm.s32 $0x1  }
0x49: {  	s23 =	simm.s32 @!p0 $0x0;
	p0 =	seq.s32 s31, $0x1  }
.Ltmp2:
0x4a: {  	s30 =	sld [smem:$0x7FC];
	(pc) =	sbr.rel @p0 .LBB2_5-.Ltmp2, $4  }
0x4b: {  	p3 =	seq.s32 s12, $0x0  }
0x4c: {  	p6 =	por p3, p3;
	p5 =	slt.u32 s12, s7  }
0x4d: {  	p2 =	por p4, p4;
	p3 =	sne.s32 s13, s17;
	p4 =	seq.s32 s30, $0x1  }
0x4e: {  	p5 =	por !p5, !p3;
	p1 =	por p1, p4;
	p4 =	por p6, p6  }
0x4f: {  	p6 =	por $0x1, $0x1  }
.LBB2_7:
0x50: {  	p0 =	por !p1, !p6  }
0x51: {  	s25 =	simm.s32 $0x1;
	_ =	strace @!p0 $0x8000006A;
	s24 =	sshll.u32 @!p0 s24, $0xC  }
0x52: {  	p2 =	por p2, !p6;
	s19 =	rddreg [dreg:$0x4];
	s24 =	sand.u32 @!p0 $0x1FFFF000, s24  }
0x53: {  	s21 =	sadd.s32 @!p0 $0x3, s21;
	s19 =	sadd.s32 @!p0 s19, s24;
	s24 =	simm.s32 @!p0 $0x0  }
0x54: {  	[hbm4b:s19+s24] =	stream.linear.scatter @!p0 [tilespmem:s22], [sflag:s21], $0x8000, $0x200038;
	[tilespmem:$0x10200] =	vst v63  }
0x55: {  	p1 =	por !p5, !p5;
	s25 =	simm.s32 @p0 $0x0;
	_ =	strace @!p0 $0x9000006A  }
0x56: {  	s16 =	sadd.s32 @!p2 $0x3, s16;
	s17 =	sadd.s32 @p1 s3, s17;
	_ =	strace @!p2 $0x8000006B  }
0x57: {  	s18 =	sand.u32 @p1 $0x1, s18;
	s17 =	sshll.u32 @p1 s17, $0x5;
	_ =	swait.ge @!p2 [sflag:s16], $0x8000  }
0x58: {  	s17 =	sand.u32 @p1 $0x1FFFFFE0, s17;
	s19 =	sadd.s32 @p6 s25, s20;
	[sflag:s16] =	ssyncset.done @!p2 $0x0  }
0x59: {  	s20 =	simm.s32 $0x0;
	s17 =	sadd.s32 @p1 s4, s17;
	[sflag:s16] =	ssyncadd.s32 @!p2 $0xFFFF8000  }
0x5a: {  	s20 =	smov.u32 @p6 s19;
	s19 =	sshll.u32 @p1 s18, $0x8;
	_ =	strace @!p2 $0x9000006B  }
0x5b: {  	s16 =	sadd.s32 @p1 $0x1, s18;
	s18 =	simm.s32 @p1 $0x0;
	_ =	strace @p1 $0x80000067  }
0x5c: {  	[tilespmem:s19], [sflag:s16] =	stream.linear.gather @p1 [hbm4b:s17+s18], $0x100, $0x200038;
	[tilespmem:$0x10200] =	vst v63  }
0x5d: {  	s26 =	sand.u32 $0x1, s20;
	_ =	strace @p1 $0x90000067  }
0x5e: {  	s16 =	sadd.s32 $0x1, s26;
	_ =	strace $0x80000068  }
0x5f: {  	_ =	swait.ge [sflag:s16], $0x100  }
0x60: {  	[sflag:s16] =	ssyncset.done $0x0  }
0x61: {  	s15 =	sadd.s32 @p6 s25, s15;
	[sflag:s16] =	ssyncadd.s32 $0xFFFFFF00;
	s16 =	simm.s32 $0x0  }
0x62: {  	_ =	strace $0x90000068;
	s16 =	smov.u32 @p6 s15  }
0x63: {  	_ =	strace $0x80000069;
	s16 =	sand.u32 $0x1, s16  }
0x64: {  	s30 =	sshll.u32 s20, $0x8;
	s28 =	rddreg [dreg:$0x3];
	s31 =	sshll.u32 s16, $0xF  }
0x65: {  	s18 =	sand.u32 $0x100, s30;
	s29 =	rddreg [dreg:$0x2];
	s19 =	sor.u32 $0x200, s31  }
0x66: {  	[tilespmem:s19], [sflag:$0x5] =	stream.indirect.gather [hbm4b:s29+s28], $0x80, s18, s28, $0x2000b8;
	[tilespmem:$0x10200] =	vst v63  }
0x67: {  	_ =	swait.ge [sflag:s10], $0x8000  }
0x68: {  	p3 =	por p3, p3;
	[sflag:s10] =	ssyncset.done $0x0  }
0x69: {  	p5 =	seq.s32 s7, s12;
	s13 =	sadd.s32 s3, s13;
	[sflag:s10] =	ssyncadd.s32 $0xFFFF8000  }
0x6a: {  	s14 =	sadd.s32 @p6 s23, s14;
	p1 =	por p5, p3;
	_ =	strace $0x90000069  }
0x6b: {  	s17 =	simm.s32 $0x0;
	s13 =	sshll.u32 @p1 s13, $0xC;
	_ =	strace @p1 $0x8000006A  }
0x6c: {  	s17 =	smov.u32 @p6 s14;
	s13 =	sand.u32 @p1 $0x1FFFF000, s13;
	s15 =	rddreg [dreg:$0x4]  }
0x6d: {  	s14 =	sadd.s32 @p1 $0x3, s16;
	s13 =	sadd.s32 @p1 s15, s13;
	s15 =	simm.s32 @p1 $0x0  }
0x6e: {  	[hbm4b:s13+s15] =	stream.linear.scatter @p1 [tilespmem:s19], [sflag:s14], $0x8000, $0x200038;
	[tilespmem:$0x10200] =	vst v63  }
0x6f: {  	p0 =	por p4, p4;
	s13 =	sand.u32 @!p4 $0x1, s17;
	_ =	strace @p1 $0x9000006A  }
0x70: {  	s13 =	sadd.s32 @!p0 $0x3, s13;
	_ =	strace @!p0 $0x8000006B  }
0x71: {  	p1 =	sne.s32 s12, $0x0;
	s12 =	simm.s32 $0x1;
	_ =	swait.ge @!p0 [sflag:s13], $0x8000  }
0x72: {  	s12 =	simm.s32 @!p1 $0x0;
	[sflag:s13] =	ssyncset.done @!p0 $0x0  }
0x73: {  	s11 =	sadd.s32 $0x1, s11;
	s12 =	sadd.s32 s12, s17;
	[sflag:s13] =	ssyncadd.s32 @!p0 $0xFFFF8000  }
0x74: {  	s12 =	sand.u32 $0x1, s12;
	_ =	strace @!p0 $0x9000006B;
	p0 =	sne.s32 s11, s8  }
.Ltmp3:
0x75: {  	s12 =	sadd.s32 $0x3, s12;
	_ =	strace $0x8000006C;
	(pc) =	sbr.rel @p0 .LBB2_1-.Ltmp3, $4  }
.Ltmp4:
0x76: {  	_ =	swait.ge [sflag:s12], $0x8000;
	(pc) =	sbr.rel @!p0 .LBB2_8-.Ltmp4, $4  }
0x77: {  	[sflag:s12] =	ssyncset.done $0x0  }
0x78: {  	[sflag:s12] =	ssyncadd.s32 $0xFFFF8000  }
0x79: {  	_ =	strace $0x9000006C  }
0x7a: {  	_ = 	snop  }
.LBB2_2:
.Ltmp5:
0x7b: {  	(pc) =	sbr.rel .LBB2_7-.Ltmp5, $4  }
0x7c: {  	_ = 	snop  }
0x7d: {  	s14 =	simm.s32 $0x0  }
0x7e: {  	s12 =	simm.s32 $0x0;
	s15 =	simm.s32 $0x0;
	s17 =	smov.u32 s13  }
0x7f: {  	s20 =	simm.s32 $0x0;
	s18 =	simm.s32 $0x1;
	s13 =	simm.s32 $0x0  }
.LBB2_4:
.Ltmp6:
0x80: {  	(pc) =	sbr.rel .LBB2_7-.Ltmp6, $3  }
0x81: {  	_ =	sdelay $0x1  }
0x82: {  	s14 =	simm.s32 $0x0  }
0x83: {  	s15 =	simm.s32 $0x0;
	s20 =	simm.s32 $0x0;
	p6 =	por $0x1, $0x1  }
.LBB2_8:
0x84: {  	_ =	sfence.sel $0x180000  }
0x85: {  	[bflag:$0x0] =	sbarrier.arrive $0xFFFF  }
0x86: {  	p0 =	sne.s32 s1, $0x0;
	_ =	strace $0x90000065  }
0x87: {  	s0 =	sadd.s32 @!p0 $0x100000, s0;
	[bflag:$0x2] =	sbarrier.arrive $0xFFFF  }
0x88: {  	[sflag:s0] =	ssyncadd.tile.s32 @!p0 $0x1;
	_ =	shalt  }
.Lfunc_end2:
_tile_overlayer_lowered:
.L_overlay_start_2:
0x89: {  	(tag) =	ssettag $0x2  }
0x8a: {  	s0 =	rddreg [dreg:$0x0];
	s2 =	stileid.u32  }
0x8b: {  	s1 =	rddreg [dreg:$0x1];
	p0 =	sne.s32 s2, $0x0  }
0x8c: {  	s3 =	rddreg [dreg:$0x2];
	[bflag:$0x3] =	sbarrier.arrive $0xFFFF;
	s2 =	simm.s32 @!p0 $0x1C01  }
0x8d: {  	[timem:s3], [sflag:s2] =	dma.local @!p0 [hbm:s0], s1  }
0x8e: {  	s0 =	simm.s32 @!p0 $0x1  }
0x8f: {  	_ =	swait.ge @!p0 [sflag:s0], s1  }
0x90: {  	s1 =	ssub.s32 @!p0 $0x0, s1;
	[sflag:s0] =	ssyncset.done @!p0 $0x0  }
0x91: {  	[sflag:s0] =	ssyncadd.s32 @!p0 s1  }
0x92: {  	[bflag:$0x3] =	sbarrier.arrive $0xFFFF  }
0x93: {  	_ =	shalt  }

</sc_bundles>
